<compile_context>
chip_gen: v7x
topology: tpu7x:2x2x1
jax: 0.10.2.dev20260603
libtpu: 0.0.44.dev20260713+nightly
codegen_flags: <defaults>
</compile_context>

<pallas_src>
import functools

import jax
import jax.numpy as jnp
from jax import lax
from jax.experimental import pallas as pl
from jax.experimental.pallas import tpu as pltpu
from jax.experimental.pallas import tpu_sc as plsc

NB = 4096
HL = 200
ED = 128
NC = 2
NS = 16
NW = NC * NS
PER = NB // NW
IC = 32
NCHUNK = PER // IC
LA = 128
LB = HL - LA
SPLIT_A = 104
SPLIT_B = HL - SPLIT_A

_mesh = plsc.VectorSubcoreMesh(core_axis_name="c", subcore_axis_name="s")


@functools.partial(
    pl.kernel,
    out_type=jax.ShapeDtypeStruct((NB, ED, HL), jnp.float32),
    mesh=_mesh,
    scratch_types=[
        pltpu.VMEM((IC * HL,), jnp.int32),
        pltpu.VMEM((HL, ED), jnp.float32),
        pltpu.VMEM((HL, ED), jnp.float32),
        pltpu.VMEM((ED, LA), jnp.float32),
        pltpu.VMEM((ED, LB), jnp.float32),
        pltpu.VMEM((ED, LA), jnp.float32),
        pltpu.VMEM((ED, LB), jnp.float32),
        pltpu.SemaphoreType.DMA,
        pltpu.SemaphoreType.DMA,
        pltpu.SemaphoreType.DMA,
        pltpu.SemaphoreType.DMA,
    ],
    compiler_params=pltpu.CompilerParams(needs_layout_passes=False),
)
def _embed_permute(x_hbm, table_hbm, out_hbm, idx_buf, g0, g1,
                   ta0, tb0, ta1, tb1, sg0, sg1, sw0, sw1):
    wid = lax.axis_index("s") * NC + lax.axis_index("c")
    iota = lax.iota(jnp.int32, 16)
    d_idx = [iota + 16 * k for k in range(ED // 16)]

    def gather_copies(b, gbuf, sem):
        o = pl.multiple_of((b % IC) * HL, 8)
        ca = pltpu.make_async_copy(
            table_hbm.at[idx_buf.at[pl.ds(o, SPLIT_A)]],
            gbuf.at[pl.ds(0, SPLIT_A)], sem)
        cb = pltpu.make_async_copy(
            table_hbm.at[idx_buf.at[pl.ds(o + SPLIT_A, SPLIT_B)]],
            gbuf.at[pl.ds(SPLIT_A, SPLIT_B)], sem)
        return ca, cb

    def out_copies(b, ta, tb, sem):
        bg = wid * PER + b
        copies = [pltpu.make_async_copy(
            ta, out_hbm.at[bg, :, pl.ds(0, LA)], sem)]
        for t in range(ED // 8):
            copies.append(pltpu.make_async_copy(
                tb.at[pl.ds(8 * t, 8)],
                out_hbm.at[bg, pl.ds(8 * t, 8), pl.ds(LA, LB)], sem))
        return copies

    def transpose(gbuf, ta, tb):
        def per_a(l0i, c0):
            l0 = l0i * 16

            def per_m(m, c2):
                lv = ((iota + m) & 15) + l0
                vs = [plsc.load_gather(gbuf, [lv, d_idx[k]])
                      for k in range(ED // 16)]
                for k in range(ED // 16):
                    plsc.store_scatter(ta, [d_idx[k], lv], vs[k])
                return c2

            lax.fori_loop(0, 16, per_m, 0, unroll=4)
            return c0

        lax.fori_loop(0, LA // 16, per_a, 0)

        def per_b(l0i, c0):
            base = l0i * 16

            def per_m(m, c2):
                dst_lv = ((iota + m) & 15) + base
                mask = dst_lv < LB
                src_lv = dst_lv + LA
                vs = [plsc.load_gather(gbuf, [src_lv, d_idx[k]], mask=mask)
                      for k in range(ED // 16)]
                for k in range(ED // 16):
                    plsc.store_scatter(tb, [d_idx[k], dst_lv], vs[k],
                                       mask=mask)
                return c2

            lax.fori_loop(0, 16, per_m, 0, unroll=4)
            return c0

        lax.fori_loop(0, (LB + 15) // 16, per_b, 0)

    def phase(b, gcur, scur, gnxt, snxt, ta, tb, swcur):
        for c in gather_copies(b, gcur, scur):
            c.wait()

        @pl.when((b + 1) % IC != 0)
        def _():
            for c in gather_copies(b + 1, gnxt, snxt):
                c.start()

        @pl.when(b >= 2)
        def _():
            for c in out_copies(b - 2, ta, tb, swcur):
                c.wait()

        transpose(gcur, ta, tb)
        for c in out_copies(b, ta, tb, swcur):
            c.start()

    def chunk_body(c, carry):
        xbase = pl.multiple_of((wid * PER + c * IC) * HL, 8)
        pltpu.sync_copy(x_hbm.at[pl.ds(xbase, IC * HL)], idx_buf)
        for cc in gather_copies(c * IC, g0, sg0):
            cc.start()

        def iter_body(i, carry2):
            b0 = c * IC + 2 * i
            phase(b0, g0, sg0, g1, sg1, ta0, tb0, sw0)
            phase(b0 + 1, g1, sg1, g0, sg0, ta1, tb1, sw1)
            return carry2

        lax.fori_loop(0, IC // 2, iter_body, 0)
        return carry

    lax.fori_loop(0, NCHUNK, chunk_body, 0)

    for c in out_copies(PER - 2, ta0, tb0, sw0):
        c.wait()
    for c in out_copies(PER - 1, ta1, tb1, sw1):
        c.wait()


def kernel(x, table):
    return _embed_permute(x.astype(jnp.int32).reshape(-1), table)

# --- scband reference (transcript-rebuilt; emitter-appended) ---
"""Pipeline reference for scband-conv-format-embedding-82102594830628 (READ-ONLY COPY).

The authoritative reference and input builder live on the scoring server;
editing this copy changes nothing except your own understanding.
"""

import jax, jax.numpy as jnp
import numpy as np

NUM_EMBEDDINGS = 100000
EMBED_DIM = 128
BATCH = 4096
HIST_LEN = 200


def setup_inputs(seed: int = 0) -> dict:
    key = jax.random.key(seed)
    k_idx, k_tab = jax.random.split(key)
    x = jax.random.randint(k_idx, (BATCH, HIST_LEN), 0, NUM_EMBEDDINGS, dtype=jnp.int64 if jax.config.jax_enable_x64 else jnp.int32)
    table = jax.random.normal(k_tab, (NUM_EMBEDDINGS, EMBED_DIM), dtype=jnp.float32)
    return {"x": x, "table": table}


def reference(x, table):
    # Embedding lookup: [B, L] -> [B, L, D]
    y = jnp.take(table, x, axis=0)
    # permute(0, 2, 1): [B, L, D] -> [B, D, L]
    return jnp.transpose(y, (0, 2, 1))

if __name__ == "__main__":
    import jax
    _d = setup_inputs()
    print(jax.jit(kernel)(*tuple(_d.values())))

</pallas_src>

<mosaic_0001>
#map = affine_map<(d0, d1) -> (0)>
#map1 = affine_map<(d0, d1) -> (0, 0)>
#map2 = affine_map<(d0, d1) -> (0, 0, 0)>
module attributes {stable_mosaic.version = 14 : i64} {
  func.func @_embed_permute(%arg0: i32, %arg1: i32, %arg2: memref<819200xi32, #tpu.memory_space<hbm>>, %arg3: memref<100000x128xf32, #tpu.memory_space<hbm>>, %arg4: memref<4096x128x200xf32, #tpu.memory_space<hbm>>, %arg5: memref<6400xi32, #tpu.memory_space<vmem>>, %arg6: memref<200x128xf32, #tpu.memory_space<vmem>>, %arg7: memref<200x128xf32, #tpu.memory_space<vmem>>, %arg8: memref<128x128xf32, #tpu.memory_space<vmem>>, %arg9: memref<128x72xf32, #tpu.memory_space<vmem>>, %arg10: memref<128x128xf32, #tpu.memory_space<vmem>>, %arg11: memref<128x72xf32, #tpu.memory_space<vmem>>, %arg12: memref<!tpu.dma_semaphore, #tpu.memory_space<semaphore_mem>>, %arg13: memref<!tpu.dma_semaphore, #tpu.memory_space<semaphore_mem>>, %arg14: memref<!tpu.dma_semaphore, #tpu.memory_space<semaphore_mem>>, %arg15: memref<!tpu.dma_semaphore, #tpu.memory_space<semaphore_mem>>) attributes {dimension_semantics = [#tpu.dimension_semantics<core_parallel>, #tpu.dimension_semantics<subcore_parallel>], iteration_bounds = array<i64: 2, 16>, scalar_prefetch = 0 : i64, scratch_operands = 11 : i64, tpu.core_type = #tpu.core_type<sc_vector_subcore>, window_params = [{transform_indices = #map}, {transform_indices = #map1}, {transform_indices = #map2}]} {
    %mul3A = arith.constant 2 : i32
    %mul3A_0 = arith.muli %arg1, %mul3A : i32
    %add3A = arith.addi %mul3A_0, %arg0 : i32
    %iota3A = tpu.iota {dimensions = array<i32: 0>} : vector<16xi32>
    %add3A_1 = arith.constant 0 : i32
    %add3A_2 = vector.broadcast %add3A_1 : i32 to vector<16xi32>
    %add3A_3 = arith.addi %iota3A, %add3A_2 : vector<16xi32>
    %add3A_4 = arith.constant 16 : i32
    %add3A_5 = vector.broadcast %add3A_4 : i32 to vector<16xi32>
    %add3A_6 = arith.addi %iota3A, %add3A_5 : vector<16xi32>
    %add3A_7 = arith.constant 32 : i32
    %add3A_8 = vector.broadcast %add3A_7 : i32 to vector<16xi32>
    %add3A_9 = arith.addi %iota3A, %add3A_8 : vector<16xi32>
    %add3A_10 = arith.constant 48 : i32
    %add3A_11 = vector.broadcast %add3A_10 : i32 to vector<16xi32>
    %add3A_12 = arith.addi %iota3A, %add3A_11 : vector<16xi32>
    %add3A_13 = arith.constant 64 : i32
    %add3A_14 = vector.broadcast %add3A_13 : i32 to vector<16xi32>
    %add3A_15 = arith.addi %iota3A, %add3A_14 : vector<16xi32>
    %add3A_16 = arith.constant 80 : i32
    %add3A_17 = vector.broadcast %add3A_16 : i32 to vector<16xi32>
    %add3A_18 = arith.addi %iota3A, %add3A_17 : vector<16xi32>
    %add3A_19 = arith.constant 96 : i32
    %add3A_20 = vector.broadcast %add3A_19 : i32 to vector<16xi32>
    %add3A_21 = arith.addi %iota3A, %add3A_20 : vector<16xi32>
    %add3A_22 = arith.constant 112 : i32
    %add3A_23 = vector.broadcast %add3A_22 : i32 to vector<16xi32>
    %add3A_24 = arith.addi %iota3A, %add3A_23 : vector<16xi32>
    %scan3A = arith.constant 0 : i32
    %scan3A_25 = arith.constant 0 : i32
    %scan3A_26 = arith.constant 4 : i32
    %scan3A_27 = arith.addi %scan3A_25, %scan3A_26 : i32
    %scan3A_28 = arith.constant 1 : i32
    scf.for %scan3A_501 = %scan3A_25 to %scan3A_27 step %scan3A_28  : i32 {
      %mul3A_502 = arith.constant 128 : i32
      %mul3A_503 = arith.muli %add3A, %mul3A_502 : i32
      %mul3A_504 = arith.constant 32 : i32
      %mul3A_505 = arith.muli %scan3A_501, %mul3A_504 : i32
      %add3A_506 = arith.addi %mul3A_503, %mul3A_505 : i32
      %mul3A_507 = arith.constant 200 : i32
      %mul3A_508 = arith.muli %add3A_506, %mul3A_507 : i32
      %multiple_of3A = tpu.assume_multiple %mul3A_508, 8 : i32
      "tpu.region"() ({
        %run_scoped3A = tpu.sem_alloc : memref<!tpu.dma_semaphore, #tpu.memory_space<semaphore_mem>>
        %dma_start3A_544 = tpu.memref_slice %arg2[%multiple_of3A] : memref<819200xi32, #tpu.memory_space<hbm>> -> memref<6400xi32, #tpu.memory_space<hbm>>
        %dma_start3A_545 = tpu.memref_slice %arg2[%multiple_of3A] : memref<819200xi32, #tpu.memory_space<hbm>> -> memref<6400xi32, #tpu.memory_space<hbm>>
        tpu.enqueue_dma source(%dma_start3A_545 : memref<6400xi32, #tpu.memory_space<hbm>>) target(%arg5 : memref<6400xi32, #tpu.memory_space<vmem>>) target_semaphore(%run_scoped3A : memref<!tpu.dma_semaphore, #tpu.memory_space<semaphore_mem>>)
        %dma_wait3A_546 = tpu.memref_slice %arg2[%multiple_of3A] : memref<819200xi32, #tpu.memory_space<hbm>> -> memref<6400xi32, #tpu.memory_space<hbm>>
        %dma_wait3A_547 = tpu.memref_slice %arg2[%multiple_of3A] : memref<819200xi32, #tpu.memory_space<hbm>> -> memref<6400xi32, #tpu.memory_space<hbm>>
        tpu.wait_dma2 semaphore(%run_scoped3A : memref<!tpu.dma_semaphore, #tpu.memory_space<semaphore_mem>>) src(%dma_wait3A_547 : memref<6400xi32, #tpu.memory_space<hbm>>) dst(%arg5 : memref<6400xi32, #tpu.memory_space<vmem>>)
        tpu.yield
      }) : () -> ()
      %mul3A_509 = arith.constant 32 : i32
      %mul3A_510 = arith.muli %scan3A_501, %mul3A_509 : i32
      %jit3A = arith.constant 32 : i32
      %eq3A = arith.constant 0 : i32
      %eq3A_511 = arith.cmpi eq, %jit3A, %eq3A : i32
      %jit3A_512 = arith.constant 1 : i32
      %select_n3A = arith.select %eq3A_511, %jit3A_512, %jit3A : i32
      %rem3A = arith.remsi %mul3A_510, %select_n3A : i32
      %ne3A = arith.constant 0 : i32
      %ne3A_513 = arith.cmpi ne, %rem3A, %ne3A : i32
      %lt3A = arith.constant 0 : i32
      %lt3A_514 = arith.cmpi slt, %rem3A, %lt3A : i32
      %lt3A_515 = arith.constant 0 : i32
      %lt3A_516 = arith.cmpi slt, %select_n3A, %lt3A_515 : i32
      %ne3A_517 = arith.xori %lt3A_514, %lt3A_516 : i1
      %and3A = arith.andi %ne3A_517, %ne3A_513 : i1
      %add3A_518 = arith.addi %rem3A, %select_n3A : i32
      %select_n3A_519 = arith.select %and3A, %add3A_518, %rem3A : i32
      %mul3A_520 = arith.constant 200 : i32
      %mul3A_521 = arith.muli %select_n3A_519, %mul3A_520 : i32
      %multiple_of3A_522 = tpu.assume_multiple %mul3A_521, 8 : i32
      %add3A_523 = arith.constant 104 : i32
      %add3A_524 = arith.addi %multiple_of3A_522, %add3A_523 : i32
      %dma_start3A = arith.constant 0 : i32
      %dma_start3A_525 = arith.constant 0 : i32
      %dma_start3A_526 = tpu.memref_slice %arg6[%dma_start3A, %dma_start3A_525] : memref<200x128xf32, #tpu.memory_space<vmem>> -> memref<104x128xf32, #tpu.memory_space<vmem>>
      %dma_start3A_527 = tpu.memref_slice %arg5[%multiple_of3A_522] : memref<6400xi32, #tpu.memory_space<vmem>> -> memref<104xi32, #tpu.memory_space<vmem>>
      %dma_start3A_528 = arith.constant 0 : i32
      %dma_start3A_529 = arith.constant 0 : i32
      %dma_start3A_530 = tpu.memref_slice %arg3[%dma_start3A_528, %dma_start3A_529] : memref<100000x128xf32, #tpu.memory_space<hbm>> -> memref<100000x128xf32, #tpu.memory_space<hbm>>
      tpu.enqueue_indirect_dma source(%dma_start3A_530 : memref<100000x128xf32, #tpu.memory_space<hbm>>) target(%dma_start3A_526 : memref<104x128xf32, #tpu.memory_space<vmem>>) offsets(%dma_start3A_527 : memref<104xi32, #tpu.memory_space<vmem>>) semaphore(%arg12 : memref<!tpu.dma_semaphore, #tpu.memory_space<semaphore_mem>>)
      %dma_start3A_531 = arith.constant 104 : i32
      %dma_start3A_532 = arith.constant 0 : i32
      %dma_start3A_533 = tpu.memref_slice %arg6[%dma_start3A_531, %dma_start3A_532] : memref<200x128xf32, #tpu.memory_space<vmem>> -> memref<96x128xf32, #tpu.memory_space<vmem>>
      %dma_start3A_534 = tpu.memref_slice %arg5[%add3A_524] : memref<6400xi32, #tpu.memory_space<vmem>> -> memref<96xi32, #tpu.memory_space<vmem>>
      %dma_start3A_535 = arith.constant 0 : i32
      %dma_start3A_536 = arith.constant 0 : i32
      %dma_start3A_537 = tpu.memref_slice %arg3[%dma_start3A_535, %dma_start3A_536] : memref<100000x128xf32, #tpu.memory_space<hbm>> -> memref<100000x128xf32, #tpu.memory_space<hbm>>
      tpu.enqueue_indirect_dma source(%dma_start3A_537 : memref<100000x128xf32, #tpu.memory_space<hbm>>) target(%dma_start3A_533 : memref<96x128xf32, #tpu.memory_space<vmem>>) offsets(%dma_start3A_534 : memref<96xi32, #tpu.memory_space<vmem>>) semaphore(%arg12 : memref<!tpu.dma_semaphore, #tpu.memory_space<semaphore_mem>>)
      %scan3A_538 = arith.constant 0 : i32
      %scan3A_539 = arith.constant 0 : i32
      %scan3A_540 = arith.constant 16 : i32
      %scan3A_541 = arith.addi %scan3A_539, %scan3A_540 : i32
      %scan3A_542 = arith.constant 1 : i32
      scf.for %scan3A_544 = %scan3A_539 to %scan3A_541 step %scan3A_542  : i32 {
        %mul3A_545 = arith.constant 32 : i32
        %mul3A_546 = arith.muli %scan3A_501, %mul3A_545 : i32
        %mul3A_547 = arith.constant 2 : i32
        %mul3A_548 = arith.muli %mul3A_547, %scan3A_544 : i32
        %add3A_549 = arith.addi %mul3A_546, %mul3A_548 : i32
        %jit3A_550 = arith.constant 32 : i32
        %eq3A_551 = arith.constant 0 : i32
        %eq3A_552 = arith.cmpi eq, %jit3A_550, %eq3A_551 : i32
        %jit3A_553 = arith.constant 1 : i32
        %select_n3A_554 = arith.select %eq3A_552, %jit3A_553, %jit3A_550 : i32
        %rem3A_555 = arith.remsi %add3A_549, %select_n3A_554 : i32
        %ne3A_556 = arith.constant 0 : i32
        %ne3A_557 = arith.cmpi ne, %rem3A_555, %ne3A_556 : i32
        %lt3A_558 = arith.constant 0 : i32
        %lt3A_559 = arith.cmpi slt, %rem3A_555, %lt3A_558 : i32
        %lt3A_560 = arith.constant 0 : i32
        %lt3A_561 = arith.cmpi slt, %select_n3A_554, %lt3A_560 : i32
        %ne3A_562 = arith.xori %lt3A_559, %lt3A_561 : i1
        %and3A_563 = arith.andi %ne3A_562, %ne3A_557 : i1
        %add3A_564 = arith.addi %rem3A_555, %select_n3A_554 : i32
        %select_n3A_565 = arith.select %and3A_563, %add3A_564, %rem3A_555 : i32
        %mul3A_566 = arith.constant 200 : i32
        %mul3A_567 = arith.muli %select_n3A_565, %mul3A_566 : i32
        %multiple_of3A_568 = tpu.assume_multiple %mul3A_567, 8 : i32
        %add3A_569 = arith.constant 104 : i32
        %add3A_570 = arith.addi %multiple_of3A_568, %add3A_569 : i32
        %dma_wait3A_571 = arith.constant 0 : i32
        %dma_wait3A_572 = arith.constant 0 : i32
        %dma_wait3A_573 = tpu.memref_slice %arg6[%dma_wait3A_571, %dma_wait3A_572] : memref<200x128xf32, #tpu.memory_space<vmem>> -> memref<104x128xf32, #tpu.memory_space<vmem>>
        %dma_wait3A_574 = tpu.memref_slice %arg5[%multiple_of3A_568] : memref<6400xi32, #tpu.memory_space<vmem>> -> memref<104xi32, #tpu.memory_space<vmem>>
        %dma_wait3A_575 = arith.constant 0 : i32
        %dma_wait3A_576 = arith.constant 0 : i32
        %dma_wait3A_577 = tpu.memref_slice %arg3[%dma_wait3A_575, %dma_wait3A_576] : memref<100000x128xf32, #tpu.memory_space<hbm>> -> memref<100000x128xf32, #tpu.memory_space<hbm>>
        tpu.wait_indirect_dma semaphore(%arg12 : memref<!tpu.dma_semaphore, #tpu.memory_space<semaphore_mem>>) src(%dma_wait3A_577 : memref<100000x128xf32, #tpu.memory_space<hbm>>) dst(%dma_wait3A_573 : memref<104x128xf32, #tpu.memory_space<vmem>>)
        %dma_wait3A_578 = arith.constant 104 : i32
        %dma_wait3A_579 = arith.constant 0 : i32
        %dma_wait3A_580 = tpu.memref_slice %arg6[%dma_wait3A_578, %dma_wait3A_579] : memref<200x128xf32, #tpu.memory_space<vmem>> -> memref<96x128xf32, #tpu.memory_space<vmem>>
        %dma_wait3A_581 = tpu.memref_slice %arg5[%add3A_570] : memref<6400xi32, #tpu.memory_space<vmem>> -> memref<96xi32, #tpu.memory_space<vmem>>
        %dma_wait3A_582 = arith.constant 0 : i32
        %dma_wait3A_583 = arith.constant 0 : i32
        %dma_wait3A_584 = tpu.memref_slice %arg3[%dma_wait3A_582, %dma_wait3A_583] : memref<100000x128xf32, #tpu.memory_space<hbm>> -> memref<100000x128xf32, #tpu.memory_space<hbm>>
        tpu.wait_indirect_dma semaphore(%arg12 : memref<!tpu.dma_semaphore, #tpu.memory_space<semaphore_mem>>) src(%dma_wait3A_584 : memref<100000x128xf32, #tpu.memory_space<hbm>>) dst(%dma_wait3A_580 : memref<96x128xf32, #tpu.memory_space<vmem>>)
        %add3A_585 = arith.constant 1 : i32
        %add3A_586 = arith.addi %add3A_549, %add3A_585 : i32
        %jit3A_587 = arith.constant 32 : i32
        %eq3A_588 = arith.constant 0 : i32
        %eq3A_589 = arith.cmpi eq, %jit3A_587, %eq3A_588 : i32
        %jit3A_590 = arith.constant 1 : i32
        %select_n3A_591 = arith.select %eq3A_589, %jit3A_590, %jit3A_587 : i32
        %rem3A_592 = arith.remsi %add3A_586, %select_n3A_591 : i32
        %ne3A_593 = arith.constant 0 : i32
        %ne3A_594 = arith.cmpi ne, %rem3A_592, %ne3A_593 : i32
        %lt3A_595 = arith.constant 0 : i32
        %lt3A_596 = arith.cmpi slt, %rem3A_592, %lt3A_595 : i32
        %lt3A_597 = arith.constant 0 : i32
        %lt3A_598 = arith.cmpi slt, %select_n3A_591, %lt3A_597 : i32
        %ne3A_599 = arith.xori %lt3A_596, %lt3A_598 : i1
        %and3A_600 = arith.andi %ne3A_599, %ne3A_594 : i1
        %add3A_601 = arith.addi %rem3A_592, %select_n3A_591 : i32
        %select_n3A_602 = arith.select %and3A_600, %add3A_601, %rem3A_592 : i32
        %ne3A_603 = arith.constant 0 : i32
        %ne3A_604 = arith.cmpi ne, %select_n3A_602, %ne3A_603 : i32
        %convert_element_type3A = arith.extui %ne3A_604 : i1 to i32
        %cond3A = arith.constant 0 : i32
        %cond3A_605 = arith.cmpi ne, %convert_element_type3A, %cond3A : i32
        scf.if %cond3A_605 {
          %add3A_1169 = arith.constant 1 : i32
          %add3A_1170 = arith.addi %add3A_549, %add3A_1169 : i32
          %jit3A_1171 = arith.constant 32 : i32
          %eq3A_1172 = arith.constant 0 : i32
          %eq3A_1173 = arith.cmpi eq, %jit3A_1171, %eq3A_1172 : i32
          %jit3A_1174 = arith.constant 1 : i32
          %select_n3A_1175 = arith.select %eq3A_1173, %jit3A_1174, %jit3A_1171 : i32
          %rem3A_1176 = arith.remsi %add3A_1170, %select_n3A_1175 : i32
          %ne3A_1177 = arith.constant 0 : i32
          %ne3A_1178 = arith.cmpi ne, %rem3A_1176, %ne3A_1177 : i32
          %lt3A_1179 = arith.constant 0 : i32
          %lt3A_1180 = arith.cmpi slt, %rem3A_1176, %lt3A_1179 : i32
          %lt3A_1181 = arith.constant 0 : i32
          %lt3A_1182 = arith.cmpi slt, %select_n3A_1175, %lt3A_1181 : i32
          %ne3A_1183 = arith.xori %lt3A_1180, %lt3A_1182 : i1
          %and3A_1184 = arith.andi %ne3A_1183, %ne3A_1178 : i1
          %add3A_1185 = arith.addi %rem3A_1176, %select_n3A_1175 : i32
          %select_n3A_1186 = arith.select %and3A_1184, %add3A_1185, %rem3A_1176 : i32
          %mul3A_1187 = arith.constant 200 : i32
          %mul3A_1188 = arith.muli %select_n3A_1186, %mul3A_1187 : i32
          %multiple_of3A_1189 = tpu.assume_multiple %mul3A_1188, 8 : i32
          %add3A_1190 = arith.constant 104 : i32
          %add3A_1191 = arith.addi %multiple_of3A_1189, %add3A_1190 : i32
          %dma_start3A_1192 = arith.constant 0 : i32
          %dma_start3A_1193 = arith.constant 0 : i32
          %dma_start3A_1194 = tpu.memref_slice %arg7[%dma_start3A_1192, %dma_start3A_1193] : memref<200x128xf32, #tpu.memory_space<vmem>> -> memref<104x128xf32, #tpu.memory_space<vmem>>
          %dma_start3A_1195 = tpu.memref_slice %arg5[%multiple_of3A_1189] : memref<6400xi32, #tpu.memory_space<vmem>> -> memref<104xi32, #tpu.memory_space<vmem>>
          %dma_start3A_1196 = arith.constant 0 : i32
          %dma_start3A_1197 = arith.constant 0 : i32
          %dma_start3A_1198 = tpu.memref_slice %arg3[%dma_start3A_1196, %dma_start3A_1197] : memref<100000x128xf32, #tpu.memory_space<hbm>> -> memref<100000x128xf32, #tpu.memory_space<hbm>>
          tpu.enqueue_indirect_dma source(%dma_start3A_1198 : memref<100000x128xf32, #tpu.memory_space<hbm>>) target(%dma_start3A_1194 : memref<104x128xf32, #tpu.memory_space<vmem>>) offsets(%dma_start3A_1195 : memref<104xi32, #tpu.memory_space<vmem>>) semaphore(%arg13 : memref<!tpu.dma_semaphore, #tpu.memory_space<semaphore_mem>>)
          %dma_start3A_1199 = arith.constant 104 : i32
          %dma_start3A_1200 = arith.constant 0 : i32
          %dma_start3A_1201 = tpu.memref_slice %arg7[%dma_start3A_1199, %dma_start3A_1200] : memref<200x128xf32, #tpu.memory_space<vmem>> -> memref<96x128xf32, #tpu.memory_space<vmem>>
          %dma_start3A_1202 = tpu.memref_slice %arg5[%add3A_1191] : memref<6400xi32, #tpu.memory_space<vmem>> -> memref<96xi32, #tpu.memory_space<vmem>>
          %dma_start3A_1203 = arith.constant 0 : i32
          %dma_start3A_1204 = arith.constant 0 : i32
          %dma_start3A_1205 = tpu.memref_slice %arg3[%dma_start3A_1203, %dma_start3A_1204] : memref<100000x128xf32, #tpu.memory_space<hbm>> -> memref<100000x128xf32, #tpu.memory_space<hbm>>
          tpu.enqueue_indirect_dma source(%dma_start3A_1205 : memref<100000x128xf32, #tpu.memory_space<hbm>>) target(%dma_start3A_1201 : memref<96x128xf32, #tpu.memory_space<vmem>>) offsets(%dma_start3A_1202 : memref<96xi32, #tpu.memory_space<vmem>>) semaphore(%arg13 : memref<!tpu.dma_semaphore, #tpu.memory_space<semaphore_mem>>)
        } else {
        }
        %ge3A = arith.constant 2 : i32
        %ge3A_606 = arith.cmpi sge, %add3A_549, %ge3A : i32
        %convert_element_type3A_607 = arith.extui %ge3A_606 : i1 to i32
        %cond3A_608 = arith.constant 0 : i32
        %cond3A_609 = arith.cmpi ne, %convert_element_type3A_607, %cond3A_608 : i32
        scf.if %cond3A_609 {
          %sub3A = arith.constant 2 : i32
          %sub3A_1169 = arith.subi %add3A_549, %sub3A : i32
          %mul3A_1170 = arith.constant 128 : i32
          %mul3A_1171 = arith.muli %add3A, %mul3A_1170 : i32
          %add3A_1172 = arith.addi %mul3A_1171, %sub3A_1169 : i32
          %dma_wait3A_1173 = arith.constant 0 : i32
          %dma_wait3A_1174 = arith.constant 0 : i32
          %dma_wait3A_1175 = tpu.memref_slice %arg4[%add3A_1172, %dma_wait3A_1173, %dma_wait3A_1174] : memref<4096x128x200xf32, #tpu.memory_space<hbm>> -> memref<1x128x128xf32, #tpu.memory_space<hbm>>
          %dma_wait3A_1176 = tpu.memref_squeeze %dma_wait3A_1175 : memref<1x128x128xf32, #tpu.memory_space<hbm>> -> memref<128x128xf32, #tpu.memory_space<hbm>>
          %dma_wait3A_1177 = arith.constant 0 : i32
          %dma_wait3A_1178 = arith.constant 0 : i32
          %dma_wait3A_1179 = tpu.memref_slice %arg4[%add3A_1172, %dma_wait3A_1177, %dma_wait3A_1178] : memref<4096x128x200xf32, #tpu.memory_space<hbm>> -> memref<1x128x128xf32, #tpu.memory_space<hbm>>
          %dma_wait3A_1180 = tpu.memref_squeeze %dma_wait3A_1179 : memref<1x128x128xf32, #tpu.memory_space<hbm>> -> memref<128x128xf32, #tpu.memory_space<hbm>>
          tpu.wait_dma2 semaphore(%arg14 : memref<!tpu.dma_semaphore, #tpu.memory_space<semaphore_mem>>) src(%arg8 : memref<128x128xf32, #tpu.memory_space<vmem>>) dst(%dma_wait3A_1180 : memref<128x128xf32, #tpu.memory_space<hbm>>)
          %dma_wait3A_1181 = arith.constant 0 : i32
          %dma_wait3A_1182 = arith.constant 0 : i32
          %dma_wait3A_1183 = tpu.memref_slice %arg9[%dma_wait3A_1181, %dma_wait3A_1182] : memref<128x72xf32, #tpu.memory_space<vmem>> -> memref<8x72xf32, #tpu.memory_space<vmem>>
          %dma_wait3A_1184 = arith.constant 0 : i32
          %dma_wait3A_1185 = arith.constant 128 : i32
          %dma_wait3A_1186 = tpu.memref_slice %arg4[%add3A_1172, %dma_wait3A_1184, %dma_wait3A_1185] : memref<4096x128x200xf32, #tpu.memory_space<hbm>> -> memref<1x8x72xf32, #tpu.memory_space<hbm>>
          %dma_wait3A_1187 = tpu.memref_squeeze %dma_wait3A_1186 : memref<1x8x72xf32, #tpu.memory_space<hbm>> -> memref<8x72xf32, #tpu.memory_space<hbm>>
          %dma_wait3A_1188 = arith.constant 0 : i32
          %dma_wait3A_1189 = arith.constant 128 : i32
          %dma_wait3A_1190 = tpu.memref_slice %arg4[%add3A_1172, %dma_wait3A_1188, %dma_wait3A_1189] : memref<4096x128x200xf32, #tpu.memory_space<hbm>> -> memref<1x8x72xf32, #tpu.memory_space<hbm>>
          %dma_wait3A_1191 = tpu.memref_squeeze %dma_wait3A_1190 : memref<1x8x72xf32, #tpu.memory_space<hbm>> -> memref<8x72xf32, #tpu.memory_space<hbm>>
          %dma_wait3A_1192 = arith.constant 0 : i32
          %dma_wait3A_1193 = arith.constant 0 : i32
          %dma_wait3A_1194 = tpu.memref_slice %arg9[%dma_wait3A_1192, %dma_wait3A_1193] : memref<128x72xf32, #tpu.memory_space<vmem>> -> memref<8x72xf32, #tpu.memory_space<vmem>>
          tpu.wait_dma2 semaphore(%arg14 : memref<!tpu.dma_semaphore, #tpu.memory_space<semaphore_mem>>) src(%dma_wait3A_1194 : memref<8x72xf32, #tpu.memory_space<vmem>>) dst(%dma_wait3A_1191 : memref<8x72xf32, #tpu.memory_space<hbm>>)
          %dma_wait3A_1195 = arith.constant 8 : i32
          %dma_wait3A_1196 = arith.constant 0 : i32
          %dma_wait3A_1197 = tpu.memref_slice %arg9[%dma_wait3A_1195, %dma_wait3A_1196] : memref<128x72xf32, #tpu.memory_space<vmem>> -> memref<8x72xf32, #tpu.memory_space<vmem>>
          %dma_wait3A_1198 = arith.constant 8 : i32
          %dma_wait3A_1199 = arith.constant 128 : i32
          %dma_wait3A_1200 = tpu.memref_slice %arg4[%add3A_1172, %dma_wait3A_1198, %dma_wait3A_1199] : memref<4096x128x200xf32, #tpu.memory_space<hbm>> -> memref<1x8x72xf32, #tpu.memory_space<hbm>>
          %dma_wait3A_1201 = tpu.memref_squeeze %dma_wait3A_1200 : memref<1x8x72xf32, #tpu.memory_space<hbm>> -> memref<8x72xf32, #tpu.memory_space<hbm>>
          %dma_wait3A_1202 = arith.constant 8 : i32
          %dma_wait3A_1203 = arith.constant 128 : i32
          %dma_wait3A_1204 = tpu.memref_slice %arg4[%add3A_1172, %dma_wait3A_1202, %dma_wait3A_1203] : memref<4096x128x200xf32, #tpu.memory_space<hbm>> -> memref<1x8x72xf32, #tpu.memory_space<hbm>>
          %dma_wait3A_1205 = tpu.memref_squeeze %dma_wait3A_1204 : memref<1x8x72xf32, #tpu.memory_space<hbm>> -> memref<8x72xf32, #tpu.memory_space<hbm>>
          %dma_wait3A_1206 = arith.constant 8 : i32
          %dma_wait3A_1207 = arith.constant 0 : i32
          %dma_wait3A_1208 = tpu.memref_slice %arg9[%dma_wait3A_1206, %dma_wait3A_1207] : memref<128x72xf32, #tpu.memory_space<vmem>> -> memref<8x72xf32, #tpu.memory_space<vmem>>
          tpu.wait_dma2 semaphore(%arg14 : memref<!tpu.dma_semaphore, #tpu.memory_space<semaphore_mem>>) src(%dma_wait3A_1208 : memref<8x72xf32, #tpu.memory_space<vmem>>) dst(%dma_wait3A_1205 : memref<8x72xf32, #tpu.memory_space<hbm>>)
          %dma_wait3A_1209 = arith.constant 16 : i32
          %dma_wait3A_1210 = arith.constant 0 : i32
          %dma_wait3A_1211 = tpu.memref_slice %arg9[%dma_wait3A_1209, %dma_wait3A_1210] : memref<128x72xf32, #tpu.memory_space<vmem>> -> memref<8x72xf32, #tpu.memory_space<vmem>>
          %dma_wait3A_1212 = arith.constant 16 : i32
          %dma_wait3A_1213 = arith.constant 128 : i32
          %dma_wait3A_1214 = tpu.memref_slice %arg4[%add3A_1172, %dma_wait3A_1212, %dma_wait3A_1213] : memref<4096x128x200xf32, #tpu.memory_space<hbm>> -> memref<1x8x72xf32, #tpu.memory_space<hbm>>
          %dma_wait3A_1215 = tpu.memref_squeeze %dma_wait3A_1214 : memref<1x8x72xf32, #tpu.memory_space<hbm>> -> memref<8x72xf32, #tpu.memory_space<hbm>>
          %dma_wait3A_1216 = arith.constant 16 : i32
          %dma_wait3A_1217 = arith.constant 128 : i32
          %dma_wait3A_1218 = tpu.memref_slice %arg4[%add3A_1172, %dma_wait3A_1216, %dma_wait3A_1217] : memref<4096x128x200xf32, #tpu.memory_space<hbm>> -> memref<1x8x72xf32, #tpu.memory_space<hbm>>
          %dma_wait3A_1219 = tpu.memref_squeeze %dma_wait3A_1218 : memref<1x8x72xf32, #tpu.memory_space<hbm>> -> memref<8x72xf32, #tpu.memory_space<hbm>>
          %dma_wait3A_1220 = arith.constant 16 : i32
          %dma_wait3A_1221 = arith.constant 0 : i32
          %dma_wait3A_1222 = tpu.memref_slice %arg9[%dma_wait3A_1220, %dma_wait3A_1221] : memref<128x72xf32, #tpu.memory_space<vmem>> -> memref<8x72xf32, #tpu.memory_space<vmem>>
          tpu.wait_dma2 semaphore(%arg14 : memref<!tpu.dma_semaphore, #tpu.memory_space<semaphore_mem>>) src(%dma_wait3A_1222 : memref<8x72xf32, #tpu.memory_space<vmem>>) dst(%dma_wait3A_1219 : memref<8x72xf32, #tpu.memory_space<hbm>>)
          %dma_wait3A_1223 = arith.constant 24 : i32
          %dma_wait3A_1224 = arith.constant 0 : i32
          %dma_wait3A_1225 = tpu.memref_slice %arg9[%dma_wait3A_1223, %dma_wait3A_1224] : memref<128x72xf32, #tpu.memory_space<vmem>> -> memref<8x72xf32, #tpu.memory_space<vmem>>
          %dma_wait3A_1226 = arith.constant 24 : i32
          %dma_wait3A_1227 = arith.constant 128 : i32
          %dma_wait3A_1228 = tpu.memref_slice %arg4[%add3A_1172, %dma_wait3A_1226, %dma_wait3A_1227] : memref<4096x128x200xf32, #tpu.memory_space<hbm>> -> memref<1x8x72xf32, #tpu.memory_space<hbm>>
          %dma_wait3A_1229 = tpu.memref_squeeze %dma_wait3A_1228 : memref<1x8x72xf32, #tpu.memory_space<hbm>> -> memref<8x72xf32, #tpu.memory_space<hbm>>
          %dma_wait3A_1230 = arith.constant 24 : i32
          %dma_wait3A_1231 = arith.constant 128 : i32
          %dma_wait3A_1232 = tpu.memref_slice %arg4[%add3A_1172, %dma_wait3A_1230, %dma_wait3A_1231] : memref<4096x128x200xf32, #tpu.memory_space<hbm>> -> memref<1x8x72xf32, #tpu.memory_space<hbm>>
          %dma_wait3A_1233 = tpu.memref_squeeze %dma_wait3A_1232 : memref<1x8x72xf32, #tpu.memory_space<hbm>> -> memref<8x72xf32, #tpu.memory_space<hbm>>
          %dma_wait3A_1234 = arith.constant 24 : i32
          %dma_wait3A_1235 = arith.constant 0 : i32
          %dma_wait3A_1236 = tpu.memref_slice %arg9[%dma_wait3A_1234, %dma_wait3A_1235] : memref<128x72xf32, #tpu.memory_space<vmem>> -> memref<8x72xf32, #tpu.memory_space<vmem>>
          tpu.wait_dma2 semaphore(%arg14 : memref<!tpu.dma_semaphore, #tpu.memory_space<semaphore_mem>>) src(%dma_wait3A_1236 : memref<8x72xf32, #tpu.memory_space<vmem>>) dst(%dma_wait3A_1233 : memref<8x72xf32, #tpu.memory_space<hbm>>)
          %dma_wait3A_1237 = arith.constant 32 : i32
          %dma_wait3A_1238 = arith.constant 0 : i32
          %dma_wait3A_1239 = tpu.memref_slice %arg9[%dma_wait3A_1237, %dma_wait3A_1238] : memref<128x72xf32, #tpu.memory_space<vmem>> -> memref<8x72xf32, #tpu.memory_space<vmem>>
          %dma_wait3A_1240 = arith.constant 32 : i32
          %dma_wait3A_1241 = arith.constant 128 : i32
          %dma_wait3A_1242 = tpu.memref_slice %arg4[%add3A_1172, %dma_wait3A_1240, %dma_wait3A_1241] : memref<4096x128x200xf32, #tpu.memory_space<hbm>> -> memref<1x8x72xf32, #tpu.memory_space<hbm>>
          %dma_wait3A_1243 = tpu.memref_squeeze %dma_wait3A_1242 : memref<1x8x72xf32, #tpu.memory_space<hbm>> -> memref<8x72xf32, #tpu.memory_space<hbm>>
          %dma_wait3A_1244 = arith.constant 32 : i32
          %dma_wait3A_1245 = arith.constant 128 : i32
          %dma_wait3A_1246 = tpu.memref_slice %arg4[%add3A_1172, %dma_wait3A_1244, %dma_wait3A_1245] : memref<4096x128x200xf32, #tpu.memory_space<hbm>> -> memref<1x8x72xf32, #tpu.memory_space<hbm>>
          %dma_wait3A_1247 = tpu.memref_squeeze %dma_wait3A_1246 : memref<1x8x72xf32, #tpu.memory_space<hbm>> -> memref<8x72xf32, #tpu.memory_space<hbm>>
          %dma_wait3A_1248 = arith.constant 32 : i32
          %dma_wait3A_1249 = arith.constant 0 : i32
          %dma_wait3A_1250 = tpu.memref_slice %arg9[%dma_wait3A_1248, %dma_wait3A_1249] : memref<128x72xf32, #tpu.memory_space<vmem>> -> memref<8x72xf32, #tpu.memory_space<vmem>>
          tpu.wait_dma2 semaphore(%arg14 : memref<!tpu.dma_semaphore, #tpu.memory_space<semaphore_mem>>) src(%dma_wait3A_1250 : memref<8x72xf32, #tpu.memory_space<vmem>>) dst(%dma_wait3A_1247 : memref<8x72xf32, #tpu.memory_space<hbm>>)
          %dma_wait3A_1251 = arith.constant 40 : i32
          %dma_wait3A_1252 = arith.constant 0 : i32
          %dma_wait3A_1253 = tpu.memref_slice %arg9[%dma_wait3A_1251, %dma_wait3A_1252] : memref<128x72xf32, #tpu.memory_space<vmem>> -> memref<8x72xf32, #tpu.memory_space<vmem>>
          %dma_wait3A_1254 = arith.constant 40 : i32
          %dma_wait3A_1255 = arith.constant 128 : i32
          %dma_wait3A_1256 = tpu.memref_slice %arg4[%add3A_1172, %dma_wait3A_1254, %dma_wait3A_1255] : memref<4096x128x200xf32, #tpu.memory_space<hbm>> -> memref<1x8x72xf32, #tpu.memory_space<hbm>>
          %dma_wait3A_1257 = tpu.memref_squeeze %dma_wait3A_1256 : memref<1x8x72xf32, #tpu.memory_space<hbm>> -> memref<8x72xf32, #tpu.memory_space<hbm>>
          %dma_wait3A_1258 = arith.constant 40 : i32
          %dma_wait3A_1259 = arith.constant 128 : i32
          %dma_wait3A_1260 = tpu.memref_slice %arg4[%add3A_1172, %dma_wait3A_1258, %dma_wait3A_1259] : memref<4096x128x200xf32, #tpu.memory_space<hbm>> -> memref<1x8x72xf32, #tpu.memory_space<hbm>>
          %dma_wait3A_1261 = tpu.memref_squeeze %dma_wait3A_1260 : memref<1x8x72xf32, #tpu.memory_space<hbm>> -> memref<8x72xf32, #tpu.memory_space<hbm>>
          %dma_wait3A_1262 = arith.constant 40 : i32
          %dma_wait3A_1263 = arith.constant 0 : i32
          %dma_wait3A_1264 = tpu.memref_slice %arg9[%dma_wait3A_1262, %dma_wait3A_1263] : memref<128x72xf32, #tpu.memory_space<vmem>> -> memref<8x72xf32, #tpu.memory_space<vmem>>
          tpu.wait_dma2 semaphore(%arg14 : memref<!tpu.dma_semaphore, #tpu.memory_space<semaphore_mem>>) src(%dma_wait3A_1264 : memref<8x72xf32, #tpu.memory_space<vmem>>) dst(%dma_wait3A_1261 : memref<8x72xf32, #tpu.memory_space<hbm>>)
          %dma_wait3A_1265 = arith.constant 48 : i32
          %dma_wait3A_1266 = arith.constant 0 : i32
          %dma_wait3A_1267 = tpu.memref_slice %arg9[%dma_wait3A_1265, %dma_wait3A_1266] : memref<128x72xf32, #tpu.memory_space<vmem>> -> memref<8x72xf32, #tpu.memory_space<vmem>>
          %dma_wait3A_1268 = arith.constant 48 : i32
          %dma_wait3A_1269 = arith.constant 128 : i32
          %dma_wait3A_1270 = tpu.memref_slice %arg4[%add3A_1172, %dma_wait3A_1268, %dma_wait3A_1269] : memref<4096x128x200xf32, #tpu.memory_space<hbm>> -> memref<1x8x72xf32, #tpu.memory_space<hbm>>
          %dma_wait3A_1271 = tpu.memref_squeeze %dma_wait3A_1270 : memref<1x8x72xf32, #tpu.memory_space<hbm>> -> memref<8x72xf32, #tpu.memory_space<hbm>>
          %dma_wait3A_1272 = arith.constant 48 : i32
          %dma_wait3A_1273 = arith.constant 128 : i32
          %dma_wait3A_1274 = tpu.memref_slice %arg4[%add3A_1172, %dma_wait3A_1272, %dma_wait3A_1273] : memref<4096x128x200xf32, #tpu.memory_space<hbm>> -> memref<1x8x72xf32, #tpu.memory_space<hbm>>
          %dma_wait3A_1275 = tpu.memref_squeeze %dma_wait3A_1274 : memref<1x8x72xf32, #tpu.memory_space<hbm>> -> memref<8x72xf32, #tpu.memory_space<hbm>>
          %dma_wait3A_1276 = arith.constant 48 : i32
          %dma_wait3A_1277 = arith.constant 0 : i32
          %dma_wait3A_1278 = tpu.memref_slice %arg9[%dma_wait3A_1276, %dma_wait3A_1277] : memref<128x72xf32, #tpu.memory_space<vmem>> -> memref<8x72xf32, #tpu.memory_space<vmem>>
          tpu.wait_dma2 semaphore(%arg14 : memref<!tpu.dma_semaphore, #tpu.memory_space<semaphore_mem>>) src(%dma_wait3A_1278 : memref<8x72xf32, #tpu.memory_space<vmem>>) dst(%dma_wait3A_1275 : memref<8x72xf32, #tpu.memory_space<hbm>>)
          %dma_wait3A_1279 = arith.constant 56 : i32
          %dma_wait3A_1280 = arith.constant 0 : i32
          %dma_wait3A_1281 = tpu.memref_slice %arg9[%dma_wait3A_1279, %dma_wait3A_1280] : memref<128x72xf32, #tpu.memory_space<vmem>> -> memref<8x72xf32, #tpu.memory_space<vmem>>
          %dma_wait3A_1282 = arith.constant 56 : i32
          %dma_wait3A_1283 = arith.constant 128 : i32
          %dma_wait3A_1284 = tpu.memref_slice %arg4[%add3A_1172, %dma_wait3A_1282, %dma_wait3A_1283] : memref<4096x128x200xf32, #tpu.memory_space<hbm>> -> memref<1x8x72xf32, #tpu.memory_space<hbm>>
          %dma_wait3A_1285 = tpu.memref_squeeze %dma_wait3A_1284 : memref<1x8x72xf32, #tpu.memory_space<hbm>> -> memref<8x72xf32, #tpu.memory_space<hbm>>
          %dma_wait3A_1286 = arith.constant 56 : i32
          %dma_wait3A_1287 = arith.constant 128 : i32
          %dma_wait3A_1288 = tpu.memref_slice %arg4[%add3A_1172, %dma_wait3A_1286, %dma_wait3A_1287] : memref<4096x128x200xf32, #tpu.memory_space<hbm>> -> memref<1x8x72xf32, #tpu.memory_space<hbm>>
          %dma_wait3A_1289 = tpu.memref_squeeze %dma_wait3A_1288 : memref<1x8x72xf32, #tpu.memory_space<hbm>> -> memref<8x72xf32, #tpu.memory_space<hbm>>
          %dma_wait3A_1290 = arith.constant 56 : i32
          %dma_wait3A_1291 = arith.constant 0 : i32
          %dma_wait3A_1292 = tpu.memref_slice %arg9[%dma_wait3A_1290, %dma_wait3A_1291] : memref<128x72xf32, #tpu.memory_space<vmem>> -> memref<8x72xf32, #tpu.memory_space<vmem>>
          tpu.wait_dma2 semaphore(%arg14 : memref<!tpu.dma_semaphore, #tpu.memory_space<semaphore_mem>>) src(%dma_wait3A_1292 : memref<8x72xf32, #tpu.memory_space<vmem>>) dst(%dma_wait3A_1289 : memref<8x72xf32, #tpu.memory_space<hbm>>)
          %dma_wait3A_1293 = arith.constant 64 : i32
          %dma_wait3A_1294 = arith.constant 0 : i32
          %dma_wait3A_1295 = tpu.memref_slice %arg9[%dma_wait3A_1293, %dma_wait3A_1294] : memref<128x72xf32, #tpu.memory_space<vmem>> -> memref<8x72xf32, #tpu.memory_space<vmem>>
          %dma_wait3A_1296 = arith.constant 64 : i32
          %dma_wait3A_1297 = arith.constant 128 : i32
          %dma_wait3A_1298 = tpu.memref_slice %arg4[%add3A_1172, %dma_wait3A_1296, %dma_wait3A_1297] : memref<4096x128x200xf32, #tpu.memory_space<hbm>> -> memref<1x8x72xf32, #tpu.memory_space<hbm>>
          %dma_wait3A_1299 = tpu.memref_squeeze %dma_wait3A_1298 : memref<1x8x72xf32, #tpu.memory_space<hbm>> -> memref<8x72xf32, #tpu.memory_space<hbm>>
          %dma_wait3A_1300 = arith.constant 64 : i32
          %dma_wait3A_1301 = arith.constant 128 : i32
          %dma_wait3A_1302 = tpu.memref_slice %arg4[%add3A_1172, %dma_wait3A_1300, %dma_wait3A_1301] : memref<4096x128x200xf32, #tpu.memory_space<hbm>> -> memref<1x8x72xf32, #tpu.memory_space<hbm>>
          %dma_wait3A_1303 = tpu.memref_squeeze %dma_wait3A_1302 : memref<1x8x72xf32, #tpu.memory_space<hbm>> -> memref<8x72xf32, #tpu.memory_space<hbm>>
          %dma_wait3A_1304 = arith.constant 64 : i32
          %dma_wait3A_1305 = arith.constant 0 : i32
          %dma_wait3A_1306 = tpu.memref_slice %arg9[%dma_wait3A_1304, %dma_wait3A_1305] : memref<128x72xf32, #tpu.memory_space<vmem>> -> memref<8x72xf32, #tpu.memory_space<vmem>>
          tpu.wait_dma2 semaphore(%arg14 : memref<!tpu.dma_semaphore, #tpu.memory_space<semaphore_mem>>) src(%dma_wait3A_1306 : memref<8x72xf32, #tpu.memory_space<vmem>>) dst(%dma_wait3A_1303 : memref<8x72xf32, #tpu.memory_space<hbm>>)
          %dma_wait3A_1307 = arith.constant 72 : i32
          %dma_wait3A_1308 = arith.constant 0 : i32
          %dma_wait3A_1309 = tpu.memref_slice %arg9[%dma_wait3A_1307, %dma_wait3A_1308] : memref<128x72xf32, #tpu.memory_space<vmem>> -> memref<8x72xf32, #tpu.memory_space<vmem>>
          %dma_wait3A_1310 = arith.constant 72 : i32
          %dma_wait3A_1311 = arith.constant 128 : i32
          %dma_wait3A_1312 = tpu.memref_slice %arg4[%add3A_1172, %dma_wait3A_1310, %dma_wait3A_1311] : memref<4096x128x200xf32, #tpu.memory_space<hbm>> -> memref<1x8x72xf32, #tpu.memory_space<hbm>>
          %dma_wait3A_1313 = tpu.memref_squeeze %dma_wait3A_1312 : memref<1x8x72xf32, #tpu.memory_space<hbm>> -> memref<8x72xf32, #tpu.memory_space<hbm>>
          %dma_wait3A_1314 = arith.constant 72 : i32
          %dma_wait3A_1315 = arith.constant 128 : i32
          %dma_wait3A_1316 = tpu.memref_slice %arg4[%add3A_1172, %dma_wait3A_1314, %dma_wait3A_1315] : memref<4096x128x200xf32, #tpu.memory_space<hbm>> -> memref<1x8x72xf32, #tpu.memory_space<hbm>>
          %dma_wait3A_1317 = tpu.memref_squeeze %dma_wait3A_1316 : memref<1x8x72xf32, #tpu.memory_space<hbm>> -> memref<8x72xf32, #tpu.memory_space<hbm>>
          %dma_wait3A_1318 = arith.constant 72 : i32
          %dma_wait3A_1319 = arith.constant 0 : i32
          %dma_wait3A_1320 = tpu.memref_slice %arg9[%dma_wait3A_1318, %dma_wait3A_1319] : memref<128x72xf32, #tpu.memory_space<vmem>> -> memref<8x72xf32, #tpu.memory_space<vmem>>
          tpu.wait_dma2 semaphore(%arg14 : memref<!tpu.dma_semaphore, #tpu.memory_space<semaphore_mem>>) src(%dma_wait3A_1320 : memref<8x72xf32, #tpu.memory_space<vmem>>) dst(%dma_wait3A_1317 : memref<8x72xf32, #tpu.memory_space<hbm>>)
          %dma_wait3A_1321 = arith.constant 80 : i32
          %dma_wait3A_1322 = arith.constant 0 : i32
          %dma_wait3A_1323 = tpu.memref_slice %arg9[%dma_wait3A_1321, %dma_wait3A_1322] : memref<128x72xf32, #tpu.memory_space<vmem>> -> memref<8x72xf32, #tpu.memory_space<vmem>>
          %dma_wait3A_1324 = arith.constant 80 : i32
          %dma_wait3A_1325 = arith.constant 128 : i32
          %dma_wait3A_1326 = tpu.memref_slice %arg4[%add3A_1172, %dma_wait3A_1324, %dma_wait3A_1325] : memref<4096x128x200xf32, #tpu.memory_space<hbm>> -> memref<1x8x72xf32, #tpu.memory_space<hbm>>
          %dma_wait3A_1327 = tpu.memref_squeeze %dma_wait3A_1326 : memref<1x8x72xf32, #tpu.memory_space<hbm>> -> memref<8x72xf32, #tpu.memory_space<hbm>>
          %dma_wait3A_1328 = arith.constant 80 : i32
          %dma_wait3A_1329 = arith.constant 128 : i32
          %dma_wait3A_1330 = tpu.memref_slice %arg4[%add3A_1172, %dma_wait3A_1328, %dma_wait3A_1329] : memref<4096x128x200xf32, #tpu.memory_space<hbm>> -> memref<1x8x72xf32, #tpu.memory_space<hbm>>
          %dma_wait3A_1331 = tpu.memref_squeeze %dma_wait3A_1330 : memref<1x8x72xf32, #tpu.memory_space<hbm>> -> memref<8x72xf32, #tpu.memory_space<hbm>>
          %dma_wait3A_1332 = arith.constant 80 : i32
          %dma_wait3A_1333 = arith.constant 0 : i32
          %dma_wait3A_1334 = tpu.memref_slice %arg9[%dma_wait3A_1332, %dma_wait3A_1333] : memref<128x72xf32, #tpu.memory_space<vmem>> -> memref<8x72xf32, #tpu.memory_space<vmem>>
          tpu.wait_dma2 semaphore(%arg14 : memref<!tpu.dma_semaphore, #tpu.memory_space<semaphore_mem>>) src(%dma_wait3A_1334 : memref<8x72xf32, #tpu.memory_space<vmem>>) dst(%dma_wait3A_1331 : memref<8x72xf32, #tpu.memory_space<hbm>>)
          %dma_wait3A_1335 = arith.constant 88 : i32
          %dma_wait3A_1336 = arith.constant 0 : i32
          %dma_wait3A_1337 = tpu.memref_slice %arg9[%dma_wait3A_1335, %dma_wait3A_1336] : memref<128x72xf32, #tpu.memory_space<vmem>> -> memref<8x72xf32, #tpu.memory_space<vmem>>
          %dma_wait3A_1338 = arith.constant 88 : i32
          %dma_wait3A_1339 = arith.constant 128 : i32
          %dma_wait3A_1340 = tpu.memref_slice %arg4[%add3A_1172, %dma_wait3A_1338, %dma_wait3A_1339] : memref<4096x128x200xf32, #tpu.memory_space<hbm>> -> memref<1x8x72xf32, #tpu.memory_space<hbm>>
          %dma_wait3A_1341 = tpu.memref_squeeze %dma_wait3A_1340 : memref<1x8x72xf32, #tpu.memory_space<hbm>> -> memref<8x72xf32, #tpu.memory_space<hbm>>
          %dma_wait3A_1342 = arith.constant 88 : i32
          %dma_wait3A_1343 = arith.constant 128 : i32
          %dma_wait3A_1344 = tpu.memref_slice %arg4[%add3A_1172, %dma_wait3A_1342, %dma_wait3A_1343] : memref<4096x128x200xf32, #tpu.memory_space<hbm>> -> memref<1x8x72xf32, #tpu.memory_space<hbm>>
          %dma_wait3A_1345 = tpu.memref_squeeze %dma_wait3A_1344 : memref<1x8x72xf32, #tpu.memory_space<hbm>> -> memref<8x72xf32, #tpu.memory_space<hbm>>
          %dma_wait3A_1346 = arith.constant 88 : i32
          %dma_wait3A_1347 = arith.constant 0 : i32
          %dma_wait3A_1348 = tpu.memref_slice %arg9[%dma_wait3A_1346, %dma_wait3A_1347] : memref<128x72xf32, #tpu.memory_space<vmem>> -> memref<8x72xf32, #tpu.memory_space<vmem>>
          tpu.wait_dma2 semaphore(%arg14 : memref<!tpu.dma_semaphore, #tpu.memory_space<semaphore_mem>>) src(%dma_wait3A_1348 : memref<8x72xf32, #tpu.memory_space<vmem>>) dst(%dma_wait3A_1345 : memref<8x72xf32, #tpu.memory_space<hbm>>)
          %dma_wait3A_1349 = arith.constant 96 : i32
          %dma_wait3A_1350 = arith.constant 0 : i32
          %dma_wait3A_1351 = tpu.memref_slice %arg9[%dma_wait3A_1349, %dma_wait3A_1350] : memref<128x72xf32, #tpu.memory_space<vmem>> -> memref<8x72xf32, #tpu.memory_space<vmem>>
          %dma_wait3A_1352 = arith.constant 96 : i32
          %dma_wait3A_1353 = arith.constant 128 : i32
          %dma_wait3A_1354 = tpu.memref_slice %arg4[%add3A_1172, %dma_wait3A_1352, %dma_wait3A_1353] : memref<4096x128x200xf32, #tpu.memory_space<hbm>> -> memref<1x8x72xf32, #tpu.memory_space<hbm>>
          %dma_wait3A_1355 = tpu.memref_squeeze %dma_wait3A_1354 : memref<1x8x72xf32, #tpu.memory_space<hbm>> -> memref<8x72xf32, #tpu.memory_space<hbm>>
          %dma_wait3A_1356 = arith.constant 96 : i32
          %dma_wait3A_1357 = arith.constant 128 : i32
          %dma_wait3A_1358 = tpu.memref_slice %arg4[%add3A_1172, %dma_wait3A_1356, %dma_wait3A_1357] : memref<4096x128x200xf32, #tpu.memory_space<hbm>> -> memref<1x8x72xf32, #tpu.memory_space<hbm>>
          %dma_wait3A_1359 = tpu.memref_squeeze %dma_wait3A_1358 : memref<1x8x72xf32, #tpu.memory_space<hbm>> -> memref<8x72xf32, #tpu.memory_space<hbm>>
          %dma_wait3A_1360 = arith.constant 96 : i32
          %dma_wait3A_1361 = arith.constant 0 : i32
          %dma_wait3A_1362 = tpu.memref_slice %arg9[%dma_wait3A_1360, %dma_wait3A_1361] : memref<128x72xf32, #tpu.memory_space<vmem>> -> memref<8x72xf32, #tpu.memory_space<vmem>>
          tpu.wait_dma2 semaphore(%arg14 : memref<!tpu.dma_semaphore, #tpu.memory_space<semaphore_mem>>) src(%dma_wait3A_1362 : memref<8x72xf32, #tpu.memory_space<vmem>>) dst(%dma_wait3A_1359 : memref<8x72xf32, #tpu.memory_space<hbm>>)
          %dma_wait3A_1363 = arith.constant 104 : i32
          %dma_wait3A_1364 = arith.constant 0 : i32
          %dma_wait3A_1365 = tpu.memref_slice %arg9[%dma_wait3A_1363, %dma_wait3A_1364] : memref<128x72xf32, #tpu.memory_space<vmem>> -> memref<8x72xf32, #tpu.memory_space<vmem>>
          %dma_wait3A_1366 = arith.constant 104 : i32
          %dma_wait3A_1367 = arith.constant 128 : i32
          %dma_wait3A_1368 = tpu.memref_slice %arg4[%add3A_1172, %dma_wait3A_1366, %dma_wait3A_1367] : memref<4096x128x200xf32, #tpu.memory_space<hbm>> -> memref<1x8x72xf32, #tpu.memory_space<hbm>>
          %dma_wait3A_1369 = tpu.memref_squeeze %dma_wait3A_1368 : memref<1x8x72xf32, #tpu.memory_space<hbm>> -> memref<8x72xf32, #tpu.memory_space<hbm>>
          %dma_wait3A_1370 = arith.constant 104 : i32
          %dma_wait3A_1371 = arith.constant 128 : i32
          %dma_wait3A_1372 = tpu.memref_slice %arg4[%add3A_1172, %dma_wait3A_1370, %dma_wait3A_1371] : memref<4096x128x200xf32, #tpu.memory_space<hbm>> -> memref<1x8x72xf32, #tpu.memory_space<hbm>>
          %dma_wait3A_1373 = tpu.memref_squeeze %dma_wait3A_1372 : memref<1x8x72xf32, #tpu.memory_space<hbm>> -> memref<8x72xf32, #tpu.memory_space<hbm>>
          %dma_wait3A_1374 = arith.constant 104 : i32
          %dma_wait3A_1375 = arith.constant 0 : i32
          %dma_wait3A_1376 = tpu.memref_slice %arg9[%dma_wait3A_1374, %dma_wait3A_1375] : memref<128x72xf32, #tpu.memory_space<vmem>> -> memref<8x72xf32, #tpu.memory_space<vmem>>
          tpu.wait_dma2 semaphore(%arg14 : memref<!tpu.dma_semaphore, #tpu.memory_space<semaphore_mem>>) src(%dma_wait3A_1376 : memref<8x72xf32, #tpu.memory_space<vmem>>) dst(%dma_wait3A_1373 : memref<8x72xf32, #tpu.memory_space<hbm>>)
          %dma_wait3A_1377 = arith.constant 112 : i32
          %dma_wait3A_1378 = arith.constant 0 : i32
          %dma_wait3A_1379 = tpu.memref_slice %arg9[%dma_wait3A_1377, %dma_wait3A_1378] : memref<128x72xf32, #tpu.memory_space<vmem>> -> memref<8x72xf32, #tpu.memory_space<vmem>>
          %dma_wait3A_1380 = arith.constant 112 : i32
          %dma_wait3A_1381 = arith.constant 128 : i32
          %dma_wait3A_1382 = tpu.memref_slice %arg4[%add3A_1172, %dma_wait3A_1380, %dma_wait3A_1381] : memref<4096x128x200xf32, #tpu.memory_space<hbm>> -> memref<1x8x72xf32, #tpu.memory_space<hbm>>
          %dma_wait3A_1383 = tpu.memref_squeeze %dma_wait3A_1382 : memref<1x8x72xf32, #tpu.memory_space<hbm>> -> memref<8x72xf32, #tpu.memory_space<hbm>>
          %dma_wait3A_1384 = arith.constant 112 : i32
          %dma_wait3A_1385 = arith.constant 128 : i32
          %dma_wait3A_1386 = tpu.memref_slice %arg4[%add3A_1172, %dma_wait3A_1384, %dma_wait3A_1385] : memref<4096x128x200xf32, #tpu.memory_space<hbm>> -> memref<1x8x72xf32, #tpu.memory_space<hbm>>
          %dma_wait3A_1387 = tpu.memref_squeeze %dma_wait3A_1386 : memref<1x8x72xf32, #tpu.memory_space<hbm>> -> memref<8x72xf32, #tpu.memory_space<hbm>>
          %dma_wait3A_1388 = arith.constant 112 : i32
          %dma_wait3A_1389 = arith.constant 0 : i32
          %dma_wait3A_1390 = tpu.memref_slice %arg9[%dma_wait3A_1388, %dma_wait3A_1389] : memref<128x72xf32, #tpu.memory_space<vmem>> -> memref<8x72xf32, #tpu.memory_space<vmem>>
          tpu.wait_dma2 semaphore(%arg14 : memref<!tpu.dma_semaphore, #tpu.memory_space<semaphore_mem>>) src(%dma_wait3A_1390 : memref<8x72xf32, #tpu.memory_space<vmem>>) dst(%dma_wait3A_1387 : memref<8x72xf32, #tpu.memory_space<hbm>>)
          %dma_wait3A_1391 = arith.constant 120 : i32
          %dma_wait3A_1392 = arith.constant 0 : i32
          %dma_wait3A_1393 = tpu.memref_slice %arg9[%dma_wait3A_1391, %dma_wait3A_1392] : memref<128x72xf32, #tpu.memory_space<vmem>> -> memref<8x72xf32, #tpu.memory_space<vmem>>
          %dma_wait3A_1394 = arith.constant 120 : i32
          %dma_wait3A_1395 = arith.constant 128 : i32
          %dma_wait3A_1396 = tpu.memref_slice %arg4[%add3A_1172, %dma_wait3A_1394, %dma_wait3A_1395] : memref<4096x128x200xf32, #tpu.memory_space<hbm>> -> memref<1x8x72xf32, #tpu.memory_space<hbm>>
          %dma_wait3A_1397 = tpu.memref_squeeze %dma_wait3A_1396 : memref<1x8x72xf32, #tpu.memory_space<hbm>> -> memref<8x72xf32, #tpu.memory_space<hbm>>
          %dma_wait3A_1398 = arith.constant 120 : i32
          %dma_wait3A_1399 = arith.constant 128 : i32
          %dma_wait3A_1400 = tpu.memref_slice %arg4[%add3A_1172, %dma_wait3A_1398, %dma_wait3A_1399] : memref<4096x128x200xf32, #tpu.memory_space<hbm>> -> memref<1x8x72xf32, #tpu.memory_space<hbm>>
          %dma_wait3A_1401 = tpu.memref_squeeze %dma_wait3A_1400 : memref<1x8x72xf32, #tpu.memory_space<hbm>> -> memref<8x72xf32, #tpu.memory_space<hbm>>
          %dma_wait3A_1402 = arith.constant 120 : i32
          %dma_wait3A_1403 = arith.constant 0 : i32
          %dma_wait3A_1404 = tpu.memref_slice %arg9[%dma_wait3A_1402, %dma_wait3A_1403] : memref<128x72xf32, #tpu.memory_space<vmem>> -> memref<8x72xf32, #tpu.memory_space<vmem>>
          tpu.wait_dma2 semaphore(%arg14 : memref<!tpu.dma_semaphore, #tpu.memory_space<semaphore_mem>>) src(%dma_wait3A_1404 : memref<8x72xf32, #tpu.memory_space<vmem>>) dst(%dma_wait3A_1401 : memref<8x72xf32, #tpu.memory_space<hbm>>)
        } else {
        }
        %scan3A_610 = arith.constant 0 : i32
        %scan3A_611 = arith.constant 0 : i32
        %scan3A_612 = arith.constant 8 : i32
        %scan3A_613 = arith.addi %scan3A_611, %scan3A_612 : i32
        %scan3A_614 = arith.constant 1 : i32
        scf.for %scan3A_1169 = %scan3A_611 to %scan3A_613 step %scan3A_614  : i32 {
          %mul3A_1170 = arith.constant 16 : i32
          %mul3A_1171 = arith.muli %scan3A_1169, %mul3A_1170 : i32
          %scan3A_1172 = arith.constant 0 : i32
          %scan3A_1173 = arith.constant 0 : i32
          %scan3A_1174 = arith.constant 16 : i32
          %scan3A_1175 = arith.addi %scan3A_1173, %scan3A_1174 : i32
          %scan3A_1176 = arith.constant 4 : i32
          scf.for %scan3A_1178 = %scan3A_1173 to %scan3A_1175 step %scan3A_1176  : i32 {
            %add3A_1179 = vector.broadcast %scan3A_1178 : i32 to vector<16xi32>
            %add3A_1180 = arith.addi %iota3A, %add3A_1179 : vector<16xi32>
            %and3A_1181 = arith.constant 15 : i32
            %and3A_1182 = vector.broadcast %and3A_1181 : i32 to vector<16xi32>
            %and3A_1183 = arith.andi %add3A_1180, %and3A_1182 : vector<16xi32>
            %add3A_1184 = vector.broadcast %mul3A_1171 : i32 to vector<16xi32>
            %add3A_1185 = arith.addi %and3A_1183, %add3A_1184 : vector<16xi32>
            %gather3A = tpu.vector_load_idx %arg6[%add3A_1185, %add3A_3] : memref<200x128xf32, #tpu.memory_space<vmem>>[vector<16xi32>, vector<16xi32>], vector<16xf32>,
            %gather3A_1186 = tpu.vector_load_idx %arg6[%add3A_1185, %add3A_6] : memref<200x128xf32, #tpu.memory_space<vmem>>[vector<16xi32>, vector<16xi32>], vector<16xf32>,
            %gather3A_1187 = tpu.vector_load_idx %arg6[%add3A_1185, %add3A_9] : memref<200x128xf32, #tpu.memory_space<vmem>>[vector<16xi32>, vector<16xi32>], vector<16xf32>,
            %gather3A_1188 = tpu.vector_load_idx %arg6[%add3A_1185, %add3A_12] : memref<200x128xf32, #tpu.memory_space<vmem>>[vector<16xi32>, vector<16xi32>], vector<16xf32>,
            %gather3A_1189 = tpu.vector_load_idx %arg6[%add3A_1185, %add3A_15] : memref<200x128xf32, #tpu.memory_space<vmem>>[vector<16xi32>, vector<16xi32>], vector<16xf32>,
            %gather3A_1190 = tpu.vector_load_idx %arg6[%add3A_1185, %add3A_18] : memref<200x128xf32, #tpu.memory_space<vmem>>[vector<16xi32>, vector<16xi32>], vector<16xf32>,
            %gather3A_1191 = tpu.vector_load_idx %arg6[%add3A_1185, %add3A_21] : memref<200x128xf32, #tpu.memory_space<vmem>>[vector<16xi32>, vector<16xi32>], vector<16xf32>,
            %gather3A_1192 = tpu.vector_load_idx %arg6[%add3A_1185, %add3A_24] : memref<200x128xf32, #tpu.memory_space<vmem>>[vector<16xi32>, vector<16xi32>], vector<16xf32>,
            tpu.vector_store_idx %arg8[%add3A_3, %add3A_1185], %gather3A : memref<128x128xf32, #tpu.memory_space<vmem>>[vector<16xi32>, vector<16xi32>], vector<16xf32>,
            tpu.vector_store_idx %arg8[%add3A_6, %add3A_1185], %gather3A_1186 : memref<128x128xf32, #tpu.memory_space<vmem>>[vector<16xi32>, vector<16xi32>], vector<16xf32>,
            tpu.vector_store_idx %arg8[%add3A_9, %add3A_1185], %gather3A_1187 : memref<128x128xf32, #tpu.memory_space<vmem>>[vector<16xi32>, vector<16xi32>], vector<16xf32>,
            tpu.vector_store_idx %arg8[%add3A_12, %add3A_1185], %gather3A_1188 : memref<128x128xf32, #tpu.memory_space<vmem>>[vector<16xi32>, vector<16xi32>], vector<16xf32>,
            tpu.vector_store_idx %arg8[%add3A_15, %add3A_1185], %gather3A_1189 : memref<128x128xf32, #tpu.memory_space<vmem>>[vector<16xi32>, vector<16xi32>], vector<16xf32>,
            tpu.vector_store_idx %arg8[%add3A_18, %add3A_1185], %gather3A_1190 : memref<128x128xf32, #tpu.memory_space<vmem>>[vector<16xi32>, vector<16xi32>], vector<16xf32>,
            tpu.vector_store_idx %arg8[%add3A_21, %add3A_1185], %gather3A_1191 : memref<128x128xf32, #tpu.memory_space<vmem>>[vector<16xi32>, vector<16xi32>], vector<16xf32>,
            tpu.vector_store_idx %arg8[%add3A_24, %add3A_1185], %gather3A_1192 : memref<128x128xf32, #tpu.memory_space<vmem>>[vector<16xi32>, vector<16xi32>], vector<16xf32>,
            %scan3A_1193 = arith.constant 1 : i32
            %scan3A_1194 = arith.addi %scan3A_1178, %scan3A_1193 : i32
            %add3A_1195 = vector.broadcast %scan3A_1194 : i32 to vector<16xi32>
            %add3A_1196 = arith.addi %iota3A, %add3A_1195 : vector<16xi32>
            %and3A_1197 = arith.constant 15 : i32
            %and3A_1198 = vector.broadcast %and3A_1197 : i32 to vector<16xi32>
            %and3A_1199 = arith.andi %add3A_1196, %and3A_1198 : vector<16xi32>
            %add3A_1200 = vector.broadcast %mul3A_1171 : i32 to vector<16xi32>
            %add3A_1201 = arith.addi %and3A_1199, %add3A_1200 : vector<16xi32>
            %gather3A_1202 = tpu.vector_load_idx %arg6[%add3A_1201, %add3A_3] : memref<200x128xf32, #tpu.memory_space<vmem>>[vector<16xi32>, vector<16xi32>], vector<16xf32>,
            %gather3A_1203 = tpu.vector_load_idx %arg6[%add3A_1201, %add3A_6] : memref<200x128xf32, #tpu.memory_space<vmem>>[vector<16xi32>, vector<16xi32>], vector<16xf32>,
            %gather3A_1204 = tpu.vector_load_idx %arg6[%add3A_1201, %add3A_9] : memref<200x128xf32, #tpu.memory_space<vmem>>[vector<16xi32>, vector<16xi32>], vector<16xf32>,
            %gather3A_1205 = tpu.vector_load_idx %arg6[%add3A_1201, %add3A_12] : memref<200x128xf32, #tpu.memory_space<vmem>>[vector<16xi32>, vector<16xi32>], vector<16xf32>,
            %gather3A_1206 = tpu.vector_load_idx %arg6[%add3A_1201, %add3A_15] : memref<200x128xf32, #tpu.memory_space<vmem>>[vector<16xi32>, vector<16xi32>], vector<16xf32>,
            %gather3A_1207 = tpu.vector_load_idx %arg6[%add3A_1201, %add3A_18] : memref<200x128xf32, #tpu.memory_space<vmem>>[vector<16xi32>, vector<16xi32>], vector<16xf32>,
            %gather3A_1208 = tpu.vector_load_idx %arg6[%add3A_1201, %add3A_21] : memref<200x128xf32, #tpu.memory_space<vmem>>[vector<16xi32>, vector<16xi32>], vector<16xf32>,
            %gather3A_1209 = tpu.vector_load_idx %arg6[%add3A_1201, %add3A_24] : memref<200x128xf32, #tpu.memory_space<vmem>>[vector<16xi32>, vector<16xi32>], vector<16xf32>,
            tpu.vector_store_idx %arg8[%add3A_3, %add3A_1201], %gather3A_1202 : memref<128x128xf32, #tpu.memory_space<vmem>>[vector<16xi32>, vector<16xi32>], vector<16xf32>,
            tpu.vector_store_idx %arg8[%add3A_6, %add3A_1201], %gather3A_1203 : memref<128x128xf32, #tpu.memory_space<vmem>>[vector<16xi32>, vector<16xi32>], vector<16xf32>,
            tpu.vector_store_idx %arg8[%add3A_9, %add3A_1201], %gather3A_1204 : memref<128x128xf32, #tpu.memory_space<vmem>>[vector<16xi32>, vector<16xi32>], vector<16xf32>,
            tpu.vector_store_idx %arg8[%add3A_12, %add3A_1201], %gather3A_1205 : memref<128x128xf32, #tpu.memory_space<vmem>>[vector<16xi32>, vector<16xi32>], vector<16xf32>,
            tpu.vector_store_idx %arg8[%add3A_15, %add3A_1201], %gather3A_1206 : memref<128x128xf32, #tpu.memory_space<vmem>>[vector<16xi32>, vector<16xi32>], vector<16xf32>,
            tpu.vector_store_idx %arg8[%add3A_18, %add3A_1201], %gather3A_1207 : memref<128x128xf32, #tpu.memory_space<vmem>>[vector<16xi32>, vector<16xi32>], vector<16xf32>,
            tpu.vector_store_idx %arg8[%add3A_21, %add3A_1201], %gather3A_1208 : memref<128x128xf32, #tpu.memory_space<vmem>>[vector<16xi32>, vector<16xi32>], vector<16xf32>,
            tpu.vector_store_idx %arg8[%add3A_24, %add3A_1201], %gather3A_1209 : memref<128x128xf32, #tpu.memory_space<vmem>>[vector<16xi32>, vector<16xi32>], vector<16xf32>,
            %scan3A_1210 = arith.constant 2 : i32
            %scan3A_1211 = arith.addi %scan3A_1178, %scan3A_1210 : i32
            %add3A_1212 = vector.broadcast %scan3A_1211 : i32 to vector<16xi32>
            %add3A_1213 = arith.addi %iota3A, %add3A_1212 : vector<16xi32>
            %and3A_1214 = arith.constant 15 : i32
            %and3A_1215 = vector.broadcast %and3A_1214 : i32 to vector<16xi32>
            %and3A_1216 = arith.andi %add3A_1213, %and3A_1215 : vector<16xi32>
            %add3A_1217 = vector.broadcast %mul3A_1171 : i32 to vector<16xi32>
            %add3A_1218 = arith.addi %and3A_1216, %add3A_1217 : vector<16xi32>
            %gather3A_1219 = tpu.vector_load_idx %arg6[%add3A_1218, %add3A_3] : memref<200x128xf32, #tpu.memory_space<vmem>>[vector<16xi32>, vector<16xi32>], vector<16xf32>,
            %gather3A_1220 = tpu.vector_load_idx %arg6[%add3A_1218, %add3A_6] : memref<200x128xf32, #tpu.memory_space<vmem>>[vector<16xi32>, vector<16xi32>], vector<16xf32>,
            %gather3A_1221 = tpu.vector_load_idx %arg6[%add3A_1218, %add3A_9] : memref<200x128xf32, #tpu.memory_space<vmem>>[vector<16xi32>, vector<16xi32>], vector<16xf32>,
            %gather3A_1222 = tpu.vector_load_idx %arg6[%add3A_1218, %add3A_12] : memref<200x128xf32, #tpu.memory_space<vmem>>[vector<16xi32>, vector<16xi32>], vector<16xf32>,
            %gather3A_1223 = tpu.vector_load_idx %arg6[%add3A_1218, %add3A_15] : memref<200x128xf32, #tpu.memory_space<vmem>>[vector<16xi32>, vector<16xi32>], vector<16xf32>,
            %gather3A_1224 = tpu.vector_load_idx %arg6[%add3A_1218, %add3A_18] : memref<200x128xf32, #tpu.memory_space<vmem>>[vector<16xi32>, vector<16xi32>], vector<16xf32>,
            %gather3A_1225 = tpu.vector_load_idx %arg6[%add3A_1218, %add3A_21] : memref<200x128xf32, #tpu.memory_space<vmem>>[vector<16xi32>, vector<16xi32>], vector<16xf32>,
            %gather3A_1226 = tpu.vector_load_idx %arg6[%add3A_1218, %add3A_24] : memref<200x128xf32, #tpu.memory_space<vmem>>[vector<16xi32>, vector<16xi32>], vector<16xf32>,
            tpu.vector_store_idx %arg8[%add3A_3, %add3A_1218], %gather3A_1219 : memref<128x128xf32, #tpu.memory_space<vmem>>[vector<16xi32>, vector<16xi32>], vector<16xf32>,
            tpu.vector_store_idx %arg8[%add3A_6, %add3A_1218], %gather3A_1220 : memref<128x128xf32, #tpu.memory_space<vmem>>[vector<16xi32>, vector<16xi32>], vector<16xf32>,
            tpu.vector_store_idx %arg8[%add3A_9, %add3A_1218], %gather3A_1221 : memref<128x128xf32, #tpu.memory_space<vmem>>[vector<16xi32>, vector<16xi32>], vector<16xf32>,
            tpu.vector_store_idx %arg8[%add3A_12, %add3A_1218], %gather3A_1222 : memref<128x128xf32, #tpu.memory_space<vmem>>[vector<16xi32>, vector<16xi32>], vector<16xf32>,
            tpu.vector_store_idx %arg8[%add3A_15, %add3A_1218], %gather3A_1223 : memref<128x128xf32, #tpu.memory_space<vmem>>[vector<16xi32>, vector<16xi32>], vector<16xf32>,
            tpu.vector_store_idx %arg8[%add3A_18, %add3A_1218], %gather3A_1224 : memref<128x128xf32, #tpu.memory_space<vmem>>[vector<16xi32>, vector<16xi32>], vector<16xf32>,
            tpu.vector_store_idx %arg8[%add3A_21, %add3A_1218], %gather3A_1225 : memref<128x128xf32, #tpu.memory_space<vmem>>[vector<16xi32>, vector<16xi32>], vector<16xf32>,
            tpu.vector_store_idx %arg8[%add3A_24, %add3A_1218], %gather3A_1226 : memref<128x128xf32, #tpu.memory_space<vmem>>[vector<16xi32>, vector<16xi32>], vector<16xf32>,
            %scan3A_1227 = arith.constant 3 : i32
            %scan3A_1228 = arith.addi %scan3A_1178, %scan3A_1227 : i32
            %add3A_1229 = vector.broadcast %scan3A_1228 : i32 to vector<16xi32>
            %add3A_1230 = arith.addi %iota3A, %add3A_1229 : vector<16xi32>
            %and3A_1231 = arith.constant 15 : i32
            %and3A_1232 = vector.broadcast %and3A_1231 : i32 to vector<16xi32>
            %and3A_1233 = arith.andi %add3A_1230, %and3A_1232 : vector<16xi32>
            %add3A_1234 = vector.broadcast %mul3A_1171 : i32 to vector<16xi32>
            %add3A_1235 = arith.addi %and3A_1233, %add3A_1234 : vector<16xi32>
            %gather3A_1236 = tpu.vector_load_idx %arg6[%add3A_1235, %add3A_3] : memref<200x128xf32, #tpu.memory_space<vmem>>[vector<16xi32>, vector<16xi32>], vector<16xf32>,
            %gather3A_1237 = tpu.vector_load_idx %arg6[%add3A_1235, %add3A_6] : memref<200x128xf32, #tpu.memory_space<vmem>>[vector<16xi32>, vector<16xi32>], vector<16xf32>,
            %gather3A_1238 = tpu.vector_load_idx %arg6[%add3A_1235, %add3A_9] : memref<200x128xf32, #tpu.memory_space<vmem>>[vector<16xi32>, vector<16xi32>], vector<16xf32>,
            %gather3A_1239 = tpu.vector_load_idx %arg6[%add3A_1235, %add3A_12] : memref<200x128xf32, #tpu.memory_space<vmem>>[vector<16xi32>, vector<16xi32>], vector<16xf32>,
            %gather3A_1240 = tpu.vector_load_idx %arg6[%add3A_1235, %add3A_15] : memref<200x128xf32, #tpu.memory_space<vmem>>[vector<16xi32>, vector<16xi32>], vector<16xf32>,
            %gather3A_1241 = tpu.vector_load_idx %arg6[%add3A_1235, %add3A_18] : memref<200x128xf32, #tpu.memory_space<vmem>>[vector<16xi32>, vector<16xi32>], vector<16xf32>,
            %gather3A_1242 = tpu.vector_load_idx %arg6[%add3A_1235, %add3A_21] : memref<200x128xf32, #tpu.memory_space<vmem>>[vector<16xi32>, vector<16xi32>], vector<16xf32>,
            %gather3A_1243 = tpu.vector_load_idx %arg6[%add3A_1235, %add3A_24] : memref<200x128xf32, #tpu.memory_space<vmem>>[vector<16xi32>, vector<16xi32>], vector<16xf32>,
            tpu.vector_store_idx %arg8[%add3A_3, %add3A_1235], %gather3A_1236 : memref<128x128xf32, #tpu.memory_space<vmem>>[vector<16xi32>, vector<16xi32>], vector<16xf32>,
            tpu.vector_store_idx %arg8[%add3A_6, %add3A_1235], %gather3A_1237 : memref<128x128xf32, #tpu.memory_space<vmem>>[vector<16xi32>, vector<16xi32>], vector<16xf32>,
            tpu.vector_store_idx %arg8[%add3A_9, %add3A_1235], %gather3A_1238 : memref<128x128xf32, #tpu.memory_space<vmem>>[vector<16xi32>, vector<16xi32>], vector<16xf32>,
            tpu.vector_store_idx %arg8[%add3A_12, %add3A_1235], %gather3A_1239 : memref<128x128xf32, #tpu.memory_space<vmem>>[vector<16xi32>, vector<16xi32>], vector<16xf32>,
            tpu.vector_store_idx %arg8[%add3A_15, %add3A_1235], %gather3A_1240 : memref<128x128xf32, #tpu.memory_space<vmem>>[vector<16xi32>, vector<16xi32>], vector<16xf32>,
            tpu.vector_store_idx %arg8[%add3A_18, %add3A_1235], %gather3A_1241 : memref<128x128xf32, #tpu.memory_space<vmem>>[vector<16xi32>, vector<16xi32>], vector<16xf32>,
            tpu.vector_store_idx %arg8[%add3A_21, %add3A_1235], %gather3A_1242 : memref<128x128xf32, #tpu.memory_space<vmem>>[vector<16xi32>, vector<16xi32>], vector<16xf32>,
            tpu.vector_store_idx %arg8[%add3A_24, %add3A_1235], %gather3A_1243 : memref<128x128xf32, #tpu.memory_space<vmem>>[vector<16xi32>, vector<16xi32>], vector<16xf32>,
          }
          %scan3A_1177 = arith.constant 16 : i32
        }
        %scan3A_615 = arith.constant 8 : i32
        %scan3A_616 = arith.constant 0 : i32
        %scan3A_617 = arith.constant 0 : i32
        %scan3A_618 = arith.constant 5 : i32
        %scan3A_619 = arith.addi %scan3A_617, %scan3A_618 : i32
        %scan3A_620 = arith.constant 1 : i32
        scf.for %scan3A_1169 = %scan3A_617 to %scan3A_619 step %scan3A_620  : i32 {
          %mul3A_1170 = arith.constant 16 : i32
          %mul3A_1171 = arith.muli %scan3A_1169, %mul3A_1170 : i32
          %scan3A_1172 = arith.constant 0 : i32
          %scan3A_1173 = arith.constant 0 : i32
          %scan3A_1174 = arith.constant 16 : i32
          %scan3A_1175 = arith.addi %scan3A_1173, %scan3A_1174 : i32
          %scan3A_1176 = arith.constant 4 : i32
          scf.for %scan3A_1178 = %scan3A_1173 to %scan3A_1175 step %scan3A_1176  : i32 {
            %add3A_1179 = vector.broadcast %scan3A_1178 : i32 to vector<16xi32>
            %add3A_1180 = arith.addi %iota3A, %add3A_1179 : vector<16xi32>
            %and3A_1181 = arith.constant 15 : i32
            %and3A_1182 = vector.broadcast %and3A_1181 : i32 to vector<16xi32>
            %and3A_1183 = arith.andi %add3A_1180, %and3A_1182 : vector<16xi32>
            %add3A_1184 = vector.broadcast %mul3A_1171 : i32 to vector<16xi32>
            %add3A_1185 = arith.addi %and3A_1183, %add3A_1184 : vector<16xi32>
            %lt3A_1186 = arith.constant 72 : i32
            %lt3A_1187 = vector.broadcast %lt3A_1186 : i32 to vector<16xi32>
            %lt3A_1188 = arith.cmpi slt, %add3A_1185, %lt3A_1187 : vector<16xi32>
            %add3A_1189 = arith.constant 128 : i32
            %add3A_1190 = vector.broadcast %add3A_1189 : i32 to vector<16xi32>
            %add3A_1191 = arith.addi %add3A_1185, %add3A_1190 : vector<16xi32>
            %gather3A = tpu.vector_load_idx %arg6[%add3A_1191, %add3A_3] masked %lt3A_1188 : memref<200x128xf32, #tpu.memory_space<vmem>>[vector<16xi32>, vector<16xi32>], vector<16xf32>, vector<16xi1>
            %gather3A_1192 = tpu.vector_load_idx %arg6[%add3A_1191, %add3A_6] masked %lt3A_1188 : memref<200x128xf32, #tpu.memory_space<vmem>>[vector<16xi32>, vector<16xi32>], vector<16xf32>, vector<16xi1>
            %gather3A_1193 = tpu.vector_load_idx %arg6[%add3A_1191, %add3A_9] masked %lt3A_1188 : memref<200x128xf32, #tpu.memory_space<vmem>>[vector<16xi32>, vector<16xi32>], vector<16xf32>, vector<16xi1>
            %gather3A_1194 = tpu.vector_load_idx %arg6[%add3A_1191, %add3A_12] masked %lt3A_1188 : memref<200x128xf32, #tpu.memory_space<vmem>>[vector<16xi32>, vector<16xi32>], vector<16xf32>, vector<16xi1>
            %gather3A_1195 = tpu.vector_load_idx %arg6[%add3A_1191, %add3A_15] masked %lt3A_1188 : memref<200x128xf32, #tpu.memory_space<vmem>>[vector<16xi32>, vector<16xi32>], vector<16xf32>, vector<16xi1>
            %gather3A_1196 = tpu.vector_load_idx %arg6[%add3A_1191, %add3A_18] masked %lt3A_1188 : memref<200x128xf32, #tpu.memory_space<vmem>>[vector<16xi32>, vector<16xi32>], vector<16xf32>, vector<16xi1>
            %gather3A_1197 = tpu.vector_load_idx %arg6[%add3A_1191, %add3A_21] masked %lt3A_1188 : memref<200x128xf32, #tpu.memory_space<vmem>>[vector<16xi32>, vector<16xi32>], vector<16xf32>, vector<16xi1>
            %gather3A_1198 = tpu.vector_load_idx %arg6[%add3A_1191, %add3A_24] masked %lt3A_1188 : memref<200x128xf32, #tpu.memory_space<vmem>>[vector<16xi32>, vector<16xi32>], vector<16xf32>, vector<16xi1>
            tpu.vector_store_idx %arg9[%add3A_3, %add3A_1185], %gather3A masked %lt3A_1188 : memref<128x72xf32, #tpu.memory_space<vmem>>[vector<16xi32>, vector<16xi32>], vector<16xf32>, vector<16xi1>
            tpu.vector_store_idx %arg9[%add3A_6, %add3A_1185], %gather3A_1192 masked %lt3A_1188 : memref<128x72xf32, #tpu.memory_space<vmem>>[vector<16xi32>, vector<16xi32>], vector<16xf32>, vector<16xi1>
            tpu.vector_store_idx %arg9[%add3A_9, %add3A_1185], %gather3A_1193 masked %lt3A_1188 : memref<128x72xf32, #tpu.memory_space<vmem>>[vector<16xi32>, vector<16xi32>], vector<16xf32>, vector<16xi1>
            tpu.vector_store_idx %arg9[%add3A_12, %add3A_1185], %gather3A_1194 masked %lt3A_1188 : memref<128x72xf32, #tpu.memory_space<vmem>>[vector<16xi32>, vector<16xi32>], vector<16xf32>, vector<16xi1>
            tpu.vector_store_idx %arg9[%add3A_15, %add3A_1185], %gather3A_1195 masked %lt3A_1188 : memref<128x72xf32, #tpu.memory_space<vmem>>[vector<16xi32>, vector<16xi32>], vector<16xf32>, vector<16xi1>
            tpu.vector_store_idx %arg9[%add3A_18, %add3A_1185], %gather3A_1196 masked %lt3A_1188 : memref<128x72xf32, #tpu.memory_space<vmem>>[vector<16xi32>, vector<16xi32>], vector<16xf32>, vector<16xi1>
            tpu.vector_store_idx %arg9[%add3A_21, %add3A_1185], %gather3A_1197 masked %lt3A_1188 : memref<128x72xf32, #tpu.memory_space<vmem>>[vector<16xi32>, vector<16xi32>], vector<16xf32>, vector<16xi1>
            tpu.vector_store_idx %arg9[%add3A_24, %add3A_1185], %gather3A_1198 masked %lt3A_1188 : memref<128x72xf32, #tpu.memory_space<vmem>>[vector<16xi32>, vector<16xi32>], vector<16xf32>, vector<16xi1>
            %scan3A_1199 = arith.constant 1 : i32
            %scan3A_1200 = arith.addi %scan3A_1178, %scan3A_1199 : i32
            %add3A_1201 = vector.broadcast %scan3A_1200 : i32 to vector<16xi32>
            %add3A_1202 = arith.addi %iota3A, %add3A_1201 : vector<16xi32>
            %and3A_1203 = arith.constant 15 : i32
            %and3A_1204 = vector.broadcast %and3A_1203 : i32 to vector<16xi32>
            %and3A_1205 = arith.andi %add3A_1202, %and3A_1204 : vector<16xi32>
            %add3A_1206 = vector.broadcast %mul3A_1171 : i32 to vector<16xi32>
            %add3A_1207 = arith.addi %and3A_1205, %add3A_1206 : vector<16xi32>
            %lt3A_1208 = arith.constant 72 : i32
            %lt3A_1209 = vector.broadcast %lt3A_1208 : i32 to vector<16xi32>
            %lt3A_1210 = arith.cmpi slt, %add3A_1207, %lt3A_1209 : vector<16xi32>
            %add3A_1211 = arith.constant 128 : i32
            %add3A_1212 = vector.broadcast %add3A_1211 : i32 to vector<16xi32>
            %add3A_1213 = arith.addi %add3A_1207, %add3A_1212 : vector<16xi32>
            %gather3A_1214 = tpu.vector_load_idx %arg6[%add3A_1213, %add3A_3] masked %lt3A_1210 : memref<200x128xf32, #tpu.memory_space<vmem>>[vector<16xi32>, vector<16xi32>], vector<16xf32>, vector<16xi1>
            %gather3A_1215 = tpu.vector_load_idx %arg6[%add3A_1213, %add3A_6] masked %lt3A_1210 : memref<200x128xf32, #tpu.memory_space<vmem>>[vector<16xi32>, vector<16xi32>], vector<16xf32>, vector<16xi1>
            %gather3A_1216 = tpu.vector_load_idx %arg6[%add3A_1213, %add3A_9] masked %lt3A_1210 : memref<200x128xf32, #tpu.memory_space<vmem>>[vector<16xi32>, vector<16xi32>], vector<16xf32>, vector<16xi1>
            %gather3A_1217 = tpu.vector_load_idx %arg6[%add3A_1213, %add3A_12] masked %lt3A_1210 : memref<200x128xf32, #tpu.memory_space<vmem>>[vector<16xi32>, vector<16xi32>], vector<16xf32>, vector<16xi1>
            %gather3A_1218 = tpu.vector_load_idx %arg6[%add3A_1213, %add3A_15] masked %lt3A_1210 : memref<200x128xf32, #tpu.memory_space<vmem>>[vector<16xi32>, vector<16xi32>], vector<16xf32>, vector<16xi1>
            %gather3A_1219 = tpu.vector_load_idx %arg6[%add3A_1213, %add3A_18] masked %lt3A_1210 : memref<200x128xf32, #tpu.memory_space<vmem>>[vector<16xi32>, vector<16xi32>], vector<16xf32>, vector<16xi1>
            %gather3A_1220 = tpu.vector_load_idx %arg6[%add3A_1213, %add3A_21] masked %lt3A_1210 : memref<200x128xf32, #tpu.memory_space<vmem>>[vector<16xi32>, vector<16xi32>], vector<16xf32>, vector<16xi1>
            %gather3A_1221 = tpu.vector_load_idx %arg6[%add3A_1213, %add3A_24] masked %lt3A_1210 : memref<200x128xf32, #tpu.memory_space<vmem>>[vector<16xi32>, vector<16xi32>], vector<16xf32>, vector<16xi1>
            tpu.vector_store_idx %arg9[%add3A_3, %add3A_1207], %gather3A_1214 masked %lt3A_1210 : memref<128x72xf32, #tpu.memory_space<vmem>>[vector<16xi32>, vector<16xi32>], vector<16xf32>, vector<16xi1>
            tpu.vector_store_idx %arg9[%add3A_6, %add3A_1207], %gather3A_1215 masked %lt3A_1210 : memref<128x72xf32, #tpu.memory_space<vmem>>[vector<16xi32>, vector<16xi32>], vector<16xf32>, vector<16xi1>
            tpu.vector_store_idx %arg9[%add3A_9, %add3A_1207], %gather3A_1216 masked %lt3A_1210 : memref<128x72xf32, #tpu.memory_space<vmem>>[vector<16xi32>, vector<16xi32>], vector<16xf32>, vector<16xi1>
            tpu.vector_store_idx %arg9[%add3A_12, %add3A_1207], %gather3A_1217 masked %lt3A_1210 : memref<128x72xf32, #tpu.memory_space<vmem>>[vector<16xi32>, vector<16xi32>], vector<16xf32>, vector<16xi1>
            tpu.vector_store_idx %arg9[%add3A_15, %add3A_1207], %gather3A_1218 masked %lt3A_1210 : memref<128x72xf32, #tpu.memory_space<vmem>>[vector<16xi32>, vector<16xi32>], vector<16xf32>, vector<16xi1>
            tpu.vector_store_idx %arg9[%add3A_18, %add3A_1207], %gather3A_1219 masked %lt3A_1210 : memref<128x72xf32, #tpu.memory_space<vmem>>[vector<16xi32>, vector<16xi32>], vector<16xf32>, vector<16xi1>
            tpu.vector_store_idx %arg9[%add3A_21, %add3A_1207], %gather3A_1220 masked %lt3A_1210 : memref<128x72xf32, #tpu.memory_space<vmem>>[vector<16xi32>, vector<16xi32>], vector<16xf32>, vector<16xi1>
            tpu.vector_store_idx %arg9[%add3A_24, %add3A_1207], %gather3A_1221 masked %lt3A_1210 : memref<128x72xf32, #tpu.memory_space<vmem>>[vector<16xi32>, vector<16xi32>], vector<16xf32>, vector<16xi1>
            %scan3A_1222 = arith.constant 2 : i32
            %scan3A_1223 = arith.addi %scan3A_1178, %scan3A_1222 : i32
            %add3A_1224 = vector.broadcast %scan3A_1223 : i32 to vector<16xi32>
            %add3A_1225 = arith.addi %iota3A, %add3A_1224 : vector<16xi32>
            %and3A_1226 = arith.constant 15 : i32
            %and3A_1227 = vector.broadcast %and3A_1226 : i32 to vector<16xi32>
            %and3A_1228 = arith.andi %add3A_1225, %and3A_1227 : vector<16xi32>
            %add3A_1229 = vector.broadcast %mul3A_1171 : i32 to vector<16xi32>
            %add3A_1230 = arith.addi %and3A_1228, %add3A_1229 : vector<16xi32>
            %lt3A_1231 = arith.constant 72 : i32
            %lt3A_1232 = vector.broadcast %lt3A_1231 : i32 to vector<16xi32>
            %lt3A_1233 = arith.cmpi slt, %add3A_1230, %lt3A_1232 : vector<16xi32>
            %add3A_1234 = arith.constant 128 : i32
            %add3A_1235 = vector.broadcast %add3A_1234 : i32 to vector<16xi32>
            %add3A_1236 = arith.addi %add3A_1230, %add3A_1235 : vector<16xi32>
            %gather3A_1237 = tpu.vector_load_idx %arg6[%add3A_1236, %add3A_3] masked %lt3A_1233 : memref<200x128xf32, #tpu.memory_space<vmem>>[vector<16xi32>, vector<16xi32>], vector<16xf32>, vector<16xi1>
            %gather3A_1238 = tpu.vector_load_idx %arg6[%add3A_1236, %add3A_6] masked %lt3A_1233 : memref<200x128xf32, #tpu.memory_space<vmem>>[vector<16xi32>, vector<16xi32>], vector<16xf32>, vector<16xi1>
            %gather3A_1239 = tpu.vector_load_idx %arg6[%add3A_1236, %add3A_9] masked %lt3A_1233 : memref<200x128xf32, #tpu.memory_space<vmem>>[vector<16xi32>, vector<16xi32>], vector<16xf32>, vector<16xi1>
            %gather3A_1240 = tpu.vector_load_idx %arg6[%add3A_1236, %add3A_12] masked %lt3A_1233 : memref<200x128xf32, #tpu.memory_space<vmem>>[vector<16xi32>, vector<16xi32>], vector<16xf32>, vector<16xi1>
            %gather3A_1241 = tpu.vector_load_idx %arg6[%add3A_1236, %add3A_15] masked %lt3A_1233 : memref<200x128xf32, #tpu.memory_space<vmem>>[vector<16xi32>, vector<16xi32>], vector<16xf32>, vector<16xi1>
            %gather3A_1242 = tpu.vector_load_idx %arg6[%add3A_1236, %add3A_18] masked %lt3A_1233 : memref<200x128xf32, #tpu.memory_space<vmem>>[vector<16xi32>, vector<16xi32>], vector<16xf32>, vector<16xi1>
            %gather3A_1243 = tpu.vector_load_idx %arg6[%add3A_1236, %add3A_21] masked %lt3A_1233 : memref<200x128xf32, #tpu.memory_space<vmem>>[vector<16xi32>, vector<16xi32>], vector<16xf32>, vector<16xi1>
            %gather3A_1244 = tpu.vector_load_idx %arg6[%add3A_1236, %add3A_24] masked %lt3A_1233 : memref<200x128xf32, #tpu.memory_space<vmem>>[vector<16xi32>, vector<16xi32>], vector<16xf32>, vector<16xi1>
            tpu.vector_store_idx %arg9[%add3A_3, %add3A_1230], %gather3A_1237 masked %lt3A_1233 : memref<128x72xf32, #tpu.memory_space<vmem>>[vector<16xi32>, vector<16xi32>], vector<16xf32>, vector<16xi1>
            tpu.vector_store_idx %arg9[%add3A_6, %add3A_1230], %gather3A_1238 masked %lt3A_1233 : memref<128x72xf32, #tpu.memory_space<vmem>>[vector<16xi32>, vector<16xi32>], vector<16xf32>, vector<16xi1>
            tpu.vector_store_idx %arg9[%add3A_9, %add3A_1230], %gather3A_1239 masked %lt3A_1233 : memref<128x72xf32, #tpu.memory_space<vmem>>[vector<16xi32>, vector<16xi32>], vector<16xf32>, vector<16xi1>
            tpu.vector_store_idx %arg9[%add3A_12, %add3A_1230], %gather3A_1240 masked %lt3A_1233 : memref<128x72xf32, #tpu.memory_space<vmem>>[vector<16xi32>, vector<16xi32>], vector<16xf32>, vector<16xi1>
            tpu.vector_store_idx %arg9[%add3A_15, %add3A_1230], %gather3A_1241 masked %lt3A_1233 : memref<128x72xf32, #tpu.memory_space<vmem>>[vector<16xi32>, vector<16xi32>], vector<16xf32>, vector<16xi1>
            tpu.vector_store_idx %arg9[%add3A_18, %add3A_1230], %gather3A_1242 masked %lt3A_1233 : memref<128x72xf32, #tpu.memory_space<vmem>>[vector<16xi32>, vector<16xi32>], vector<16xf32>, vector<16xi1>
            tpu.vector_store_idx %arg9[%add3A_21, %add3A_1230], %gather3A_1243 masked %lt3A_1233 : memref<128x72xf32, #tpu.memory_space<vmem>>[vector<16xi32>, vector<16xi32>], vector<16xf32>, vector<16xi1>
            tpu.vector_store_idx %arg9[%add3A_24, %add3A_1230], %gather3A_1244 masked %lt3A_1233 : memref<128x72xf32, #tpu.memory_space<vmem>>[vector<16xi32>, vector<16xi32>], vector<16xf32>, vector<16xi1>
            %scan3A_1245 = arith.constant 3 : i32
            %scan3A_1246 = arith.addi %scan3A_1178, %scan3A_1245 : i32
            %add3A_1247 = vector.broadcast %scan3A_1246 : i32 to vector<16xi32>
            %add3A_1248 = arith.addi %iota3A, %add3A_1247 : vector<16xi32>
            %and3A_1249 = arith.constant 15 : i32
            %and3A_1250 = vector.broadcast %and3A_1249 : i32 to vector<16xi32>
            %and3A_1251 = arith.andi %add3A_1248, %and3A_1250 : vector<16xi32>
            %add3A_1252 = vector.broadcast %mul3A_1171 : i32 to vector<16xi32>
            %add3A_1253 = arith.addi %and3A_1251, %add3A_1252 : vector<16xi32>
            %lt3A_1254 = arith.constant 72 : i32
            %lt3A_1255 = vector.broadcast %lt3A_1254 : i32 to vector<16xi32>
            %lt3A_1256 = arith.cmpi slt, %add3A_1253, %lt3A_1255 : vector<16xi32>
            %add3A_1257 = arith.constant 128 : i32
            %add3A_1258 = vector.broadcast %add3A_1257 : i32 to vector<16xi32>
            %add3A_1259 = arith.addi %add3A_1253, %add3A_1258 : vector<16xi32>
            %gather3A_1260 = tpu.vector_load_idx %arg6[%add3A_1259, %add3A_3] masked %lt3A_1256 : memref<200x128xf32, #tpu.memory_space<vmem>>[vector<16xi32>, vector<16xi32>], vector<16xf32>, vector<16xi1>
            %gather3A_1261 = tpu.vector_load_idx %arg6[%add3A_1259, %add3A_6] masked %lt3A_1256 : memref<200x128xf32, #tpu.memory_space<vmem>>[vector<16xi32>, vector<16xi32>], vector<16xf32>, vector<16xi1>
            %gather3A_1262 = tpu.vector_load_idx %arg6[%add3A_1259, %add3A_9] masked %lt3A_1256 : memref<200x128xf32, #tpu.memory_space<vmem>>[vector<16xi32>, vector<16xi32>], vector<16xf32>, vector<16xi1>
            %gather3A_1263 = tpu.vector_load_idx %arg6[%add3A_1259, %add3A_12] masked %lt3A_1256 : memref<200x128xf32, #tpu.memory_space<vmem>>[vector<16xi32>, vector<16xi32>], vector<16xf32>, vector<16xi1>
            %gather3A_1264 = tpu.vector_load_idx %arg6[%add3A_1259, %add3A_15] masked %lt3A_1256 : memref<200x128xf32, #tpu.memory_space<vmem>>[vector<16xi32>, vector<16xi32>], vector<16xf32>, vector<16xi1>
            %gather3A_1265 = tpu.vector_load_idx %arg6[%add3A_1259, %add3A_18] masked %lt3A_1256 : memref<200x128xf32, #tpu.memory_space<vmem>>[vector<16xi32>, vector<16xi32>], vector<16xf32>, vector<16xi1>
            %gather3A_1266 = tpu.vector_load_idx %arg6[%add3A_1259, %add3A_21] masked %lt3A_1256 : memref<200x128xf32, #tpu.memory_space<vmem>>[vector<16xi32>, vector<16xi32>], vector<16xf32>, vector<16xi1>
            %gather3A_1267 = tpu.vector_load_idx %arg6[%add3A_1259, %add3A_24] masked %lt3A_1256 : memref<200x128xf32, #tpu.memory_space<vmem>>[vector<16xi32>, vector<16xi32>], vector<16xf32>, vector<16xi1>
            tpu.vector_store_idx %arg9[%add3A_3, %add3A_1253], %gather3A_1260 masked %lt3A_1256 : memref<128x72xf32, #tpu.memory_space<vmem>>[vector<16xi32>, vector<16xi32>], vector<16xf32>, vector<16xi1>
            tpu.vector_store_idx %arg9[%add3A_6, %add3A_1253], %gather3A_1261 masked %lt3A_1256 : memref<128x72xf32, #tpu.memory_space<vmem>>[vector<16xi32>, vector<16xi32>], vector<16xf32>, vector<16xi1>
            tpu.vector_store_idx %arg9[%add3A_9, %add3A_1253], %gather3A_1262 masked %lt3A_1256 : memref<128x72xf32, #tpu.memory_space<vmem>>[vector<16xi32>, vector<16xi32>], vector<16xf32>, vector<16xi1>
            tpu.vector_store_idx %arg9[%add3A_12, %add3A_1253], %gather3A_1263 masked %lt3A_1256 : memref<128x72xf32, #tpu.memory_space<vmem>>[vector<16xi32>, vector<16xi32>], vector<16xf32>, vector<16xi1>
            tpu.vector_store_idx %arg9[%add3A_15, %add3A_1253], %gather3A_1264 masked %lt3A_1256 : memref<128x72xf32, #tpu.memory_space<vmem>>[vector<16xi32>, vector<16xi32>], vector<16xf32>, vector<16xi1>
            tpu.vector_store_idx %arg9[%add3A_18, %add3A_1253], %gather3A_1265 masked %lt3A_1256 : memref<128x72xf32, #tpu.memory_space<vmem>>[vector<16xi32>, vector<16xi32>], vector<16xf32>, vector<16xi1>
            tpu.vector_store_idx %arg9[%add3A_21, %add3A_1253], %gather3A_1266 masked %lt3A_1256 : memref<128x72xf32, #tpu.memory_space<vmem>>[vector<16xi32>, vector<16xi32>], vector<16xf32>, vector<16xi1>
            tpu.vector_store_idx %arg9[%add3A_24, %add3A_1253], %gather3A_1267 masked %lt3A_1256 : memref<128x72xf32, #tpu.memory_space<vmem>>[vector<16xi32>, vector<16xi32>], vector<16xf32>, vector<16xi1>
          }
          %scan3A_1177 = arith.constant 16 : i32
        }
        %scan3A_621 = arith.constant 5 : i32
        %mul3A_622 = arith.constant 128 : i32
        %mul3A_623 = arith.muli %add3A, %mul3A_622 : i32
        %add3A_624 = arith.addi %mul3A_623, %add3A_549 : i32
        %dma_start3A_625 = arith.constant 0 : i32
        %dma_start3A_626 = arith.constant 0 : i32
        %dma_start3A_627 = tpu.memref_slice %arg4[%add3A_624, %dma_start3A_625, %dma_start3A_626] : memref<4096x128x200xf32, #tpu.memory_space<hbm>> -> memref<1x128x128xf32, #tpu.memory_space<hbm>>
        %dma_start3A_628 = tpu.memref_squeeze %dma_start3A_627 : memref<1x128x128xf32, #tpu.memory_space<hbm>> -> memref<128x128xf32, #tpu.memory_space<hbm>>
        %dma_start3A_629 = arith.constant 0 : i32
        %dma_start3A_630 = arith.constant 0 : i32
        %dma_start3A_631 = tpu.memref_slice %arg4[%add3A_624, %dma_start3A_629, %dma_start3A_630] : memref<4096x128x200xf32, #tpu.memory_space<hbm>> -> memref<1x128x128xf32, #tpu.memory_space<hbm>>
        %dma_start3A_632 = tpu.memref_squeeze %dma_start3A_631 : memref<1x128x128xf32, #tpu.memory_space<hbm>> -> memref<128x128xf32, #tpu.memory_space<hbm>>
        tpu.enqueue_dma source(%arg8 : memref<128x128xf32, #tpu.memory_space<vmem>>) target(%dma_start3A_632 : memref<128x128xf32, #tpu.memory_space<hbm>>) target_semaphore(%arg14 : memref<!tpu.dma_semaphore, #tpu.memory_space<semaphore_mem>>)
        %dma_start3A_633 = arith.constant 0 : i32
        %dma_start3A_634 = arith.constant 0 : i32
        %dma_start3A_635 = tpu.memref_slice %arg9[%dma_start3A_633, %dma_start3A_634] : memref<128x72xf32, #tpu.memory_space<vmem>> -> memref<8x72xf32, #tpu.memory_space<vmem>>
        %dma_start3A_636 = arith.constant 0 : i32
        %dma_start3A_637 = arith.constant 128 : i32
        %dma_start3A_638 = tpu.memref_slice %arg4[%add3A_624, %dma_start3A_636, %dma_start3A_637] : memref<4096x128x200xf32, #tpu.memory_space<hbm>> -> memref<1x8x72xf32, #tpu.memory_space<hbm>>
        %dma_start3A_639 = tpu.memref_squeeze %dma_start3A_638 : memref<1x8x72xf32, #tpu.memory_space<hbm>> -> memref<8x72xf32, #tpu.memory_space<hbm>>
        %dma_start3A_640 = arith.constant 0 : i32
        %dma_start3A_641 = arith.constant 128 : i32
        %dma_start3A_642 = tpu.memref_slice %arg4[%add3A_624, %dma_start3A_640, %dma_start3A_641] : memref<4096x128x200xf32, #tpu.memory_space<hbm>> -> memref<1x8x72xf32, #tpu.memory_space<hbm>>
        %dma_start3A_643 = tpu.memref_squeeze %dma_start3A_642 : memref<1x8x72xf32, #tpu.memory_space<hbm>> -> memref<8x72xf32, #tpu.memory_space<hbm>>
        %dma_start3A_644 = arith.constant 0 : i32
        %dma_start3A_645 = arith.constant 0 : i32
        %dma_start3A_646 = tpu.memref_slice %arg9[%dma_start3A_644, %dma_start3A_645] : memref<128x72xf32, #tpu.memory_space<vmem>> -> memref<8x72xf32, #tpu.memory_space<vmem>>
        tpu.enqueue_dma source(%dma_start3A_646 : memref<8x72xf32, #tpu.memory_space<vmem>>) target(%dma_start3A_643 : memref<8x72xf32, #tpu.memory_space<hbm>>) target_semaphore(%arg14 : memref<!tpu.dma_semaphore, #tpu.memory_space<semaphore_mem>>)
        %dma_start3A_647 = arith.constant 8 : i32
        %dma_start3A_648 = arith.constant 0 : i32
        %dma_start3A_649 = tpu.memref_slice %arg9[%dma_start3A_647, %dma_start3A_648] : memref<128x72xf32, #tpu.memory_space<vmem>> -> memref<8x72xf32, #tpu.memory_space<vmem>>
        %dma_start3A_650 = arith.constant 8 : i32
        %dma_start3A_651 = arith.constant 128 : i32
        %dma_start3A_652 = tpu.memref_slice %arg4[%add3A_624, %dma_start3A_650, %dma_start3A_651] : memref<4096x128x200xf32, #tpu.memory_space<hbm>> -> memref<1x8x72xf32, #tpu.memory_space<hbm>>
        %dma_start3A_653 = tpu.memref_squeeze %dma_start3A_652 : memref<1x8x72xf32, #tpu.memory_space<hbm>> -> memref<8x72xf32, #tpu.memory_space<hbm>>
        %dma_start3A_654 = arith.constant 8 : i32
        %dma_start3A_655 = arith.constant 128 : i32
        %dma_start3A_656 = tpu.memref_slice %arg4[%add3A_624, %dma_start3A_654, %dma_start3A_655] : memref<4096x128x200xf32, #tpu.memory_space<hbm>> -> memref<1x8x72xf32, #tpu.memory_space<hbm>>
        %dma_start3A_657 = tpu.memref_squeeze %dma_start3A_656 : memref<1x8x72xf32, #tpu.memory_space<hbm>> -> memref<8x72xf32, #tpu.memory_space<hbm>>
        %dma_start3A_658 = arith.constant 8 : i32
        %dma_start3A_659 = arith.constant 0 : i32
        %dma_start3A_660 = tpu.memref_slice %arg9[%dma_start3A_658, %dma_start3A_659] : memref<128x72xf32, #tpu.memory_space<vmem>> -> memref<8x72xf32, #tpu.memory_space<vmem>>
        tpu.enqueue_dma source(%dma_start3A_660 : memref<8x72xf32, #tpu.memory_space<vmem>>) target(%dma_start3A_657 : memref<8x72xf32, #tpu.memory_space<hbm>>) target_semaphore(%arg14 : memref<!tpu.dma_semaphore, #tpu.memory_space<semaphore_mem>>)
        %dma_start3A_661 = arith.constant 16 : i32
        %dma_start3A_662 = arith.constant 0 : i32
        %dma_start3A_663 = tpu.memref_slice %arg9[%dma_start3A_661, %dma_start3A_662] : memref<128x72xf32, #tpu.memory_space<vmem>> -> memref<8x72xf32, #tpu.memory_space<vmem>>
        %dma_start3A_664 = arith.constant 16 : i32
        %dma_start3A_665 = arith.constant 128 : i32
        %dma_start3A_666 = tpu.memref_slice %arg4[%add3A_624, %dma_start3A_664, %dma_start3A_665] : memref<4096x128x200xf32, #tpu.memory_space<hbm>> -> memref<1x8x72xf32, #tpu.memory_space<hbm>>
        %dma_start3A_667 = tpu.memref_squeeze %dma_start3A_666 : memref<1x8x72xf32, #tpu.memory_space<hbm>> -> memref<8x72xf32, #tpu.memory_space<hbm>>
        %dma_start3A_668 = arith.constant 16 : i32
        %dma_start3A_669 = arith.constant 128 : i32
        %dma_start3A_670 = tpu.memref_slice %arg4[%add3A_624, %dma_start3A_668, %dma_start3A_669] : memref<4096x128x200xf32, #tpu.memory_space<hbm>> -> memref<1x8x72xf32, #tpu.memory_space<hbm>>
        %dma_start3A_671 = tpu.memref_squeeze %dma_start3A_670 : memref<1x8x72xf32, #tpu.memory_space<hbm>> -> memref<8x72xf32, #tpu.memory_space<hbm>>
        %dma_start3A_672 = arith.constant 16 : i32
        %dma_start3A_673 = arith.constant 0 : i32
        %dma_start3A_674 = tpu.memref_slice %arg9[%dma_start3A_672, %dma_start3A_673] : memref<128x72xf32, #tpu.memory_space<vmem>> -> memref<8x72xf32, #tpu.memory_space<vmem>>
        tpu.enqueue_dma source(%dma_start3A_674 : memref<8x72xf32, #tpu.memory_space<vmem>>) target(%dma_start3A_671 : memref<8x72xf32, #tpu.memory_space<hbm>>) target_semaphore(%arg14 : memref<!tpu.dma_semaphore, #tpu.memory_space<semaphore_mem>>)
        %dma_start3A_675 = arith.constant 24 : i32
        %dma_start3A_676 = arith.constant 0 : i32
        %dma_start3A_677 = tpu.memref_slice %arg9[%dma_start3A_675, %dma_start3A_676] : memref<128x72xf32, #tpu.memory_space<vmem>> -> memref<8x72xf32, #tpu.memory_space<vmem>>
        %dma_start3A_678 = arith.constant 24 : i32
        %dma_start3A_679 = arith.constant 128 : i32
        %dma_start3A_680 = tpu.memref_slice %arg4[%add3A_624, %dma_start3A_678, %dma_start3A_679] : memref<4096x128x200xf32, #tpu.memory_space<hbm>> -> memref<1x8x72xf32, #tpu.memory_space<hbm>>
        %dma_start3A_681 = tpu.memref_squeeze %dma_start3A_680 : memref<1x8x72xf32, #tpu.memory_space<hbm>> -> memref<8x72xf32, #tpu.memory_space<hbm>>
        %dma_start3A_682 = arith.constant 24 : i32
        %dma_start3A_683 = arith.constant 128 : i32
        %dma_start3A_684 = tpu.memref_slice %arg4[%add3A_624, %dma_start3A_682, %dma_start3A_683] : memref<4096x128x200xf32, #tpu.memory_space<hbm>> -> memref<1x8x72xf32, #tpu.memory_space<hbm>>
        %dma_start3A_685 = tpu.memref_squeeze %dma_start3A_684 : memref<1x8x72xf32, #tpu.memory_space<hbm>> -> memref<8x72xf32, #tpu.memory_space<hbm>>
        %dma_start3A_686 = arith.constant 24 : i32
        %dma_start3A_687 = arith.constant 0 : i32
        %dma_start3A_688 = tpu.memref_slice %arg9[%dma_start3A_686, %dma_start3A_687] : memref<128x72xf32, #tpu.memory_space<vmem>> -> memref<8x72xf32, #tpu.memory_space<vmem>>
        tpu.enqueue_dma source(%dma_start3A_688 : memref<8x72xf32, #tpu.memory_space<vmem>>) target(%dma_start3A_685 : memref<8x72xf32, #tpu.memory_space<hbm>>) target_semaphore(%arg14 : memref<!tpu.dma_semaphore, #tpu.memory_space<semaphore_mem>>)
        %dma_start3A_689 = arith.constant 32 : i32
        %dma_start3A_690 = arith.constant 0 : i32
        %dma_start3A_691 = tpu.memref_slice %arg9[%dma_start3A_689, %dma_start3A_690] : memref<128x72xf32, #tpu.memory_space<vmem>> -> memref<8x72xf32, #tpu.memory_space<vmem>>
        %dma_start3A_692 = arith.constant 32 : i32
        %dma_start3A_693 = arith.constant 128 : i32
        %dma_start3A_694 = tpu.memref_slice %arg4[%add3A_624, %dma_start3A_692, %dma_start3A_693] : memref<4096x128x200xf32, #tpu.memory_space<hbm>> -> memref<1x8x72xf32, #tpu.memory_space<hbm>>
        %dma_start3A_695 = tpu.memref_squeeze %dma_start3A_694 : memref<1x8x72xf32, #tpu.memory_space<hbm>> -> memref<8x72xf32, #tpu.memory_space<hbm>>
        %dma_start3A_696 = arith.constant 32 : i32
        %dma_start3A_697 = arith.constant 128 : i32
        %dma_start3A_698 = tpu.memref_slice %arg4[%add3A_624, %dma_start3A_696, %dma_start3A_697] : memref<4096x128x200xf32, #tpu.memory_space<hbm>> -> memref<1x8x72xf32, #tpu.memory_space<hbm>>
        %dma_start3A_699 = tpu.memref_squeeze %dma_start3A_698 : memref<1x8x72xf32, #tpu.memory_space<hbm>> -> memref<8x72xf32, #tpu.memory_space<hbm>>
        %dma_start3A_700 = arith.constant 32 : i32
        %dma_start3A_701 = arith.constant 0 : i32
        %dma_start3A_702 = tpu.memref_slice %arg9[%dma_start3A_700, %dma_start3A_701] : memref<128x72xf32, #tpu.memory_space<vmem>> -> memref<8x72xf32, #tpu.memory_space<vmem>>
        tpu.enqueue_dma source(%dma_start3A_702 : memref<8x72xf32, #tpu.memory_space<vmem>>) target(%dma_start3A_699 : memref<8x72xf32, #tpu.memory_space<hbm>>) target_semaphore(%arg14 : memref<!tpu.dma_semaphore, #tpu.memory_space<semaphore_mem>>)
        %dma_start3A_703 = arith.constant 40 : i32
        %dma_start3A_704 = arith.constant 0 : i32
        %dma_start3A_705 = tpu.memref_slice %arg9[%dma_start3A_703, %dma_start3A_704] : memref<128x72xf32, #tpu.memory_space<vmem>> -> memref<8x72xf32, #tpu.memory_space<vmem>>
        %dma_start3A_706 = arith.constant 40 : i32
        %dma_start3A_707 = arith.constant 128 : i32
        %dma_start3A_708 = tpu.memref_slice %arg4[%add3A_624, %dma_start3A_706, %dma_start3A_707] : memref<4096x128x200xf32, #tpu.memory_space<hbm>> -> memref<1x8x72xf32, #tpu.memory_space<hbm>>
        %dma_start3A_709 = tpu.memref_squeeze %dma_start3A_708 : memref<1x8x72xf32, #tpu.memory_space<hbm>> -> memref<8x72xf32, #tpu.memory_space<hbm>>
        %dma_start3A_710 = arith.constant 40 : i32
        %dma_start3A_711 = arith.constant 128 : i32
        %dma_start3A_712 = tpu.memref_slice %arg4[%add3A_624, %dma_start3A_710, %dma_start3A_711] : memref<4096x128x200xf32, #tpu.memory_space<hbm>> -> memref<1x8x72xf32, #tpu.memory_space<hbm>>
        %dma_start3A_713 = tpu.memref_squeeze %dma_start3A_712 : memref<1x8x72xf32, #tpu.memory_space<hbm>> -> memref<8x72xf32, #tpu.memory_space<hbm>>
        %dma_start3A_714 = arith.constant 40 : i32
        %dma_start3A_715 = arith.constant 0 : i32
        %dma_start3A_716 = tpu.memref_slice %arg9[%dma_start3A_714, %dma_start3A_715] : memref<128x72xf32, #tpu.memory_space<vmem>> -> memref<8x72xf32, #tpu.memory_space<vmem>>
        tpu.enqueue_dma source(%dma_start3A_716 : memref<8x72xf32, #tpu.memory_space<vmem>>) target(%dma_start3A_713 : memref<8x72xf32, #tpu.memory_space<hbm>>) target_semaphore(%arg14 : memref<!tpu.dma_semaphore, #tpu.memory_space<semaphore_mem>>)
        %dma_start3A_717 = arith.constant 48 : i32
        %dma_start3A_718 = arith.constant 0 : i32
        %dma_start3A_719 = tpu.memref_slice %arg9[%dma_start3A_717, %dma_start3A_718] : memref<128x72xf32, #tpu.memory_space<vmem>> -> memref<8x72xf32, #tpu.memory_space<vmem>>
        %dma_start3A_720 = arith.constant 48 : i32
        %dma_start3A_721 = arith.constant 128 : i32
        %dma_start3A_722 = tpu.memref_slice %arg4[%add3A_624, %dma_start3A_720, %dma_start3A_721] : memref<4096x128x200xf32, #tpu.memory_space<hbm>> -> memref<1x8x72xf32, #tpu.memory_space<hbm>>
        %dma_start3A_723 = tpu.memref_squeeze %dma_start3A_722 : memref<1x8x72xf32, #tpu.memory_space<hbm>> -> memref<8x72xf32, #tpu.memory_space<hbm>>
        %dma_start3A_724 = arith.constant 48 : i32
        %dma_start3A_725 = arith.constant 128 : i32
        %dma_start3A_726 = tpu.memref_slice %arg4[%add3A_624, %dma_start3A_724, %dma_start3A_725] : memref<4096x128x200xf32, #tpu.memory_space<hbm>> -> memref<1x8x72xf32, #tpu.memory_space<hbm>>
        %dma_start3A_727 = tpu.memref_squeeze %dma_start3A_726 : memref<1x8x72xf32, #tpu.memory_space<hbm>> -> memref<8x72xf32, #tpu.memory_space<hbm>>
        %dma_start3A_728 = arith.constant 48 : i32
        %dma_start3A_729 = arith.constant 0 : i32
        %dma_start3A_730 = tpu.memref_slice %arg9[%dma_start3A_728, %dma_start3A_729] : memref<128x72xf32, #tpu.memory_space<vmem>> -> memref<8x72xf32, #tpu.memory_space<vmem>>
        tpu.enqueue_dma source(%dma_start3A_730 : memref<8x72xf32, #tpu.memory_space<vmem>>) target(%dma_start3A_727 : memref<8x72xf32, #tpu.memory_space<hbm>>) target_semaphore(%arg14 : memref<!tpu.dma_semaphore, #tpu.memory_space<semaphore_mem>>)
        %dma_start3A_731 = arith.constant 56 : i32
        %dma_start3A_732 = arith.constant 0 : i32
        %dma_start3A_733 = tpu.memref_slice %arg9[%dma_start3A_731, %dma_start3A_732] : memref<128x72xf32, #tpu.memory_space<vmem>> -> memref<8x72xf32, #tpu.memory_space<vmem>>
        %dma_start3A_734 = arith.constant 56 : i32
        %dma_start3A_735 = arith.constant 128 : i32
        %dma_start3A_736 = tpu.memref_slice %arg4[%add3A_624, %dma_start3A_734, %dma_start3A_735] : memref<4096x128x200xf32, #tpu.memory_space<hbm>> -> memref<1x8x72xf32, #tpu.memory_space<hbm>>
        %dma_start3A_737 = tpu.memref_squeeze %dma_start3A_736 : memref<1x8x72xf32, #tpu.memory_space<hbm>> -> memref<8x72xf32, #tpu.memory_space<hbm>>
        %dma_start3A_738 = arith.constant 56 : i32
        %dma_start3A_739 = arith.constant 128 : i32
        %dma_start3A_740 = tpu.memref_slice %arg4[%add3A_624, %dma_start3A_738, %dma_start3A_739] : memref<4096x128x200xf32, #tpu.memory_space<hbm>> -> memref<1x8x72xf32, #tpu.memory_space<hbm>>
        %dma_start3A_741 = tpu.memref_squeeze %dma_start3A_740 : memref<1x8x72xf32, #tpu.memory_space<hbm>> -> memref<8x72xf32, #tpu.memory_space<hbm>>
        %dma_start3A_742 = arith.constant 56 : i32
        %dma_start3A_743 = arith.constant 0 : i32
        %dma_start3A_744 = tpu.memref_slice %arg9[%dma_start3A_742, %dma_start3A_743] : memref<128x72xf32, #tpu.memory_space<vmem>> -> memref<8x72xf32, #tpu.memory_space<vmem>>
        tpu.enqueue_dma source(%dma_start3A_744 : memref<8x72xf32, #tpu.memory_space<vmem>>) target(%dma_start3A_741 : memref<8x72xf32, #tpu.memory_space<hbm>>) target_semaphore(%arg14 : memref<!tpu.dma_semaphore, #tpu.memory_space<semaphore_mem>>)
        %dma_start3A_745 = arith.constant 64 : i32
        %dma_start3A_746 = arith.constant 0 : i32
        %dma_start3A_747 = tpu.memref_slice %arg9[%dma_start3A_745, %dma_start3A_746] : memref<128x72xf32, #tpu.memory_space<vmem>> -> memref<8x72xf32, #tpu.memory_space<vmem>>
        %dma_start3A_748 = arith.constant 64 : i32
        %dma_start3A_749 = arith.constant 128 : i32
        %dma_start3A_750 = tpu.memref_slice %arg4[%add3A_624, %dma_start3A_748, %dma_start3A_749] : memref<4096x128x200xf32, #tpu.memory_space<hbm>> -> memref<1x8x72xf32, #tpu.memory_space<hbm>>
        %dma_start3A_751 = tpu.memref_squeeze %dma_start3A_750 : memref<1x8x72xf32, #tpu.memory_space<hbm>> -> memref<8x72xf32, #tpu.memory_space<hbm>>
        %dma_start3A_752 = arith.constant 64 : i32
        %dma_start3A_753 = arith.constant 128 : i32
        %dma_start3A_754 = tpu.memref_slice %arg4[%add3A_624, %dma_start3A_752, %dma_start3A_753] : memref<4096x128x200xf32, #tpu.memory_space<hbm>> -> memref<1x8x72xf32, #tpu.memory_space<hbm>>
        %dma_start3A_755 = tpu.memref_squeeze %dma_start3A_754 : memref<1x8x72xf32, #tpu.memory_space<hbm>> -> memref<8x72xf32, #tpu.memory_space<hbm>>
        %dma_start3A_756 = arith.constant 64 : i32
        %dma_start3A_757 = arith.constant 0 : i32
        %dma_start3A_758 = tpu.memref_slice %arg9[%dma_start3A_756, %dma_start3A_757] : memref<128x72xf32, #tpu.memory_space<vmem>> -> memref<8x72xf32, #tpu.memory_space<vmem>>
        tpu.enqueue_dma source(%dma_start3A_758 : memref<8x72xf32, #tpu.memory_space<vmem>>) target(%dma_start3A_755 : memref<8x72xf32, #tpu.memory_space<hbm>>) target_semaphore(%arg14 : memref<!tpu.dma_semaphore, #tpu.memory_space<semaphore_mem>>)
        %dma_start3A_759 = arith.constant 72 : i32
        %dma_start3A_760 = arith.constant 0 : i32
        %dma_start3A_761 = tpu.memref_slice %arg9[%dma_start3A_759, %dma_start3A_760] : memref<128x72xf32, #tpu.memory_space<vmem>> -> memref<8x72xf32, #tpu.memory_space<vmem>>
        %dma_start3A_762 = arith.constant 72 : i32
        %dma_start3A_763 = arith.constant 128 : i32
        %dma_start3A_764 = tpu.memref_slice %arg4[%add3A_624, %dma_start3A_762, %dma_start3A_763] : memref<4096x128x200xf32, #tpu.memory_space<hbm>> -> memref<1x8x72xf32, #tpu.memory_space<hbm>>
        %dma_start3A_765 = tpu.memref_squeeze %dma_start3A_764 : memref<1x8x72xf32, #tpu.memory_space<hbm>> -> memref<8x72xf32, #tpu.memory_space<hbm>>
        %dma_start3A_766 = arith.constant 72 : i32
        %dma_start3A_767 = arith.constant 128 : i32
        %dma_start3A_768 = tpu.memref_slice %arg4[%add3A_624, %dma_start3A_766, %dma_start3A_767] : memref<4096x128x200xf32, #tpu.memory_space<hbm>> -> memref<1x8x72xf32, #tpu.memory_space<hbm>>
        %dma_start3A_769 = tpu.memref_squeeze %dma_start3A_768 : memref<1x8x72xf32, #tpu.memory_space<hbm>> -> memref<8x72xf32, #tpu.memory_space<hbm>>
        %dma_start3A_770 = arith.constant 72 : i32
        %dma_start3A_771 = arith.constant 0 : i32
        %dma_start3A_772 = tpu.memref_slice %arg9[%dma_start3A_770, %dma_start3A_771] : memref<128x72xf32, #tpu.memory_space<vmem>> -> memref<8x72xf32, #tpu.memory_space<vmem>>
        tpu.enqueue_dma source(%dma_start3A_772 : memref<8x72xf32, #tpu.memory_space<vmem>>) target(%dma_start3A_769 : memref<8x72xf32, #tpu.memory_space<hbm>>) target_semaphore(%arg14 : memref<!tpu.dma_semaphore, #tpu.memory_space<semaphore_mem>>)
        %dma_start3A_773 = arith.constant 80 : i32
        %dma_start3A_774 = arith.constant 0 : i32
        %dma_start3A_775 = tpu.memref_slice %arg9[%dma_start3A_773, %dma_start3A_774] : memref<128x72xf32, #tpu.memory_space<vmem>> -> memref<8x72xf32, #tpu.memory_space<vmem>>
        %dma_start3A_776 = arith.constant 80 : i32
        %dma_start3A_777 = arith.constant 128 : i32
        %dma_start3A_778 = tpu.memref_slice %arg4[%add3A_624, %dma_start3A_776, %dma_start3A_777] : memref<4096x128x200xf32, #tpu.memory_space<hbm>> -> memref<1x8x72xf32, #tpu.memory_space<hbm>>
        %dma_start3A_779 = tpu.memref_squeeze %dma_start3A_778 : memref<1x8x72xf32, #tpu.memory_space<hbm>> -> memref<8x72xf32, #tpu.memory_space<hbm>>
        %dma_start3A_780 = arith.constant 80 : i32
        %dma_start3A_781 = arith.constant 128 : i32
        %dma_start3A_782 = tpu.memref_slice %arg4[%add3A_624, %dma_start3A_780, %dma_start3A_781] : memref<4096x128x200xf32, #tpu.memory_space<hbm>> -> memref<1x8x72xf32, #tpu.memory_space<hbm>>
        %dma_start3A_783 = tpu.memref_squeeze %dma_start3A_782 : memref<1x8x72xf32, #tpu.memory_space<hbm>> -> memref<8x72xf32, #tpu.memory_space<hbm>>
        %dma_start3A_784 = arith.constant 80 : i32
        %dma_start3A_785 = arith.constant 0 : i32
        %dma_start3A_786 = tpu.memref_slice %arg9[%dma_start3A_784, %dma_start3A_785] : memref<128x72xf32, #tpu.memory_space<vmem>> -> memref<8x72xf32, #tpu.memory_space<vmem>>
        tpu.enqueue_dma source(%dma_start3A_786 : memref<8x72xf32, #tpu.memory_space<vmem>>) target(%dma_start3A_783 : memref<8x72xf32, #tpu.memory_space<hbm>>) target_semaphore(%arg14 : memref<!tpu.dma_semaphore, #tpu.memory_space<semaphore_mem>>)
        %dma_start3A_787 = arith.constant 88 : i32
        %dma_start3A_788 = arith.constant 0 : i32
        %dma_start3A_789 = tpu.memref_slice %arg9[%dma_start3A_787, %dma_start3A_788] : memref<128x72xf32, #tpu.memory_space<vmem>> -> memref<8x72xf32, #tpu.memory_space<vmem>>
        %dma_start3A_790 = arith.constant 88 : i32
        %dma_start3A_791 = arith.constant 128 : i32
        %dma_start3A_792 = tpu.memref_slice %arg4[%add3A_624, %dma_start3A_790, %dma_start3A_791] : memref<4096x128x200xf32, #tpu.memory_space<hbm>> -> memref<1x8x72xf32, #tpu.memory_space<hbm>>
        %dma_start3A_793 = tpu.memref_squeeze %dma_start3A_792 : memref<1x8x72xf32, #tpu.memory_space<hbm>> -> memref<8x72xf32, #tpu.memory_space<hbm>>
        %dma_start3A_794 = arith.constant 88 : i32
        %dma_start3A_795 = arith.constant 128 : i32
        %dma_start3A_796 = tpu.memref_slice %arg4[%add3A_624, %dma_start3A_794, %dma_start3A_795] : memref<4096x128x200xf32, #tpu.memory_space<hbm>> -> memref<1x8x72xf32, #tpu.memory_space<hbm>>
        %dma_start3A_797 = tpu.memref_squeeze %dma_start3A_796 : memref<1x8x72xf32, #tpu.memory_space<hbm>> -> memref<8x72xf32, #tpu.memory_space<hbm>>
        %dma_start3A_798 = arith.constant 88 : i32
        %dma_start3A_799 = arith.constant 0 : i32
        %dma_start3A_800 = tpu.memref_slice %arg9[%dma_start3A_798, %dma_start3A_799] : memref<128x72xf32, #tpu.memory_space<vmem>> -> memref<8x72xf32, #tpu.memory_space<vmem>>
        tpu.enqueue_dma source(%dma_start3A_800 : memref<8x72xf32, #tpu.memory_space<vmem>>) target(%dma_start3A_797 : memref<8x72xf32, #tpu.memory_space<hbm>>) target_semaphore(%arg14 : memref<!tpu.dma_semaphore, #tpu.memory_space<semaphore_mem>>)
        %dma_start3A_801 = arith.constant 96 : i32
        %dma_start3A_802 = arith.constant 0 : i32
        %dma_start3A_803 = tpu.memref_slice %arg9[%dma_start3A_801, %dma_start3A_802] : memref<128x72xf32, #tpu.memory_space<vmem>> -> memref<8x72xf32, #tpu.memory_space<vmem>>
        %dma_start3A_804 = arith.constant 96 : i32
        %dma_start3A_805 = arith.constant 128 : i32
        %dma_start3A_806 = tpu.memref_slice %arg4[%add3A_624, %dma_start3A_804, %dma_start3A_805] : memref<4096x128x200xf32, #tpu.memory_space<hbm>> -> memref<1x8x72xf32, #tpu.memory_space<hbm>>
        %dma_start3A_807 = tpu.memref_squeeze %dma_start3A_806 : memref<1x8x72xf32, #tpu.memory_space<hbm>> -> memref<8x72xf32, #tpu.memory_space<hbm>>
        %dma_start3A_808 = arith.constant 96 : i32
        %dma_start3A_809 = arith.constant 128 : i32
        %dma_start3A_810 = tpu.memref_slice %arg4[%add3A_624, %dma_start3A_808, %dma_start3A_809] : memref<4096x128x200xf32, #tpu.memory_space<hbm>> -> memref<1x8x72xf32, #tpu.memory_space<hbm>>
        %dma_start3A_811 = tpu.memref_squeeze %dma_start3A_810 : memref<1x8x72xf32, #tpu.memory_space<hbm>> -> memref<8x72xf32, #tpu.memory_space<hbm>>
        %dma_start3A_812 = arith.constant 96 : i32
        %dma_start3A_813 = arith.constant 0 : i32
        %dma_start3A_814 = tpu.memref_slice %arg9[%dma_start3A_812, %dma_start3A_813] : memref<128x72xf32, #tpu.memory_space<vmem>> -> memref<8x72xf32, #tpu.memory_space<vmem>>
        tpu.enqueue_dma source(%dma_start3A_814 : memref<8x72xf32, #tpu.memory_space<vmem>>) target(%dma_start3A_811 : memref<8x72xf32, #tpu.memory_space<hbm>>) target_semaphore(%arg14 : memref<!tpu.dma_semaphore, #tpu.memory_space<semaphore_mem>>)
        %dma_start3A_815 = arith.constant 104 : i32
        %dma_start3A_816 = arith.constant 0 : i32
        %dma_start3A_817 = tpu.memref_slice %arg9[%dma_start3A_815, %dma_start3A_816] : memref<128x72xf32, #tpu.memory_space<vmem>> -> memref<8x72xf32, #tpu.memory_space<vmem>>
        %dma_start3A_818 = arith.constant 104 : i32
        %dma_start3A_819 = arith.constant 128 : i32
        %dma_start3A_820 = tpu.memref_slice %arg4[%add3A_624, %dma_start3A_818, %dma_start3A_819] : memref<4096x128x200xf32, #tpu.memory_space<hbm>> -> memref<1x8x72xf32, #tpu.memory_space<hbm>>
        %dma_start3A_821 = tpu.memref_squeeze %dma_start3A_820 : memref<1x8x72xf32, #tpu.memory_space<hbm>> -> memref<8x72xf32, #tpu.memory_space<hbm>>
        %dma_start3A_822 = arith.constant 104 : i32
        %dma_start3A_823 = arith.constant 128 : i32
        %dma_start3A_824 = tpu.memref_slice %arg4[%add3A_624, %dma_start3A_822, %dma_start3A_823] : memref<4096x128x200xf32, #tpu.memory_space<hbm>> -> memref<1x8x72xf32, #tpu.memory_space<hbm>>
        %dma_start3A_825 = tpu.memref_squeeze %dma_start3A_824 : memref<1x8x72xf32, #tpu.memory_space<hbm>> -> memref<8x72xf32, #tpu.memory_space<hbm>>
        %dma_start3A_826 = arith.constant 104 : i32
        %dma_start3A_827 = arith.constant 0 : i32
        %dma_start3A_828 = tpu.memref_slice %arg9[%dma_start3A_826, %dma_start3A_827] : memref<128x72xf32, #tpu.memory_space<vmem>> -> memref<8x72xf32, #tpu.memory_space<vmem>>
        tpu.enqueue_dma source(%dma_start3A_828 : memref<8x72xf32, #tpu.memory_space<vmem>>) target(%dma_start3A_825 : memref<8x72xf32, #tpu.memory_space<hbm>>) target_semaphore(%arg14 : memref<!tpu.dma_semaphore, #tpu.memory_space<semaphore_mem>>)
        %dma_start3A_829 = arith.constant 112 : i32
        %dma_start3A_830 = arith.constant 0 : i32
        %dma_start3A_831 = tpu.memref_slice %arg9[%dma_start3A_829, %dma_start3A_830] : memref<128x72xf32, #tpu.memory_space<vmem>> -> memref<8x72xf32, #tpu.memory_space<vmem>>
        %dma_start3A_832 = arith.constant 112 : i32
        %dma_start3A_833 = arith.constant 128 : i32
        %dma_start3A_834 = tpu.memref_slice %arg4[%add3A_624, %dma_start3A_832, %dma_start3A_833] : memref<4096x128x200xf32, #tpu.memory_space<hbm>> -> memref<1x8x72xf32, #tpu.memory_space<hbm>>
        %dma_start3A_835 = tpu.memref_squeeze %dma_start3A_834 : memref<1x8x72xf32, #tpu.memory_space<hbm>> -> memref<8x72xf32, #tpu.memory_space<hbm>>
        %dma_start3A_836 = arith.constant 112 : i32
        %dma_start3A_837 = arith.constant 128 : i32
        %dma_start3A_838 = tpu.memref_slice %arg4[%add3A_624, %dma_start3A_836, %dma_start3A_837] : memref<4096x128x200xf32, #tpu.memory_space<hbm>> -> memref<1x8x72xf32, #tpu.memory_space<hbm>>
        %dma_start3A_839 = tpu.memref_squeeze %dma_start3A_838 : memref<1x8x72xf32, #tpu.memory_space<hbm>> -> memref<8x72xf32, #tpu.memory_space<hbm>>
        %dma_start3A_840 = arith.constant 112 : i32
        %dma_start3A_841 = arith.constant 0 : i32
        %dma_start3A_842 = tpu.memref_slice %arg9[%dma_start3A_840, %dma_start3A_841] : memref<128x72xf32, #tpu.memory_space<vmem>> -> memref<8x72xf32, #tpu.memory_space<vmem>>
        tpu.enqueue_dma source(%dma_start3A_842 : memref<8x72xf32, #tpu.memory_space<vmem>>) target(%dma_start3A_839 : memref<8x72xf32, #tpu.memory_space<hbm>>) target_semaphore(%arg14 : memref<!tpu.dma_semaphore, #tpu.memory_space<semaphore_mem>>)
        %dma_start3A_843 = arith.constant 120 : i32
        %dma_start3A_844 = arith.constant 0 : i32
        %dma_start3A_845 = tpu.memref_slice %arg9[%dma_start3A_843, %dma_start3A_844] : memref<128x72xf32, #tpu.memory_space<vmem>> -> memref<8x72xf32, #tpu.memory_space<vmem>>
        %dma_start3A_846 = arith.constant 120 : i32
        %dma_start3A_847 = arith.constant 128 : i32
        %dma_start3A_848 = tpu.memref_slice %arg4[%add3A_624, %dma_start3A_846, %dma_start3A_847] : memref<4096x128x200xf32, #tpu.memory_space<hbm>> -> memref<1x8x72xf32, #tpu.memory_space<hbm>>
        %dma_start3A_849 = tpu.memref_squeeze %dma_start3A_848 : memref<1x8x72xf32, #tpu.memory_space<hbm>> -> memref<8x72xf32, #tpu.memory_space<hbm>>
        %dma_start3A_850 = arith.constant 120 : i32
        %dma_start3A_851 = arith.constant 128 : i32
        %dma_start3A_852 = tpu.memref_slice %arg4[%add3A_624, %dma_start3A_850, %dma_start3A_851] : memref<4096x128x200xf32, #tpu.memory_space<hbm>> -> memref<1x8x72xf32, #tpu.memory_space<hbm>>
        %dma_start3A_853 = tpu.memref_squeeze %dma_start3A_852 : memref<1x8x72xf32, #tpu.memory_space<hbm>> -> memref<8x72xf32, #tpu.memory_space<hbm>>
        %dma_start3A_854 = arith.constant 120 : i32
        %dma_start3A_855 = arith.constant 0 : i32
        %dma_start3A_856 = tpu.memref_slice %arg9[%dma_start3A_854, %dma_start3A_855] : memref<128x72xf32, #tpu.memory_space<vmem>> -> memref<8x72xf32, #tpu.memory_space<vmem>>
        tpu.enqueue_dma source(%dma_start3A_856 : memref<8x72xf32, #tpu.memory_space<vmem>>) target(%dma_start3A_853 : memref<8x72xf32, #tpu.memory_space<hbm>>) target_semaphore(%arg14 : memref<!tpu.dma_semaphore, #tpu.memory_space<semaphore_mem>>)
        %add3A_857 = arith.constant 1 : i32
        %add3A_858 = arith.addi %add3A_549, %add3A_857 : i32
        %jit3A_859 = arith.constant 32 : i32
        %eq3A_860 = arith.constant 0 : i32
        %eq3A_861 = arith.cmpi eq, %jit3A_859, %eq3A_860 : i32
        %jit3A_862 = arith.constant 1 : i32
        %select_n3A_863 = arith.select %eq3A_861, %jit3A_862, %jit3A_859 : i32
        %rem3A_864 = arith.remsi %add3A_858, %select_n3A_863 : i32
        %ne3A_865 = arith.constant 0 : i32
        %ne3A_866 = arith.cmpi ne, %rem3A_864, %ne3A_865 : i32
        %lt3A_867 = arith.constant 0 : i32
        %lt3A_868 = arith.cmpi slt, %rem3A_864, %lt3A_867 : i32
        %lt3A_869 = arith.constant 0 : i32
        %lt3A_870 = arith.cmpi slt, %select_n3A_863, %lt3A_869 : i32
        %ne3A_871 = arith.xori %lt3A_868, %lt3A_870 : i1
        %and3A_872 = arith.andi %ne3A_871, %ne3A_866 : i1
        %add3A_873 = arith.addi %rem3A_864, %select_n3A_863 : i32
        %select_n3A_874 = arith.select %and3A_872, %add3A_873, %rem3A_864 : i32
        %mul3A_875 = arith.constant 200 : i32
        %mul3A_876 = arith.muli %select_n3A_874, %mul3A_875 : i32
        %multiple_of3A_877 = tpu.assume_multiple %mul3A_876, 8 : i32
        %add3A_878 = arith.constant 104 : i32
        %add3A_879 = arith.addi %multiple_of3A_877, %add3A_878 : i32
        %dma_wait3A_880 = arith.constant 0 : i32
        %dma_wait3A_881 = arith.constant 0 : i32
        %dma_wait3A_882 = tpu.memref_slice %arg7[%dma_wait3A_880, %dma_wait3A_881] : memref<200x128xf32, #tpu.memory_space<vmem>> -> memref<104x128xf32, #tpu.memory_space<vmem>>
        %dma_wait3A_883 = tpu.memref_slice %arg5[%multiple_of3A_877] : memref<6400xi32, #tpu.memory_space<vmem>> -> memref<104xi32, #tpu.memory_space<vmem>>
        %dma_wait3A_884 = arith.constant 0 : i32
        %dma_wait3A_885 = arith.constant 0 : i32
        %dma_wait3A_886 = tpu.memref_slice %arg3[%dma_wait3A_884, %dma_wait3A_885] : memref<100000x128xf32, #tpu.memory_space<hbm>> -> memref<100000x128xf32, #tpu.memory_space<hbm>>
        tpu.wait_indirect_dma semaphore(%arg13 : memref<!tpu.dma_semaphore, #tpu.memory_space<semaphore_mem>>) src(%dma_wait3A_886 : memref<100000x128xf32, #tpu.memory_space<hbm>>) dst(%dma_wait3A_882 : memref<104x128xf32, #tpu.memory_space<vmem>>)
        %dma_wait3A_887 = arith.constant 104 : i32
        %dma_wait3A_888 = arith.constant 0 : i32
        %dma_wait3A_889 = tpu.memref_slice %arg7[%dma_wait3A_887, %dma_wait3A_888] : memref<200x128xf32, #tpu.memory_space<vmem>> -> memref<96x128xf32, #tpu.memory_space<vmem>>
        %dma_wait3A_890 = tpu.memref_slice %arg5[%add3A_879] : memref<6400xi32, #tpu.memory_space<vmem>> -> memref<96xi32, #tpu.memory_space<vmem>>
        %dma_wait3A_891 = arith.constant 0 : i32
        %dma_wait3A_892 = arith.constant 0 : i32
        %dma_wait3A_893 = tpu.memref_slice %arg3[%dma_wait3A_891, %dma_wait3A_892] : memref<100000x128xf32, #tpu.memory_space<hbm>> -> memref<100000x128xf32, #tpu.memory_space<hbm>>
        tpu.wait_indirect_dma semaphore(%arg13 : memref<!tpu.dma_semaphore, #tpu.memory_space<semaphore_mem>>) src(%dma_wait3A_893 : memref<100000x128xf32, #tpu.memory_space<hbm>>) dst(%dma_wait3A_889 : memref<96x128xf32, #tpu.memory_space<vmem>>)
        %add3A_894 = arith.constant 1 : i32
        %add3A_895 = arith.addi %add3A_858, %add3A_894 : i32
        %jit3A_896 = arith.constant 32 : i32
        %eq3A_897 = arith.constant 0 : i32
        %eq3A_898 = arith.cmpi eq, %jit3A_896, %eq3A_897 : i32
        %jit3A_899 = arith.constant 1 : i32
        %select_n3A_900 = arith.select %eq3A_898, %jit3A_899, %jit3A_896 : i32
        %rem3A_901 = arith.remsi %add3A_895, %select_n3A_900 : i32
        %ne3A_902 = arith.constant 0 : i32
        %ne3A_903 = arith.cmpi ne, %rem3A_901, %ne3A_902 : i32
        %lt3A_904 = arith.constant 0 : i32
        %lt3A_905 = arith.cmpi slt, %rem3A_901, %lt3A_904 : i32
        %lt3A_906 = arith.constant 0 : i32
        %lt3A_907 = arith.cmpi slt, %select_n3A_900, %lt3A_906 : i32
        %ne3A_908 = arith.xori %lt3A_905, %lt3A_907 : i1
        %and3A_909 = arith.andi %ne3A_908, %ne3A_903 : i1
        %add3A_910 = arith.addi %rem3A_901, %select_n3A_900 : i32
        %select_n3A_911 = arith.select %and3A_909, %add3A_910, %rem3A_901 : i32
        %ne3A_912 = arith.constant 0 : i32
        %ne3A_913 = arith.cmpi ne, %select_n3A_911, %ne3A_912 : i32
        %convert_element_type3A_914 = arith.extui %ne3A_913 : i1 to i32
        %cond3A_915 = arith.constant 0 : i32
        %cond3A_916 = arith.cmpi ne, %convert_element_type3A_914, %cond3A_915 : i32
        scf.if %cond3A_916 {
          %add3A_1169 = arith.constant 1 : i32
          %add3A_1170 = arith.addi %add3A_858, %add3A_1169 : i32
          %jit3A_1171 = arith.constant 32 : i32
          %eq3A_1172 = arith.constant 0 : i32
          %eq3A_1173 = arith.cmpi eq, %jit3A_1171, %eq3A_1172 : i32
          %jit3A_1174 = arith.constant 1 : i32
          %select_n3A_1175 = arith.select %eq3A_1173, %jit3A_1174, %jit3A_1171 : i32
          %rem3A_1176 = arith.remsi %add3A_1170, %select_n3A_1175 : i32
          %ne3A_1177 = arith.constant 0 : i32
          %ne3A_1178 = arith.cmpi ne, %rem3A_1176, %ne3A_1177 : i32
          %lt3A_1179 = arith.constant 0 : i32
          %lt3A_1180 = arith.cmpi slt, %rem3A_1176, %lt3A_1179 : i32
          %lt3A_1181 = arith.constant 0 : i32
          %lt3A_1182 = arith.cmpi slt, %select_n3A_1175, %lt3A_1181 : i32
          %ne3A_1183 = arith.xori %lt3A_1180, %lt3A_1182 : i1
          %and3A_1184 = arith.andi %ne3A_1183, %ne3A_1178 : i1
          %add3A_1185 = arith.addi %rem3A_1176, %select_n3A_1175 : i32
          %select_n3A_1186 = arith.select %and3A_1184, %add3A_1185, %rem3A_1176 : i32
          %mul3A_1187 = arith.constant 200 : i32
          %mul3A_1188 = arith.muli %select_n3A_1186, %mul3A_1187 : i32
          %multiple_of3A_1189 = tpu.assume_multiple %mul3A_1188, 8 : i32
          %add3A_1190 = arith.constant 104 : i32
          %add3A_1191 = arith.addi %multiple_of3A_1189, %add3A_1190 : i32
          %dma_start3A_1192 = arith.constant 0 : i32
          %dma_start3A_1193 = arith.constant 0 : i32
          %dma_start3A_1194 = tpu.memref_slice %arg6[%dma_start3A_1192, %dma_start3A_1193] : memref<200x128xf32, #tpu.memory_space<vmem>> -> memref<104x128xf32, #tpu.memory_space<vmem>>
          %dma_start3A_1195 = tpu.memref_slice %arg5[%multiple_of3A_1189] : memref<6400xi32, #tpu.memory_space<vmem>> -> memref<104xi32, #tpu.memory_space<vmem>>
          %dma_start3A_1196 = arith.constant 0 : i32
          %dma_start3A_1197 = arith.constant 0 : i32
          %dma_start3A_1198 = tpu.memref_slice %arg3[%dma_start3A_1196, %dma_start3A_1197] : memref<100000x128xf32, #tpu.memory_space<hbm>> -> memref<100000x128xf32, #tpu.memory_space<hbm>>
          tpu.enqueue_indirect_dma source(%dma_start3A_1198 : memref<100000x128xf32, #tpu.memory_space<hbm>>) target(%dma_start3A_1194 : memref<104x128xf32, #tpu.memory_space<vmem>>) offsets(%dma_start3A_1195 : memref<104xi32, #tpu.memory_space<vmem>>) semaphore(%arg12 : memref<!tpu.dma_semaphore, #tpu.memory_space<semaphore_mem>>)
          %dma_start3A_1199 = arith.constant 104 : i32
          %dma_start3A_1200 = arith.constant 0 : i32
          %dma_start3A_1201 = tpu.memref_slice %arg6[%dma_start3A_1199, %dma_start3A_1200] : memref<200x128xf32, #tpu.memory_space<vmem>> -> memref<96x128xf32, #tpu.memory_space<vmem>>
          %dma_start3A_1202 = tpu.memref_slice %arg5[%add3A_1191] : memref<6400xi32, #tpu.memory_space<vmem>> -> memref<96xi32, #tpu.memory_space<vmem>>
          %dma_start3A_1203 = arith.constant 0 : i32
          %dma_start3A_1204 = arith.constant 0 : i32
          %dma_start3A_1205 = tpu.memref_slice %arg3[%dma_start3A_1203, %dma_start3A_1204] : memref<100000x128xf32, #tpu.memory_space<hbm>> -> memref<100000x128xf32, #tpu.memory_space<hbm>>
          tpu.enqueue_indirect_dma source(%dma_start3A_1205 : memref<100000x128xf32, #tpu.memory_space<hbm>>) target(%dma_start3A_1201 : memref<96x128xf32, #tpu.memory_space<vmem>>) offsets(%dma_start3A_1202 : memref<96xi32, #tpu.memory_space<vmem>>) semaphore(%arg12 : memref<!tpu.dma_semaphore, #tpu.memory_space<semaphore_mem>>)
        } else {
        }
        %ge3A_917 = arith.constant 2 : i32
        %ge3A_918 = arith.cmpi sge, %add3A_858, %ge3A_917 : i32
        %convert_element_type3A_919 = arith.extui %ge3A_918 : i1 to i32
        %cond3A_920 = arith.constant 0 : i32
        %cond3A_921 = arith.cmpi ne, %convert_element_type3A_919, %cond3A_920 : i32
        scf.if %cond3A_921 {
          %sub3A = arith.constant 2 : i32
          %sub3A_1169 = arith.subi %add3A_858, %sub3A : i32
          %mul3A_1170 = arith.constant 128 : i32
          %mul3A_1171 = arith.muli %add3A, %mul3A_1170 : i32
          %add3A_1172 = arith.addi %mul3A_1171, %sub3A_1169 : i32
          %dma_wait3A_1173 = arith.constant 0 : i32
          %dma_wait3A_1174 = arith.constant 0 : i32
          %dma_wait3A_1175 = tpu.memref_slice %arg4[%add3A_1172, %dma_wait3A_1173, %dma_wait3A_1174] : memref<4096x128x200xf32, #tpu.memory_space<hbm>> -> memref<1x128x128xf32, #tpu.memory_space<hbm>>
          %dma_wait3A_1176 = tpu.memref_squeeze %dma_wait3A_1175 : memref<1x128x128xf32, #tpu.memory_space<hbm>> -> memref<128x128xf32, #tpu.memory_space<hbm>>
          %dma_wait3A_1177 = arith.constant 0 : i32
          %dma_wait3A_1178 = arith.constant 0 : i32
          %dma_wait3A_1179 = tpu.memref_slice %arg4[%add3A_1172, %dma_wait3A_1177, %dma_wait3A_1178] : memref<4096x128x200xf32, #tpu.memory_space<hbm>> -> memref<1x128x128xf32, #tpu.memory_space<hbm>>
          %dma_wait3A_1180 = tpu.memref_squeeze %dma_wait3A_1179 : memref<1x128x128xf32, #tpu.memory_space<hbm>> -> memref<128x128xf32, #tpu.memory_space<hbm>>
          tpu.wait_dma2 semaphore(%arg15 : memref<!tpu.dma_semaphore, #tpu.memory_space<semaphore_mem>>) src(%arg10 : memref<128x128xf32, #tpu.memory_space<vmem>>) dst(%dma_wait3A_1180 : memref<128x128xf32, #tpu.memory_space<hbm>>)
          %dma_wait3A_1181 = arith.constant 0 : i32
          %dma_wait3A_1182 = arith.constant 0 : i32
          %dma_wait3A_1183 = tpu.memref_slice %arg11[%dma_wait3A_1181, %dma_wait3A_1182] : memref<128x72xf32, #tpu.memory_space<vmem>> -> memref<8x72xf32, #tpu.memory_space<vmem>>
          %dma_wait3A_1184 = arith.constant 0 : i32
          %dma_wait3A_1185 = arith.constant 128 : i32
          %dma_wait3A_1186 = tpu.memref_slice %arg4[%add3A_1172, %dma_wait3A_1184, %dma_wait3A_1185] : memref<4096x128x200xf32, #tpu.memory_space<hbm>> -> memref<1x8x72xf32, #tpu.memory_space<hbm>>
          %dma_wait3A_1187 = tpu.memref_squeeze %dma_wait3A_1186 : memref<1x8x72xf32, #tpu.memory_space<hbm>> -> memref<8x72xf32, #tpu.memory_space<hbm>>
          %dma_wait3A_1188 = arith.constant 0 : i32
          %dma_wait3A_1189 = arith.constant 128 : i32
          %dma_wait3A_1190 = tpu.memref_slice %arg4[%add3A_1172, %dma_wait3A_1188, %dma_wait3A_1189] : memref<4096x128x200xf32, #tpu.memory_space<hbm>> -> memref<1x8x72xf32, #tpu.memory_space<hbm>>
          %dma_wait3A_1191 = tpu.memref_squeeze %dma_wait3A_1190 : memref<1x8x72xf32, #tpu.memory_space<hbm>> -> memref<8x72xf32, #tpu.memory_space<hbm>>
          %dma_wait3A_1192 = arith.constant 0 : i32
          %dma_wait3A_1193 = arith.constant 0 : i32
          %dma_wait3A_1194 = tpu.memref_slice %arg11[%dma_wait3A_1192, %dma_wait3A_1193] : memref<128x72xf32, #tpu.memory_space<vmem>> -> memref<8x72xf32, #tpu.memory_space<vmem>>
          tpu.wait_dma2 semaphore(%arg15 : memref<!tpu.dma_semaphore, #tpu.memory_space<semaphore_mem>>) src(%dma_wait3A_1194 : memref<8x72xf32, #tpu.memory_space<vmem>>) dst(%dma_wait3A_1191 : memref<8x72xf32, #tpu.memory_space<hbm>>)
          %dma_wait3A_1195 = arith.constant 8 : i32
          %dma_wait3A_1196 = arith.constant 0 : i32
          %dma_wait3A_1197 = tpu.memref_slice %arg11[%dma_wait3A_1195, %dma_wait3A_1196] : memref<128x72xf32, #tpu.memory_space<vmem>> -> memref<8x72xf32, #tpu.memory_space<vmem>>
          %dma_wait3A_1198 = arith.constant 8 : i32
          %dma_wait3A_1199 = arith.constant 128 : i32
          %dma_wait3A_1200 = tpu.memref_slice %arg4[%add3A_1172, %dma_wait3A_1198, %dma_wait3A_1199] : memref<4096x128x200xf32, #tpu.memory_space<hbm>> -> memref<1x8x72xf32, #tpu.memory_space<hbm>>
          %dma_wait3A_1201 = tpu.memref_squeeze %dma_wait3A_1200 : memref<1x8x72xf32, #tpu.memory_space<hbm>> -> memref<8x72xf32, #tpu.memory_space<hbm>>
          %dma_wait3A_1202 = arith.constant 8 : i32
          %dma_wait3A_1203 = arith.constant 128 : i32
          %dma_wait3A_1204 = tpu.memref_slice %arg4[%add3A_1172, %dma_wait3A_1202, %dma_wait3A_1203] : memref<4096x128x200xf32, #tpu.memory_space<hbm>> -> memref<1x8x72xf32, #tpu.memory_space<hbm>>
          %dma_wait3A_1205 = tpu.memref_squeeze %dma_wait3A_1204 : memref<1x8x72xf32, #tpu.memory_space<hbm>> -> memref<8x72xf32, #tpu.memory_space<hbm>>
          %dma_wait3A_1206 = arith.constant 8 : i32
          %dma_wait3A_1207 = arith.constant 0 : i32
          %dma_wait3A_1208 = tpu.memref_slice %arg11[%dma_wait3A_1206, %dma_wait3A_1207] : memref<128x72xf32, #tpu.memory_space<vmem>> -> memref<8x72xf32, #tpu.memory_space<vmem>>
          tpu.wait_dma2 semaphore(%arg15 : memref<!tpu.dma_semaphore, #tpu.memory_space<semaphore_mem>>) src(%dma_wait3A_1208 : memref<8x72xf32, #tpu.memory_space<vmem>>) dst(%dma_wait3A_1205 : memref<8x72xf32, #tpu.memory_space<hbm>>)
          %dma_wait3A_1209 = arith.constant 16 : i32
          %dma_wait3A_1210 = arith.constant 0 : i32
          %dma_wait3A_1211 = tpu.memref_slice %arg11[%dma_wait3A_1209, %dma_wait3A_1210] : memref<128x72xf32, #tpu.memory_space<vmem>> -> memref<8x72xf32, #tpu.memory_space<vmem>>
          %dma_wait3A_1212 = arith.constant 16 : i32
          %dma_wait3A_1213 = arith.constant 128 : i32
          %dma_wait3A_1214 = tpu.memref_slice %arg4[%add3A_1172, %dma_wait3A_1212, %dma_wait3A_1213] : memref<4096x128x200xf32, #tpu.memory_space<hbm>> -> memref<1x8x72xf32, #tpu.memory_space<hbm>>
          %dma_wait3A_1215 = tpu.memref_squeeze %dma_wait3A_1214 : memref<1x8x72xf32, #tpu.memory_space<hbm>> -> memref<8x72xf32, #tpu.memory_space<hbm>>
          %dma_wait3A_1216 = arith.constant 16 : i32
          %dma_wait3A_1217 = arith.constant 128 : i32
          %dma_wait3A_1218 = tpu.memref_slice %arg4[%add3A_1172, %dma_wait3A_1216, %dma_wait3A_1217] : memref<4096x128x200xf32, #tpu.memory_space<hbm>> -> memref<1x8x72xf32, #tpu.memory_space<hbm>>
          %dma_wait3A_1219 = tpu.memref_squeeze %dma_wait3A_1218 : memref<1x8x72xf32, #tpu.memory_space<hbm>> -> memref<8x72xf32, #tpu.memory_space<hbm>>
          %dma_wait3A_1220 = arith.constant 16 : i32
          %dma_wait3A_1221 = arith.constant 0 : i32
          %dma_wait3A_1222 = tpu.memref_slice %arg11[%dma_wait3A_1220, %dma_wait3A_1221] : memref<128x72xf32, #tpu.memory_space<vmem>> -> memref<8x72xf32, #tpu.memory_space<vmem>>
          tpu.wait_dma2 semaphore(%arg15 : memref<!tpu.dma_semaphore, #tpu.memory_space<semaphore_mem>>) src(%dma_wait3A_1222 : memref<8x72xf32, #tpu.memory_space<vmem>>) dst(%dma_wait3A_1219 : memref<8x72xf32, #tpu.memory_space<hbm>>)
          %dma_wait3A_1223 = arith.constant 24 : i32
          %dma_wait3A_1224 = arith.constant 0 : i32
          %dma_wait3A_1225 = tpu.memref_slice %arg11[%dma_wait3A_1223, %dma_wait3A_1224] : memref<128x72xf32, #tpu.memory_space<vmem>> -> memref<8x72xf32, #tpu.memory_space<vmem>>
          %dma_wait3A_1226 = arith.constant 24 : i32
          %dma_wait3A_1227 = arith.constant 128 : i32
          %dma_wait3A_1228 = tpu.memref_slice %arg4[%add3A_1172, %dma_wait3A_1226, %dma_wait3A_1227] : memref<4096x128x200xf32, #tpu.memory_space<hbm>> -> memref<1x8x72xf32, #tpu.memory_space<hbm>>
          %dma_wait3A_1229 = tpu.memref_squeeze %dma_wait3A_1228 : memref<1x8x72xf32, #tpu.memory_space<hbm>> -> memref<8x72xf32, #tpu.memory_space<hbm>>
          %dma_wait3A_1230 = arith.constant 24 : i32
          %dma_wait3A_1231 = arith.constant 128 : i32
          %dma_wait3A_1232 = tpu.memref_slice %arg4[%add3A_1172, %dma_wait3A_1230, %dma_wait3A_1231] : memref<4096x128x200xf32, #tpu.memory_space<hbm>> -> memref<1x8x72xf32, #tpu.memory_space<hbm>>
          %dma_wait3A_1233 = tpu.memref_squeeze %dma_wait3A_1232 : memref<1x8x72xf32, #tpu.memory_space<hbm>> -> memref<8x72xf32, #tpu.memory_space<hbm>>
          %dma_wait3A_1234 = arith.constant 24 : i32
          %dma_wait3A_1235 = arith.constant 0 : i32
          %dma_wait3A_1236 = tpu.memref_slice %arg11[%dma_wait3A_1234, %dma_wait3A_1235] : memref<128x72xf32, #tpu.memory_space<vmem>> -> memref<8x72xf32, #tpu.memory_space<vmem>>
          tpu.wait_dma2 semaphore(%arg15 : memref<!tpu.dma_semaphore, #tpu.memory_space<semaphore_mem>>) src(%dma_wait3A_1236 : memref<8x72xf32, #tpu.memory_space<vmem>>) dst(%dma_wait3A_1233 : memref<8x72xf32, #tpu.memory_space<hbm>>)
          %dma_wait3A_1237 = arith.constant 32 : i32
          %dma_wait3A_1238 = arith.constant 0 : i32
          %dma_wait3A_1239 = tpu.memref_slice %arg11[%dma_wait3A_1237, %dma_wait3A_1238] : memref<128x72xf32, #tpu.memory_space<vmem>> -> memref<8x72xf32, #tpu.memory_space<vmem>>
          %dma_wait3A_1240 = arith.constant 32 : i32
          %dma_wait3A_1241 = arith.constant 128 : i32
          %dma_wait3A_1242 = tpu.memref_slice %arg4[%add3A_1172, %dma_wait3A_1240, %dma_wait3A_1241] : memref<4096x128x200xf32, #tpu.memory_space<hbm>> -> memref<1x8x72xf32, #tpu.memory_space<hbm>>
          %dma_wait3A_1243 = tpu.memref_squeeze %dma_wait3A_1242 : memref<1x8x72xf32, #tpu.memory_space<hbm>> -> memref<8x72xf32, #tpu.memory_space<hbm>>
          %dma_wait3A_1244 = arith.constant 32 : i32
          %dma_wait3A_1245 = arith.constant 128 : i32
          %dma_wait3A_1246 = tpu.memref_slice %arg4[%add3A_1172, %dma_wait3A_1244, %dma_wait3A_1245] : memref<4096x128x200xf32, #tpu.memory_space<hbm>> -> memref<1x8x72xf32, #tpu.memory_space<hbm>>
          %dma_wait3A_1247 = tpu.memref_squeeze %dma_wait3A_1246 : memref<1x8x72xf32, #tpu.memory_space<hbm>> -> memref<8x72xf32, #tpu.memory_space<hbm>>
          %dma_wait3A_1248 = arith.constant 32 : i32
          %dma_wait3A_1249 = arith.constant 0 : i32
          %dma_wait3A_1250 = tpu.memref_slice %arg11[%dma_wait3A_1248, %dma_wait3A_1249] : memref<128x72xf32, #tpu.memory_space<vmem>> -> memref<8x72xf32, #tpu.memory_space<vmem>>
          tpu.wait_dma2 semaphore(%arg15 : memref<!tpu.dma_semaphore, #tpu.memory_space<semaphore_mem>>) src(%dma_wait3A_1250 : memref<8x72xf32, #tpu.memory_space<vmem>>) dst(%dma_wait3A_1247 : memref<8x72xf32, #tpu.memory_space<hbm>>)
          %dma_wait3A_1251 = arith.constant 40 : i32
          %dma_wait3A_1252 = arith.constant 0 : i32
          %dma_wait3A_1253 = tpu.memref_slice %arg11[%dma_wait3A_1251, %dma_wait3A_1252] : memref<128x72xf32, #tpu.memory_space<vmem>> -> memref<8x72xf32, #tpu.memory_space<vmem>>
          %dma_wait3A_1254 = arith.constant 40 : i32
          %dma_wait3A_1255 = arith.constant 128 : i32
          %dma_wait3A_1256 = tpu.memref_slice %arg4[%add3A_1172, %dma_wait3A_1254, %dma_wait3A_1255] : memref<4096x128x200xf32, #tpu.memory_space<hbm>> -> memref<1x8x72xf32, #tpu.memory_space<hbm>>
          %dma_wait3A_1257 = tpu.memref_squeeze %dma_wait3A_1256 : memref<1x8x72xf32, #tpu.memory_space<hbm>> -> memref<8x72xf32, #tpu.memory_space<hbm>>
          %dma_wait3A_1258 = arith.constant 40 : i32
          %dma_wait3A_1259 = arith.constant 128 : i32
          %dma_wait3A_1260 = tpu.memref_slice %arg4[%add3A_1172, %dma_wait3A_1258, %dma_wait3A_1259] : memref<4096x128x200xf32, #tpu.memory_space<hbm>> -> memref<1x8x72xf32, #tpu.memory_space<hbm>>
          %dma_wait3A_1261 = tpu.memref_squeeze %dma_wait3A_1260 : memref<1x8x72xf32, #tpu.memory_space<hbm>> -> memref<8x72xf32, #tpu.memory_space<hbm>>
          %dma_wait3A_1262 = arith.constant 40 : i32
          %dma_wait3A_1263 = arith.constant 0 : i32
          %dma_wait3A_1264 = tpu.memref_slice %arg11[%dma_wait3A_1262, %dma_wait3A_1263] : memref<128x72xf32, #tpu.memory_space<vmem>> -> memref<8x72xf32, #tpu.memory_space<vmem>>
          tpu.wait_dma2 semaphore(%arg15 : memref<!tpu.dma_semaphore, #tpu.memory_space<semaphore_mem>>) src(%dma_wait3A_1264 : memref<8x72xf32, #tpu.memory_space<vmem>>) dst(%dma_wait3A_1261 : memref<8x72xf32, #tpu.memory_space<hbm>>)
          %dma_wait3A_1265 = arith.constant 48 : i32
          %dma_wait3A_1266 = arith.constant 0 : i32
          %dma_wait3A_1267 = tpu.memref_slice %arg11[%dma_wait3A_1265, %dma_wait3A_1266] : memref<128x72xf32, #tpu.memory_space<vmem>> -> memref<8x72xf32, #tpu.memory_space<vmem>>
          %dma_wait3A_1268 = arith.constant 48 : i32
          %dma_wait3A_1269 = arith.constant 128 : i32
          %dma_wait3A_1270 = tpu.memref_slice %arg4[%add3A_1172, %dma_wait3A_1268, %dma_wait3A_1269] : memref<4096x128x200xf32, #tpu.memory_space<hbm>> -> memref<1x8x72xf32, #tpu.memory_space<hbm>>
          %dma_wait3A_1271 = tpu.memref_squeeze %dma_wait3A_1270 : memref<1x8x72xf32, #tpu.memory_space<hbm>> -> memref<8x72xf32, #tpu.memory_space<hbm>>
          %dma_wait3A_1272 = arith.constant 48 : i32
          %dma_wait3A_1273 = arith.constant 128 : i32
          %dma_wait3A_1274 = tpu.memref_slice %arg4[%add3A_1172, %dma_wait3A_1272, %dma_wait3A_1273] : memref<4096x128x200xf32, #tpu.memory_space<hbm>> -> memref<1x8x72xf32, #tpu.memory_space<hbm>>
          %dma_wait3A_1275 = tpu.memref_squeeze %dma_wait3A_1274 : memref<1x8x72xf32, #tpu.memory_space<hbm>> -> memref<8x72xf32, #tpu.memory_space<hbm>>
          %dma_wait3A_1276 = arith.constant 48 : i32
          %dma_wait3A_1277 = arith.constant 0 : i32
          %dma_wait3A_1278 = tpu.memref_slice %arg11[%dma_wait3A_1276, %dma_wait3A_1277] : memref<128x72xf32, #tpu.memory_space<vmem>> -> memref<8x72xf32, #tpu.memory_space<vmem>>
          tpu.wait_dma2 semaphore(%arg15 : memref<!tpu.dma_semaphore, #tpu.memory_space<semaphore_mem>>) src(%dma_wait3A_1278 : memref<8x72xf32, #tpu.memory_space<vmem>>) dst(%dma_wait3A_1275 : memref<8x72xf32, #tpu.memory_space<hbm>>)
          %dma_wait3A_1279 = arith.constant 56 : i32
          %dma_wait3A_1280 = arith.constant 0 : i32
          %dma_wait3A_1281 = tpu.memref_slice %arg11[%dma_wait3A_1279, %dma_wait3A_1280] : memref<128x72xf32, #tpu.memory_space<vmem>> -> memref<8x72xf32, #tpu.memory_space<vmem>>
          %dma_wait3A_1282 = arith.constant 56 : i32
          %dma_wait3A_1283 = arith.constant 128 : i32
          %dma_wait3A_1284 = tpu.memref_slice %arg4[%add3A_1172, %dma_wait3A_1282, %dma_wait3A_1283] : memref<4096x128x200xf32, #tpu.memory_space<hbm>> -> memref<1x8x72xf32, #tpu.memory_space<hbm>>
          %dma_wait3A_1285 = tpu.memref_squeeze %dma_wait3A_1284 : memref<1x8x72xf32, #tpu.memory_space<hbm>> -> memref<8x72xf32, #tpu.memory_space<hbm>>
          %dma_wait3A_1286 = arith.constant 56 : i32
          %dma_wait3A_1287 = arith.constant 128 : i32
          %dma_wait3A_1288 = tpu.memref_slice %arg4[%add3A_1172, %dma_wait3A_1286, %dma_wait3A_1287] : memref<4096x128x200xf32, #tpu.memory_space<hbm>> -> memref<1x8x72xf32, #tpu.memory_space<hbm>>
          %dma_wait3A_1289 = tpu.memref_squeeze %dma_wait3A_1288 : memref<1x8x72xf32, #tpu.memory_space<hbm>> -> memref<8x72xf32, #tpu.memory_space<hbm>>
          %dma_wait3A_1290 = arith.constant 56 : i32
          %dma_wait3A_1291 = arith.constant 0 : i32
          %dma_wait3A_1292 = tpu.memref_slice %arg11[%dma_wait3A_1290, %dma_wait3A_1291] : memref<128x72xf32, #tpu.memory_space<vmem>> -> memref<8x72xf32, #tpu.memory_space<vmem>>
          tpu.wait_dma2 semaphore(%arg15 : memref<!tpu.dma_semaphore, #tpu.memory_space<semaphore_mem>>) src(%dma_wait3A_1292 : memref<8x72xf32, #tpu.memory_space<vmem>>) dst(%dma_wait3A_1289 : memref<8x72xf32, #tpu.memory_space<hbm>>)
          %dma_wait3A_1293 = arith.constant 64 : i32
          %dma_wait3A_1294 = arith.constant 0 : i32
          %dma_wait3A_1295 = tpu.memref_slice %arg11[%dma_wait3A_1293, %dma_wait3A_1294] : memref<128x72xf32, #tpu.memory_space<vmem>> -> memref<8x72xf32, #tpu.memory_space<vmem>>
          %dma_wait3A_1296 = arith.constant 64 : i32
          %dma_wait3A_1297 = arith.constant 128 : i32
          %dma_wait3A_1298 = tpu.memref_slice %arg4[%add3A_1172, %dma_wait3A_1296, %dma_wait3A_1297] : memref<4096x128x200xf32, #tpu.memory_space<hbm>> -> memref<1x8x72xf32, #tpu.memory_space<hbm>>
          %dma_wait3A_1299 = tpu.memref_squeeze %dma_wait3A_1298 : memref<1x8x72xf32, #tpu.memory_space<hbm>> -> memref<8x72xf32, #tpu.memory_space<hbm>>
          %dma_wait3A_1300 = arith.constant 64 : i32
          %dma_wait3A_1301 = arith.constant 128 : i32
          %dma_wait3A_1302 = tpu.memref_slice %arg4[%add3A_1172, %dma_wait3A_1300, %dma_wait3A_1301] : memref<4096x128x200xf32, #tpu.memory_space<hbm>> -> memref<1x8x72xf32, #tpu.memory_space<hbm>>
          %dma_wait3A_1303 = tpu.memref_squeeze %dma_wait3A_1302 : memref<1x8x72xf32, #tpu.memory_space<hbm>> -> memref<8x72xf32, #tpu.memory_space<hbm>>
          %dma_wait3A_1304 = arith.constant 64 : i32
          %dma_wait3A_1305 = arith.constant 0 : i32
          %dma_wait3A_1306 = tpu.memref_slice %arg11[%dma_wait3A_1304, %dma_wait3A_1305] : memref<128x72xf32, #tpu.memory_space<vmem>> -> memref<8x72xf32, #tpu.memory_space<vmem>>
          tpu.wait_dma2 semaphore(%arg15 : memref<!tpu.dma_semaphore, #tpu.memory_space<semaphore_mem>>) src(%dma_wait3A_1306 : memref<8x72xf32, #tpu.memory_space<vmem>>) dst(%dma_wait3A_1303 : memref<8x72xf32, #tpu.memory_space<hbm>>)
          %dma_wait3A_1307 = arith.constant 72 : i32
          %dma_wait3A_1308 = arith.constant 0 : i32
          %dma_wait3A_1309 = tpu.memref_slice %arg11[%dma_wait3A_1307, %dma_wait3A_1308] : memref<128x72xf32, #tpu.memory_space<vmem>> -> memref<8x72xf32, #tpu.memory_space<vmem>>
          %dma_wait3A_1310 = arith.constant 72 : i32
          %dma_wait3A_1311 = arith.constant 128 : i32
          %dma_wait3A_1312 = tpu.memref_slice %arg4[%add3A_1172, %dma_wait3A_1310, %dma_wait3A_1311] : memref<4096x128x200xf32, #tpu.memory_space<hbm>> -> memref<1x8x72xf32, #tpu.memory_space<hbm>>
          %dma_wait3A_1313 = tpu.memref_squeeze %dma_wait3A_1312 : memref<1x8x72xf32, #tpu.memory_space<hbm>> -> memref<8x72xf32, #tpu.memory_space<hbm>>
          %dma_wait3A_1314 = arith.constant 72 : i32
          %dma_wait3A_1315 = arith.constant 128 : i32
          %dma_wait3A_1316 = tpu.memref_slice %arg4[%add3A_1172, %dma_wait3A_1314, %dma_wait3A_1315] : memref<4096x128x200xf32, #tpu.memory_space<hbm>> -> memref<1x8x72xf32, #tpu.memory_space<hbm>>
          %dma_wait3A_1317 = tpu.memref_squeeze %dma_wait3A_1316 : memref<1x8x72xf32, #tpu.memory_space<hbm>> -> memref<8x72xf32, #tpu.memory_space<hbm>>
          %dma_wait3A_1318 = arith.constant 72 : i32
          %dma_wait3A_1319 = arith.constant 0 : i32
          %dma_wait3A_1320 = tpu.memref_slice %arg11[%dma_wait3A_1318, %dma_wait3A_1319] : memref<128x72xf32, #tpu.memory_space<vmem>> -> memref<8x72xf32, #tpu.memory_space<vmem>>
          tpu.wait_dma2 semaphore(%arg15 : memref<!tpu.dma_semaphore, #tpu.memory_space<semaphore_mem>>) src(%dma_wait3A_1320 : memref<8x72xf32, #tpu.memory_space<vmem>>) dst(%dma_wait3A_1317 : memref<8x72xf32, #tpu.memory_space<hbm>>)
          %dma_wait3A_1321 = arith.constant 80 : i32
          %dma_wait3A_1322 = arith.constant 0 : i32
          %dma_wait3A_1323 = tpu.memref_slice %arg11[%dma_wait3A_1321, %dma_wait3A_1322] : memref<128x72xf32, #tpu.memory_space<vmem>> -> memref<8x72xf32, #tpu.memory_space<vmem>>
          %dma_wait3A_1324 = arith.constant 80 : i32
          %dma_wait3A_1325 = arith.constant 128 : i32
          %dma_wait3A_1326 = tpu.memref_slice %arg4[%add3A_1172, %dma_wait3A_1324, %dma_wait3A_1325] : memref<4096x128x200xf32, #tpu.memory_space<hbm>> -> memref<1x8x72xf32, #tpu.memory_space<hbm>>
          %dma_wait3A_1327 = tpu.memref_squeeze %dma_wait3A_1326 : memref<1x8x72xf32, #tpu.memory_space<hbm>> -> memref<8x72xf32, #tpu.memory_space<hbm>>
          %dma_wait3A_1328 = arith.constant 80 : i32
          %dma_wait3A_1329 = arith.constant 128 : i32
          %dma_wait3A_1330 = tpu.memref_slice %arg4[%add3A_1172, %dma_wait3A_1328, %dma_wait3A_1329] : memref<4096x128x200xf32, #tpu.memory_space<hbm>> -> memref<1x8x72xf32, #tpu.memory_space<hbm>>
          %dma_wait3A_1331 = tpu.memref_squeeze %dma_wait3A_1330 : memref<1x8x72xf32, #tpu.memory_space<hbm>> -> memref<8x72xf32, #tpu.memory_space<hbm>>
          %dma_wait3A_1332 = arith.constant 80 : i32
          %dma_wait3A_1333 = arith.constant 0 : i32
          %dma_wait3A_1334 = tpu.memref_slice %arg11[%dma_wait3A_1332, %dma_wait3A_1333] : memref<128x72xf32, #tpu.memory_space<vmem>> -> memref<8x72xf32, #tpu.memory_space<vmem>>
          tpu.wait_dma2 semaphore(%arg15 : memref<!tpu.dma_semaphore, #tpu.memory_space<semaphore_mem>>) src(%dma_wait3A_1334 : memref<8x72xf32, #tpu.memory_space<vmem>>) dst(%dma_wait3A_1331 : memref<8x72xf32, #tpu.memory_space<hbm>>)
          %dma_wait3A_1335 = arith.constant 88 : i32
          %dma_wait3A_1336 = arith.constant 0 : i32
          %dma_wait3A_1337 = tpu.memref_slice %arg11[%dma_wait3A_1335, %dma_wait3A_1336] : memref<128x72xf32, #tpu.memory_space<vmem>> -> memref<8x72xf32, #tpu.memory_space<vmem>>
          %dma_wait3A_1338 = arith.constant 88 : i32
          %dma_wait3A_1339 = arith.constant 128 : i32
          %dma_wait3A_1340 = tpu.memref_slice %arg4[%add3A_1172, %dma_wait3A_1338, %dma_wait3A_1339] : memref<4096x128x200xf32, #tpu.memory_space<hbm>> -> memref<1x8x72xf32, #tpu.memory_space<hbm>>
          %dma_wait3A_1341 = tpu.memref_squeeze %dma_wait3A_1340 : memref<1x8x72xf32, #tpu.memory_space<hbm>> -> memref<8x72xf32, #tpu.memory_space<hbm>>
          %dma_wait3A_1342 = arith.constant 88 : i32
          %dma_wait3A_1343 = arith.constant 128 : i32
          %dma_wait3A_1344 = tpu.memref_slice %arg4[%add3A_1172, %dma_wait3A_1342, %dma_wait3A_1343] : memref<4096x128x200xf32, #tpu.memory_space<hbm>> -> memref<1x8x72xf32, #tpu.memory_space<hbm>>
          %dma_wait3A_1345 = tpu.memref_squeeze %dma_wait3A_1344 : memref<1x8x72xf32, #tpu.memory_space<hbm>> -> memref<8x72xf32, #tpu.memory_space<hbm>>
          %dma_wait3A_1346 = arith.constant 88 : i32
          %dma_wait3A_1347 = arith.constant 0 : i32
          %dma_wait3A_1348 = tpu.memref_slice %arg11[%dma_wait3A_1346, %dma_wait3A_1347] : memref<128x72xf32, #tpu.memory_space<vmem>> -> memref<8x72xf32, #tpu.memory_space<vmem>>
          tpu.wait_dma2 semaphore(%arg15 : memref<!tpu.dma_semaphore, #tpu.memory_space<semaphore_mem>>) src(%dma_wait3A_1348 : memref<8x72xf32, #tpu.memory_space<vmem>>) dst(%dma_wait3A_1345 : memref<8x72xf32, #tpu.memory_space<hbm>>)
          %dma_wait3A_1349 = arith.constant 96 : i32
          %dma_wait3A_1350 = arith.constant 0 : i32
          %dma_wait3A_1351 = tpu.memref_slice %arg11[%dma_wait3A_1349, %dma_wait3A_1350] : memref<128x72xf32, #tpu.memory_space<vmem>> -> memref<8x72xf32, #tpu.memory_space<vmem>>
          %dma_wait3A_1352 = arith.constant 96 : i32
          %dma_wait3A_1353 = arith.constant 128 : i32
          %dma_wait3A_1354 = tpu.memref_slice %arg4[%add3A_1172, %dma_wait3A_1352, %dma_wait3A_1353] : memref<4096x128x200xf32, #tpu.memory_space<hbm>> -> memref<1x8x72xf32, #tpu.memory_space<hbm>>
          %dma_wait3A_1355 = tpu.memref_squeeze %dma_wait3A_1354 : memref<1x8x72xf32, #tpu.memory_space<hbm>> -> memref<8x72xf32, #tpu.memory_space<hbm>>
          %dma_wait3A_1356 = arith.constant 96 : i32
          %dma_wait3A_1357 = arith.constant 128 : i32
          %dma_wait3A_1358 = tpu.memref_slice %arg4[%add3A_1172, %dma_wait3A_1356, %dma_wait3A_1357] : memref<4096x128x200xf32, #tpu.memory_space<hbm>> -> memref<1x8x72xf32, #tpu.memory_space<hbm>>
          %dma_wait3A_1359 = tpu.memref_squeeze %dma_wait3A_1358 : memref<1x8x72xf32, #tpu.memory_space<hbm>> -> memref<8x72xf32, #tpu.memory_space<hbm>>
          %dma_wait3A_1360 = arith.constant 96 : i32
          %dma_wait3A_1361 = arith.constant 0 : i32
          %dma_wait3A_1362 = tpu.memref_slice %arg11[%dma_wait3A_1360, %dma_wait3A_1361] : memref<128x72xf32, #tpu.memory_space<vmem>> -> memref<8x72xf32, #tpu.memory_space<vmem>>
          tpu.wait_dma2 semaphore(%arg15 : memref<!tpu.dma_semaphore, #tpu.memory_space<semaphore_mem>>) src(%dma_wait3A_1362 : memref<8x72xf32, #tpu.memory_space<vmem>>) dst(%dma_wait3A_1359 : memref<8x72xf32, #tpu.memory_space<hbm>>)
          %dma_wait3A_1363 = arith.constant 104 : i32
          %dma_wait3A_1364 = arith.constant 0 : i32
          %dma_wait3A_1365 = tpu.memref_slice %arg11[%dma_wait3A_1363, %dma_wait3A_1364] : memref<128x72xf32, #tpu.memory_space<vmem>> -> memref<8x72xf32, #tpu.memory_space<vmem>>
          %dma_wait3A_1366 = arith.constant 104 : i32
          %dma_wait3A_1367 = arith.constant 128 : i32
          %dma_wait3A_1368 = tpu.memref_slice %arg4[%add3A_1172, %dma_wait3A_1366, %dma_wait3A_1367] : memref<4096x128x200xf32, #tpu.memory_space<hbm>> -> memref<1x8x72xf32, #tpu.memory_space<hbm>>
          %dma_wait3A_1369 = tpu.memref_squeeze %dma_wait3A_1368 : memref<1x8x72xf32, #tpu.memory_space<hbm>> -> memref<8x72xf32, #tpu.memory_space<hbm>>
          %dma_wait3A_1370 = arith.constant 104 : i32
          %dma_wait3A_1371 = arith.constant 128 : i32
          %dma_wait3A_1372 = tpu.memref_slice %arg4[%add3A_1172, %dma_wait3A_1370, %dma_wait3A_1371] : memref<4096x128x200xf32, #tpu.memory_space<hbm>> -> memref<1x8x72xf32, #tpu.memory_space<hbm>>
          %dma_wait3A_1373 = tpu.memref_squeeze %dma_wait3A_1372 : memref<1x8x72xf32, #tpu.memory_space<hbm>> -> memref<8x72xf32, #tpu.memory_space<hbm>>
          %dma_wait3A_1374 = arith.constant 104 : i32
          %dma_wait3A_1375 = arith.constant 0 : i32
          %dma_wait3A_1376 = tpu.memref_slice %arg11[%dma_wait3A_1374, %dma_wait3A_1375] : memref<128x72xf32, #tpu.memory_space<vmem>> -> memref<8x72xf32, #tpu.memory_space<vmem>>
          tpu.wait_dma2 semaphore(%arg15 : memref<!tpu.dma_semaphore, #tpu.memory_space<semaphore_mem>>) src(%dma_wait3A_1376 : memref<8x72xf32, #tpu.memory_space<vmem>>) dst(%dma_wait3A_1373 : memref<8x72xf32, #tpu.memory_space<hbm>>)
          %dma_wait3A_1377 = arith.constant 112 : i32
          %dma_wait3A_1378 = arith.constant 0 : i32
          %dma_wait3A_1379 = tpu.memref_slice %arg11[%dma_wait3A_1377, %dma_wait3A_1378] : memref<128x72xf32, #tpu.memory_space<vmem>> -> memref<8x72xf32, #tpu.memory_space<vmem>>
          %dma_wait3A_1380 = arith.constant 112 : i32
          %dma_wait3A_1381 = arith.constant 128 : i32
          %dma_wait3A_1382 = tpu.memref_slice %arg4[%add3A_1172, %dma_wait3A_1380, %dma_wait3A_1381] : memref<4096x128x200xf32, #tpu.memory_space<hbm>> -> memref<1x8x72xf32, #tpu.memory_space<hbm>>
          %dma_wait3A_1383 = tpu.memref_squeeze %dma_wait3A_1382 : memref<1x8x72xf32, #tpu.memory_space<hbm>> -> memref<8x72xf32, #tpu.memory_space<hbm>>
          %dma_wait3A_1384 = arith.constant 112 : i32
          %dma_wait3A_1385 = arith.constant 128 : i32
          %dma_wait3A_1386 = tpu.memref_slice %arg4[%add3A_1172, %dma_wait3A_1384, %dma_wait3A_1385] : memref<4096x128x200xf32, #tpu.memory_space<hbm>> -> memref<1x8x72xf32, #tpu.memory_space<hbm>>
          %dma_wait3A_1387 = tpu.memref_squeeze %dma_wait3A_1386 : memref<1x8x72xf32, #tpu.memory_space<hbm>> -> memref<8x72xf32, #tpu.memory_space<hbm>>
          %dma_wait3A_1388 = arith.constant 112 : i32
          %dma_wait3A_1389 = arith.constant 0 : i32
          %dma_wait3A_1390 = tpu.memref_slice %arg11[%dma_wait3A_1388, %dma_wait3A_1389] : memref<128x72xf32, #tpu.memory_space<vmem>> -> memref<8x72xf32, #tpu.memory_space<vmem>>
          tpu.wait_dma2 semaphore(%arg15 : memref<!tpu.dma_semaphore, #tpu.memory_space<semaphore_mem>>) src(%dma_wait3A_1390 : memref<8x72xf32, #tpu.memory_space<vmem>>) dst(%dma_wait3A_1387 : memref<8x72xf32, #tpu.memory_space<hbm>>)
          %dma_wait3A_1391 = arith.constant 120 : i32
          %dma_wait3A_1392 = arith.constant 0 : i32
          %dma_wait3A_1393 = tpu.memref_slice %arg11[%dma_wait3A_1391, %dma_wait3A_1392] : memref<128x72xf32, #tpu.memory_space<vmem>> -> memref<8x72xf32, #tpu.memory_space<vmem>>
          %dma_wait3A_1394 = arith.constant 120 : i32
          %dma_wait3A_1395 = arith.constant 128 : i32
          %dma_wait3A_1396 = tpu.memref_slice %arg4[%add3A_1172, %dma_wait3A_1394, %dma_wait3A_1395] : memref<4096x128x200xf32, #tpu.memory_space<hbm>> -> memref<1x8x72xf32, #tpu.memory_space<hbm>>
          %dma_wait3A_1397 = tpu.memref_squeeze %dma_wait3A_1396 : memref<1x8x72xf32, #tpu.memory_space<hbm>> -> memref<8x72xf32, #tpu.memory_space<hbm>>
          %dma_wait3A_1398 = arith.constant 120 : i32
          %dma_wait3A_1399 = arith.constant 128 : i32
          %dma_wait3A_1400 = tpu.memref_slice %arg4[%add3A_1172, %dma_wait3A_1398, %dma_wait3A_1399] : memref<4096x128x200xf32, #tpu.memory_space<hbm>> -> memref<1x8x72xf32, #tpu.memory_space<hbm>>
          %dma_wait3A_1401 = tpu.memref_squeeze %dma_wait3A_1400 : memref<1x8x72xf32, #tpu.memory_space<hbm>> -> memref<8x72xf32, #tpu.memory_space<hbm>>
          %dma_wait3A_1402 = arith.constant 120 : i32
          %dma_wait3A_1403 = arith.constant 0 : i32
          %dma_wait3A_1404 = tpu.memref_slice %arg11[%dma_wait3A_1402, %dma_wait3A_1403] : memref<128x72xf32, #tpu.memory_space<vmem>> -> memref<8x72xf32, #tpu.memory_space<vmem>>
          tpu.wait_dma2 semaphore(%arg15 : memref<!tpu.dma_semaphore, #tpu.memory_space<semaphore_mem>>) src(%dma_wait3A_1404 : memref<8x72xf32, #tpu.memory_space<vmem>>) dst(%dma_wait3A_1401 : memref<8x72xf32, #tpu.memory_space<hbm>>)
        } else {
        }
        %scan3A_922 = arith.constant 0 : i32
        %scan3A_923 = arith.constant 0 : i32
        %scan3A_924 = arith.constant 8 : i32
        %scan3A_925 = arith.addi %scan3A_923, %scan3A_924 : i32
        %scan3A_926 = arith.constant 1 : i32
        scf.for %scan3A_1169 = %scan3A_923 to %scan3A_925 step %scan3A_926  : i32 {
          %mul3A_1170 = arith.constant 16 : i32
          %mul3A_1171 = arith.muli %scan3A_1169, %mul3A_1170 : i32
          %scan3A_1172 = arith.constant 0 : i32
          %scan3A_1173 = arith.constant 0 : i32
          %scan3A_1174 = arith.constant 16 : i32
          %scan3A_1175 = arith.addi %scan3A_1173, %scan3A_1174 : i32
          %scan3A_1176 = arith.constant 4 : i32
          scf.for %scan3A_1178 = %scan3A_1173 to %scan3A_1175 step %scan3A_1176  : i32 {
            %add3A_1179 = vector.broadcast %scan3A_1178 : i32 to vector<16xi32>
            %add3A_1180 = arith.addi %iota3A, %add3A_1179 : vector<16xi32>
            %and3A_1181 = arith.constant 15 : i32
            %and3A_1182 = vector.broadcast %and3A_1181 : i32 to vector<16xi32>
            %and3A_1183 = arith.andi %add3A_1180, %and3A_1182 : vector<16xi32>
            %add3A_1184 = vector.broadcast %mul3A_1171 : i32 to vector<16xi32>
            %add3A_1185 = arith.addi %and3A_1183, %add3A_1184 : vector<16xi32>
            %gather3A = tpu.vector_load_idx %arg7[%add3A_1185, %add3A_3] : memref<200x128xf32, #tpu.memory_space<vmem>>[vector<16xi32>, vector<16xi32>], vector<16xf32>,
            %gather3A_1186 = tpu.vector_load_idx %arg7[%add3A_1185, %add3A_6] : memref<200x128xf32, #tpu.memory_space<vmem>>[vector<16xi32>, vector<16xi32>], vector<16xf32>,
            %gather3A_1187 = tpu.vector_load_idx %arg7[%add3A_1185, %add3A_9] : memref<200x128xf32, #tpu.memory_space<vmem>>[vector<16xi32>, vector<16xi32>], vector<16xf32>,
            %gather3A_1188 = tpu.vector_load_idx %arg7[%add3A_1185, %add3A_12] : memref<200x128xf32, #tpu.memory_space<vmem>>[vector<16xi32>, vector<16xi32>], vector<16xf32>,
            %gather3A_1189 = tpu.vector_load_idx %arg7[%add3A_1185, %add3A_15] : memref<200x128xf32, #tpu.memory_space<vmem>>[vector<16xi32>, vector<16xi32>], vector<16xf32>,
            %gather3A_1190 = tpu.vector_load_idx %arg7[%add3A_1185, %add3A_18] : memref<200x128xf32, #tpu.memory_space<vmem>>[vector<16xi32>, vector<16xi32>], vector<16xf32>,
            %gather3A_1191 = tpu.vector_load_idx %arg7[%add3A_1185, %add3A_21] : memref<200x128xf32, #tpu.memory_space<vmem>>[vector<16xi32>, vector<16xi32>], vector<16xf32>,
            %gather3A_1192 = tpu.vector_load_idx %arg7[%add3A_1185, %add3A_24] : memref<200x128xf32, #tpu.memory_space<vmem>>[vector<16xi32>, vector<16xi32>], vector<16xf32>,
            tpu.vector_store_idx %arg10[%add3A_3, %add3A_1185], %gather3A : memref<128x128xf32, #tpu.memory_space<vmem>>[vector<16xi32>, vector<16xi32>], vector<16xf32>,
            tpu.vector_store_idx %arg10[%add3A_6, %add3A_1185], %gather3A_1186 : memref<128x128xf32, #tpu.memory_space<vmem>>[vector<16xi32>, vector<16xi32>], vector<16xf32>,
            tpu.vector_store_idx %arg10[%add3A_9, %add3A_1185], %gather3A_1187 : memref<128x128xf32, #tpu.memory_space<vmem>>[vector<16xi32>, vector<16xi32>], vector<16xf32>,
            tpu.vector_store_idx %arg10[%add3A_12, %add3A_1185], %gather3A_1188 : memref<128x128xf32, #tpu.memory_space<vmem>>[vector<16xi32>, vector<16xi32>], vector<16xf32>,
            tpu.vector_store_idx %arg10[%add3A_15, %add3A_1185], %gather3A_1189 : memref<128x128xf32, #tpu.memory_space<vmem>>[vector<16xi32>, vector<16xi32>], vector<16xf32>,
            tpu.vector_store_idx %arg10[%add3A_18, %add3A_1185], %gather3A_1190 : memref<128x128xf32, #tpu.memory_space<vmem>>[vector<16xi32>, vector<16xi32>], vector<16xf32>,
            tpu.vector_store_idx %arg10[%add3A_21, %add3A_1185], %gather3A_1191 : memref<128x128xf32, #tpu.memory_space<vmem>>[vector<16xi32>, vector<16xi32>], vector<16xf32>,
            tpu.vector_store_idx %arg10[%add3A_24, %add3A_1185], %gather3A_1192 : memref<128x128xf32, #tpu.memory_space<vmem>>[vector<16xi32>, vector<16xi32>], vector<16xf32>,
            %scan3A_1193 = arith.constant 1 : i32
            %scan3A_1194 = arith.addi %scan3A_1178, %scan3A_1193 : i32
            %add3A_1195 = vector.broadcast %scan3A_1194 : i32 to vector<16xi32>
            %add3A_1196 = arith.addi %iota3A, %add3A_1195 : vector<16xi32>
            %and3A_1197 = arith.constant 15 : i32
            %and3A_1198 = vector.broadcast %and3A_1197 : i32 to vector<16xi32>
            %and3A_1199 = arith.andi %add3A_1196, %and3A_1198 : vector<16xi32>
            %add3A_1200 = vector.broadcast %mul3A_1171 : i32 to vector<16xi32>
            %add3A_1201 = arith.addi %and3A_1199, %add3A_1200 : vector<16xi32>
            %gather3A_1202 = tpu.vector_load_idx %arg7[%add3A_1201, %add3A_3] : memref<200x128xf32, #tpu.memory_space<vmem>>[vector<16xi32>, vector<16xi32>], vector<16xf32>,
            %gather3A_1203 = tpu.vector_load_idx %arg7[%add3A_1201, %add3A_6] : memref<200x128xf32, #tpu.memory_space<vmem>>[vector<16xi32>, vector<16xi32>], vector<16xf32>,
            %gather3A_1204 = tpu.vector_load_idx %arg7[%add3A_1201, %add3A_9] : memref<200x128xf32, #tpu.memory_space<vmem>>[vector<16xi32>, vector<16xi32>], vector<16xf32>,
            %gather3A_1205 = tpu.vector_load_idx %arg7[%add3A_1201, %add3A_12] : memref<200x128xf32, #tpu.memory_space<vmem>>[vector<16xi32>, vector<16xi32>], vector<16xf32>,
            %gather3A_1206 = tpu.vector_load_idx %arg7[%add3A_1201, %add3A_15] : memref<200x128xf32, #tpu.memory_space<vmem>>[vector<16xi32>, vector<16xi32>], vector<16xf32>,
            %gather3A_1207 = tpu.vector_load_idx %arg7[%add3A_1201, %add3A_18] : memref<200x128xf32, #tpu.memory_space<vmem>>[vector<16xi32>, vector<16xi32>], vector<16xf32>,
            %gather3A_1208 = tpu.vector_load_idx %arg7[%add3A_1201, %add3A_21] : memref<200x128xf32, #tpu.memory_space<vmem>>[vector<16xi32>, vector<16xi32>], vector<16xf32>,
            %gather3A_1209 = tpu.vector_load_idx %arg7[%add3A_1201, %add3A_24] : memref<200x128xf32, #tpu.memory_space<vmem>>[vector<16xi32>, vector<16xi32>], vector<16xf32>,
            tpu.vector_store_idx %arg10[%add3A_3, %add3A_1201], %gather3A_1202 : memref<128x128xf32, #tpu.memory_space<vmem>>[vector<16xi32>, vector<16xi32>], vector<16xf32>,
            tpu.vector_store_idx %arg10[%add3A_6, %add3A_1201], %gather3A_1203 : memref<128x128xf32, #tpu.memory_space<vmem>>[vector<16xi32>, vector<16xi32>], vector<16xf32>,
            tpu.vector_store_idx %arg10[%add3A_9, %add3A_1201], %gather3A_1204 : memref<128x128xf32, #tpu.memory_space<vmem>>[vector<16xi32>, vector<16xi32>], vector<16xf32>,
            tpu.vector_store_idx %arg10[%add3A_12, %add3A_1201], %gather3A_1205 : memref<128x128xf32, #tpu.memory_space<vmem>>[vector<16xi32>, vector<16xi32>], vector<16xf32>,
            tpu.vector_store_idx %arg10[%add3A_15, %add3A_1201], %gather3A_1206 : memref<128x128xf32, #tpu.memory_space<vmem>>[vector<16xi32>, vector<16xi32>], vector<16xf32>,
            tpu.vector_store_idx %arg10[%add3A_18, %add3A_1201], %gather3A_1207 : memref<128x128xf32, #tpu.memory_space<vmem>>[vector<16xi32>, vector<16xi32>], vector<16xf32>,
            tpu.vector_store_idx %arg10[%add3A_21, %add3A_1201], %gather3A_1208 : memref<128x128xf32, #tpu.memory_space<vmem>>[vector<16xi32>, vector<16xi32>], vector<16xf32>,
            tpu.vector_store_idx %arg10[%add3A_24, %add3A_1201], %gather3A_1209 : memref<128x128xf32, #tpu.memory_space<vmem>>[vector<16xi32>, vector<16xi32>], vector<16xf32>,
            %scan3A_1210 = arith.constant 2 : i32
            %scan3A_1211 = arith.addi %scan3A_1178, %scan3A_1210 : i32
            %add3A_1212 = vector.broadcast %scan3A_1211 : i32 to vector<16xi32>
            %add3A_1213 = arith.addi %iota3A, %add3A_1212 : vector<16xi32>
            %and3A_1214 = arith.constant 15 : i32
            %and3A_1215 = vector.broadcast %and3A_1214 : i32 to vector<16xi32>
            %and3A_1216 = arith.andi %add3A_1213, %and3A_1215 : vector<16xi32>
            %add3A_1217 = vector.broadcast %mul3A_1171 : i32 to vector<16xi32>
            %add3A_1218 = arith.addi %and3A_1216, %add3A_1217 : vector<16xi32>
            %gather3A_1219 = tpu.vector_load_idx %arg7[%add3A_1218, %add3A_3] : memref<200x128xf32, #tpu.memory_space<vmem>>[vector<16xi32>, vector<16xi32>], vector<16xf32>,
            %gather3A_1220 = tpu.vector_load_idx %arg7[%add3A_1218, %add3A_6] : memref<200x128xf32, #tpu.memory_space<vmem>>[vector<16xi32>, vector<16xi32>], vector<16xf32>,
            %gather3A_1221 = tpu.vector_load_idx %arg7[%add3A_1218, %add3A_9] : memref<200x128xf32, #tpu.memory_space<vmem>>[vector<16xi32>, vector<16xi32>], vector<16xf32>,
            %gather3A_1222 = tpu.vector_load_idx %arg7[%add3A_1218, %add3A_12] : memref<200x128xf32, #tpu.memory_space<vmem>>[vector<16xi32>, vector<16xi32>], vector<16xf32>,
            %gather3A_1223 = tpu.vector_load_idx %arg7[%add3A_1218, %add3A_15] : memref<200x128xf32, #tpu.memory_space<vmem>>[vector<16xi32>, vector<16xi32>], vector<16xf32>,
            %gather3A_1224 = tpu.vector_load_idx %arg7[%add3A_1218, %add3A_18] : memref<200x128xf32, #tpu.memory_space<vmem>>[vector<16xi32>, vector<16xi32>], vector<16xf32>,
            %gather3A_1225 = tpu.vector_load_idx %arg7[%add3A_1218, %add3A_21] : memref<200x128xf32, #tpu.memory_space<vmem>>[vector<16xi32>, vector<16xi32>], vector<16xf32>,
            %gather3A_1226 = tpu.vector_load_idx %arg7[%add3A_1218, %add3A_24] : memref<200x128xf32, #tpu.memory_space<vmem>>[vector<16xi32>, vector<16xi32>], vector<16xf32>,
            tpu.vector_store_idx %arg10[%add3A_3, %add3A_1218], %gather3A_1219 : memref<128x128xf32, #tpu.memory_space<vmem>>[vector<16xi32>, vector<16xi32>], vector<16xf32>,
            tpu.vector_store_idx %arg10[%add3A_6, %add3A_1218], %gather3A_1220 : memref<128x128xf32, #tpu.memory_space<vmem>>[vector<16xi32>, vector<16xi32>], vector<16xf32>,
            tpu.vector_store_idx %arg10[%add3A_9, %add3A_1218], %gather3A_1221 : memref<128x128xf32, #tpu.memory_space<vmem>>[vector<16xi32>, vector<16xi32>], vector<16xf32>,
            tpu.vector_store_idx %arg10[%add3A_12, %add3A_1218], %gather3A_1222 : memref<128x128xf32, #tpu.memory_space<vmem>>[vector<16xi32>, vector<16xi32>], vector<16xf32>,
            tpu.vector_store_idx %arg10[%add3A_15, %add3A_1218], %gather3A_1223 : memref<128x128xf32, #tpu.memory_space<vmem>>[vector<16xi32>, vector<16xi32>], vector<16xf32>,
            tpu.vector_store_idx %arg10[%add3A_18, %add3A_1218], %gather3A_1224 : memref<128x128xf32, #tpu.memory_space<vmem>>[vector<16xi32>, vector<16xi32>], vector<16xf32>,
            tpu.vector_store_idx %arg10[%add3A_21, %add3A_1218], %gather3A_1225 : memref<128x128xf32, #tpu.memory_space<vmem>>[vector<16xi32>, vector<16xi32>], vector<16xf32>,
            tpu.vector_store_idx %arg10[%add3A_24, %add3A_1218], %gather3A_1226 : memref<128x128xf32, #tpu.memory_space<vmem>>[vector<16xi32>, vector<16xi32>], vector<16xf32>,
            %scan3A_1227 = arith.constant 3 : i32
            %scan3A_1228 = arith.addi %scan3A_1178, %scan3A_1227 : i32
            %add3A_1229 = vector.broadcast %scan3A_1228 : i32 to vector<16xi32>
            %add3A_1230 = arith.addi %iota3A, %add3A_1229 : vector<16xi32>
            %and3A_1231 = arith.constant 15 : i32
            %and3A_1232 = vector.broadcast %and3A_1231 : i32 to vector<16xi32>
            %and3A_1233 = arith.andi %add3A_1230, %and3A_1232 : vector<16xi32>
            %add3A_1234 = vector.broadcast %mul3A_1171 : i32 to vector<16xi32>
            %add3A_1235 = arith.addi %and3A_1233, %add3A_1234 : vector<16xi32>
            %gather3A_1236 = tpu.vector_load_idx %arg7[%add3A_1235, %add3A_3] : memref<200x128xf32, #tpu.memory_space<vmem>>[vector<16xi32>, vector<16xi32>], vector<16xf32>,
            %gather3A_1237 = tpu.vector_load_idx %arg7[%add3A_1235, %add3A_6] : memref<200x128xf32, #tpu.memory_space<vmem>>[vector<16xi32>, vector<16xi32>], vector<16xf32>,
            %gather3A_1238 = tpu.vector_load_idx %arg7[%add3A_1235, %add3A_9] : memref<200x128xf32, #tpu.memory_space<vmem>>[vector<16xi32>, vector<16xi32>], vector<16xf32>,
            %gather3A_1239 = tpu.vector_load_idx %arg7[%add3A_1235, %add3A_12] : memref<200x128xf32, #tpu.memory_space<vmem>>[vector<16xi32>, vector<16xi32>], vector<16xf32>,
            %gather3A_1240 = tpu.vector_load_idx %arg7[%add3A_1235, %add3A_15] : memref<200x128xf32, #tpu.memory_space<vmem>>[vector<16xi32>, vector<16xi32>], vector<16xf32>,
            %gather3A_1241 = tpu.vector_load_idx %arg7[%add3A_1235, %add3A_18] : memref<200x128xf32, #tpu.memory_space<vmem>>[vector<16xi32>, vector<16xi32>], vector<16xf32>,
            %gather3A_1242 = tpu.vector_load_idx %arg7[%add3A_1235, %add3A_21] : memref<200x128xf32, #tpu.memory_space<vmem>>[vector<16xi32>, vector<16xi32>], vector<16xf32>,
            %gather3A_1243 = tpu.vector_load_idx %arg7[%add3A_1235, %add3A_24] : memref<200x128xf32, #tpu.memory_space<vmem>>[vector<16xi32>, vector<16xi32>], vector<16xf32>,
            tpu.vector_store_idx %arg10[%add3A_3, %add3A_1235], %gather3A_1236 : memref<128x128xf32, #tpu.memory_space<vmem>>[vector<16xi32>, vector<16xi32>], vector<16xf32>,
            tpu.vector_store_idx %arg10[%add3A_6, %add3A_1235], %gather3A_1237 : memref<128x128xf32, #tpu.memory_space<vmem>>[vector<16xi32>, vector<16xi32>], vector<16xf32>,
            tpu.vector_store_idx %arg10[%add3A_9, %add3A_1235], %gather3A_1238 : memref<128x128xf32, #tpu.memory_space<vmem>>[vector<16xi32>, vector<16xi32>], vector<16xf32>,
            tpu.vector_store_idx %arg10[%add3A_12, %add3A_1235], %gather3A_1239 : memref<128x128xf32, #tpu.memory_space<vmem>>[vector<16xi32>, vector<16xi32>], vector<16xf32>,
            tpu.vector_store_idx %arg10[%add3A_15, %add3A_1235], %gather3A_1240 : memref<128x128xf32, #tpu.memory_space<vmem>>[vector<16xi32>, vector<16xi32>], vector<16xf32>,
            tpu.vector_store_idx %arg10[%add3A_18, %add3A_1235], %gather3A_1241 : memref<128x128xf32, #tpu.memory_space<vmem>>[vector<16xi32>, vector<16xi32>], vector<16xf32>,
            tpu.vector_store_idx %arg10[%add3A_21, %add3A_1235], %gather3A_1242 : memref<128x128xf32, #tpu.memory_space<vmem>>[vector<16xi32>, vector<16xi32>], vector<16xf32>,
            tpu.vector_store_idx %arg10[%add3A_24, %add3A_1235], %gather3A_1243 : memref<128x128xf32, #tpu.memory_space<vmem>>[vector<16xi32>, vector<16xi32>], vector<16xf32>,
          }
          %scan3A_1177 = arith.constant 16 : i32
        }
        %scan3A_927 = arith.constant 8 : i32
        %scan3A_928 = arith.constant 0 : i32
        %scan3A_929 = arith.constant 0 : i32
        %scan3A_930 = arith.constant 5 : i32
        %scan3A_931 = arith.addi %scan3A_929, %scan3A_930 : i32
        %scan3A_932 = arith.constant 1 : i32
        scf.for %scan3A_1169 = %scan3A_929 to %scan3A_931 step %scan3A_932  : i32 {
          %mul3A_1170 = arith.constant 16 : i32
          %mul3A_1171 = arith.muli %scan3A_1169, %mul3A_1170 : i32
          %scan3A_1172 = arith.constant 0 : i32
          %scan3A_1173 = arith.constant 0 : i32
          %scan3A_1174 = arith.constant 16 : i32
          %scan3A_1175 = arith.addi %scan3A_1173, %scan3A_1174 : i32
          %scan3A_1176 = arith.constant 4 : i32
          scf.for %scan3A_1178 = %scan3A_1173 to %scan3A_1175 step %scan3A_1176  : i32 {
            %add3A_1179 = vector.broadcast %scan3A_1178 : i32 to vector<16xi32>
            %add3A_1180 = arith.addi %iota3A, %add3A_1179 : vector<16xi32>
            %and3A_1181 = arith.constant 15 : i32
            %and3A_1182 = vector.broadcast %and3A_1181 : i32 to vector<16xi32>
            %and3A_1183 = arith.andi %add3A_1180, %and3A_1182 : vector<16xi32>
            %add3A_1184 = vector.broadcast %mul3A_1171 : i32 to vector<16xi32>
            %add3A_1185 = arith.addi %and3A_1183, %add3A_1184 : vector<16xi32>
            %lt3A_1186 = arith.constant 72 : i32
            %lt3A_1187 = vector.broadcast %lt3A_1186 : i32 to vector<16xi32>
            %lt3A_1188 = arith.cmpi slt, %add3A_1185, %lt3A_1187 : vector<16xi32>
            %add3A_1189 = arith.constant 128 : i32
            %add3A_1190 = vector.broadcast %add3A_1189 : i32 to vector<16xi32>
            %add3A_1191 = arith.addi %add3A_1185, %add3A_1190 : vector<16xi32>
            %gather3A = tpu.vector_load_idx %arg7[%add3A_1191, %add3A_3] masked %lt3A_1188 : memref<200x128xf32, #tpu.memory_space<vmem>>[vector<16xi32>, vector<16xi32>], vector<16xf32>, vector<16xi1>
            %gather3A_1192 = tpu.vector_load_idx %arg7[%add3A_1191, %add3A_6] masked %lt3A_1188 : memref<200x128xf32, #tpu.memory_space<vmem>>[vector<16xi32>, vector<16xi32>], vector<16xf32>, vector<16xi1>
            %gather3A_1193 = tpu.vector_load_idx %arg7[%add3A_1191, %add3A_9] masked %lt3A_1188 : memref<200x128xf32, #tpu.memory_space<vmem>>[vector<16xi32>, vector<16xi32>], vector<16xf32>, vector<16xi1>
            %gather3A_1194 = tpu.vector_load_idx %arg7[%add3A_1191, %add3A_12] masked %lt3A_1188 : memref<200x128xf32, #tpu.memory_space<vmem>>[vector<16xi32>, vector<16xi32>], vector<16xf32>, vector<16xi1>
            %gather3A_1195 = tpu.vector_load_idx %arg7[%add3A_1191, %add3A_15] masked %lt3A_1188 : memref<200x128xf32, #tpu.memory_space<vmem>>[vector<16xi32>, vector<16xi32>], vector<16xf32>, vector<16xi1>
            %gather3A_1196 = tpu.vector_load_idx %arg7[%add3A_1191, %add3A_18] masked %lt3A_1188 : memref<200x128xf32, #tpu.memory_space<vmem>>[vector<16xi32>, vector<16xi32>], vector<16xf32>, vector<16xi1>
            %gather3A_1197 = tpu.vector_load_idx %arg7[%add3A_1191, %add3A_21] masked %lt3A_1188 : memref<200x128xf32, #tpu.memory_space<vmem>>[vector<16xi32>, vector<16xi32>], vector<16xf32>, vector<16xi1>
            %gather3A_1198 = tpu.vector_load_idx %arg7[%add3A_1191, %add3A_24] masked %lt3A_1188 : memref<200x128xf32, #tpu.memory_space<vmem>>[vector<16xi32>, vector<16xi32>], vector<16xf32>, vector<16xi1>
            tpu.vector_store_idx %arg11[%add3A_3, %add3A_1185], %gather3A masked %lt3A_1188 : memref<128x72xf32, #tpu.memory_space<vmem>>[vector<16xi32>, vector<16xi32>], vector<16xf32>, vector<16xi1>
            tpu.vector_store_idx %arg11[%add3A_6, %add3A_1185], %gather3A_1192 masked %lt3A_1188 : memref<128x72xf32, #tpu.memory_space<vmem>>[vector<16xi32>, vector<16xi32>], vector<16xf32>, vector<16xi1>
            tpu.vector_store_idx %arg11[%add3A_9, %add3A_1185], %gather3A_1193 masked %lt3A_1188 : memref<128x72xf32, #tpu.memory_space<vmem>>[vector<16xi32>, vector<16xi32>], vector<16xf32>, vector<16xi1>
            tpu.vector_store_idx %arg11[%add3A_12, %add3A_1185], %gather3A_1194 masked %lt3A_1188 : memref<128x72xf32, #tpu.memory_space<vmem>>[vector<16xi32>, vector<16xi32>], vector<16xf32>, vector<16xi1>
            tpu.vector_store_idx %arg11[%add3A_15, %add3A_1185], %gather3A_1195 masked %lt3A_1188 : memref<128x72xf32, #tpu.memory_space<vmem>>[vector<16xi32>, vector<16xi32>], vector<16xf32>, vector<16xi1>
            tpu.vector_store_idx %arg11[%add3A_18, %add3A_1185], %gather3A_1196 masked %lt3A_1188 : memref<128x72xf32, #tpu.memory_space<vmem>>[vector<16xi32>, vector<16xi32>], vector<16xf32>, vector<16xi1>
            tpu.vector_store_idx %arg11[%add3A_21, %add3A_1185], %gather3A_1197 masked %lt3A_1188 : memref<128x72xf32, #tpu.memory_space<vmem>>[vector<16xi32>, vector<16xi32>], vector<16xf32>, vector<16xi1>
            tpu.vector_store_idx %arg11[%add3A_24, %add3A_1185], %gather3A_1198 masked %lt3A_1188 : memref<128x72xf32, #tpu.memory_space<vmem>>[vector<16xi32>, vector<16xi32>], vector<16xf32>, vector<16xi1>
            %scan3A_1199 = arith.constant 1 : i32
            %scan3A_1200 = arith.addi %scan3A_1178, %scan3A_1199 : i32
            %add3A_1201 = vector.broadcast %scan3A_1200 : i32 to vector<16xi32>
            %add3A_1202 = arith.addi %iota3A, %add3A_1201 : vector<16xi32>
            %and3A_1203 = arith.constant 15 : i32
            %and3A_1204 = vector.broadcast %and3A_1203 : i32 to vector<16xi32>
            %and3A_1205 = arith.andi %add3A_1202, %and3A_1204 : vector<16xi32>
            %add3A_1206 = vector.broadcast %mul3A_1171 : i32 to vector<16xi32>
            %add3A_1207 = arith.addi %and3A_1205, %add3A_1206 : vector<16xi32>
            %lt3A_1208 = arith.constant 72 : i32
            %lt3A_1209 = vector.broadcast %lt3A_1208 : i32 to vector<16xi32>
            %lt3A_1210 = arith.cmpi slt, %add3A_1207, %lt3A_1209 : vector<16xi32>
            %add3A_1211 = arith.constant 128 : i32
            %add3A_1212 = vector.broadcast %add3A_1211 : i32 to vector<16xi32>
            %add3A_1213 = arith.addi %add3A_1207, %add3A_1212 : vector<16xi32>
            %gather3A_1214 = tpu.vector_load_idx %arg7[%add3A_1213, %add3A_3] masked %lt3A_1210 : memref<200x128xf32, #tpu.memory_space<vmem>>[vector<16xi32>, vector<16xi32>], vector<16xf32>, vector<16xi1>
            %gather3A_1215 = tpu.vector_load_idx %arg7[%add3A_1213, %add3A_6] masked %lt3A_1210 : memref<200x128xf32, #tpu.memory_space<vmem>>[vector<16xi32>, vector<16xi32>], vector<16xf32>, vector<16xi1>
            %gather3A_1216 = tpu.vector_load_idx %arg7[%add3A_1213, %add3A_9] masked %lt3A_1210 : memref<200x128xf32, #tpu.memory_space<vmem>>[vector<16xi32>, vector<16xi32>], vector<16xf32>, vector<16xi1>
            %gather3A_1217 = tpu.vector_load_idx %arg7[%add3A_1213, %add3A_12] masked %lt3A_1210 : memref<200x128xf32, #tpu.memory_space<vmem>>[vector<16xi32>, vector<16xi32>], vector<16xf32>, vector<16xi1>
            %gather3A_1218 = tpu.vector_load_idx %arg7[%add3A_1213, %add3A_15] masked %lt3A_1210 : memref<200x128xf32, #tpu.memory_space<vmem>>[vector<16xi32>, vector<16xi32>], vector<16xf32>, vector<16xi1>
            %gather3A_1219 = tpu.vector_load_idx %arg7[%add3A_1213, %add3A_18] masked %lt3A_1210 : memref<200x128xf32, #tpu.memory_space<vmem>>[vector<16xi32>, vector<16xi32>], vector<16xf32>, vector<16xi1>
            %gather3A_1220 = tpu.vector_load_idx %arg7[%add3A_1213, %add3A_21] masked %lt3A_1210 : memref<200x128xf32, #tpu.memory_space<vmem>>[vector<16xi32>, vector<16xi32>], vector<16xf32>, vector<16xi1>
            %gather3A_1221 = tpu.vector_load_idx %arg7[%add3A_1213, %add3A_24] masked %lt3A_1210 : memref<200x128xf32, #tpu.memory_space<vmem>>[vector<16xi32>, vector<16xi32>], vector<16xf32>, vector<16xi1>
            tpu.vector_store_idx %arg11[%add3A_3, %add3A_1207], %gather3A_1214 masked %lt3A_1210 : memref<128x72xf32, #tpu.memory_space<vmem>>[vector<16xi32>, vector<16xi32>], vector<16xf32>, vector<16xi1>
            tpu.vector_store_idx %arg11[%add3A_6, %add3A_1207], %gather3A_1215 masked %lt3A_1210 : memref<128x72xf32, #tpu.memory_space<vmem>>[vector<16xi32>, vector<16xi32>], vector<16xf32>, vector<16xi1>
            tpu.vector_store_idx %arg11[%add3A_9, %add3A_1207], %gather3A_1216 masked %lt3A_1210 : memref<128x72xf32, #tpu.memory_space<vmem>>[vector<16xi32>, vector<16xi32>], vector<16xf32>, vector<16xi1>
            tpu.vector_store_idx %arg11[%add3A_12, %add3A_1207], %gather3A_1217 masked %lt3A_1210 : memref<128x72xf32, #tpu.memory_space<vmem>>[vector<16xi32>, vector<16xi32>], vector<16xf32>, vector<16xi1>
            tpu.vector_store_idx %arg11[%add3A_15, %add3A_1207], %gather3A_1218 masked %lt3A_1210 : memref<128x72xf32, #tpu.memory_space<vmem>>[vector<16xi32>, vector<16xi32>], vector<16xf32>, vector<16xi1>
            tpu.vector_store_idx %arg11[%add3A_18, %add3A_1207], %gather3A_1219 masked %lt3A_1210 : memref<128x72xf32, #tpu.memory_space<vmem>>[vector<16xi32>, vector<16xi32>], vector<16xf32>, vector<16xi1>
            tpu.vector_store_idx %arg11[%add3A_21, %add3A_1207], %gather3A_1220 masked %lt3A_1210 : memref<128x72xf32, #tpu.memory_space<vmem>>[vector<16xi32>, vector<16xi32>], vector<16xf32>, vector<16xi1>
            tpu.vector_store_idx %arg11[%add3A_24, %add3A_1207], %gather3A_1221 masked %lt3A_1210 : memref<128x72xf32, #tpu.memory_space<vmem>>[vector<16xi32>, vector<16xi32>], vector<16xf32>, vector<16xi1>
            %scan3A_1222 = arith.constant 2 : i32
            %scan3A_1223 = arith.addi %scan3A_1178, %scan3A_1222 : i32
            %add3A_1224 = vector.broadcast %scan3A_1223 : i32 to vector<16xi32>
            %add3A_1225 = arith.addi %iota3A, %add3A_1224 : vector<16xi32>
            %and3A_1226 = arith.constant 15 : i32
            %and3A_1227 = vector.broadcast %and3A_1226 : i32 to vector<16xi32>
            %and3A_1228 = arith.andi %add3A_1225, %and3A_1227 : vector<16xi32>
            %add3A_1229 = vector.broadcast %mul3A_1171 : i32 to vector<16xi32>
            %add3A_1230 = arith.addi %and3A_1228, %add3A_1229 : vector<16xi32>
            %lt3A_1231 = arith.constant 72 : i32
            %lt3A_1232 = vector.broadcast %lt3A_1231 : i32 to vector<16xi32>
            %lt3A_1233 = arith.cmpi slt, %add3A_1230, %lt3A_1232 : vector<16xi32>
            %add3A_1234 = arith.constant 128 : i32
            %add3A_1235 = vector.broadcast %add3A_1234 : i32 to vector<16xi32>
            %add3A_1236 = arith.addi %add3A_1230, %add3A_1235 : vector<16xi32>
            %gather3A_1237 = tpu.vector_load_idx %arg7[%add3A_1236, %add3A_3] masked %lt3A_1233 : memref<200x128xf32, #tpu.memory_space<vmem>>[vector<16xi32>, vector<16xi32>], vector<16xf32>, vector<16xi1>
            %gather3A_1238 = tpu.vector_load_idx %arg7[%add3A_1236, %add3A_6] masked %lt3A_1233 : memref<200x128xf32, #tpu.memory_space<vmem>>[vector<16xi32>, vector<16xi32>], vector<16xf32>, vector<16xi1>
            %gather3A_1239 = tpu.vector_load_idx %arg7[%add3A_1236, %add3A_9] masked %lt3A_1233 : memref<200x128xf32, #tpu.memory_space<vmem>>[vector<16xi32>, vector<16xi32>], vector<16xf32>, vector<16xi1>
            %gather3A_1240 = tpu.vector_load_idx %arg7[%add3A_1236, %add3A_12] masked %lt3A_1233 : memref<200x128xf32, #tpu.memory_space<vmem>>[vector<16xi32>, vector<16xi32>], vector<16xf32>, vector<16xi1>
            %gather3A_1241 = tpu.vector_load_idx %arg7[%add3A_1236, %add3A_15] masked %lt3A_1233 : memref<200x128xf32, #tpu.memory_space<vmem>>[vector<16xi32>, vector<16xi32>], vector<16xf32>, vector<16xi1>
            %gather3A_1242 = tpu.vector_load_idx %arg7[%add3A_1236, %add3A_18] masked %lt3A_1233 : memref<200x128xf32, #tpu.memory_space<vmem>>[vector<16xi32>, vector<16xi32>], vector<16xf32>, vector<16xi1>
            %gather3A_1243 = tpu.vector_load_idx %arg7[%add3A_1236, %add3A_21] masked %lt3A_1233 : memref<200x128xf32, #tpu.memory_space<vmem>>[vector<16xi32>, vector<16xi32>], vector<16xf32>, vector<16xi1>
            %gather3A_1244 = tpu.vector_load_idx %arg7[%add3A_1236, %add3A_24] masked %lt3A_1233 : memref<200x128xf32, #tpu.memory_space<vmem>>[vector<16xi32>, vector<16xi32>], vector<16xf32>, vector<16xi1>
            tpu.vector_store_idx %arg11[%add3A_3, %add3A_1230], %gather3A_1237 masked %lt3A_1233 : memref<128x72xf32, #tpu.memory_space<vmem>>[vector<16xi32>, vector<16xi32>], vector<16xf32>, vector<16xi1>
            tpu.vector_store_idx %arg11[%add3A_6, %add3A_1230], %gather3A_1238 masked %lt3A_1233 : memref<128x72xf32, #tpu.memory_space<vmem>>[vector<16xi32>, vector<16xi32>], vector<16xf32>, vector<16xi1>
            tpu.vector_store_idx %arg11[%add3A_9, %add3A_1230], %gather3A_1239 masked %lt3A_1233 : memref<128x72xf32, #tpu.memory_space<vmem>>[vector<16xi32>, vector<16xi32>], vector<16xf32>, vector<16xi1>
            tpu.vector_store_idx %arg11[%add3A_12, %add3A_1230], %gather3A_1240 masked %lt3A_1233 : memref<128x72xf32, #tpu.memory_space<vmem>>[vector<16xi32>, vector<16xi32>], vector<16xf32>, vector<16xi1>
            tpu.vector_store_idx %arg11[%add3A_15, %add3A_1230], %gather3A_1241 masked %lt3A_1233 : memref<128x72xf32, #tpu.memory_space<vmem>>[vector<16xi32>, vector<16xi32>], vector<16xf32>, vector<16xi1>
            tpu.vector_store_idx %arg11[%add3A_18, %add3A_1230], %gather3A_1242 masked %lt3A_1233 : memref<128x72xf32, #tpu.memory_space<vmem>>[vector<16xi32>, vector<16xi32>], vector<16xf32>, vector<16xi1>
            tpu.vector_store_idx %arg11[%add3A_21, %add3A_1230], %gather3A_1243 masked %lt3A_1233 : memref<128x72xf32, #tpu.memory_space<vmem>>[vector<16xi32>, vector<16xi32>], vector<16xf32>, vector<16xi1>
            tpu.vector_store_idx %arg11[%add3A_24, %add3A_1230], %gather3A_1244 masked %lt3A_1233 : memref<128x72xf32, #tpu.memory_space<vmem>>[vector<16xi32>, vector<16xi32>], vector<16xf32>, vector<16xi1>
            %scan3A_1245 = arith.constant 3 : i32
            %scan3A_1246 = arith.addi %scan3A_1178, %scan3A_1245 : i32
            %add3A_1247 = vector.broadcast %scan3A_1246 : i32 to vector<16xi32>
            %add3A_1248 = arith.addi %iota3A, %add3A_1247 : vector<16xi32>
            %and3A_1249 = arith.constant 15 : i32
            %and3A_1250 = vector.broadcast %and3A_1249 : i32 to vector<16xi32>
            %and3A_1251 = arith.andi %add3A_1248, %and3A_1250 : vector<16xi32>
            %add3A_1252 = vector.broadcast %mul3A_1171 : i32 to vector<16xi32>
            %add3A_1253 = arith.addi %and3A_1251, %add3A_1252 : vector<16xi32>
            %lt3A_1254 = arith.constant 72 : i32
            %lt3A_1255 = vector.broadcast %lt3A_1254 : i32 to vector<16xi32>
            %lt3A_1256 = arith.cmpi slt, %add3A_1253, %lt3A_1255 : vector<16xi32>
            %add3A_1257 = arith.constant 128 : i32
            %add3A_1258 = vector.broadcast %add3A_1257 : i32 to vector<16xi32>
            %add3A_1259 = arith.addi %add3A_1253, %add3A_1258 : vector<16xi32>
            %gather3A_1260 = tpu.vector_load_idx %arg7[%add3A_1259, %add3A_3] masked %lt3A_1256 : memref<200x128xf32, #tpu.memory_space<vmem>>[vector<16xi32>, vector<16xi32>], vector<16xf32>, vector<16xi1>
            %gather3A_1261 = tpu.vector_load_idx %arg7[%add3A_1259, %add3A_6] masked %lt3A_1256 : memref<200x128xf32, #tpu.memory_space<vmem>>[vector<16xi32>, vector<16xi32>], vector<16xf32>, vector<16xi1>
            %gather3A_1262 = tpu.vector_load_idx %arg7[%add3A_1259, %add3A_9] masked %lt3A_1256 : memref<200x128xf32, #tpu.memory_space<vmem>>[vector<16xi32>, vector<16xi32>], vector<16xf32>, vector<16xi1>
            %gather3A_1263 = tpu.vector_load_idx %arg7[%add3A_1259, %add3A_12] masked %lt3A_1256 : memref<200x128xf32, #tpu.memory_space<vmem>>[vector<16xi32>, vector<16xi32>], vector<16xf32>, vector<16xi1>
            %gather3A_1264 = tpu.vector_load_idx %arg7[%add3A_1259, %add3A_15] masked %lt3A_1256 : memref<200x128xf32, #tpu.memory_space<vmem>>[vector<16xi32>, vector<16xi32>], vector<16xf32>, vector<16xi1>
            %gather3A_1265 = tpu.vector_load_idx %arg7[%add3A_1259, %add3A_18] masked %lt3A_1256 : memref<200x128xf32, #tpu.memory_space<vmem>>[vector<16xi32>, vector<16xi32>], vector<16xf32>, vector<16xi1>
            %gather3A_1266 = tpu.vector_load_idx %arg7[%add3A_1259, %add3A_21] masked %lt3A_1256 : memref<200x128xf32, #tpu.memory_space<vmem>>[vector<16xi32>, vector<16xi32>], vector<16xf32>, vector<16xi1>
            %gather3A_1267 = tpu.vector_load_idx %arg7[%add3A_1259, %add3A_24] masked %lt3A_1256 : memref<200x128xf32, #tpu.memory_space<vmem>>[vector<16xi32>, vector<16xi32>], vector<16xf32>, vector<16xi1>
            tpu.vector_store_idx %arg11[%add3A_3, %add3A_1253], %gather3A_1260 masked %lt3A_1256 : memref<128x72xf32, #tpu.memory_space<vmem>>[vector<16xi32>, vector<16xi32>], vector<16xf32>, vector<16xi1>
            tpu.vector_store_idx %arg11[%add3A_6, %add3A_1253], %gather3A_1261 masked %lt3A_1256 : memref<128x72xf32, #tpu.memory_space<vmem>>[vector<16xi32>, vector<16xi32>], vector<16xf32>, vector<16xi1>
            tpu.vector_store_idx %arg11[%add3A_9, %add3A_1253], %gather3A_1262 masked %lt3A_1256 : memref<128x72xf32, #tpu.memory_space<vmem>>[vector<16xi32>, vector<16xi32>], vector<16xf32>, vector<16xi1>
            tpu.vector_store_idx %arg11[%add3A_12, %add3A_1253], %gather3A_1263 masked %lt3A_1256 : memref<128x72xf32, #tpu.memory_space<vmem>>[vector<16xi32>, vector<16xi32>], vector<16xf32>, vector<16xi1>
            tpu.vector_store_idx %arg11[%add3A_15, %add3A_1253], %gather3A_1264 masked %lt3A_1256 : memref<128x72xf32, #tpu.memory_space<vmem>>[vector<16xi32>, vector<16xi32>], vector<16xf32>, vector<16xi1>
            tpu.vector_store_idx %arg11[%add3A_18, %add3A_1253], %gather3A_1265 masked %lt3A_1256 : memref<128x72xf32, #tpu.memory_space<vmem>>[vector<16xi32>, vector<16xi32>], vector<16xf32>, vector<16xi1>
            tpu.vector_store_idx %arg11[%add3A_21, %add3A_1253], %gather3A_1266 masked %lt3A_1256 : memref<128x72xf32, #tpu.memory_space<vmem>>[vector<16xi32>, vector<16xi32>], vector<16xf32>, vector<16xi1>
            tpu.vector_store_idx %arg11[%add3A_24, %add3A_1253], %gather3A_1267 masked %lt3A_1256 : memref<128x72xf32, #tpu.memory_space<vmem>>[vector<16xi32>, vector<16xi32>], vector<16xf32>, vector<16xi1>
          }
          %scan3A_1177 = arith.constant 16 : i32
        }
        %scan3A_933 = arith.constant 5 : i32
        %mul3A_934 = arith.constant 128 : i32
        %mul3A_935 = arith.muli %add3A, %mul3A_934 : i32
        %add3A_936 = arith.addi %mul3A_935, %add3A_858 : i32
        %dma_start3A_937 = arith.constant 0 : i32
        %dma_start3A_938 = arith.constant 0 : i32
        %dma_start3A_939 = tpu.memref_slice %arg4[%add3A_936, %dma_start3A_937, %dma_start3A_938] : memref<4096x128x200xf32, #tpu.memory_space<hbm>> -> memref<1x128x128xf32, #tpu.memory_space<hbm>>
        %dma_start3A_940 = tpu.memref_squeeze %dma_start3A_939 : memref<1x128x128xf32, #tpu.memory_space<hbm>> -> memref<128x128xf32, #tpu.memory_space<hbm>>
        %dma_start3A_941 = arith.constant 0 : i32
        %dma_start3A_942 = arith.constant 0 : i32
        %dma_start3A_943 = tpu.memref_slice %arg4[%add3A_936, %dma_start3A_941, %dma_start3A_942] : memref<4096x128x200xf32, #tpu.memory_space<hbm>> -> memref<1x128x128xf32, #tpu.memory_space<hbm>>
        %dma_start3A_944 = tpu.memref_squeeze %dma_start3A_943 : memref<1x128x128xf32, #tpu.memory_space<hbm>> -> memref<128x128xf32, #tpu.memory_space<hbm>>
        tpu.enqueue_dma source(%arg10 : memref<128x128xf32, #tpu.memory_space<vmem>>) target(%dma_start3A_944 : memref<128x128xf32, #tpu.memory_space<hbm>>) target_semaphore(%arg15 : memref<!tpu.dma_semaphore, #tpu.memory_space<semaphore_mem>>)
        %dma_start3A_945 = arith.constant 0 : i32
        %dma_start3A_946 = arith.constant 0 : i32
        %dma_start3A_947 = tpu.memref_slice %arg11[%dma_start3A_945, %dma_start3A_946] : memref<128x72xf32, #tpu.memory_space<vmem>> -> memref<8x72xf32, #tpu.memory_space<vmem>>
        %dma_start3A_948 = arith.constant 0 : i32
        %dma_start3A_949 = arith.constant 128 : i32
        %dma_start3A_950 = tpu.memref_slice %arg4[%add3A_936, %dma_start3A_948, %dma_start3A_949] : memref<4096x128x200xf32, #tpu.memory_space<hbm>> -> memref<1x8x72xf32, #tpu.memory_space<hbm>>
        %dma_start3A_951 = tpu.memref_squeeze %dma_start3A_950 : memref<1x8x72xf32, #tpu.memory_space<hbm>> -> memref<8x72xf32, #tpu.memory_space<hbm>>
        %dma_start3A_952 = arith.constant 0 : i32
        %dma_start3A_953 = arith.constant 128 : i32
        %dma_start3A_954 = tpu.memref_slice %arg4[%add3A_936, %dma_start3A_952, %dma_start3A_953] : memref<4096x128x200xf32, #tpu.memory_space<hbm>> -> memref<1x8x72xf32, #tpu.memory_space<hbm>>
        %dma_start3A_955 = tpu.memref_squeeze %dma_start3A_954 : memref<1x8x72xf32, #tpu.memory_space<hbm>> -> memref<8x72xf32, #tpu.memory_space<hbm>>
        %dma_start3A_956 = arith.constant 0 : i32
        %dma_start3A_957 = arith.constant 0 : i32
        %dma_start3A_958 = tpu.memref_slice %arg11[%dma_start3A_956, %dma_start3A_957] : memref<128x72xf32, #tpu.memory_space<vmem>> -> memref<8x72xf32, #tpu.memory_space<vmem>>
        tpu.enqueue_dma source(%dma_start3A_958 : memref<8x72xf32, #tpu.memory_space<vmem>>) target(%dma_start3A_955 : memref<8x72xf32, #tpu.memory_space<hbm>>) target_semaphore(%arg15 : memref<!tpu.dma_semaphore, #tpu.memory_space<semaphore_mem>>)
        %dma_start3A_959 = arith.constant 8 : i32
        %dma_start3A_960 = arith.constant 0 : i32
        %dma_start3A_961 = tpu.memref_slice %arg11[%dma_start3A_959, %dma_start3A_960] : memref<128x72xf32, #tpu.memory_space<vmem>> -> memref<8x72xf32, #tpu.memory_space<vmem>>
        %dma_start3A_962 = arith.constant 8 : i32
        %dma_start3A_963 = arith.constant 128 : i32
        %dma_start3A_964 = tpu.memref_slice %arg4[%add3A_936, %dma_start3A_962, %dma_start3A_963] : memref<4096x128x200xf32, #tpu.memory_space<hbm>> -> memref<1x8x72xf32, #tpu.memory_space<hbm>>
        %dma_start3A_965 = tpu.memref_squeeze %dma_start3A_964 : memref<1x8x72xf32, #tpu.memory_space<hbm>> -> memref<8x72xf32, #tpu.memory_space<hbm>>
        %dma_start3A_966 = arith.constant 8 : i32
        %dma_start3A_967 = arith.constant 128 : i32
        %dma_start3A_968 = tpu.memref_slice %arg4[%add3A_936, %dma_start3A_966, %dma_start3A_967] : memref<4096x128x200xf32, #tpu.memory_space<hbm>> -> memref<1x8x72xf32, #tpu.memory_space<hbm>>
        %dma_start3A_969 = tpu.memref_squeeze %dma_start3A_968 : memref<1x8x72xf32, #tpu.memory_space<hbm>> -> memref<8x72xf32, #tpu.memory_space<hbm>>
        %dma_start3A_970 = arith.constant 8 : i32
        %dma_start3A_971 = arith.constant 0 : i32
        %dma_start3A_972 = tpu.memref_slice %arg11[%dma_start3A_970, %dma_start3A_971] : memref<128x72xf32, #tpu.memory_space<vmem>> -> memref<8x72xf32, #tpu.memory_space<vmem>>
        tpu.enqueue_dma source(%dma_start3A_972 : memref<8x72xf32, #tpu.memory_space<vmem>>) target(%dma_start3A_969 : memref<8x72xf32, #tpu.memory_space<hbm>>) target_semaphore(%arg15 : memref<!tpu.dma_semaphore, #tpu.memory_space<semaphore_mem>>)
        %dma_start3A_973 = arith.constant 16 : i32
        %dma_start3A_974 = arith.constant 0 : i32
        %dma_start3A_975 = tpu.memref_slice %arg11[%dma_start3A_973, %dma_start3A_974] : memref<128x72xf32, #tpu.memory_space<vmem>> -> memref<8x72xf32, #tpu.memory_space<vmem>>
        %dma_start3A_976 = arith.constant 16 : i32
        %dma_start3A_977 = arith.constant 128 : i32
        %dma_start3A_978 = tpu.memref_slice %arg4[%add3A_936, %dma_start3A_976, %dma_start3A_977] : memref<4096x128x200xf32, #tpu.memory_space<hbm>> -> memref<1x8x72xf32, #tpu.memory_space<hbm>>
        %dma_start3A_979 = tpu.memref_squeeze %dma_start3A_978 : memref<1x8x72xf32, #tpu.memory_space<hbm>> -> memref<8x72xf32, #tpu.memory_space<hbm>>
        %dma_start3A_980 = arith.constant 16 : i32
        %dma_start3A_981 = arith.constant 128 : i32
        %dma_start3A_982 = tpu.memref_slice %arg4[%add3A_936, %dma_start3A_980, %dma_start3A_981] : memref<4096x128x200xf32, #tpu.memory_space<hbm>> -> memref<1x8x72xf32, #tpu.memory_space<hbm>>
        %dma_start3A_983 = tpu.memref_squeeze %dma_start3A_982 : memref<1x8x72xf32, #tpu.memory_space<hbm>> -> memref<8x72xf32, #tpu.memory_space<hbm>>
        %dma_start3A_984 = arith.constant 16 : i32
        %dma_start3A_985 = arith.constant 0 : i32
        %dma_start3A_986 = tpu.memref_slice %arg11[%dma_start3A_984, %dma_start3A_985] : memref<128x72xf32, #tpu.memory_space<vmem>> -> memref<8x72xf32, #tpu.memory_space<vmem>>
        tpu.enqueue_dma source(%dma_start3A_986 : memref<8x72xf32, #tpu.memory_space<vmem>>) target(%dma_start3A_983 : memref<8x72xf32, #tpu.memory_space<hbm>>) target_semaphore(%arg15 : memref<!tpu.dma_semaphore, #tpu.memory_space<semaphore_mem>>)
        %dma_start3A_987 = arith.constant 24 : i32
        %dma_start3A_988 = arith.constant 0 : i32
        %dma_start3A_989 = tpu.memref_slice %arg11[%dma_start3A_987, %dma_start3A_988] : memref<128x72xf32, #tpu.memory_space<vmem>> -> memref<8x72xf32, #tpu.memory_space<vmem>>
        %dma_start3A_990 = arith.constant 24 : i32
        %dma_start3A_991 = arith.constant 128 : i32
        %dma_start3A_992 = tpu.memref_slice %arg4[%add3A_936, %dma_start3A_990, %dma_start3A_991] : memref<4096x128x200xf32, #tpu.memory_space<hbm>> -> memref<1x8x72xf32, #tpu.memory_space<hbm>>
        %dma_start3A_993 = tpu.memref_squeeze %dma_start3A_992 : memref<1x8x72xf32, #tpu.memory_space<hbm>> -> memref<8x72xf32, #tpu.memory_space<hbm>>
        %dma_start3A_994 = arith.constant 24 : i32
        %dma_start3A_995 = arith.constant 128 : i32
        %dma_start3A_996 = tpu.memref_slice %arg4[%add3A_936, %dma_start3A_994, %dma_start3A_995] : memref<4096x128x200xf32, #tpu.memory_space<hbm>> -> memref<1x8x72xf32, #tpu.memory_space<hbm>>
        %dma_start3A_997 = tpu.memref_squeeze %dma_start3A_996 : memref<1x8x72xf32, #tpu.memory_space<hbm>> -> memref<8x72xf32, #tpu.memory_space<hbm>>
        %dma_start3A_998 = arith.constant 24 : i32
        %dma_start3A_999 = arith.constant 0 : i32
        %dma_start3A_1000 = tpu.memref_slice %arg11[%dma_start3A_998, %dma_start3A_999] : memref<128x72xf32, #tpu.memory_space<vmem>> -> memref<8x72xf32, #tpu.memory_space<vmem>>
        tpu.enqueue_dma source(%dma_start3A_1000 : memref<8x72xf32, #tpu.memory_space<vmem>>) target(%dma_start3A_997 : memref<8x72xf32, #tpu.memory_space<hbm>>) target_semaphore(%arg15 : memref<!tpu.dma_semaphore, #tpu.memory_space<semaphore_mem>>)
        %dma_start3A_1001 = arith.constant 32 : i32
        %dma_start3A_1002 = arith.constant 0 : i32
        %dma_start3A_1003 = tpu.memref_slice %arg11[%dma_start3A_1001, %dma_start3A_1002] : memref<128x72xf32, #tpu.memory_space<vmem>> -> memref<8x72xf32, #tpu.memory_space<vmem>>
        %dma_start3A_1004 = arith.constant 32 : i32
        %dma_start3A_1005 = arith.constant 128 : i32
        %dma_start3A_1006 = tpu.memref_slice %arg4[%add3A_936, %dma_start3A_1004, %dma_start3A_1005] : memref<4096x128x200xf32, #tpu.memory_space<hbm>> -> memref<1x8x72xf32, #tpu.memory_space<hbm>>
        %dma_start3A_1007 = tpu.memref_squeeze %dma_start3A_1006 : memref<1x8x72xf32, #tpu.memory_space<hbm>> -> memref<8x72xf32, #tpu.memory_space<hbm>>
        %dma_start3A_1008 = arith.constant 32 : i32
        %dma_start3A_1009 = arith.constant 128 : i32
        %dma_start3A_1010 = tpu.memref_slice %arg4[%add3A_936, %dma_start3A_1008, %dma_start3A_1009] : memref<4096x128x200xf32, #tpu.memory_space<hbm>> -> memref<1x8x72xf32, #tpu.memory_space<hbm>>
        %dma_start3A_1011 = tpu.memref_squeeze %dma_start3A_1010 : memref<1x8x72xf32, #tpu.memory_space<hbm>> -> memref<8x72xf32, #tpu.memory_space<hbm>>
        %dma_start3A_1012 = arith.constant 32 : i32
        %dma_start3A_1013 = arith.constant 0 : i32
        %dma_start3A_1014 = tpu.memref_slice %arg11[%dma_start3A_1012, %dma_start3A_1013] : memref<128x72xf32, #tpu.memory_space<vmem>> -> memref<8x72xf32, #tpu.memory_space<vmem>>
        tpu.enqueue_dma source(%dma_start3A_1014 : memref<8x72xf32, #tpu.memory_space<vmem>>) target(%dma_start3A_1011 : memref<8x72xf32, #tpu.memory_space<hbm>>) target_semaphore(%arg15 : memref<!tpu.dma_semaphore, #tpu.memory_space<semaphore_mem>>)
        %dma_start3A_1015 = arith.constant 40 : i32
        %dma_start3A_1016 = arith.constant 0 : i32
        %dma_start3A_1017 = tpu.memref_slice %arg11[%dma_start3A_1015, %dma_start3A_1016] : memref<128x72xf32, #tpu.memory_space<vmem>> -> memref<8x72xf32, #tpu.memory_space<vmem>>
        %dma_start3A_1018 = arith.constant 40 : i32
        %dma_start3A_1019 = arith.constant 128 : i32
        %dma_start3A_1020 = tpu.memref_slice %arg4[%add3A_936, %dma_start3A_1018, %dma_start3A_1019] : memref<4096x128x200xf32, #tpu.memory_space<hbm>> -> memref<1x8x72xf32, #tpu.memory_space<hbm>>
        %dma_start3A_1021 = tpu.memref_squeeze %dma_start3A_1020 : memref<1x8x72xf32, #tpu.memory_space<hbm>> -> memref<8x72xf32, #tpu.memory_space<hbm>>
        %dma_start3A_1022 = arith.constant 40 : i32
        %dma_start3A_1023 = arith.constant 128 : i32
        %dma_start3A_1024 = tpu.memref_slice %arg4[%add3A_936, %dma_start3A_1022, %dma_start3A_1023] : memref<4096x128x200xf32, #tpu.memory_space<hbm>> -> memref<1x8x72xf32, #tpu.memory_space<hbm>>
        %dma_start3A_1025 = tpu.memref_squeeze %dma_start3A_1024 : memref<1x8x72xf32, #tpu.memory_space<hbm>> -> memref<8x72xf32, #tpu.memory_space<hbm>>
        %dma_start3A_1026 = arith.constant 40 : i32
        %dma_start3A_1027 = arith.constant 0 : i32
        %dma_start3A_1028 = tpu.memref_slice %arg11[%dma_start3A_1026, %dma_start3A_1027] : memref<128x72xf32, #tpu.memory_space<vmem>> -> memref<8x72xf32, #tpu.memory_space<vmem>>
        tpu.enqueue_dma source(%dma_start3A_1028 : memref<8x72xf32, #tpu.memory_space<vmem>>) target(%dma_start3A_1025 : memref<8x72xf32, #tpu.memory_space<hbm>>) target_semaphore(%arg15 : memref<!tpu.dma_semaphore, #tpu.memory_space<semaphore_mem>>)
        %dma_start3A_1029 = arith.constant 48 : i32
        %dma_start3A_1030 = arith.constant 0 : i32
        %dma_start3A_1031 = tpu.memref_slice %arg11[%dma_start3A_1029, %dma_start3A_1030] : memref<128x72xf32, #tpu.memory_space<vmem>> -> memref<8x72xf32, #tpu.memory_space<vmem>>
        %dma_start3A_1032 = arith.constant 48 : i32
        %dma_start3A_1033 = arith.constant 128 : i32
        %dma_start3A_1034 = tpu.memref_slice %arg4[%add3A_936, %dma_start3A_1032, %dma_start3A_1033] : memref<4096x128x200xf32, #tpu.memory_space<hbm>> -> memref<1x8x72xf32, #tpu.memory_space<hbm>>
        %dma_start3A_1035 = tpu.memref_squeeze %dma_start3A_1034 : memref<1x8x72xf32, #tpu.memory_space<hbm>> -> memref<8x72xf32, #tpu.memory_space<hbm>>
        %dma_start3A_1036 = arith.constant 48 : i32
        %dma_start3A_1037 = arith.constant 128 : i32
        %dma_start3A_1038 = tpu.memref_slice %arg4[%add3A_936, %dma_start3A_1036, %dma_start3A_1037] : memref<4096x128x200xf32, #tpu.memory_space<hbm>> -> memref<1x8x72xf32, #tpu.memory_space<hbm>>
        %dma_start3A_1039 = tpu.memref_squeeze %dma_start3A_1038 : memref<1x8x72xf32, #tpu.memory_space<hbm>> -> memref<8x72xf32, #tpu.memory_space<hbm>>
        %dma_start3A_1040 = arith.constant 48 : i32
        %dma_start3A_1041 = arith.constant 0 : i32
        %dma_start3A_1042 = tpu.memref_slice %arg11[%dma_start3A_1040, %dma_start3A_1041] : memref<128x72xf32, #tpu.memory_space<vmem>> -> memref<8x72xf32, #tpu.memory_space<vmem>>
        tpu.enqueue_dma source(%dma_start3A_1042 : memref<8x72xf32, #tpu.memory_space<vmem>>) target(%dma_start3A_1039 : memref<8x72xf32, #tpu.memory_space<hbm>>) target_semaphore(%arg15 : memref<!tpu.dma_semaphore, #tpu.memory_space<semaphore_mem>>)
        %dma_start3A_1043 = arith.constant 56 : i32
        %dma_start3A_1044 = arith.constant 0 : i32
        %dma_start3A_1045 = tpu.memref_slice %arg11[%dma_start3A_1043, %dma_start3A_1044] : memref<128x72xf32, #tpu.memory_space<vmem>> -> memref<8x72xf32, #tpu.memory_space<vmem>>
        %dma_start3A_1046 = arith.constant 56 : i32
        %dma_start3A_1047 = arith.constant 128 : i32
        %dma_start3A_1048 = tpu.memref_slice %arg4[%add3A_936, %dma_start3A_1046, %dma_start3A_1047] : memref<4096x128x200xf32, #tpu.memory_space<hbm>> -> memref<1x8x72xf32, #tpu.memory_space<hbm>>
        %dma_start3A_1049 = tpu.memref_squeeze %dma_start3A_1048 : memref<1x8x72xf32, #tpu.memory_space<hbm>> -> memref<8x72xf32, #tpu.memory_space<hbm>>
        %dma_start3A_1050 = arith.constant 56 : i32
        %dma_start3A_1051 = arith.constant 128 : i32
        %dma_start3A_1052 = tpu.memref_slice %arg4[%add3A_936, %dma_start3A_1050, %dma_start3A_1051] : memref<4096x128x200xf32, #tpu.memory_space<hbm>> -> memref<1x8x72xf32, #tpu.memory_space<hbm>>
        %dma_start3A_1053 = tpu.memref_squeeze %dma_start3A_1052 : memref<1x8x72xf32, #tpu.memory_space<hbm>> -> memref<8x72xf32, #tpu.memory_space<hbm>>
        %dma_start3A_1054 = arith.constant 56 : i32
        %dma_start3A_1055 = arith.constant 0 : i32
        %dma_start3A_1056 = tpu.memref_slice %arg11[%dma_start3A_1054, %dma_start3A_1055] : memref<128x72xf32, #tpu.memory_space<vmem>> -> memref<8x72xf32, #tpu.memory_space<vmem>>
        tpu.enqueue_dma source(%dma_start3A_1056 : memref<8x72xf32, #tpu.memory_space<vmem>>) target(%dma_start3A_1053 : memref<8x72xf32, #tpu.memory_space<hbm>>) target_semaphore(%arg15 : memref<!tpu.dma_semaphore, #tpu.memory_space<semaphore_mem>>)
        %dma_start3A_1057 = arith.constant 64 : i32
        %dma_start3A_1058 = arith.constant 0 : i32
        %dma_start3A_1059 = tpu.memref_slice %arg11[%dma_start3A_1057, %dma_start3A_1058] : memref<128x72xf32, #tpu.memory_space<vmem>> -> memref<8x72xf32, #tpu.memory_space<vmem>>
        %dma_start3A_1060 = arith.constant 64 : i32
        %dma_start3A_1061 = arith.constant 128 : i32
        %dma_start3A_1062 = tpu.memref_slice %arg4[%add3A_936, %dma_start3A_1060, %dma_start3A_1061] : memref<4096x128x200xf32, #tpu.memory_space<hbm>> -> memref<1x8x72xf32, #tpu.memory_space<hbm>>
        %dma_start3A_1063 = tpu.memref_squeeze %dma_start3A_1062 : memref<1x8x72xf32, #tpu.memory_space<hbm>> -> memref<8x72xf32, #tpu.memory_space<hbm>>
        %dma_start3A_1064 = arith.constant 64 : i32
        %dma_start3A_1065 = arith.constant 128 : i32
        %dma_start3A_1066 = tpu.memref_slice %arg4[%add3A_936, %dma_start3A_1064, %dma_start3A_1065] : memref<4096x128x200xf32, #tpu.memory_space<hbm>> -> memref<1x8x72xf32, #tpu.memory_space<hbm>>
        %dma_start3A_1067 = tpu.memref_squeeze %dma_start3A_1066 : memref<1x8x72xf32, #tpu.memory_space<hbm>> -> memref<8x72xf32, #tpu.memory_space<hbm>>
        %dma_start3A_1068 = arith.constant 64 : i32
        %dma_start3A_1069 = arith.constant 0 : i32
        %dma_start3A_1070 = tpu.memref_slice %arg11[%dma_start3A_1068, %dma_start3A_1069] : memref<128x72xf32, #tpu.memory_space<vmem>> -> memref<8x72xf32, #tpu.memory_space<vmem>>
        tpu.enqueue_dma source(%dma_start3A_1070 : memref<8x72xf32, #tpu.memory_space<vmem>>) target(%dma_start3A_1067 : memref<8x72xf32, #tpu.memory_space<hbm>>) target_semaphore(%arg15 : memref<!tpu.dma_semaphore, #tpu.memory_space<semaphore_mem>>)
        %dma_start3A_1071 = arith.constant 72 : i32
        %dma_start3A_1072 = arith.constant 0 : i32
        %dma_start3A_1073 = tpu.memref_slice %arg11[%dma_start3A_1071, %dma_start3A_1072] : memref<128x72xf32, #tpu.memory_space<vmem>> -> memref<8x72xf32, #tpu.memory_space<vmem>>
        %dma_start3A_1074 = arith.constant 72 : i32
        %dma_start3A_1075 = arith.constant 128 : i32
        %dma_start3A_1076 = tpu.memref_slice %arg4[%add3A_936, %dma_start3A_1074, %dma_start3A_1075] : memref<4096x128x200xf32, #tpu.memory_space<hbm>> -> memref<1x8x72xf32, #tpu.memory_space<hbm>>
        %dma_start3A_1077 = tpu.memref_squeeze %dma_start3A_1076 : memref<1x8x72xf32, #tpu.memory_space<hbm>> -> memref<8x72xf32, #tpu.memory_space<hbm>>
        %dma_start3A_1078 = arith.constant 72 : i32
        %dma_start3A_1079 = arith.constant 128 : i32
        %dma_start3A_1080 = tpu.memref_slice %arg4[%add3A_936, %dma_start3A_1078, %dma_start3A_1079] : memref<4096x128x200xf32, #tpu.memory_space<hbm>> -> memref<1x8x72xf32, #tpu.memory_space<hbm>>
        %dma_start3A_1081 = tpu.memref_squeeze %dma_start3A_1080 : memref<1x8x72xf32, #tpu.memory_space<hbm>> -> memref<8x72xf32, #tpu.memory_space<hbm>>
        %dma_start3A_1082 = arith.constant 72 : i32
        %dma_start3A_1083 = arith.constant 0 : i32
        %dma_start3A_1084 = tpu.memref_slice %arg11[%dma_start3A_1082, %dma_start3A_1083] : memref<128x72xf32, #tpu.memory_space<vmem>> -> memref<8x72xf32, #tpu.memory_space<vmem>>
        tpu.enqueue_dma source(%dma_start3A_1084 : memref<8x72xf32, #tpu.memory_space<vmem>>) target(%dma_start3A_1081 : memref<8x72xf32, #tpu.memory_space<hbm>>) target_semaphore(%arg15 : memref<!tpu.dma_semaphore, #tpu.memory_space<semaphore_mem>>)
        %dma_start3A_1085 = arith.constant 80 : i32
        %dma_start3A_1086 = arith.constant 0 : i32
        %dma_start3A_1087 = tpu.memref_slice %arg11[%dma_start3A_1085, %dma_start3A_1086] : memref<128x72xf32, #tpu.memory_space<vmem>> -> memref<8x72xf32, #tpu.memory_space<vmem>>
        %dma_start3A_1088 = arith.constant 80 : i32
        %dma_start3A_1089 = arith.constant 128 : i32
        %dma_start3A_1090 = tpu.memref_slice %arg4[%add3A_936, %dma_start3A_1088, %dma_start3A_1089] : memref<4096x128x200xf32, #tpu.memory_space<hbm>> -> memref<1x8x72xf32, #tpu.memory_space<hbm>>
        %dma_start3A_1091 = tpu.memref_squeeze %dma_start3A_1090 : memref<1x8x72xf32, #tpu.memory_space<hbm>> -> memref<8x72xf32, #tpu.memory_space<hbm>>
        %dma_start3A_1092 = arith.constant 80 : i32
        %dma_start3A_1093 = arith.constant 128 : i32
        %dma_start3A_1094 = tpu.memref_slice %arg4[%add3A_936, %dma_start3A_1092, %dma_start3A_1093] : memref<4096x128x200xf32, #tpu.memory_space<hbm>> -> memref<1x8x72xf32, #tpu.memory_space<hbm>>
        %dma_start3A_1095 = tpu.memref_squeeze %dma_start3A_1094 : memref<1x8x72xf32, #tpu.memory_space<hbm>> -> memref<8x72xf32, #tpu.memory_space<hbm>>
        %dma_start3A_1096 = arith.constant 80 : i32
        %dma_start3A_1097 = arith.constant 0 : i32
        %dma_start3A_1098 = tpu.memref_slice %arg11[%dma_start3A_1096, %dma_start3A_1097] : memref<128x72xf32, #tpu.memory_space<vmem>> -> memref<8x72xf32, #tpu.memory_space<vmem>>
        tpu.enqueue_dma source(%dma_start3A_1098 : memref<8x72xf32, #tpu.memory_space<vmem>>) target(%dma_start3A_1095 : memref<8x72xf32, #tpu.memory_space<hbm>>) target_semaphore(%arg15 : memref<!tpu.dma_semaphore, #tpu.memory_space<semaphore_mem>>)
        %dma_start3A_1099 = arith.constant 88 : i32
        %dma_start3A_1100 = arith.constant 0 : i32
        %dma_start3A_1101 = tpu.memref_slice %arg11[%dma_start3A_1099, %dma_start3A_1100] : memref<128x72xf32, #tpu.memory_space<vmem>> -> memref<8x72xf32, #tpu.memory_space<vmem>>
        %dma_start3A_1102 = arith.constant 88 : i32
        %dma_start3A_1103 = arith.constant 128 : i32
        %dma_start3A_1104 = tpu.memref_slice %arg4[%add3A_936, %dma_start3A_1102, %dma_start3A_1103] : memref<4096x128x200xf32, #tpu.memory_space<hbm>> -> memref<1x8x72xf32, #tpu.memory_space<hbm>>
        %dma_start3A_1105 = tpu.memref_squeeze %dma_start3A_1104 : memref<1x8x72xf32, #tpu.memory_space<hbm>> -> memref<8x72xf32, #tpu.memory_space<hbm>>
        %dma_start3A_1106 = arith.constant 88 : i32
        %dma_start3A_1107 = arith.constant 128 : i32
        %dma_start3A_1108 = tpu.memref_slice %arg4[%add3A_936, %dma_start3A_1106, %dma_start3A_1107] : memref<4096x128x200xf32, #tpu.memory_space<hbm>> -> memref<1x8x72xf32, #tpu.memory_space<hbm>>
        %dma_start3A_1109 = tpu.memref_squeeze %dma_start3A_1108 : memref<1x8x72xf32, #tpu.memory_space<hbm>> -> memref<8x72xf32, #tpu.memory_space<hbm>>
        %dma_start3A_1110 = arith.constant 88 : i32
        %dma_start3A_1111 = arith.constant 0 : i32
        %dma_start3A_1112 = tpu.memref_slice %arg11[%dma_start3A_1110, %dma_start3A_1111] : memref<128x72xf32, #tpu.memory_space<vmem>> -> memref<8x72xf32, #tpu.memory_space<vmem>>
        tpu.enqueue_dma source(%dma_start3A_1112 : memref<8x72xf32, #tpu.memory_space<vmem>>) target(%dma_start3A_1109 : memref<8x72xf32, #tpu.memory_space<hbm>>) target_semaphore(%arg15 : memref<!tpu.dma_semaphore, #tpu.memory_space<semaphore_mem>>)
        %dma_start3A_1113 = arith.constant 96 : i32
        %dma_start3A_1114 = arith.constant 0 : i32
        %dma_start3A_1115 = tpu.memref_slice %arg11[%dma_start3A_1113, %dma_start3A_1114] : memref<128x72xf32, #tpu.memory_space<vmem>> -> memref<8x72xf32, #tpu.memory_space<vmem>>
        %dma_start3A_1116 = arith.constant 96 : i32
        %dma_start3A_1117 = arith.constant 128 : i32
        %dma_start3A_1118 = tpu.memref_slice %arg4[%add3A_936, %dma_start3A_1116, %dma_start3A_1117] : memref<4096x128x200xf32, #tpu.memory_space<hbm>> -> memref<1x8x72xf32, #tpu.memory_space<hbm>>
        %dma_start3A_1119 = tpu.memref_squeeze %dma_start3A_1118 : memref<1x8x72xf32, #tpu.memory_space<hbm>> -> memref<8x72xf32, #tpu.memory_space<hbm>>
        %dma_start3A_1120 = arith.constant 96 : i32
        %dma_start3A_1121 = arith.constant 128 : i32
        %dma_start3A_1122 = tpu.memref_slice %arg4[%add3A_936, %dma_start3A_1120, %dma_start3A_1121] : memref<4096x128x200xf32, #tpu.memory_space<hbm>> -> memref<1x8x72xf32, #tpu.memory_space<hbm>>
        %dma_start3A_1123 = tpu.memref_squeeze %dma_start3A_1122 : memref<1x8x72xf32, #tpu.memory_space<hbm>> -> memref<8x72xf32, #tpu.memory_space<hbm>>
        %dma_start3A_1124 = arith.constant 96 : i32
        %dma_start3A_1125 = arith.constant 0 : i32
        %dma_start3A_1126 = tpu.memref_slice %arg11[%dma_start3A_1124, %dma_start3A_1125] : memref<128x72xf32, #tpu.memory_space<vmem>> -> memref<8x72xf32, #tpu.memory_space<vmem>>
        tpu.enqueue_dma source(%dma_start3A_1126 : memref<8x72xf32, #tpu.memory_space<vmem>>) target(%dma_start3A_1123 : memref<8x72xf32, #tpu.memory_space<hbm>>) target_semaphore(%arg15 : memref<!tpu.dma_semaphore, #tpu.memory_space<semaphore_mem>>)
        %dma_start3A_1127 = arith.constant 104 : i32
        %dma_start3A_1128 = arith.constant 0 : i32
        %dma_start3A_1129 = tpu.memref_slice %arg11[%dma_start3A_1127, %dma_start3A_1128] : memref<128x72xf32, #tpu.memory_space<vmem>> -> memref<8x72xf32, #tpu.memory_space<vmem>>
        %dma_start3A_1130 = arith.constant 104 : i32
        %dma_start3A_1131 = arith.constant 128 : i32
        %dma_start3A_1132 = tpu.memref_slice %arg4[%add3A_936, %dma_start3A_1130, %dma_start3A_1131] : memref<4096x128x200xf32, #tpu.memory_space<hbm>> -> memref<1x8x72xf32, #tpu.memory_space<hbm>>
        %dma_start3A_1133 = tpu.memref_squeeze %dma_start3A_1132 : memref<1x8x72xf32, #tpu.memory_space<hbm>> -> memref<8x72xf32, #tpu.memory_space<hbm>>
        %dma_start3A_1134 = arith.constant 104 : i32
        %dma_start3A_1135 = arith.constant 128 : i32
        %dma_start3A_1136 = tpu.memref_slice %arg4[%add3A_936, %dma_start3A_1134, %dma_start3A_1135] : memref<4096x128x200xf32, #tpu.memory_space<hbm>> -> memref<1x8x72xf32, #tpu.memory_space<hbm>>
        %dma_start3A_1137 = tpu.memref_squeeze %dma_start3A_1136 : memref<1x8x72xf32, #tpu.memory_space<hbm>> -> memref<8x72xf32, #tpu.memory_space<hbm>>
        %dma_start3A_1138 = arith.constant 104 : i32
        %dma_start3A_1139 = arith.constant 0 : i32
        %dma_start3A_1140 = tpu.memref_slice %arg11[%dma_start3A_1138, %dma_start3A_1139] : memref<128x72xf32, #tpu.memory_space<vmem>> -> memref<8x72xf32, #tpu.memory_space<vmem>>
        tpu.enqueue_dma source(%dma_start3A_1140 : memref<8x72xf32, #tpu.memory_space<vmem>>) target(%dma_start3A_1137 : memref<8x72xf32, #tpu.memory_space<hbm>>) target_semaphore(%arg15 : memref<!tpu.dma_semaphore, #tpu.memory_space<semaphore_mem>>)
        %dma_start3A_1141 = arith.constant 112 : i32
        %dma_start3A_1142 = arith.constant 0 : i32
        %dma_start3A_1143 = tpu.memref_slice %arg11[%dma_start3A_1141, %dma_start3A_1142] : memref<128x72xf32, #tpu.memory_space<vmem>> -> memref<8x72xf32, #tpu.memory_space<vmem>>
        %dma_start3A_1144 = arith.constant 112 : i32
        %dma_start3A_1145 = arith.constant 128 : i32
        %dma_start3A_1146 = tpu.memref_slice %arg4[%add3A_936, %dma_start3A_1144, %dma_start3A_1145] : memref<4096x128x200xf32, #tpu.memory_space<hbm>> -> memref<1x8x72xf32, #tpu.memory_space<hbm>>
        %dma_start3A_1147 = tpu.memref_squeeze %dma_start3A_1146 : memref<1x8x72xf32, #tpu.memory_space<hbm>> -> memref<8x72xf32, #tpu.memory_space<hbm>>
        %dma_start3A_1148 = arith.constant 112 : i32
        %dma_start3A_1149 = arith.constant 128 : i32
        %dma_start3A_1150 = tpu.memref_slice %arg4[%add3A_936, %dma_start3A_1148, %dma_start3A_1149] : memref<4096x128x200xf32, #tpu.memory_space<hbm>> -> memref<1x8x72xf32, #tpu.memory_space<hbm>>
        %dma_start3A_1151 = tpu.memref_squeeze %dma_start3A_1150 : memref<1x8x72xf32, #tpu.memory_space<hbm>> -> memref<8x72xf32, #tpu.memory_space<hbm>>
        %dma_start3A_1152 = arith.constant 112 : i32
        %dma_start3A_1153 = arith.constant 0 : i32
        %dma_start3A_1154 = tpu.memref_slice %arg11[%dma_start3A_1152, %dma_start3A_1153] : memref<128x72xf32, #tpu.memory_space<vmem>> -> memref<8x72xf32, #tpu.memory_space<vmem>>
        tpu.enqueue_dma source(%dma_start3A_1154 : memref<8x72xf32, #tpu.memory_space<vmem>>) target(%dma_start3A_1151 : memref<8x72xf32, #tpu.memory_space<hbm>>) target_semaphore(%arg15 : memref<!tpu.dma_semaphore, #tpu.memory_space<semaphore_mem>>)
        %dma_start3A_1155 = arith.constant 120 : i32
        %dma_start3A_1156 = arith.constant 0 : i32
        %dma_start3A_1157 = tpu.memref_slice %arg11[%dma_start3A_1155, %dma_start3A_1156] : memref<128x72xf32, #tpu.memory_space<vmem>> -> memref<8x72xf32, #tpu.memory_space<vmem>>
        %dma_start3A_1158 = arith.constant 120 : i32
        %dma_start3A_1159 = arith.constant 128 : i32
        %dma_start3A_1160 = tpu.memref_slice %arg4[%add3A_936, %dma_start3A_1158, %dma_start3A_1159] : memref<4096x128x200xf32, #tpu.memory_space<hbm>> -> memref<1x8x72xf32, #tpu.memory_space<hbm>>
        %dma_start3A_1161 = tpu.memref_squeeze %dma_start3A_1160 : memref<1x8x72xf32, #tpu.memory_space<hbm>> -> memref<8x72xf32, #tpu.memory_space<hbm>>
        %dma_start3A_1162 = arith.constant 120 : i32
        %dma_start3A_1163 = arith.constant 128 : i32
        %dma_start3A_1164 = tpu.memref_slice %arg4[%add3A_936, %dma_start3A_1162, %dma_start3A_1163] : memref<4096x128x200xf32, #tpu.memory_space<hbm>> -> memref<1x8x72xf32, #tpu.memory_space<hbm>>
        %dma_start3A_1165 = tpu.memref_squeeze %dma_start3A_1164 : memref<1x8x72xf32, #tpu.memory_space<hbm>> -> memref<8x72xf32, #tpu.memory_space<hbm>>
        %dma_start3A_1166 = arith.constant 120 : i32
        %dma_start3A_1167 = arith.constant 0 : i32
        %dma_start3A_1168 = tpu.memref_slice %arg11[%dma_start3A_1166, %dma_start3A_1167] : memref<128x72xf32, #tpu.memory_space<vmem>> -> memref<8x72xf32, #tpu.memory_space<vmem>>
        tpu.enqueue_dma source(%dma_start3A_1168 : memref<8x72xf32, #tpu.memory_space<vmem>>) target(%dma_start3A_1165 : memref<8x72xf32, #tpu.memory_space<hbm>>) target_semaphore(%arg15 : memref<!tpu.dma_semaphore, #tpu.memory_space<semaphore_mem>>)
      }
      %scan3A_543 = arith.constant 16 : i32
    }
    %scan3A_29 = arith.constant 4 : i32
    %mul3A_30 = arith.constant 128 : i32
    %mul3A_31 = arith.muli %add3A, %mul3A_30 : i32
    %add3A_32 = arith.constant 126 : i32
    %add3A_33 = arith.addi %mul3A_31, %add3A_32 : i32
    %dma_wait3A = arith.constant 0 : i32
    %dma_wait3A_34 = arith.constant 0 : i32
    %dma_wait3A_35 = tpu.memref_slice %arg4[%add3A_33, %dma_wait3A, %dma_wait3A_34] : memref<4096x128x200xf32, #tpu.memory_space<hbm>> -> memref<1x128x128xf32, #tpu.memory_space<hbm>>
    %dma_wait3A_36 = tpu.memref_squeeze %dma_wait3A_35 : memref<1x128x128xf32, #tpu.memory_space<hbm>> -> memref<128x128xf32, #tpu.memory_space<hbm>>
    %dma_wait3A_37 = arith.constant 0 : i32
    %dma_wait3A_38 = arith.constant 0 : i32
    %dma_wait3A_39 = tpu.memref_slice %arg4[%add3A_33, %dma_wait3A_37, %dma_wait3A_38] : memref<4096x128x200xf32, #tpu.memory_space<hbm>> -> memref<1x128x128xf32, #tpu.memory_space<hbm>>
    %dma_wait3A_40 = tpu.memref_squeeze %dma_wait3A_39 : memref<1x128x128xf32, #tpu.memory_space<hbm>> -> memref<128x128xf32, #tpu.memory_space<hbm>>
    tpu.wait_dma2 semaphore(%arg14 : memref<!tpu.dma_semaphore, #tpu.memory_space<semaphore_mem>>) src(%arg8 : memref<128x128xf32, #tpu.memory_space<vmem>>) dst(%dma_wait3A_40 : memref<128x128xf32, #tpu.memory_space<hbm>>)
    %dma_wait3A_41 = arith.constant 0 : i32
    %dma_wait3A_42 = arith.constant 0 : i32
    %dma_wait3A_43 = tpu.memref_slice %arg9[%dma_wait3A_41, %dma_wait3A_42] : memref<128x72xf32, #tpu.memory_space<vmem>> -> memref<8x72xf32, #tpu.memory_space<vmem>>
    %dma_wait3A_44 = arith.constant 0 : i32
    %dma_wait3A_45 = arith.constant 128 : i32
    %dma_wait3A_46 = tpu.memref_slice %arg4[%add3A_33, %dma_wait3A_44, %dma_wait3A_45] : memref<4096x128x200xf32, #tpu.memory_space<hbm>> -> memref<1x8x72xf32, #tpu.memory_space<hbm>>
    %dma_wait3A_47 = tpu.memref_squeeze %dma_wait3A_46 : memref<1x8x72xf32, #tpu.memory_space<hbm>> -> memref<8x72xf32, #tpu.memory_space<hbm>>
    %dma_wait3A_48 = arith.constant 0 : i32
    %dma_wait3A_49 = arith.constant 128 : i32
    %dma_wait3A_50 = tpu.memref_slice %arg4[%add3A_33, %dma_wait3A_48, %dma_wait3A_49] : memref<4096x128x200xf32, #tpu.memory_space<hbm>> -> memref<1x8x72xf32, #tpu.memory_space<hbm>>
    %dma_wait3A_51 = tpu.memref_squeeze %dma_wait3A_50 : memref<1x8x72xf32, #tpu.memory_space<hbm>> -> memref<8x72xf32, #tpu.memory_space<hbm>>
    %dma_wait3A_52 = arith.constant 0 : i32
    %dma_wait3A_53 = arith.constant 0 : i32
    %dma_wait3A_54 = tpu.memref_slice %arg9[%dma_wait3A_52, %dma_wait3A_53] : memref<128x72xf32, #tpu.memory_space<vmem>> -> memref<8x72xf32, #tpu.memory_space<vmem>>
    tpu.wait_dma2 semaphore(%arg14 : memref<!tpu.dma_semaphore, #tpu.memory_space<semaphore_mem>>) src(%dma_wait3A_54 : memref<8x72xf32, #tpu.memory_space<vmem>>) dst(%dma_wait3A_51 : memref<8x72xf32, #tpu.memory_space<hbm>>)
    %dma_wait3A_55 = arith.constant 8 : i32
    %dma_wait3A_56 = arith.constant 0 : i32
    %dma_wait3A_57 = tpu.memref_slice %arg9[%dma_wait3A_55, %dma_wait3A_56] : memref<128x72xf32, #tpu.memory_space<vmem>> -> memref<8x72xf32, #tpu.memory_space<vmem>>
    %dma_wait3A_58 = arith.constant 8 : i32
    %dma_wait3A_59 = arith.constant 128 : i32
    %dma_wait3A_60 = tpu.memref_slice %arg4[%add3A_33, %dma_wait3A_58, %dma_wait3A_59] : memref<4096x128x200xf32, #tpu.memory_space<hbm>> -> memref<1x8x72xf32, #tpu.memory_space<hbm>>
    %dma_wait3A_61 = tpu.memref_squeeze %dma_wait3A_60 : memref<1x8x72xf32, #tpu.memory_space<hbm>> -> memref<8x72xf32, #tpu.memory_space<hbm>>
    %dma_wait3A_62 = arith.constant 8 : i32
    %dma_wait3A_63 = arith.constant 128 : i32
    %dma_wait3A_64 = tpu.memref_slice %arg4[%add3A_33, %dma_wait3A_62, %dma_wait3A_63] : memref<4096x128x200xf32, #tpu.memory_space<hbm>> -> memref<1x8x72xf32, #tpu.memory_space<hbm>>
    %dma_wait3A_65 = tpu.memref_squeeze %dma_wait3A_64 : memref<1x8x72xf32, #tpu.memory_space<hbm>> -> memref<8x72xf32, #tpu.memory_space<hbm>>
    %dma_wait3A_66 = arith.constant 8 : i32
    %dma_wait3A_67 = arith.constant 0 : i32
    %dma_wait3A_68 = tpu.memref_slice %arg9[%dma_wait3A_66, %dma_wait3A_67] : memref<128x72xf32, #tpu.memory_space<vmem>> -> memref<8x72xf32, #tpu.memory_space<vmem>>
    tpu.wait_dma2 semaphore(%arg14 : memref<!tpu.dma_semaphore, #tpu.memory_space<semaphore_mem>>) src(%dma_wait3A_68 : memref<8x72xf32, #tpu.memory_space<vmem>>) dst(%dma_wait3A_65 : memref<8x72xf32, #tpu.memory_space<hbm>>)
    %dma_wait3A_69 = arith.constant 16 : i32
    %dma_wait3A_70 = arith.constant 0 : i32
    %dma_wait3A_71 = tpu.memref_slice %arg9[%dma_wait3A_69, %dma_wait3A_70] : memref<128x72xf32, #tpu.memory_space<vmem>> -> memref<8x72xf32, #tpu.memory_space<vmem>>
    %dma_wait3A_72 = arith.constant 16 : i32
    %dma_wait3A_73 = arith.constant 128 : i32
    %dma_wait3A_74 = tpu.memref_slice %arg4[%add3A_33, %dma_wait3A_72, %dma_wait3A_73] : memref<4096x128x200xf32, #tpu.memory_space<hbm>> -> memref<1x8x72xf32, #tpu.memory_space<hbm>>
    %dma_wait3A_75 = tpu.memref_squeeze %dma_wait3A_74 : memref<1x8x72xf32, #tpu.memory_space<hbm>> -> memref<8x72xf32, #tpu.memory_space<hbm>>
    %dma_wait3A_76 = arith.constant 16 : i32
    %dma_wait3A_77 = arith.constant 128 : i32
    %dma_wait3A_78 = tpu.memref_slice %arg4[%add3A_33, %dma_wait3A_76, %dma_wait3A_77] : memref<4096x128x200xf32, #tpu.memory_space<hbm>> -> memref<1x8x72xf32, #tpu.memory_space<hbm>>
    %dma_wait3A_79 = tpu.memref_squeeze %dma_wait3A_78 : memref<1x8x72xf32, #tpu.memory_space<hbm>> -> memref<8x72xf32, #tpu.memory_space<hbm>>
    %dma_wait3A_80 = arith.constant 16 : i32
    %dma_wait3A_81 = arith.constant 0 : i32
    %dma_wait3A_82 = tpu.memref_slice %arg9[%dma_wait3A_80, %dma_wait3A_81] : memref<128x72xf32, #tpu.memory_space<vmem>> -> memref<8x72xf32, #tpu.memory_space<vmem>>
    tpu.wait_dma2 semaphore(%arg14 : memref<!tpu.dma_semaphore, #tpu.memory_space<semaphore_mem>>) src(%dma_wait3A_82 : memref<8x72xf32, #tpu.memory_space<vmem>>) dst(%dma_wait3A_79 : memref<8x72xf32, #tpu.memory_space<hbm>>)
    %dma_wait3A_83 = arith.constant 24 : i32
    %dma_wait3A_84 = arith.constant 0 : i32
    %dma_wait3A_85 = tpu.memref_slice %arg9[%dma_wait3A_83, %dma_wait3A_84] : memref<128x72xf32, #tpu.memory_space<vmem>> -> memref<8x72xf32, #tpu.memory_space<vmem>>
    %dma_wait3A_86 = arith.constant 24 : i32
    %dma_wait3A_87 = arith.constant 128 : i32
    %dma_wait3A_88 = tpu.memref_slice %arg4[%add3A_33, %dma_wait3A_86, %dma_wait3A_87] : memref<4096x128x200xf32, #tpu.memory_space<hbm>> -> memref<1x8x72xf32, #tpu.memory_space<hbm>>
    %dma_wait3A_89 = tpu.memref_squeeze %dma_wait3A_88 : memref<1x8x72xf32, #tpu.memory_space<hbm>> -> memref<8x72xf32, #tpu.memory_space<hbm>>
    %dma_wait3A_90 = arith.constant 24 : i32
    %dma_wait3A_91 = arith.constant 128 : i32
    %dma_wait3A_92 = tpu.memref_slice %arg4[%add3A_33, %dma_wait3A_90, %dma_wait3A_91] : memref<4096x128x200xf32, #tpu.memory_space<hbm>> -> memref<1x8x72xf32, #tpu.memory_space<hbm>>
    %dma_wait3A_93 = tpu.memref_squeeze %dma_wait3A_92 : memref<1x8x72xf32, #tpu.memory_space<hbm>> -> memref<8x72xf32, #tpu.memory_space<hbm>>
    %dma_wait3A_94 = arith.constant 24 : i32
    %dma_wait3A_95 = arith.constant 0 : i32
    %dma_wait3A_96 = tpu.memref_slice %arg9[%dma_wait3A_94, %dma_wait3A_95] : memref<128x72xf32, #tpu.memory_space<vmem>> -> memref<8x72xf32, #tpu.memory_space<vmem>>
    tpu.wait_dma2 semaphore(%arg14 : memref<!tpu.dma_semaphore, #tpu.memory_space<semaphore_mem>>) src(%dma_wait3A_96 : memref<8x72xf32, #tpu.memory_space<vmem>>) dst(%dma_wait3A_93 : memref<8x72xf32, #tpu.memory_space<hbm>>)
    %dma_wait3A_97 = arith.constant 32 : i32
    %dma_wait3A_98 = arith.constant 0 : i32
    %dma_wait3A_99 = tpu.memref_slice %arg9[%dma_wait3A_97, %dma_wait3A_98] : memref<128x72xf32, #tpu.memory_space<vmem>> -> memref<8x72xf32, #tpu.memory_space<vmem>>
    %dma_wait3A_100 = arith.constant 32 : i32
    %dma_wait3A_101 = arith.constant 128 : i32
    %dma_wait3A_102 = tpu.memref_slice %arg4[%add3A_33, %dma_wait3A_100, %dma_wait3A_101] : memref<4096x128x200xf32, #tpu.memory_space<hbm>> -> memref<1x8x72xf32, #tpu.memory_space<hbm>>
    %dma_wait3A_103 = tpu.memref_squeeze %dma_wait3A_102 : memref<1x8x72xf32, #tpu.memory_space<hbm>> -> memref<8x72xf32, #tpu.memory_space<hbm>>
    %dma_wait3A_104 = arith.constant 32 : i32
    %dma_wait3A_105 = arith.constant 128 : i32
    %dma_wait3A_106 = tpu.memref_slice %arg4[%add3A_33, %dma_wait3A_104, %dma_wait3A_105] : memref<4096x128x200xf32, #tpu.memory_space<hbm>> -> memref<1x8x72xf32, #tpu.memory_space<hbm>>
    %dma_wait3A_107 = tpu.memref_squeeze %dma_wait3A_106 : memref<1x8x72xf32, #tpu.memory_space<hbm>> -> memref<8x72xf32, #tpu.memory_space<hbm>>
    %dma_wait3A_108 = arith.constant 32 : i32
    %dma_wait3A_109 = arith.constant 0 : i32
    %dma_wait3A_110 = tpu.memref_slice %arg9[%dma_wait3A_108, %dma_wait3A_109] : memref<128x72xf32, #tpu.memory_space<vmem>> -> memref<8x72xf32, #tpu.memory_space<vmem>>
    tpu.wait_dma2 semaphore(%arg14 : memref<!tpu.dma_semaphore, #tpu.memory_space<semaphore_mem>>) src(%dma_wait3A_110 : memref<8x72xf32, #tpu.memory_space<vmem>>) dst(%dma_wait3A_107 : memref<8x72xf32, #tpu.memory_space<hbm>>)
    %dma_wait3A_111 = arith.constant 40 : i32
    %dma_wait3A_112 = arith.constant 0 : i32
    %dma_wait3A_113 = tpu.memref_slice %arg9[%dma_wait3A_111, %dma_wait3A_112] : memref<128x72xf32, #tpu.memory_space<vmem>> -> memref<8x72xf32, #tpu.memory_space<vmem>>
    %dma_wait3A_114 = arith.constant 40 : i32
    %dma_wait3A_115 = arith.constant 128 : i32
    %dma_wait3A_116 = tpu.memref_slice %arg4[%add3A_33, %dma_wait3A_114, %dma_wait3A_115] : memref<4096x128x200xf32, #tpu.memory_space<hbm>> -> memref<1x8x72xf32, #tpu.memory_space<hbm>>
    %dma_wait3A_117 = tpu.memref_squeeze %dma_wait3A_116 : memref<1x8x72xf32, #tpu.memory_space<hbm>> -> memref<8x72xf32, #tpu.memory_space<hbm>>
    %dma_wait3A_118 = arith.constant 40 : i32
    %dma_wait3A_119 = arith.constant 128 : i32
    %dma_wait3A_120 = tpu.memref_slice %arg4[%add3A_33, %dma_wait3A_118, %dma_wait3A_119] : memref<4096x128x200xf32, #tpu.memory_space<hbm>> -> memref<1x8x72xf32, #tpu.memory_space<hbm>>
    %dma_wait3A_121 = tpu.memref_squeeze %dma_wait3A_120 : memref<1x8x72xf32, #tpu.memory_space<hbm>> -> memref<8x72xf32, #tpu.memory_space<hbm>>
    %dma_wait3A_122 = arith.constant 40 : i32
    %dma_wait3A_123 = arith.constant 0 : i32
    %dma_wait3A_124 = tpu.memref_slice %arg9[%dma_wait3A_122, %dma_wait3A_123] : memref<128x72xf32, #tpu.memory_space<vmem>> -> memref<8x72xf32, #tpu.memory_space<vmem>>
    tpu.wait_dma2 semaphore(%arg14 : memref<!tpu.dma_semaphore, #tpu.memory_space<semaphore_mem>>) src(%dma_wait3A_124 : memref<8x72xf32, #tpu.memory_space<vmem>>) dst(%dma_wait3A_121 : memref<8x72xf32, #tpu.memory_space<hbm>>)
    %dma_wait3A_125 = arith.constant 48 : i32
    %dma_wait3A_126 = arith.constant 0 : i32
    %dma_wait3A_127 = tpu.memref_slice %arg9[%dma_wait3A_125, %dma_wait3A_126] : memref<128x72xf32, #tpu.memory_space<vmem>> -> memref<8x72xf32, #tpu.memory_space<vmem>>
    %dma_wait3A_128 = arith.constant 48 : i32
    %dma_wait3A_129 = arith.constant 128 : i32
    %dma_wait3A_130 = tpu.memref_slice %arg4[%add3A_33, %dma_wait3A_128, %dma_wait3A_129] : memref<4096x128x200xf32, #tpu.memory_space<hbm>> -> memref<1x8x72xf32, #tpu.memory_space<hbm>>
    %dma_wait3A_131 = tpu.memref_squeeze %dma_wait3A_130 : memref<1x8x72xf32, #tpu.memory_space<hbm>> -> memref<8x72xf32, #tpu.memory_space<hbm>>
    %dma_wait3A_132 = arith.constant 48 : i32
    %dma_wait3A_133 = arith.constant 128 : i32
    %dma_wait3A_134 = tpu.memref_slice %arg4[%add3A_33, %dma_wait3A_132, %dma_wait3A_133] : memref<4096x128x200xf32, #tpu.memory_space<hbm>> -> memref<1x8x72xf32, #tpu.memory_space<hbm>>
    %dma_wait3A_135 = tpu.memref_squeeze %dma_wait3A_134 : memref<1x8x72xf32, #tpu.memory_space<hbm>> -> memref<8x72xf32, #tpu.memory_space<hbm>>
    %dma_wait3A_136 = arith.constant 48 : i32
    %dma_wait3A_137 = arith.constant 0 : i32
    %dma_wait3A_138 = tpu.memref_slice %arg9[%dma_wait3A_136, %dma_wait3A_137] : memref<128x72xf32, #tpu.memory_space<vmem>> -> memref<8x72xf32, #tpu.memory_space<vmem>>
    tpu.wait_dma2 semaphore(%arg14 : memref<!tpu.dma_semaphore, #tpu.memory_space<semaphore_mem>>) src(%dma_wait3A_138 : memref<8x72xf32, #tpu.memory_space<vmem>>) dst(%dma_wait3A_135 : memref<8x72xf32, #tpu.memory_space<hbm>>)
    %dma_wait3A_139 = arith.constant 56 : i32
    %dma_wait3A_140 = arith.constant 0 : i32
    %dma_wait3A_141 = tpu.memref_slice %arg9[%dma_wait3A_139, %dma_wait3A_140] : memref<128x72xf32, #tpu.memory_space<vmem>> -> memref<8x72xf32, #tpu.memory_space<vmem>>
    %dma_wait3A_142 = arith.constant 56 : i32
    %dma_wait3A_143 = arith.constant 128 : i32
    %dma_wait3A_144 = tpu.memref_slice %arg4[%add3A_33, %dma_wait3A_142, %dma_wait3A_143] : memref<4096x128x200xf32, #tpu.memory_space<hbm>> -> memref<1x8x72xf32, #tpu.memory_space<hbm>>
    %dma_wait3A_145 = tpu.memref_squeeze %dma_wait3A_144 : memref<1x8x72xf32, #tpu.memory_space<hbm>> -> memref<8x72xf32, #tpu.memory_space<hbm>>
    %dma_wait3A_146 = arith.constant 56 : i32
    %dma_wait3A_147 = arith.constant 128 : i32
    %dma_wait3A_148 = tpu.memref_slice %arg4[%add3A_33, %dma_wait3A_146, %dma_wait3A_147] : memref<4096x128x200xf32, #tpu.memory_space<hbm>> -> memref<1x8x72xf32, #tpu.memory_space<hbm>>
    %dma_wait3A_149 = tpu.memref_squeeze %dma_wait3A_148 : memref<1x8x72xf32, #tpu.memory_space<hbm>> -> memref<8x72xf32, #tpu.memory_space<hbm>>
    %dma_wait3A_150 = arith.constant 56 : i32
    %dma_wait3A_151 = arith.constant 0 : i32
    %dma_wait3A_152 = tpu.memref_slice %arg9[%dma_wait3A_150, %dma_wait3A_151] : memref<128x72xf32, #tpu.memory_space<vmem>> -> memref<8x72xf32, #tpu.memory_space<vmem>>
    tpu.wait_dma2 semaphore(%arg14 : memref<!tpu.dma_semaphore, #tpu.memory_space<semaphore_mem>>) src(%dma_wait3A_152 : memref<8x72xf32, #tpu.memory_space<vmem>>) dst(%dma_wait3A_149 : memref<8x72xf32, #tpu.memory_space<hbm>>)
    %dma_wait3A_153 = arith.constant 64 : i32
    %dma_wait3A_154 = arith.constant 0 : i32
    %dma_wait3A_155 = tpu.memref_slice %arg9[%dma_wait3A_153, %dma_wait3A_154] : memref<128x72xf32, #tpu.memory_space<vmem>> -> memref<8x72xf32, #tpu.memory_space<vmem>>
    %dma_wait3A_156 = arith.constant 64 : i32
    %dma_wait3A_157 = arith.constant 128 : i32
    %dma_wait3A_158 = tpu.memref_slice %arg4[%add3A_33, %dma_wait3A_156, %dma_wait3A_157] : memref<4096x128x200xf32, #tpu.memory_space<hbm>> -> memref<1x8x72xf32, #tpu.memory_space<hbm>>
    %dma_wait3A_159 = tpu.memref_squeeze %dma_wait3A_158 : memref<1x8x72xf32, #tpu.memory_space<hbm>> -> memref<8x72xf32, #tpu.memory_space<hbm>>
    %dma_wait3A_160 = arith.constant 64 : i32
    %dma_wait3A_161 = arith.constant 128 : i32
    %dma_wait3A_162 = tpu.memref_slice %arg4[%add3A_33, %dma_wait3A_160, %dma_wait3A_161] : memref<4096x128x200xf32, #tpu.memory_space<hbm>> -> memref<1x8x72xf32, #tpu.memory_space<hbm>>
    %dma_wait3A_163 = tpu.memref_squeeze %dma_wait3A_162 : memref<1x8x72xf32, #tpu.memory_space<hbm>> -> memref<8x72xf32, #tpu.memory_space<hbm>>
    %dma_wait3A_164 = arith.constant 64 : i32
    %dma_wait3A_165 = arith.constant 0 : i32
    %dma_wait3A_166 = tpu.memref_slice %arg9[%dma_wait3A_164, %dma_wait3A_165] : memref<128x72xf32, #tpu.memory_space<vmem>> -> memref<8x72xf32, #tpu.memory_space<vmem>>
    tpu.wait_dma2 semaphore(%arg14 : memref<!tpu.dma_semaphore, #tpu.memory_space<semaphore_mem>>) src(%dma_wait3A_166 : memref<8x72xf32, #tpu.memory_space<vmem>>) dst(%dma_wait3A_163 : memref<8x72xf32, #tpu.memory_space<hbm>>)
    %dma_wait3A_167 = arith.constant 72 : i32
    %dma_wait3A_168 = arith.constant 0 : i32
    %dma_wait3A_169 = tpu.memref_slice %arg9[%dma_wait3A_167, %dma_wait3A_168] : memref<128x72xf32, #tpu.memory_space<vmem>> -> memref<8x72xf32, #tpu.memory_space<vmem>>
    %dma_wait3A_170 = arith.constant 72 : i32
    %dma_wait3A_171 = arith.constant 128 : i32
    %dma_wait3A_172 = tpu.memref_slice %arg4[%add3A_33, %dma_wait3A_170, %dma_wait3A_171] : memref<4096x128x200xf32, #tpu.memory_space<hbm>> -> memref<1x8x72xf32, #tpu.memory_space<hbm>>
    %dma_wait3A_173 = tpu.memref_squeeze %dma_wait3A_172 : memref<1x8x72xf32, #tpu.memory_space<hbm>> -> memref<8x72xf32, #tpu.memory_space<hbm>>
    %dma_wait3A_174 = arith.constant 72 : i32
    %dma_wait3A_175 = arith.constant 128 : i32
    %dma_wait3A_176 = tpu.memref_slice %arg4[%add3A_33, %dma_wait3A_174, %dma_wait3A_175] : memref<4096x128x200xf32, #tpu.memory_space<hbm>> -> memref<1x8x72xf32, #tpu.memory_space<hbm>>
    %dma_wait3A_177 = tpu.memref_squeeze %dma_wait3A_176 : memref<1x8x72xf32, #tpu.memory_space<hbm>> -> memref<8x72xf32, #tpu.memory_space<hbm>>
    %dma_wait3A_178 = arith.constant 72 : i32
    %dma_wait3A_179 = arith.constant 0 : i32
    %dma_wait3A_180 = tpu.memref_slice %arg9[%dma_wait3A_178, %dma_wait3A_179] : memref<128x72xf32, #tpu.memory_space<vmem>> -> memref<8x72xf32, #tpu.memory_space<vmem>>
    tpu.wait_dma2 semaphore(%arg14 : memref<!tpu.dma_semaphore, #tpu.memory_space<semaphore_mem>>) src(%dma_wait3A_180 : memref<8x72xf32, #tpu.memory_space<vmem>>) dst(%dma_wait3A_177 : memref<8x72xf32, #tpu.memory_space<hbm>>)
    %dma_wait3A_181 = arith.constant 80 : i32
    %dma_wait3A_182 = arith.constant 0 : i32
    %dma_wait3A_183 = tpu.memref_slice %arg9[%dma_wait3A_181, %dma_wait3A_182] : memref<128x72xf32, #tpu.memory_space<vmem>> -> memref<8x72xf32, #tpu.memory_space<vmem>>
    %dma_wait3A_184 = arith.constant 80 : i32
    %dma_wait3A_185 = arith.constant 128 : i32
    %dma_wait3A_186 = tpu.memref_slice %arg4[%add3A_33, %dma_wait3A_184, %dma_wait3A_185] : memref<4096x128x200xf32, #tpu.memory_space<hbm>> -> memref<1x8x72xf32, #tpu.memory_space<hbm>>
    %dma_wait3A_187 = tpu.memref_squeeze %dma_wait3A_186 : memref<1x8x72xf32, #tpu.memory_space<hbm>> -> memref<8x72xf32, #tpu.memory_space<hbm>>
    %dma_wait3A_188 = arith.constant 80 : i32
    %dma_wait3A_189 = arith.constant 128 : i32
    %dma_wait3A_190 = tpu.memref_slice %arg4[%add3A_33, %dma_wait3A_188, %dma_wait3A_189] : memref<4096x128x200xf32, #tpu.memory_space<hbm>> -> memref<1x8x72xf32, #tpu.memory_space<hbm>>
    %dma_wait3A_191 = tpu.memref_squeeze %dma_wait3A_190 : memref<1x8x72xf32, #tpu.memory_space<hbm>> -> memref<8x72xf32, #tpu.memory_space<hbm>>
    %dma_wait3A_192 = arith.constant 80 : i32
    %dma_wait3A_193 = arith.constant 0 : i32
    %dma_wait3A_194 = tpu.memref_slice %arg9[%dma_wait3A_192, %dma_wait3A_193] : memref<128x72xf32, #tpu.memory_space<vmem>> -> memref<8x72xf32, #tpu.memory_space<vmem>>
    tpu.wait_dma2 semaphore(%arg14 : memref<!tpu.dma_semaphore, #tpu.memory_space<semaphore_mem>>) src(%dma_wait3A_194 : memref<8x72xf32, #tpu.memory_space<vmem>>) dst(%dma_wait3A_191 : memref<8x72xf32, #tpu.memory_space<hbm>>)
    %dma_wait3A_195 = arith.constant 88 : i32
    %dma_wait3A_196 = arith.constant 0 : i32
    %dma_wait3A_197 = tpu.memref_slice %arg9[%dma_wait3A_195, %dma_wait3A_196] : memref<128x72xf32, #tpu.memory_space<vmem>> -> memref<8x72xf32, #tpu.memory_space<vmem>>
    %dma_wait3A_198 = arith.constant 88 : i32
    %dma_wait3A_199 = arith.constant 128 : i32
    %dma_wait3A_200 = tpu.memref_slice %arg4[%add3A_33, %dma_wait3A_198, %dma_wait3A_199] : memref<4096x128x200xf32, #tpu.memory_space<hbm>> -> memref<1x8x72xf32, #tpu.memory_space<hbm>>
    %dma_wait3A_201 = tpu.memref_squeeze %dma_wait3A_200 : memref<1x8x72xf32, #tpu.memory_space<hbm>> -> memref<8x72xf32, #tpu.memory_space<hbm>>
    %dma_wait3A_202 = arith.constant 88 : i32
    %dma_wait3A_203 = arith.constant 128 : i32
    %dma_wait3A_204 = tpu.memref_slice %arg4[%add3A_33, %dma_wait3A_202, %dma_wait3A_203] : memref<4096x128x200xf32, #tpu.memory_space<hbm>> -> memref<1x8x72xf32, #tpu.memory_space<hbm>>
    %dma_wait3A_205 = tpu.memref_squeeze %dma_wait3A_204 : memref<1x8x72xf32, #tpu.memory_space<hbm>> -> memref<8x72xf32, #tpu.memory_space<hbm>>
    %dma_wait3A_206 = arith.constant 88 : i32
    %dma_wait3A_207 = arith.constant 0 : i32
    %dma_wait3A_208 = tpu.memref_slice %arg9[%dma_wait3A_206, %dma_wait3A_207] : memref<128x72xf32, #tpu.memory_space<vmem>> -> memref<8x72xf32, #tpu.memory_space<vmem>>
    tpu.wait_dma2 semaphore(%arg14 : memref<!tpu.dma_semaphore, #tpu.memory_space<semaphore_mem>>) src(%dma_wait3A_208 : memref<8x72xf32, #tpu.memory_space<vmem>>) dst(%dma_wait3A_205 : memref<8x72xf32, #tpu.memory_space<hbm>>)
    %dma_wait3A_209 = arith.constant 96 : i32
    %dma_wait3A_210 = arith.constant 0 : i32
    %dma_wait3A_211 = tpu.memref_slice %arg9[%dma_wait3A_209, %dma_wait3A_210] : memref<128x72xf32, #tpu.memory_space<vmem>> -> memref<8x72xf32, #tpu.memory_space<vmem>>
    %dma_wait3A_212 = arith.constant 96 : i32
    %dma_wait3A_213 = arith.constant 128 : i32
    %dma_wait3A_214 = tpu.memref_slice %arg4[%add3A_33, %dma_wait3A_212, %dma_wait3A_213] : memref<4096x128x200xf32, #tpu.memory_space<hbm>> -> memref<1x8x72xf32, #tpu.memory_space<hbm>>
    %dma_wait3A_215 = tpu.memref_squeeze %dma_wait3A_214 : memref<1x8x72xf32, #tpu.memory_space<hbm>> -> memref<8x72xf32, #tpu.memory_space<hbm>>
    %dma_wait3A_216 = arith.constant 96 : i32
    %dma_wait3A_217 = arith.constant 128 : i32
    %dma_wait3A_218 = tpu.memref_slice %arg4[%add3A_33, %dma_wait3A_216, %dma_wait3A_217] : memref<4096x128x200xf32, #tpu.memory_space<hbm>> -> memref<1x8x72xf32, #tpu.memory_space<hbm>>
    %dma_wait3A_219 = tpu.memref_squeeze %dma_wait3A_218 : memref<1x8x72xf32, #tpu.memory_space<hbm>> -> memref<8x72xf32, #tpu.memory_space<hbm>>
    %dma_wait3A_220 = arith.constant 96 : i32
    %dma_wait3A_221 = arith.constant 0 : i32
    %dma_wait3A_222 = tpu.memref_slice %arg9[%dma_wait3A_220, %dma_wait3A_221] : memref<128x72xf32, #tpu.memory_space<vmem>> -> memref<8x72xf32, #tpu.memory_space<vmem>>
    tpu.wait_dma2 semaphore(%arg14 : memref<!tpu.dma_semaphore, #tpu.memory_space<semaphore_mem>>) src(%dma_wait3A_222 : memref<8x72xf32, #tpu.memory_space<vmem>>) dst(%dma_wait3A_219 : memref<8x72xf32, #tpu.memory_space<hbm>>)
    %dma_wait3A_223 = arith.constant 104 : i32
    %dma_wait3A_224 = arith.constant 0 : i32
    %dma_wait3A_225 = tpu.memref_slice %arg9[%dma_wait3A_223, %dma_wait3A_224] : memref<128x72xf32, #tpu.memory_space<vmem>> -> memref<8x72xf32, #tpu.memory_space<vmem>>
    %dma_wait3A_226 = arith.constant 104 : i32
    %dma_wait3A_227 = arith.constant 128 : i32
    %dma_wait3A_228 = tpu.memref_slice %arg4[%add3A_33, %dma_wait3A_226, %dma_wait3A_227] : memref<4096x128x200xf32, #tpu.memory_space<hbm>> -> memref<1x8x72xf32, #tpu.memory_space<hbm>>
    %dma_wait3A_229 = tpu.memref_squeeze %dma_wait3A_228 : memref<1x8x72xf32, #tpu.memory_space<hbm>> -> memref<8x72xf32, #tpu.memory_space<hbm>>
    %dma_wait3A_230 = arith.constant 104 : i32
    %dma_wait3A_231 = arith.constant 128 : i32
    %dma_wait3A_232 = tpu.memref_slice %arg4[%add3A_33, %dma_wait3A_230, %dma_wait3A_231] : memref<4096x128x200xf32, #tpu.memory_space<hbm>> -> memref<1x8x72xf32, #tpu.memory_space<hbm>>
    %dma_wait3A_233 = tpu.memref_squeeze %dma_wait3A_232 : memref<1x8x72xf32, #tpu.memory_space<hbm>> -> memref<8x72xf32, #tpu.memory_space<hbm>>
    %dma_wait3A_234 = arith.constant 104 : i32
    %dma_wait3A_235 = arith.constant 0 : i32
    %dma_wait3A_236 = tpu.memref_slice %arg9[%dma_wait3A_234, %dma_wait3A_235] : memref<128x72xf32, #tpu.memory_space<vmem>> -> memref<8x72xf32, #tpu.memory_space<vmem>>
    tpu.wait_dma2 semaphore(%arg14 : memref<!tpu.dma_semaphore, #tpu.memory_space<semaphore_mem>>) src(%dma_wait3A_236 : memref<8x72xf32, #tpu.memory_space<vmem>>) dst(%dma_wait3A_233 : memref<8x72xf32, #tpu.memory_space<hbm>>)
    %dma_wait3A_237 = arith.constant 112 : i32
    %dma_wait3A_238 = arith.constant 0 : i32
    %dma_wait3A_239 = tpu.memref_slice %arg9[%dma_wait3A_237, %dma_wait3A_238] : memref<128x72xf32, #tpu.memory_space<vmem>> -> memref<8x72xf32, #tpu.memory_space<vmem>>
    %dma_wait3A_240 = arith.constant 112 : i32
    %dma_wait3A_241 = arith.constant 128 : i32
    %dma_wait3A_242 = tpu.memref_slice %arg4[%add3A_33, %dma_wait3A_240, %dma_wait3A_241] : memref<4096x128x200xf32, #tpu.memory_space<hbm>> -> memref<1x8x72xf32, #tpu.memory_space<hbm>>
    %dma_wait3A_243 = tpu.memref_squeeze %dma_wait3A_242 : memref<1x8x72xf32, #tpu.memory_space<hbm>> -> memref<8x72xf32, #tpu.memory_space<hbm>>
    %dma_wait3A_244 = arith.constant 112 : i32
    %dma_wait3A_245 = arith.constant 128 : i32
    %dma_wait3A_246 = tpu.memref_slice %arg4[%add3A_33, %dma_wait3A_244, %dma_wait3A_245] : memref<4096x128x200xf32, #tpu.memory_space<hbm>> -> memref<1x8x72xf32, #tpu.memory_space<hbm>>
    %dma_wait3A_247 = tpu.memref_squeeze %dma_wait3A_246 : memref<1x8x72xf32, #tpu.memory_space<hbm>> -> memref<8x72xf32, #tpu.memory_space<hbm>>
    %dma_wait3A_248 = arith.constant 112 : i32
    %dma_wait3A_249 = arith.constant 0 : i32
    %dma_wait3A_250 = tpu.memref_slice %arg9[%dma_wait3A_248, %dma_wait3A_249] : memref<128x72xf32, #tpu.memory_space<vmem>> -> memref<8x72xf32, #tpu.memory_space<vmem>>
    tpu.wait_dma2 semaphore(%arg14 : memref<!tpu.dma_semaphore, #tpu.memory_space<semaphore_mem>>) src(%dma_wait3A_250 : memref<8x72xf32, #tpu.memory_space<vmem>>) dst(%dma_wait3A_247 : memref<8x72xf32, #tpu.memory_space<hbm>>)
    %dma_wait3A_251 = arith.constant 120 : i32
    %dma_wait3A_252 = arith.constant 0 : i32
    %dma_wait3A_253 = tpu.memref_slice %arg9[%dma_wait3A_251, %dma_wait3A_252] : memref<128x72xf32, #tpu.memory_space<vmem>> -> memref<8x72xf32, #tpu.memory_space<vmem>>
    %dma_wait3A_254 = arith.constant 120 : i32
    %dma_wait3A_255 = arith.constant 128 : i32
    %dma_wait3A_256 = tpu.memref_slice %arg4[%add3A_33, %dma_wait3A_254, %dma_wait3A_255] : memref<4096x128x200xf32, #tpu.memory_space<hbm>> -> memref<1x8x72xf32, #tpu.memory_space<hbm>>
    %dma_wait3A_257 = tpu.memref_squeeze %dma_wait3A_256 : memref<1x8x72xf32, #tpu.memory_space<hbm>> -> memref<8x72xf32, #tpu.memory_space<hbm>>
    %dma_wait3A_258 = arith.constant 120 : i32
    %dma_wait3A_259 = arith.constant 128 : i32
    %dma_wait3A_260 = tpu.memref_slice %arg4[%add3A_33, %dma_wait3A_258, %dma_wait3A_259] : memref<4096x128x200xf32, #tpu.memory_space<hbm>> -> memref<1x8x72xf32, #tpu.memory_space<hbm>>
    %dma_wait3A_261 = tpu.memref_squeeze %dma_wait3A_260 : memref<1x8x72xf32, #tpu.memory_space<hbm>> -> memref<8x72xf32, #tpu.memory_space<hbm>>
    %dma_wait3A_262 = arith.constant 120 : i32
    %dma_wait3A_263 = arith.constant 0 : i32
    %dma_wait3A_264 = tpu.memref_slice %arg9[%dma_wait3A_262, %dma_wait3A_263] : memref<128x72xf32, #tpu.memory_space<vmem>> -> memref<8x72xf32, #tpu.memory_space<vmem>>
    tpu.wait_dma2 semaphore(%arg14 : memref<!tpu.dma_semaphore, #tpu.memory_space<semaphore_mem>>) src(%dma_wait3A_264 : memref<8x72xf32, #tpu.memory_space<vmem>>) dst(%dma_wait3A_261 : memref<8x72xf32, #tpu.memory_space<hbm>>)
    %mul3A_265 = arith.constant 128 : i32
    %mul3A_266 = arith.muli %add3A, %mul3A_265 : i32
    %add3A_267 = arith.constant 127 : i32
    %add3A_268 = arith.addi %mul3A_266, %add3A_267 : i32
    %dma_wait3A_269 = arith.constant 0 : i32
    %dma_wait3A_270 = arith.constant 0 : i32
    %dma_wait3A_271 = tpu.memref_slice %arg4[%add3A_268, %dma_wait3A_269, %dma_wait3A_270] : memref<4096x128x200xf32, #tpu.memory_space<hbm>> -> memref<1x128x128xf32, #tpu.memory_space<hbm>>
    %dma_wait3A_272 = tpu.memref_squeeze %dma_wait3A_271 : memref<1x128x128xf32, #tpu.memory_space<hbm>> -> memref<128x128xf32, #tpu.memory_space<hbm>>
    %dma_wait3A_273 = arith.constant 0 : i32
    %dma_wait3A_274 = arith.constant 0 : i32
    %dma_wait3A_275 = tpu.memref_slice %arg4[%add3A_268, %dma_wait3A_273, %dma_wait3A_274] : memref<4096x128x200xf32, #tpu.memory_space<hbm>> -> memref<1x128x128xf32, #tpu.memory_space<hbm>>
    %dma_wait3A_276 = tpu.memref_squeeze %dma_wait3A_275 : memref<1x128x128xf32, #tpu.memory_space<hbm>> -> memref<128x128xf32, #tpu.memory_space<hbm>>
    tpu.wait_dma2 semaphore(%arg15 : memref<!tpu.dma_semaphore, #tpu.memory_space<semaphore_mem>>) src(%arg10 : memref<128x128xf32, #tpu.memory_space<vmem>>) dst(%dma_wait3A_276 : memref<128x128xf32, #tpu.memory_space<hbm>>)
    %dma_wait3A_277 = arith.constant 0 : i32
    %dma_wait3A_278 = arith.constant 0 : i32
    %dma_wait3A_279 = tpu.memref_slice %arg11[%dma_wait3A_277, %dma_wait3A_278] : memref<128x72xf32, #tpu.memory_space<vmem>> -> memref<8x72xf32, #tpu.memory_space<vmem>>
    %dma_wait3A_280 = arith.constant 0 : i32
    %dma_wait3A_281 = arith.constant 128 : i32
    %dma_wait3A_282 = tpu.memref_slice %arg4[%add3A_268, %dma_wait3A_280, %dma_wait3A_281] : memref<4096x128x200xf32, #tpu.memory_space<hbm>> -> memref<1x8x72xf32, #tpu.memory_space<hbm>>
    %dma_wait3A_283 = tpu.memref_squeeze %dma_wait3A_282 : memref<1x8x72xf32, #tpu.memory_space<hbm>> -> memref<8x72xf32, #tpu.memory_space<hbm>>
    %dma_wait3A_284 = arith.constant 0 : i32
    %dma_wait3A_285 = arith.constant 128 : i32
    %dma_wait3A_286 = tpu.memref_slice %arg4[%add3A_268, %dma_wait3A_284, %dma_wait3A_285] : memref<4096x128x200xf32, #tpu.memory_space<hbm>> -> memref<1x8x72xf32, #tpu.memory_space<hbm>>
    %dma_wait3A_287 = tpu.memref_squeeze %dma_wait3A_286 : memref<1x8x72xf32, #tpu.memory_space<hbm>> -> memref<8x72xf32, #tpu.memory_space<hbm>>
    %dma_wait3A_288 = arith.constant 0 : i32
    %dma_wait3A_289 = arith.constant 0 : i32
    %dma_wait3A_290 = tpu.memref_slice %arg11[%dma_wait3A_288, %dma_wait3A_289] : memref<128x72xf32, #tpu.memory_space<vmem>> -> memref<8x72xf32, #tpu.memory_space<vmem>>
    tpu.wait_dma2 semaphore(%arg15 : memref<!tpu.dma_semaphore, #tpu.memory_space<semaphore_mem>>) src(%dma_wait3A_290 : memref<8x72xf32, #tpu.memory_space<vmem>>) dst(%dma_wait3A_287 : memref<8x72xf32, #tpu.memory_space<hbm>>)
    %dma_wait3A_291 = arith.constant 8 : i32
    %dma_wait3A_292 = arith.constant 0 : i32
    %dma_wait3A_293 = tpu.memref_slice %arg11[%dma_wait3A_291, %dma_wait3A_292] : memref<128x72xf32, #tpu.memory_space<vmem>> -> memref<8x72xf32, #tpu.memory_space<vmem>>
    %dma_wait3A_294 = arith.constant 8 : i32
    %dma_wait3A_295 = arith.constant 128 : i32
    %dma_wait3A_296 = tpu.memref_slice %arg4[%add3A_268, %dma_wait3A_294, %dma_wait3A_295] : memref<4096x128x200xf32, #tpu.memory_space<hbm>> -> memref<1x8x72xf32, #tpu.memory_space<hbm>>
    %dma_wait3A_297 = tpu.memref_squeeze %dma_wait3A_296 : memref<1x8x72xf32, #tpu.memory_space<hbm>> -> memref<8x72xf32, #tpu.memory_space<hbm>>
    %dma_wait3A_298 = arith.constant 8 : i32
    %dma_wait3A_299 = arith.constant 128 : i32
    %dma_wait3A_300 = tpu.memref_slice %arg4[%add3A_268, %dma_wait3A_298, %dma_wait3A_299] : memref<4096x128x200xf32, #tpu.memory_space<hbm>> -> memref<1x8x72xf32, #tpu.memory_space<hbm>>
    %dma_wait3A_301 = tpu.memref_squeeze %dma_wait3A_300 : memref<1x8x72xf32, #tpu.memory_space<hbm>> -> memref<8x72xf32, #tpu.memory_space<hbm>>
    %dma_wait3A_302 = arith.constant 8 : i32
    %dma_wait3A_303 = arith.constant 0 : i32
    %dma_wait3A_304 = tpu.memref_slice %arg11[%dma_wait3A_302, %dma_wait3A_303] : memref<128x72xf32, #tpu.memory_space<vmem>> -> memref<8x72xf32, #tpu.memory_space<vmem>>
    tpu.wait_dma2 semaphore(%arg15 : memref<!tpu.dma_semaphore, #tpu.memory_space<semaphore_mem>>) src(%dma_wait3A_304 : memref<8x72xf32, #tpu.memory_space<vmem>>) dst(%dma_wait3A_301 : memref<8x72xf32, #tpu.memory_space<hbm>>)
    %dma_wait3A_305 = arith.constant 16 : i32
    %dma_wait3A_306 = arith.constant 0 : i32
    %dma_wait3A_307 = tpu.memref_slice %arg11[%dma_wait3A_305, %dma_wait3A_306] : memref<128x72xf32, #tpu.memory_space<vmem>> -> memref<8x72xf32, #tpu.memory_space<vmem>>
    %dma_wait3A_308 = arith.constant 16 : i32
    %dma_wait3A_309 = arith.constant 128 : i32
    %dma_wait3A_310 = tpu.memref_slice %arg4[%add3A_268, %dma_wait3A_308, %dma_wait3A_309] : memref<4096x128x200xf32, #tpu.memory_space<hbm>> -> memref<1x8x72xf32, #tpu.memory_space<hbm>>
    %dma_wait3A_311 = tpu.memref_squeeze %dma_wait3A_310 : memref<1x8x72xf32, #tpu.memory_space<hbm>> -> memref<8x72xf32, #tpu.memory_space<hbm>>
    %dma_wait3A_312 = arith.constant 16 : i32
    %dma_wait3A_313 = arith.constant 128 : i32
    %dma_wait3A_314 = tpu.memref_slice %arg4[%add3A_268, %dma_wait3A_312, %dma_wait3A_313] : memref<4096x128x200xf32, #tpu.memory_space<hbm>> -> memref<1x8x72xf32, #tpu.memory_space<hbm>>
    %dma_wait3A_315 = tpu.memref_squeeze %dma_wait3A_314 : memref<1x8x72xf32, #tpu.memory_space<hbm>> -> memref<8x72xf32, #tpu.memory_space<hbm>>
    %dma_wait3A_316 = arith.constant 16 : i32
    %dma_wait3A_317 = arith.constant 0 : i32
    %dma_wait3A_318 = tpu.memref_slice %arg11[%dma_wait3A_316, %dma_wait3A_317] : memref<128x72xf32, #tpu.memory_space<vmem>> -> memref<8x72xf32, #tpu.memory_space<vmem>>
    tpu.wait_dma2 semaphore(%arg15 : memref<!tpu.dma_semaphore, #tpu.memory_space<semaphore_mem>>) src(%dma_wait3A_318 : memref<8x72xf32, #tpu.memory_space<vmem>>) dst(%dma_wait3A_315 : memref<8x72xf32, #tpu.memory_space<hbm>>)
    %dma_wait3A_319 = arith.constant 24 : i32
    %dma_wait3A_320 = arith.constant 0 : i32
    %dma_wait3A_321 = tpu.memref_slice %arg11[%dma_wait3A_319, %dma_wait3A_320] : memref<128x72xf32, #tpu.memory_space<vmem>> -> memref<8x72xf32, #tpu.memory_space<vmem>>
    %dma_wait3A_322 = arith.constant 24 : i32
    %dma_wait3A_323 = arith.constant 128 : i32
    %dma_wait3A_324 = tpu.memref_slice %arg4[%add3A_268, %dma_wait3A_322, %dma_wait3A_323] : memref<4096x128x200xf32, #tpu.memory_space<hbm>> -> memref<1x8x72xf32, #tpu.memory_space<hbm>>
    %dma_wait3A_325 = tpu.memref_squeeze %dma_wait3A_324 : memref<1x8x72xf32, #tpu.memory_space<hbm>> -> memref<8x72xf32, #tpu.memory_space<hbm>>
    %dma_wait3A_326 = arith.constant 24 : i32
    %dma_wait3A_327 = arith.constant 128 : i32
    %dma_wait3A_328 = tpu.memref_slice %arg4[%add3A_268, %dma_wait3A_326, %dma_wait3A_327] : memref<4096x128x200xf32, #tpu.memory_space<hbm>> -> memref<1x8x72xf32, #tpu.memory_space<hbm>>
    %dma_wait3A_329 = tpu.memref_squeeze %dma_wait3A_328 : memref<1x8x72xf32, #tpu.memory_space<hbm>> -> memref<8x72xf32, #tpu.memory_space<hbm>>
    %dma_wait3A_330 = arith.constant 24 : i32
    %dma_wait3A_331 = arith.constant 0 : i32
    %dma_wait3A_332 = tpu.memref_slice %arg11[%dma_wait3A_330, %dma_wait3A_331] : memref<128x72xf32, #tpu.memory_space<vmem>> -> memref<8x72xf32, #tpu.memory_space<vmem>>
    tpu.wait_dma2 semaphore(%arg15 : memref<!tpu.dma_semaphore, #tpu.memory_space<semaphore_mem>>) src(%dma_wait3A_332 : memref<8x72xf32, #tpu.memory_space<vmem>>) dst(%dma_wait3A_329 : memref<8x72xf32, #tpu.memory_space<hbm>>)
    %dma_wait3A_333 = arith.constant 32 : i32
    %dma_wait3A_334 = arith.constant 0 : i32
    %dma_wait3A_335 = tpu.memref_slice %arg11[%dma_wait3A_333, %dma_wait3A_334] : memref<128x72xf32, #tpu.memory_space<vmem>> -> memref<8x72xf32, #tpu.memory_space<vmem>>
    %dma_wait3A_336 = arith.constant 32 : i32
    %dma_wait3A_337 = arith.constant 128 : i32
    %dma_wait3A_338 = tpu.memref_slice %arg4[%add3A_268, %dma_wait3A_336, %dma_wait3A_337] : memref<4096x128x200xf32, #tpu.memory_space<hbm>> -> memref<1x8x72xf32, #tpu.memory_space<hbm>>
    %dma_wait3A_339 = tpu.memref_squeeze %dma_wait3A_338 : memref<1x8x72xf32, #tpu.memory_space<hbm>> -> memref<8x72xf32, #tpu.memory_space<hbm>>
    %dma_wait3A_340 = arith.constant 32 : i32
    %dma_wait3A_341 = arith.constant 128 : i32
    %dma_wait3A_342 = tpu.memref_slice %arg4[%add3A_268, %dma_wait3A_340, %dma_wait3A_341] : memref<4096x128x200xf32, #tpu.memory_space<hbm>> -> memref<1x8x72xf32, #tpu.memory_space<hbm>>
    %dma_wait3A_343 = tpu.memref_squeeze %dma_wait3A_342 : memref<1x8x72xf32, #tpu.memory_space<hbm>> -> memref<8x72xf32, #tpu.memory_space<hbm>>
    %dma_wait3A_344 = arith.constant 32 : i32
    %dma_wait3A_345 = arith.constant 0 : i32
    %dma_wait3A_346 = tpu.memref_slice %arg11[%dma_wait3A_344, %dma_wait3A_345] : memref<128x72xf32, #tpu.memory_space<vmem>> -> memref<8x72xf32, #tpu.memory_space<vmem>>
    tpu.wait_dma2 semaphore(%arg15 : memref<!tpu.dma_semaphore, #tpu.memory_space<semaphore_mem>>) src(%dma_wait3A_346 : memref<8x72xf32, #tpu.memory_space<vmem>>) dst(%dma_wait3A_343 : memref<8x72xf32, #tpu.memory_space<hbm>>)
    %dma_wait3A_347 = arith.constant 40 : i32
    %dma_wait3A_348 = arith.constant 0 : i32
    %dma_wait3A_349 = tpu.memref_slice %arg11[%dma_wait3A_347, %dma_wait3A_348] : memref<128x72xf32, #tpu.memory_space<vmem>> -> memref<8x72xf32, #tpu.memory_space<vmem>>
    %dma_wait3A_350 = arith.constant 40 : i32
    %dma_wait3A_351 = arith.constant 128 : i32
    %dma_wait3A_352 = tpu.memref_slice %arg4[%add3A_268, %dma_wait3A_350, %dma_wait3A_351] : memref<4096x128x200xf32, #tpu.memory_space<hbm>> -> memref<1x8x72xf32, #tpu.memory_space<hbm>>
    %dma_wait3A_353 = tpu.memref_squeeze %dma_wait3A_352 : memref<1x8x72xf32, #tpu.memory_space<hbm>> -> memref<8x72xf32, #tpu.memory_space<hbm>>
    %dma_wait3A_354 = arith.constant 40 : i32
    %dma_wait3A_355 = arith.constant 128 : i32
    %dma_wait3A_356 = tpu.memref_slice %arg4[%add3A_268, %dma_wait3A_354, %dma_wait3A_355] : memref<4096x128x200xf32, #tpu.memory_space<hbm>> -> memref<1x8x72xf32, #tpu.memory_space<hbm>>
    %dma_wait3A_357 = tpu.memref_squeeze %dma_wait3A_356 : memref<1x8x72xf32, #tpu.memory_space<hbm>> -> memref<8x72xf32, #tpu.memory_space<hbm>>
    %dma_wait3A_358 = arith.constant 40 : i32
    %dma_wait3A_359 = arith.constant 0 : i32
    %dma_wait3A_360 = tpu.memref_slice %arg11[%dma_wait3A_358, %dma_wait3A_359] : memref<128x72xf32, #tpu.memory_space<vmem>> -> memref<8x72xf32, #tpu.memory_space<vmem>>
    tpu.wait_dma2 semaphore(%arg15 : memref<!tpu.dma_semaphore, #tpu.memory_space<semaphore_mem>>) src(%dma_wait3A_360 : memref<8x72xf32, #tpu.memory_space<vmem>>) dst(%dma_wait3A_357 : memref<8x72xf32, #tpu.memory_space<hbm>>)
    %dma_wait3A_361 = arith.constant 48 : i32
    %dma_wait3A_362 = arith.constant 0 : i32
    %dma_wait3A_363 = tpu.memref_slice %arg11[%dma_wait3A_361, %dma_wait3A_362] : memref<128x72xf32, #tpu.memory_space<vmem>> -> memref<8x72xf32, #tpu.memory_space<vmem>>
    %dma_wait3A_364 = arith.constant 48 : i32
    %dma_wait3A_365 = arith.constant 128 : i32
    %dma_wait3A_366 = tpu.memref_slice %arg4[%add3A_268, %dma_wait3A_364, %dma_wait3A_365] : memref<4096x128x200xf32, #tpu.memory_space<hbm>> -> memref<1x8x72xf32, #tpu.memory_space<hbm>>
    %dma_wait3A_367 = tpu.memref_squeeze %dma_wait3A_366 : memref<1x8x72xf32, #tpu.memory_space<hbm>> -> memref<8x72xf32, #tpu.memory_space<hbm>>
    %dma_wait3A_368 = arith.constant 48 : i32
    %dma_wait3A_369 = arith.constant 128 : i32
    %dma_wait3A_370 = tpu.memref_slice %arg4[%add3A_268, %dma_wait3A_368, %dma_wait3A_369] : memref<4096x128x200xf32, #tpu.memory_space<hbm>> -> memref<1x8x72xf32, #tpu.memory_space<hbm>>
    %dma_wait3A_371 = tpu.memref_squeeze %dma_wait3A_370 : memref<1x8x72xf32, #tpu.memory_space<hbm>> -> memref<8x72xf32, #tpu.memory_space<hbm>>
    %dma_wait3A_372 = arith.constant 48 : i32
    %dma_wait3A_373 = arith.constant 0 : i32
    %dma_wait3A_374 = tpu.memref_slice %arg11[%dma_wait3A_372, %dma_wait3A_373] : memref<128x72xf32, #tpu.memory_space<vmem>> -> memref<8x72xf32, #tpu.memory_space<vmem>>
    tpu.wait_dma2 semaphore(%arg15 : memref<!tpu.dma_semaphore, #tpu.memory_space<semaphore_mem>>) src(%dma_wait3A_374 : memref<8x72xf32, #tpu.memory_space<vmem>>) dst(%dma_wait3A_371 : memref<8x72xf32, #tpu.memory_space<hbm>>)
    %dma_wait3A_375 = arith.constant 56 : i32
    %dma_wait3A_376 = arith.constant 0 : i32
    %dma_wait3A_377 = tpu.memref_slice %arg11[%dma_wait3A_375, %dma_wait3A_376] : memref<128x72xf32, #tpu.memory_space<vmem>> -> memref<8x72xf32, #tpu.memory_space<vmem>>
    %dma_wait3A_378 = arith.constant 56 : i32
    %dma_wait3A_379 = arith.constant 128 : i32
    %dma_wait3A_380 = tpu.memref_slice %arg4[%add3A_268, %dma_wait3A_378, %dma_wait3A_379] : memref<4096x128x200xf32, #tpu.memory_space<hbm>> -> memref<1x8x72xf32, #tpu.memory_space<hbm>>
    %dma_wait3A_381 = tpu.memref_squeeze %dma_wait3A_380 : memref<1x8x72xf32, #tpu.memory_space<hbm>> -> memref<8x72xf32, #tpu.memory_space<hbm>>
    %dma_wait3A_382 = arith.constant 56 : i32
    %dma_wait3A_383 = arith.constant 128 : i32
    %dma_wait3A_384 = tpu.memref_slice %arg4[%add3A_268, %dma_wait3A_382, %dma_wait3A_383] : memref<4096x128x200xf32, #tpu.memory_space<hbm>> -> memref<1x8x72xf32, #tpu.memory_space<hbm>>
    %dma_wait3A_385 = tpu.memref_squeeze %dma_wait3A_384 : memref<1x8x72xf32, #tpu.memory_space<hbm>> -> memref<8x72xf32, #tpu.memory_space<hbm>>
    %dma_wait3A_386 = arith.constant 56 : i32
    %dma_wait3A_387 = arith.constant 0 : i32
    %dma_wait3A_388 = tpu.memref_slice %arg11[%dma_wait3A_386, %dma_wait3A_387] : memref<128x72xf32, #tpu.memory_space<vmem>> -> memref<8x72xf32, #tpu.memory_space<vmem>>
    tpu.wait_dma2 semaphore(%arg15 : memref<!tpu.dma_semaphore, #tpu.memory_space<semaphore_mem>>) src(%dma_wait3A_388 : memref<8x72xf32, #tpu.memory_space<vmem>>) dst(%dma_wait3A_385 : memref<8x72xf32, #tpu.memory_space<hbm>>)
    %dma_wait3A_389 = arith.constant 64 : i32
    %dma_wait3A_390 = arith.constant 0 : i32
    %dma_wait3A_391 = tpu.memref_slice %arg11[%dma_wait3A_389, %dma_wait3A_390] : memref<128x72xf32, #tpu.memory_space<vmem>> -> memref<8x72xf32, #tpu.memory_space<vmem>>
    %dma_wait3A_392 = arith.constant 64 : i32
    %dma_wait3A_393 = arith.constant 128 : i32
    %dma_wait3A_394 = tpu.memref_slice %arg4[%add3A_268, %dma_wait3A_392, %dma_wait3A_393] : memref<4096x128x200xf32, #tpu.memory_space<hbm>> -> memref<1x8x72xf32, #tpu.memory_space<hbm>>
    %dma_wait3A_395 = tpu.memref_squeeze %dma_wait3A_394 : memref<1x8x72xf32, #tpu.memory_space<hbm>> -> memref<8x72xf32, #tpu.memory_space<hbm>>
    %dma_wait3A_396 = arith.constant 64 : i32
    %dma_wait3A_397 = arith.constant 128 : i32
    %dma_wait3A_398 = tpu.memref_slice %arg4[%add3A_268, %dma_wait3A_396, %dma_wait3A_397] : memref<4096x128x200xf32, #tpu.memory_space<hbm>> -> memref<1x8x72xf32, #tpu.memory_space<hbm>>
    %dma_wait3A_399 = tpu.memref_squeeze %dma_wait3A_398 : memref<1x8x72xf32, #tpu.memory_space<hbm>> -> memref<8x72xf32, #tpu.memory_space<hbm>>
    %dma_wait3A_400 = arith.constant 64 : i32
    %dma_wait3A_401 = arith.constant 0 : i32
    %dma_wait3A_402 = tpu.memref_slice %arg11[%dma_wait3A_400, %dma_wait3A_401] : memref<128x72xf32, #tpu.memory_space<vmem>> -> memref<8x72xf32, #tpu.memory_space<vmem>>
    tpu.wait_dma2 semaphore(%arg15 : memref<!tpu.dma_semaphore, #tpu.memory_space<semaphore_mem>>) src(%dma_wait3A_402 : memref<8x72xf32, #tpu.memory_space<vmem>>) dst(%dma_wait3A_399 : memref<8x72xf32, #tpu.memory_space<hbm>>)
    %dma_wait3A_403 = arith.constant 72 : i32
    %dma_wait3A_404 = arith.constant 0 : i32
    %dma_wait3A_405 = tpu.memref_slice %arg11[%dma_wait3A_403, %dma_wait3A_404] : memref<128x72xf32, #tpu.memory_space<vmem>> -> memref<8x72xf32, #tpu.memory_space<vmem>>
    %dma_wait3A_406 = arith.constant 72 : i32
    %dma_wait3A_407 = arith.constant 128 : i32
    %dma_wait3A_408 = tpu.memref_slice %arg4[%add3A_268, %dma_wait3A_406, %dma_wait3A_407] : memref<4096x128x200xf32, #tpu.memory_space<hbm>> -> memref<1x8x72xf32, #tpu.memory_space<hbm>>
    %dma_wait3A_409 = tpu.memref_squeeze %dma_wait3A_408 : memref<1x8x72xf32, #tpu.memory_space<hbm>> -> memref<8x72xf32, #tpu.memory_space<hbm>>
    %dma_wait3A_410 = arith.constant 72 : i32
    %dma_wait3A_411 = arith.constant 128 : i32
    %dma_wait3A_412 = tpu.memref_slice %arg4[%add3A_268, %dma_wait3A_410, %dma_wait3A_411] : memref<4096x128x200xf32, #tpu.memory_space<hbm>> -> memref<1x8x72xf32, #tpu.memory_space<hbm>>
    %dma_wait3A_413 = tpu.memref_squeeze %dma_wait3A_412 : memref<1x8x72xf32, #tpu.memory_space<hbm>> -> memref<8x72xf32, #tpu.memory_space<hbm>>
    %dma_wait3A_414 = arith.constant 72 : i32
    %dma_wait3A_415 = arith.constant 0 : i32
    %dma_wait3A_416 = tpu.memref_slice %arg11[%dma_wait3A_414, %dma_wait3A_415] : memref<128x72xf32, #tpu.memory_space<vmem>> -> memref<8x72xf32, #tpu.memory_space<vmem>>
    tpu.wait_dma2 semaphore(%arg15 : memref<!tpu.dma_semaphore, #tpu.memory_space<semaphore_mem>>) src(%dma_wait3A_416 : memref<8x72xf32, #tpu.memory_space<vmem>>) dst(%dma_wait3A_413 : memref<8x72xf32, #tpu.memory_space<hbm>>)
    %dma_wait3A_417 = arith.constant 80 : i32
    %dma_wait3A_418 = arith.constant 0 : i32
    %dma_wait3A_419 = tpu.memref_slice %arg11[%dma_wait3A_417, %dma_wait3A_418] : memref<128x72xf32, #tpu.memory_space<vmem>> -> memref<8x72xf32, #tpu.memory_space<vmem>>
    %dma_wait3A_420 = arith.constant 80 : i32
    %dma_wait3A_421 = arith.constant 128 : i32
    %dma_wait3A_422 = tpu.memref_slice %arg4[%add3A_268, %dma_wait3A_420, %dma_wait3A_421] : memref<4096x128x200xf32, #tpu.memory_space<hbm>> -> memref<1x8x72xf32, #tpu.memory_space<hbm>>
    %dma_wait3A_423 = tpu.memref_squeeze %dma_wait3A_422 : memref<1x8x72xf32, #tpu.memory_space<hbm>> -> memref<8x72xf32, #tpu.memory_space<hbm>>
    %dma_wait3A_424 = arith.constant 80 : i32
    %dma_wait3A_425 = arith.constant 128 : i32
    %dma_wait3A_426 = tpu.memref_slice %arg4[%add3A_268, %dma_wait3A_424, %dma_wait3A_425] : memref<4096x128x200xf32, #tpu.memory_space<hbm>> -> memref<1x8x72xf32, #tpu.memory_space<hbm>>
    %dma_wait3A_427 = tpu.memref_squeeze %dma_wait3A_426 : memref<1x8x72xf32, #tpu.memory_space<hbm>> -> memref<8x72xf32, #tpu.memory_space<hbm>>
    %dma_wait3A_428 = arith.constant 80 : i32
    %dma_wait3A_429 = arith.constant 0 : i32
    %dma_wait3A_430 = tpu.memref_slice %arg11[%dma_wait3A_428, %dma_wait3A_429] : memref<128x72xf32, #tpu.memory_space<vmem>> -> memref<8x72xf32, #tpu.memory_space<vmem>>
    tpu.wait_dma2 semaphore(%arg15 : memref<!tpu.dma_semaphore, #tpu.memory_space<semaphore_mem>>) src(%dma_wait3A_430 : memref<8x72xf32, #tpu.memory_space<vmem>>) dst(%dma_wait3A_427 : memref<8x72xf32, #tpu.memory_space<hbm>>)
    %dma_wait3A_431 = arith.constant 88 : i32
    %dma_wait3A_432 = arith.constant 0 : i32
    %dma_wait3A_433 = tpu.memref_slice %arg11[%dma_wait3A_431, %dma_wait3A_432] : memref<128x72xf32, #tpu.memory_space<vmem>> -> memref<8x72xf32, #tpu.memory_space<vmem>>
    %dma_wait3A_434 = arith.constant 88 : i32
    %dma_wait3A_435 = arith.constant 128 : i32
    %dma_wait3A_436 = tpu.memref_slice %arg4[%add3A_268, %dma_wait3A_434, %dma_wait3A_435] : memref<4096x128x200xf32, #tpu.memory_space<hbm>> -> memref<1x8x72xf32, #tpu.memory_space<hbm>>
    %dma_wait3A_437 = tpu.memref_squeeze %dma_wait3A_436 : memref<1x8x72xf32, #tpu.memory_space<hbm>> -> memref<8x72xf32, #tpu.memory_space<hbm>>
    %dma_wait3A_438 = arith.constant 88 : i32
    %dma_wait3A_439 = arith.constant 128 : i32
    %dma_wait3A_440 = tpu.memref_slice %arg4[%add3A_268, %dma_wait3A_438, %dma_wait3A_439] : memref<4096x128x200xf32, #tpu.memory_space<hbm>> -> memref<1x8x72xf32, #tpu.memory_space<hbm>>
    %dma_wait3A_441 = tpu.memref_squeeze %dma_wait3A_440 : memref<1x8x72xf32, #tpu.memory_space<hbm>> -> memref<8x72xf32, #tpu.memory_space<hbm>>
    %dma_wait3A_442 = arith.constant 88 : i32
    %dma_wait3A_443 = arith.constant 0 : i32
    %dma_wait3A_444 = tpu.memref_slice %arg11[%dma_wait3A_442, %dma_wait3A_443] : memref<128x72xf32, #tpu.memory_space<vmem>> -> memref<8x72xf32, #tpu.memory_space<vmem>>
    tpu.wait_dma2 semaphore(%arg15 : memref<!tpu.dma_semaphore, #tpu.memory_space<semaphore_mem>>) src(%dma_wait3A_444 : memref<8x72xf32, #tpu.memory_space<vmem>>) dst(%dma_wait3A_441 : memref<8x72xf32, #tpu.memory_space<hbm>>)
    %dma_wait3A_445 = arith.constant 96 : i32
    %dma_wait3A_446 = arith.constant 0 : i32
    %dma_wait3A_447 = tpu.memref_slice %arg11[%dma_wait3A_445, %dma_wait3A_446] : memref<128x72xf32, #tpu.memory_space<vmem>> -> memref<8x72xf32, #tpu.memory_space<vmem>>
    %dma_wait3A_448 = arith.constant 96 : i32
    %dma_wait3A_449 = arith.constant 128 : i32
    %dma_wait3A_450 = tpu.memref_slice %arg4[%add3A_268, %dma_wait3A_448, %dma_wait3A_449] : memref<4096x128x200xf32, #tpu.memory_space<hbm>> -> memref<1x8x72xf32, #tpu.memory_space<hbm>>
    %dma_wait3A_451 = tpu.memref_squeeze %dma_wait3A_450 : memref<1x8x72xf32, #tpu.memory_space<hbm>> -> memref<8x72xf32, #tpu.memory_space<hbm>>
    %dma_wait3A_452 = arith.constant 96 : i32
    %dma_wait3A_453 = arith.constant 128 : i32
    %dma_wait3A_454 = tpu.memref_slice %arg4[%add3A_268, %dma_wait3A_452, %dma_wait3A_453] : memref<4096x128x200xf32, #tpu.memory_space<hbm>> -> memref<1x8x72xf32, #tpu.memory_space<hbm>>
    %dma_wait3A_455 = tpu.memref_squeeze %dma_wait3A_454 : memref<1x8x72xf32, #tpu.memory_space<hbm>> -> memref<8x72xf32, #tpu.memory_space<hbm>>
    %dma_wait3A_456 = arith.constant 96 : i32
    %dma_wait3A_457 = arith.constant 0 : i32
    %dma_wait3A_458 = tpu.memref_slice %arg11[%dma_wait3A_456, %dma_wait3A_457] : memref<128x72xf32, #tpu.memory_space<vmem>> -> memref<8x72xf32, #tpu.memory_space<vmem>>
    tpu.wait_dma2 semaphore(%arg15 : memref<!tpu.dma_semaphore, #tpu.memory_space<semaphore_mem>>) src(%dma_wait3A_458 : memref<8x72xf32, #tpu.memory_space<vmem>>) dst(%dma_wait3A_455 : memref<8x72xf32, #tpu.memory_space<hbm>>)
    %dma_wait3A_459 = arith.constant 104 : i32
    %dma_wait3A_460 = arith.constant 0 : i32
    %dma_wait3A_461 = tpu.memref_slice %arg11[%dma_wait3A_459, %dma_wait3A_460] : memref<128x72xf32, #tpu.memory_space<vmem>> -> memref<8x72xf32, #tpu.memory_space<vmem>>
    %dma_wait3A_462 = arith.constant 104 : i32
    %dma_wait3A_463 = arith.constant 128 : i32
    %dma_wait3A_464 = tpu.memref_slice %arg4[%add3A_268, %dma_wait3A_462, %dma_wait3A_463] : memref<4096x128x200xf32, #tpu.memory_space<hbm>> -> memref<1x8x72xf32, #tpu.memory_space<hbm>>
    %dma_wait3A_465 = tpu.memref_squeeze %dma_wait3A_464 : memref<1x8x72xf32, #tpu.memory_space<hbm>> -> memref<8x72xf32, #tpu.memory_space<hbm>>
    %dma_wait3A_466 = arith.constant 104 : i32
    %dma_wait3A_467 = arith.constant 128 : i32
    %dma_wait3A_468 = tpu.memref_slice %arg4[%add3A_268, %dma_wait3A_466, %dma_wait3A_467] : memref<4096x128x200xf32, #tpu.memory_space<hbm>> -> memref<1x8x72xf32, #tpu.memory_space<hbm>>
    %dma_wait3A_469 = tpu.memref_squeeze %dma_wait3A_468 : memref<1x8x72xf32, #tpu.memory_space<hbm>> -> memref<8x72xf32, #tpu.memory_space<hbm>>
    %dma_wait3A_470 = arith.constant 104 : i32
    %dma_wait3A_471 = arith.constant 0 : i32
    %dma_wait3A_472 = tpu.memref_slice %arg11[%dma_wait3A_470, %dma_wait3A_471] : memref<128x72xf32, #tpu.memory_space<vmem>> -> memref<8x72xf32, #tpu.memory_space<vmem>>
    tpu.wait_dma2 semaphore(%arg15 : memref<!tpu.dma_semaphore, #tpu.memory_space<semaphore_mem>>) src(%dma_wait3A_472 : memref<8x72xf32, #tpu.memory_space<vmem>>) dst(%dma_wait3A_469 : memref<8x72xf32, #tpu.memory_space<hbm>>)
    %dma_wait3A_473 = arith.constant 112 : i32
    %dma_wait3A_474 = arith.constant 0 : i32
    %dma_wait3A_475 = tpu.memref_slice %arg11[%dma_wait3A_473, %dma_wait3A_474] : memref<128x72xf32, #tpu.memory_space<vmem>> -> memref<8x72xf32, #tpu.memory_space<vmem>>
    %dma_wait3A_476 = arith.constant 112 : i32
    %dma_wait3A_477 = arith.constant 128 : i32
    %dma_wait3A_478 = tpu.memref_slice %arg4[%add3A_268, %dma_wait3A_476, %dma_wait3A_477] : memref<4096x128x200xf32, #tpu.memory_space<hbm>> -> memref<1x8x72xf32, #tpu.memory_space<hbm>>
    %dma_wait3A_479 = tpu.memref_squeeze %dma_wait3A_478 : memref<1x8x72xf32, #tpu.memory_space<hbm>> -> memref<8x72xf32, #tpu.memory_space<hbm>>
    %dma_wait3A_480 = arith.constant 112 : i32
    %dma_wait3A_481 = arith.constant 128 : i32
    %dma_wait3A_482 = tpu.memref_slice %arg4[%add3A_268, %dma_wait3A_480, %dma_wait3A_481] : memref<4096x128x200xf32, #tpu.memory_space<hbm>> -> memref<1x8x72xf32, #tpu.memory_space<hbm>>
    %dma_wait3A_483 = tpu.memref_squeeze %dma_wait3A_482 : memref<1x8x72xf32, #tpu.memory_space<hbm>> -> memref<8x72xf32, #tpu.memory_space<hbm>>
    %dma_wait3A_484 = arith.constant 112 : i32
    %dma_wait3A_485 = arith.constant 0 : i32
    %dma_wait3A_486 = tpu.memref_slice %arg11[%dma_wait3A_484, %dma_wait3A_485] : memref<128x72xf32, #tpu.memory_space<vmem>> -> memref<8x72xf32, #tpu.memory_space<vmem>>
    tpu.wait_dma2 semaphore(%arg15 : memref<!tpu.dma_semaphore, #tpu.memory_space<semaphore_mem>>) src(%dma_wait3A_486 : memref<8x72xf32, #tpu.memory_space<vmem>>) dst(%dma_wait3A_483 : memref<8x72xf32, #tpu.memory_space<hbm>>)
    %dma_wait3A_487 = arith.constant 120 : i32
    %dma_wait3A_488 = arith.constant 0 : i32
    %dma_wait3A_489 = tpu.memref_slice %arg11[%dma_wait3A_487, %dma_wait3A_488] : memref<128x72xf32, #tpu.memory_space<vmem>> -> memref<8x72xf32, #tpu.memory_space<vmem>>
    %dma_wait3A_490 = arith.constant 120 : i32
    %dma_wait3A_491 = arith.constant 128 : i32
    %dma_wait3A_492 = tpu.memref_slice %arg4[%add3A_268, %dma_wait3A_490, %dma_wait3A_491] : memref<4096x128x200xf32, #tpu.memory_space<hbm>> -> memref<1x8x72xf32, #tpu.memory_space<hbm>>
    %dma_wait3A_493 = tpu.memref_squeeze %dma_wait3A_492 : memref<1x8x72xf32, #tpu.memory_space<hbm>> -> memref<8x72xf32, #tpu.memory_space<hbm>>
    %dma_wait3A_494 = arith.constant 120 : i32
    %dma_wait3A_495 = arith.constant 128 : i32
    %dma_wait3A_496 = tpu.memref_slice %arg4[%add3A_268, %dma_wait3A_494, %dma_wait3A_495] : memref<4096x128x200xf32, #tpu.memory_space<hbm>> -> memref<1x8x72xf32, #tpu.memory_space<hbm>>
    %dma_wait3A_497 = tpu.memref_squeeze %dma_wait3A_496 : memref<1x8x72xf32, #tpu.memory_space<hbm>> -> memref<8x72xf32, #tpu.memory_space<hbm>>
    %dma_wait3A_498 = arith.constant 120 : i32
    %dma_wait3A_499 = arith.constant 0 : i32
    %dma_wait3A_500 = tpu.memref_slice %arg11[%dma_wait3A_498, %dma_wait3A_499] : memref<128x72xf32, #tpu.memory_space<vmem>> -> memref<8x72xf32, #tpu.memory_space<vmem>>
    tpu.wait_dma2 semaphore(%arg15 : memref<!tpu.dma_semaphore, #tpu.memory_space<semaphore_mem>>) src(%dma_wait3A_500 : memref<8x72xf32, #tpu.memory_space<vmem>>) dst(%dma_wait3A_497 : memref<8x72xf32, #tpu.memory_space<hbm>>)
    return
  }
}

</mosaic_0001>

<sc_bundles>
// kernel: kernel.3.cloned.1.call-start
scs
__scs_entry_jumppad:
0x0: {  	(pc) =	sbr.rel $0x88, $3  }
0x1: {  	(tag) =	ssettag $0x0;
	lr =	simm.s32 $0x1  }
0x2: {  	[smem:$0x3F9F] =	sst lr;
	_ =	strace $0xD0000000  }
0x3: {  	_ = 	snop  }
0x4: {  	_ = 	snop  }
0x5: {  	_ = 	snop  }
0x6: {  	_ = 	snop  }
0x7: {  	_ = 	snop  }
__scs_overlays_trampoline_lowered:
0x8: {  	[smem:$0x3FAE] =	sst s0  }
0x9: {  	[smem:$0x3FAF] =	sst s1  }
0xa: {  	[smem:$0x3FB0] =	sst s2  }
0xb: {  	[smem:$0x3FB1] =	sst s3  }
0xc: {  	[smem:$0x3FB2] =	sst s4  }
0xd: {  	[smem:$0x3FB3] =	sst s5  }
0xe: {  	[smem:$0x3FB4] =	sst s6  }
0xf: {  	[smem:$0x3FB5] =	sst s7  }
0x10: {  	[smem:$0x3FB6] =	sst s8  }
0x11: {  	[smem:$0x3FB7] =	sst s9;
	s0 =	simm.s32 @!p0 $0x0  }
0x12: {  	s1 =	sld [smem:$0x3F9D];
	s0 =	simm.s32 @p0 $0x1  }
0x13: {  	[smem:$0x3FB8] =	sst s0;
	s0 =	simm.s32 @!p1 $0x0  }
0x14: {  	s2 =	sld [smem:$0x3F9C];
	s0 =	simm.s32 @p1 $0x1  }
0x15: {  	[smem:$0x3FB9] =	sst s0;
	s0 =	simm.s32 @!p2 $0x0  }
0x16: {  	s3 =	sld [smem:$0x3FDB];
	s0 =	simm.s32 @p2 $0x1  }
0x17: {  	s4 =	simm.s32 $0x1BF5;
	[smem:$0x3FBB] =	sst s0  }
0x18: {  	s0 =	sld [smem:$0x3F9E];
	_ =	swait.ge [sflag:s4], $0x0  }
0x19: {  	s7 =	sld [smem:$0x3F9F]  }
0x1a: {  	s8 =	sadd.s32 $0xFFFFE003, lr  }
0x1b: {  	s9 =	sadd.s32 $0xFFFFFEF7, lr;
	s5 =	simm.s32 $0xFFFFFFFF;
	p2 =	slt.u32 s8, $0xFFFFF086  }
0x1c: {  	p1 =	slt.u32 s9, $0xF7A;
	s5 =	simm.s32 @!p2 $0x0  }
0x1d: {  	s5 =	simm.s32 @p1 $0x1;
	p0 =	seq.s32 s7, s2  }
0x1e: {  	s7 =	smul.u32 @!p0 $0xF7A, s2;
	p2 =	seq.s32 @!p0 s5, $0x0  }
0x1f: {  	s9 =	smul.u32 $0xF7A, s1;
	s8 =	simm.s32 @!p0 $0x1BF5;
	p2 =	por !p2, p0  }
0x20: {  	[sflag:s8] =	ssyncset.s32 @!p0 $0xFFFFF086;
	s6 =	sadd.s32 @!p0 s3, s7;
	s7 =	simm.s32 @!p0 $0x108  }
0x21: {  	s3 =	sadd.s32 s3, s9;
	s6 =	sadd.s32 @!p0 $0x88, s6;
	s7 =	simm.s32 @p2 $0x1082  }
0x22: {  	[simem:s7], [sflag:s8] =	dma.local @!p0 [hbm:s6], $0xF7A  }
0x23: {  	s9 =	sor.u32 $0xD0000000, s2;
	s6 =	simm.s32 $0x108;
	_ =	swait.ge @!p0 [sflag:s8], $0x0  }
0x24: {  	s3 =	sadd.s32 $0x88, s3;
	s6 =	simm.s32 @!p1 $0x1082;
	[sflag:s4] =	ssyncset.s32 $0xFFFFF086  }
0x25: {  	[simem:s6], [sflag:s4] =	dma.local [hbm:s3], $0xF7A  }
0x26: {  	[smem:$0x3F9F] =	sst s1;
	(tag) =	ssettag s2;
	_ =	strace s9  }
0x27: {  	s1 =	sld [smem:$0x3FAF]  }
0x28: {  	s2 =	sld [smem:$0x3FB0]  }
0x29: {  	s4 =	sld [smem:$0x3FB2]  }
0x2a: {  	p0 =	seq.s32 s5, $0x0;
	s5 =	sld [smem:$0x3FB3]  }
0x2b: {  	s6 =	sld [smem:$0x3FB4]  }
0x2c: {  	s7 =	sld [smem:$0x3FB5]  }
0x2d: {  	s3 =	simm.s32 $0x108;
	s8 =	sld [smem:$0x3FB6]  }
0x2e: {  	s3 =	simm.s32 @!p0 $0x1082;
	s9 =	sld [smem:$0x3FB7]  }
0x2f: {  	lr =	sadd.s32 s0, s3;
	s0 =	sld [smem:$0x3FAE]  }
0x30: {  	s3 =	sld [smem:$0x3FB1]  }
0x31: {  	[smem:$0x3FBA] =	sst s10  }
0x32: {  	s10 =	sld [smem:$0x3FB8];
	_ =	sdelay $0x3  }
0x33: {  	p0 =	seq.s32 s10, $0x1;
	s10 =	sld [smem:$0x3FBA];
	_ =	sdelay $0x3  }
0x34: {  	[smem:$0x3FBA] =	sst s10  }
0x35: {  	s10 =	sld [smem:$0x3FB9];
	_ =	sdelay $0x3  }
0x36: {  	p1 =	seq.s32 s10, $0x1;
	s10 =	sld [smem:$0x3FBA];
	_ =	sdelay $0x3  }
0x37: {  	[smem:$0x3FBA] =	sst s10  }
0x38: {  	s10 =	sld [smem:$0x3FBB]  }
0x39: {  	_ = 	snop;
	(pc) =	sbr.ind lr, $3  }
0x3a: {  	_ = 	snop  }
0x3b: {  	_ = 	snop  }
0x3c: {  	p2 =	seq.s32 s10, $0x1;
	s10 =	sld [smem:$0x3FBA]  }
0x3d: {  	_ =	shalt  }
0x3e: {  	_ =	shalt  }
0x3f: {  	_ =	shalt  }
0x40: {  	_ =	shalt  }
0x41: {  	_ =	shalt  }
0x42: {  	_ =	shalt  }
0x43: {  	_ =	shalt  }
0x44: {  	_ =	shalt  }
0x45: {  	_ =	shalt  }
0x46: {  	_ =	shalt  }
0x47: {  	_ =	shalt  }
0x48: {  	_ =	shalt  }
0x49: {  	_ =	shalt  }
0x4a: {  	_ =	shalt  }
0x4b: {  	_ =	shalt  }
0x4c: {  	_ =	shalt  }
0x4d: {  	_ =	shalt  }
0x4e: {  	_ =	shalt  }
0x4f: {  	_ =	shalt  }
0x50: {  	_ =	shalt  }
0x51: {  	_ =	shalt  }
0x52: {  	_ =	shalt  }
0x53: {  	_ =	shalt  }
0x54: {  	_ =	shalt  }
0x55: {  	_ =	shalt  }
0x56: {  	_ =	shalt  }
0x57: {  	_ =	shalt  }
0x58: {  	_ =	shalt  }
0x59: {  	_ =	shalt  }
0x5a: {  	_ =	shalt  }
0x5b: {  	_ =	shalt  }
0x5c: {  	_ =	shalt  }
0x5d: {  	_ =	shalt  }
0x5e: {  	_ =	shalt  }
0x5f: {  	_ =	shalt  }
0x60: {  	_ =	shalt  }
0x61: {  	_ =	shalt  }
0x62: {  	_ =	shalt  }
0x63: {  	_ =	shalt  }
0x64: {  	_ =	shalt  }
0x65: {  	_ =	shalt  }
0x66: {  	_ =	shalt  }
0x67: {  	_ =	shalt  }
0x68: {  	_ =	shalt  }
0x69: {  	_ =	shalt  }
0x6a: {  	_ =	shalt  }
0x6b: {  	_ =	shalt  }
0x6c: {  	_ =	shalt  }
0x6d: {  	_ =	shalt  }
0x6e: {  	_ =	shalt  }
0x6f: {  	_ =	shalt  }
0x70: {  	_ =	shalt  }
0x71: {  	_ =	shalt  }
0x72: {  	_ =	shalt  }
0x73: {  	_ =	shalt  }
0x74: {  	_ =	shalt  }
0x75: {  	_ =	shalt  }
0x76: {  	_ =	shalt  }
0x77: {  	_ =	shalt  }
0x78: {  	_ =	shalt  }
0x79: {  	_ =	shalt  }
0x7a: {  	_ =	shalt  }
0x7b: {  	_ =	shalt  }
0x7c: {  	_ =	shalt  }
0x7d: {  	_ =	shalt  }
0x7e: {  	_ =	shalt  }
0x7f: {  	_ =	shalt  }
0x80: {  	_ =	shalt  }
0x81: {  	_ =	shalt  }
0x82: {  	_ =	shalt  }
0x83: {  	_ =	shalt  }
0x84: {  	_ =	shalt  }
0x85: {  	_ =	shalt  }
0x86: {  	_ =	shalt  }
0x87: {  	_ =	shalt  }
.Lfunc_end0:
.L_simem_size_0:
called_computation_lowered:
.L_overlay_start_0:
0x88: {  	s2 =	sld [smem:$0x3FD9]  }
0x89: {  	s3 =	sld [smem:$0x3FFE];
	_ =	sdelay $0x1  }
0x8a: {  	s1 =	srdreg.scid  }
0x8b: {  	s0 =	sand.u32 $0x1, s1  }
0x8c: {  	s17 =	sshll.u32 s0, $0xA;
	s2 =	sadd.s32 s3, s2  }
0x8d: {  	s2 =	sadd.s32 s2, s17  }
0x8e: {  	[smem:$0x3FC6] =	sst s2  }
0x8f: {  	_ = 	snop  }
0x90: {  	s2 =	sld [smem:$0x3FC8]  }
0x91: {  	s18 =	sld [smem:$0x3FD0];
	(tm) =	ssettm $0x1  }
0x92: {  	s4 =	sld [smem:$0x3FFB];
	_ =	sdelay $0x3  }
0x93: {  	_ =	strace s4  }
0x94: {  	s4 =	sld [smem:$0x3FFC];
	_ =	sdelay $0x3  }
0x95: {  	_ =	strace s4  }
0x96: {  	s4 =	sld [smem:$0x3FFD];
	_ =	sdelay $0x3  }
0x97: {  	_ =	strace s4  }
0x98: {  	_ =	strace $0x8FFFFFFF  }
0x99: {  	s19 =	sld [smem:$0x3FDB];
	_ =	sdelay $0x1  }
0x9a: {  	s5 =	simm.s32 $_scs_section_size  }
0x9b: {  	s6 =	simm.s32 $_size__tile_overlayer_lowered;
	s7 =	simm.s32 $_tile_overlayer_lowered  }
0x9c: {  	s22 =	simm.s32 $0x1BFF;
	s21 =	sshll.u32 s7, $0x1;
	s4 =	sadd.s32 s5, s19  }
0x9d: {  	s8 =	simm.s32 $0x0;
	s20 =	sshll.u32 s6, $0x1;
	s6 =	sadd.s32 s21, s4  }
0x9e: {  	[timem:s8], [sflag:s22] =	dma.local [hbm:s6], s20  }
0x9f: {  	_ =	swait.ge [sflag:s22], s20  }
0xa0: {  	s5 =	ssub.s32 $0x0, s20;
	[sflag:s22] =	ssyncset.done $0x0  }
0xa1: {  	[sflag:s22] =	ssyncadd.s32 s5;
	_ =	sdelay $0x1  }
0xa2: {  	s23 =	simm.s32 $0x1B8B  }
0xa3: {  	_ =	swait.ge [sflag:s23], $0x1  }
0xa4: {  	[sflag:s23] =	ssyncset.done $0x0  }
0xa5: {  	s25 =	simm.s32 $0x1B8E;
	s24 =	sld [smem:$0x3FFE];
	[sflag:s23] =	ssyncadd.s32 $0xFFFFFFFF  }
0xa6: {  	s26 =	simm.s32 $execute0_lowered;
	[smem:$0x3FD2] =	sst s25  }
0xa7: {  	s6 =	sshll.u32 s26, $0x1;
	_ =	strace $0x80000046;
	[dreg:$0x1] =	wrdreg $0xFFFFFFFF  }
0xa8: {  	s28 =	simm.s32 $_size_execute0_lowered;
	s4 =	sadd.s32 s4, s6;
	[dreg:$0x0] =	wrdreg $0x0  }
0xa9: {  	s6 =	sshll.u32 s28, $0x1;
	[dreg:$0x2] =	wrdreg s4  }
0xaa: {  	[dreg:$0x3] =	wrdreg s6  }
0xab: {  	[dreg:$0x4] =	wrdreg $0xC0  }
0xac: {  	_ =	task [dreg:s8], $0x5FFFF  }
0xad: {  	[dreg:$0x1] =	wrdreg $0xFFFFFFFF  }
0xae: {  	[dreg:$0x0] =	wrdreg $0x60  }
0xaf: {  	[dreg:$0x2] =	wrdreg s18  }
0xb0: {  	[dreg:$0x3] =	wrdreg s2  }
0xb1: {  	[dreg:$0x4] =	wrdreg s24  }
0xb2: {  	[dreg:$0x5] =	wrdreg $0x9  }
0xb3: {  	_ =	task.clear_ibuf [dreg:s8], $0x6FFFF;
	_ =	strace $0x90000046  }
0xb4: {  	s29 =	simm.s32 $0x9;
	_ =	strace $0x80000048  }
0xb5: {  	_ =	swait.ge [sflag:s29], $0x1  }
0xb6: {  	[sflag:s29] =	ssyncadd.s32 $0xFFFFFFFF  }
0xb7: {  	_ =	strace $0x90000048  }
0xb8: {  	_ =	sfence  }
0xb9: {  	s30 =	sld [smem:$0x0];
	_ =	sdelay $0x2  }
0xba: {  	s31 =	sshll.u32 s1, $0xD;
	s1 =	sshrl.u32 s1, $0x2  }
0xbb: {  	s3 =	sand.u32 $0x4000, s31;
	s1 =	sadd.s32 s1, s30  }
0xbc: {  	s0 =	sor.u32 s3, s0;
	s1 =	sshll.u32 s1, $0x11  }
0xbd: {  	s0 =	sor.u32 s1, s0  }
0xbe: {  	s0 =	sadd.s32 $0x8F2B, s0  }
0xbf: {  	[sflag:s0] =	ssyncadd.remote.s32 $0x1  }
0xc0: {  	_ =	sfence.sel $0xFFFF  }
0xc1: {  	[dreg:$0x0] =	wrdreg $0xFFFFFFFF;
	(pc) =	sbr.abs _section_cstart, $3  }
0xc2: {  	[dreg:$0x1] =	wrdreg $0xFFFFFFFF  }
0xc3: {  	_ =	task.clear_ibuf [dreg:s8], $0x2FFFF;
	_ =	strace $0x9FFFFFFF  }
0xc4: {  	(tm) =	ssettm $0x7FFFFFFF  }
0xc5: {  	_ =	shalt  }
tec
execute0_lowered:
.L_overlay_start_1:
0x0: {  	(tag) =	ssettag $0x1  }
0x1: {  	s2 =	rddreg [dreg:$0x1]  }
0x2: {  	s0 =	rddreg [dreg:$0x2];
	s3 =	simm.s32 $0x0  }
0x3: {  	s1 =	srdreg.scid;
	s6 =	stileid.u32;
	s30 =	simm.s32 $0x1  }
0x4: {  	s31 =	simm.s32 $0x7D00;
	s28 =	simm.s32 $0x1A100;
	[smem:$0x7FF] =	sst s3  }
0x5: {  	s1 =	sand.u32 $0x1, s1;
	s5 =	sadd.s32 $0x400, s0;
	s22 =	sshll.u32 s6, $0x8  }
0x6: {  	s23 =	sadd.s32 $0x480, s0;
	s24 =	sadd.s32 $0x580, s0;
	s25 =	sadd.s32 $0x680, s0  }
0x7: {  	s26 =	sadd.s32 $0x780, s0;
	s11 =	sadd.s32 $0x880, s0;
	s12 =	sadd.s32 $0x980, s0  }
0x8: {  	s13 =	sadd.s32 $0xA80, s0;
	s14 =	sadd.s32 $0xB80, s0;
	s15 =	sadd.s32 $0xC80, s0  }
0x9: {  	v0 =	vlaneseq.u32;
	s16 =	sadd.s32 $0xD80, s0;
	_ =	strace $0x80000047;
	[dreg:$0x4] =	wrdreg s5  }
0xa: {  	s17 =	sadd.s32 $0xE80, s0;
	s18 =	sadd.s32 $0xF80, s0;
	v1 =	vor.u32 $0x10, v0;
	v2 =	vor.u32 $0x20, v0;
	[dreg:$0x6] =	wrdreg s23  }
0xb: {  	s19 =	sadd.s32 $0x1080, s0;
	s20 =	sadd.s32 $0x1180, s0;
	v3 =	vor.u32 $0x30, v0;
	v4 =	vor.u32 $0x40, v0;
	v5 =	vmul.u32 $0x80, v0;
	[dreg:$0x7] =	wrdreg s24  }
0xc: {  	v6 =	vor.u32 $0x50, v0;
	v7 =	vor.u32 $0x60, v0;
	v8 =	vor.u32 $0x70, v0;
	s6 =	simm.s32 $0x0;
	s4 =	ssub.s32 $0x2, s1;
	[dreg:$0x8] =	wrdreg s25  }
0xd: {  	v16 =	vor.u32 $0x4000, v0;
	v17 =	vor.u32 $0x4010, v0;
	v18 =	vor.u32 $0x4020, v0;
	s1 =	sshll.u32 s1, $0x7;
	[dreg:$0x9] =	wrdreg s26;
	s26 =	simm.s32 $0x1900  }
0xe: {  	v19 =	vor.u32 $0x4030, v0;
	v20 =	vor.u32 $0x4040, v0;
	v21 =	vor.u32 $0x4050, v0;
	s23 =	simm.s32 $0x12100;
	s24 =	simm.s32 $0x16100;
	s21 =	sshrl.u32 s4, $0x1  }
0xf: {  	v22 =	vor.u32 $0x4060, v0;
	v23 =	vor.u32 $0x4070, v0;
	s1 =	sor.u32 s1, s22;
	s22 =	sadd.s32 $0x1380, s0;
	v9 =	vor.u32 $0x800, v5;
	s4 =	ssub.s32 s4, s21  }
0x10: {  	v10 =	vor.u32 $0x1000, v5;
	v11 =	vor.u32 $0x1800, v5;
	v12 =	vor.u32 $0x2000, v5;
	[dreg:$0x5] =	wrdreg s1;
	s21 =	sadd.s32 $0x1280, s0;
	s29 =	smax.u32 s4, $0x1  }
0x11: {  	v13 =	vor.u32 $0x2800, v5;
	v14 =	vor.u32 $0x3000, v5;
	v15 =	vor.u32 $0x3800, v5;
	s0 =	simm.s32 $0x2;
	s4 =	simm.s32 $0xE100;
	[dreg:$0xa] =	wrdreg s29  }
.LBB2_1:
0x12: {  	[dreg:$0xb] =	wrdreg s6;
	s1 =	simm.s32 $0x0  }
.LBB2_2:
0x13: {  	s5 =	sshll.u32 s1, $0x5;
	s9 =	rddreg [dreg:$0x5]  }
0x14: {  	[dreg:$0xc] =	wrdreg s1;
	s1 =	sadd.s32 s9, s5  }
0x15: {  	s1 =	smul.u32 $0x19, s1  }
0x16: {  	s10 =	rddreg [dreg:$0x0];
	s25 =	simm.s32 $0x5  }
0x17: {  	[dreg:$0xd] =	wrdreg s5;
	s5 =	sadd.s32 s10, s1;
	s1 =	simm.s32 $0x0  }
0x18: {  	[tilespmem:s1], [sflag:$0x5] =	stream.linear.gather [hbm4b:s5+s1], $0x1900, $0x38;
	[tilespmem:$0x1E100] =	vst v63  }
0x19: {  	_ =	swait.ge [sflag:s25], $0x1900  }
0x1a: {  	[sflag:s25] =	ssyncset.done $0x0  }
0x1b: {  	s29 =	simm.s32 $0x68;
	[sflag:s25] =	ssyncadd.s32 $0xFFFFE700  }
0x1c: {  	[tilespmem:s26], [sflag:$0x1] =	stream.indirect.gather [hbm4b:s2+s29], $0x80, s1, s29, $0xb8;
	[tilespmem:$0x1E100] =	vst v63  }
0x1d: {  	s6 =	simm.s32 $0x60;
	s7 =	simm.s32 $0x4D00  }
0x1e: {  	[tilespmem:s7], [sflag:$0x1] =	stream.indirect.gather [hbm4b:s2+s6], $0x80, s29, s6, $0xb8;
	[tilespmem:$0x1E100] =	vst v63  }
.LBB2_3:
0x1f: {  	_ =	swait.ge [sflag:s30], $0x3400  }
0x20: {  	[sflag:s30] =	ssyncset.done $0x0  }
0x21: {  	s5 =	smul.u32 $0x640, s1;
	s6 =	sshll.u32 s1, $0x1;
	[sflag:s30] =	ssyncadd.s32 $0xFFFFCC00  }
0x22: {  	s8 =	simm.s32 $0x68;
	s10 =	simm.s32 $0x60;
	_ =	swait.ge [sflag:s30], $0x3000  }
0x23: {  	s5 =	sshra.s32 s5, $0x2;
	[sflag:s30] =	ssyncset.done $0x0;
	s9 =	rddreg [dreg:$0xd]  }
0x24: {  	s7 =	sadd.s32 $0xC8, s5;
	[sflag:s30] =	ssyncadd.s32 $0xFFFFD000;
	s29 =	sor.u32 s9, s6  }
0x25: {  	[tilespmem:s31], [sflag:$0x2] =	stream.indirect.gather [hbm4b:s2+s8], $0x80, s7, s8, $0xb8;
	[tilespmem:$0x1E100] =	vst v63  }
0x26: {  	s25 =	simm.s32 $0xB100;
	s5 =	sadd.s32 $0x130, s5;
	p0 =	seq.s32 s29, $0x0  }
0x27: {  	[tilespmem:s25], [sflag:$0x2] =	stream.indirect.gather [hbm4b:s2+s10], $0x80, s5, s10, $0xb8;
	[tilespmem:$0x1E100] =	vst v63  }
0x28: {  	s5 =	simm.s32 @!p0 $0x3  }
0x29: {  	_ =	swait.ge @!p0 [sflag:s5], $0x4000  }
0x2a: {  	[sflag:s5] =	ssyncset.done @!p0 $0x0  }
0x2b: {  	[sflag:s5] =	ssyncadd.s32 @!p0 $0xFFFFC000  }
0x2c: {  	_ =	swait.ge @!p0 [sflag:s5], $0x400  }
0x2d: {  	[sflag:s5] =	ssyncset.done @!p0 $0x0  }
0x2e: {  	[sflag:s5] =	ssyncadd.s32 @!p0 $0xFFFFFC00  }
0x2f: {  	_ =	swait.ge @!p0 [sflag:s5], $0x400  }
0x30: {  	[sflag:s5] =	ssyncset.done @!p0 $0x0  }
0x31: {  	[sflag:s5] =	ssyncadd.s32 @!p0 $0xFFFFFC00  }
0x32: {  	_ =	swait.ge @!p0 [sflag:s5], $0x400  }
0x33: {  	[sflag:s5] =	ssyncset.done @!p0 $0x0  }
0x34: {  	[sflag:s5] =	ssyncadd.s32 @!p0 $0xFFFFFC00  }
0x35: {  	_ =	swait.ge @!p0 [sflag:s5], $0x400  }
0x36: {  	[sflag:s5] =	ssyncset.done @!p0 $0x0  }
0x37: {  	[sflag:s5] =	ssyncadd.s32 @!p0 $0xFFFFFC00  }
0x38: {  	_ =	swait.ge @!p0 [sflag:s5], $0x400  }
0x39: {  	[sflag:s5] =	ssyncset.done @!p0 $0x0  }
0x3a: {  	[sflag:s5] =	ssyncadd.s32 @!p0 $0xFFFFFC00  }
0x3b: {  	_ =	swait.ge @!p0 [sflag:s5], $0x400  }
0x3c: {  	[sflag:s5] =	ssyncset.done @!p0 $0x0  }
0x3d: {  	[sflag:s5] =	ssyncadd.s32 @!p0 $0xFFFFFC00  }
0x3e: {  	_ =	swait.ge @!p0 [sflag:s5], $0x400  }
0x3f: {  	[sflag:s5] =	ssyncset.done @!p0 $0x0  }
0x40: {  	[sflag:s5] =	ssyncadd.s32 @!p0 $0xFFFFFC00  }
0x41: {  	_ =	swait.ge @!p0 [sflag:s5], $0x400  }
0x42: {  	[sflag:s5] =	ssyncset.done @!p0 $0x0  }
0x43: {  	[sflag:s5] =	ssyncadd.s32 @!p0 $0xFFFFFC00  }
0x44: {  	_ =	swait.ge @!p0 [sflag:s5], $0x400  }
0x45: {  	[sflag:s5] =	ssyncset.done @!p0 $0x0  }
0x46: {  	[sflag:s5] =	ssyncadd.s32 @!p0 $0xFFFFFC00  }
0x47: {  	_ =	swait.ge @!p0 [sflag:s5], $0x400  }
0x48: {  	[sflag:s5] =	ssyncset.done @!p0 $0x0  }
0x49: {  	[sflag:s5] =	ssyncadd.s32 @!p0 $0xFFFFFC00  }
0x4a: {  	_ =	swait.ge @!p0 [sflag:s5], $0x400  }
0x4b: {  	[sflag:s5] =	ssyncset.done @!p0 $0x0  }
0x4c: {  	[sflag:s5] =	ssyncadd.s32 @!p0 $0xFFFFFC00  }
0x4d: {  	_ =	swait.ge @!p0 [sflag:s5], $0x400  }
0x4e: {  	[sflag:s5] =	ssyncset.done @!p0 $0x0  }
0x4f: {  	[sflag:s5] =	ssyncadd.s32 @!p0 $0xFFFFFC00  }
0x50: {  	_ =	swait.ge @!p0 [sflag:s5], $0x400  }
0x51: {  	[sflag:s5] =	ssyncset.done @!p0 $0x0  }
0x52: {  	[sflag:s5] =	ssyncadd.s32 @!p0 $0xFFFFFC00  }
0x53: {  	_ =	swait.ge @!p0 [sflag:s5], $0x400  }
0x54: {  	[sflag:s5] =	ssyncset.done @!p0 $0x0  }
0x55: {  	[sflag:s5] =	ssyncadd.s32 @!p0 $0xFFFFFC00  }
0x56: {  	_ =	swait.ge @!p0 [sflag:s5], $0x400  }
0x57: {  	[sflag:s5] =	ssyncset.done @!p0 $0x0  }
0x58: {  	[sflag:s5] =	ssyncadd.s32 @!p0 $0xFFFFFC00  }
0x59: {  	_ =	swait.ge @!p0 [sflag:s5], $0x400  }
0x5a: {  	[sflag:s5] =	ssyncset.done @!p0 $0x0  }
0x5b: {  	[sflag:s5] =	ssyncadd.s32 @!p0 $0xFFFFFC00;
	s5 =	simm.s32 $0x0  }
.LBB2_4:
0x5c: {  	s7 =	simm.s32 $0x0  }
0x5d: {  	s8 =	sshll.u32 s5, $0x4;
	v25 =	vadd.s32 s7, v0  }
0x5e: {  	v24 =	vmov s8;
	v25 =	vand.u32 $0xF, v25  }
0x5f: {  	v25 =	vor.u32 v24, v25  }
0x60: {  	v30 =	vshll.u32 v25, $0x7  }
0x61: {  	v27 =	vor.u32 v0, v30;
	_ =	sdelay $0x1  }
0x62: {  	v32 =	vor.u32 v8, v30  }
0x63: {  	v31 =	vor.u32 v7, v30  }
0x64: {  	v29 =	vor.u32 v1, v30;
	v26 =	vor.u32 v6, v30  }
0x65: {  	v28 =	vor.u32 v3, v30;
	v35 =	vld.idx.msk [tilespmem:v27+s26+$0x0], $0xffff;
	v27 =	vor.u32 v4, v30;
	v30 =	vor.u32 v2, v30;
	_ =	sdelay $0x1  }
0x66: {  	s25 =	simm.s32 $0x4;
	s8 =	simm.s32 $0x8;
	v34 =	vld.idx.msk [tilespmem:v32+s26+$0x0], $0xffff  }
.LBB2_5:
0x67: {  	p1 =	slt.u32 s8, $0xC;
	v32 =	vadd.s32 s25, v0;
	v36 =	vld.idx.msk [tilespmem:v31+s26+$0x0], $0xffff;
	v37 =	vor.u32 v14, v25;
	s9 =	smov.u32 s8;
	s8 =	sadd.s32 $0x4, s8  }
0x68: {  	v39 =	vor.u32 v5, v25;
	v40 =	vor.u32 v12, v25;
	v31 =	vand.u32 $0xF, v32;
	v38 =	vld.idx.msk [tilespmem:v29+s26+$0x0], $0xffff  }
0x69: {  	v43 =	vor.u32 v9, v25;
	v44 =	vor.u32 v13, v25;
	v41 =	vor.u32 v24, v31;
	v42 =	vld.idx.msk [tilespmem:v30+s26+$0x0], $0xffff  }
0x6a: {  	v46 =	vor.u32 v10, v25;
	v47 =	vor.u32 v11, v25;
	v30 =	vshll.u32 v41, $0x7;
	v45 =	vld.idx.msk [tilespmem:v28+s26+$0x0], $0xffff  }
0x6b: {  	s10 =	sadd.s32 $0x1, s7;
	v32 =	vor.u32 v0, v30;
	v29 =	vor.u32 v1, v30;
	v31 =	vor.u32 v6, v30;
	v48 =	vld.idx.msk [tilespmem:v27+s26+$0x0], $0xffff  }
0x6c: {  	v50 =	vadd.s32 s10, v0;
	v28 =	vor.u32 v3, v30;
	v27 =	vor.u32 v4, v30;
	v49 =	vld.idx.msk [tilespmem:v26+s26+$0x0], $0xffff;
	v26 =	vmovc v31  }
0x6d: {  	v33 =	vor.u32 v8, v30;
	v31 =	vor.u32 v7, v30;
	[tilespmem:v39+s4+$0x0] =	vst.idx.msk $0xffff, v35;
	v35 =	vand.u32 $0xF, v50  }
0x6e: {  	v30 =	vor.u32 v2, v30;
	[tilespmem:v43+s4+$0x0] =	vst.idx.msk $0xffff, v38;
	v35 =	vor.u32 v24, v35  }
0x6f: {  	v38 =	vor.u32 v15, v25;
	v25 =	vmov v41;
	[tilespmem:v46+s4+$0x0] =	vst.idx.msk $0xffff, v42;
	v39 =	vshll.u32 v35, $0x7  }
0x70: {  	[tilespmem:v47+s4+$0x0] =	vst.idx.msk $0xffff, v45;
	v41 =	vor.u32 v2, v39  }
0x71: {  	[tilespmem:v40+s4+$0x0] =	vst.idx.msk $0xffff, v48;
	v40 =	vor.u32 v1, v39  }
0x72: {  	v42 =	vor.u32 v0, v39;
	[tilespmem:v44+s4+$0x0] =	vst.idx.msk $0xffff, v49  }
0x73: {  	[tilespmem:v37+s4+$0x0] =	vst.idx.msk $0xffff, v36;
	v36 =	vor.u32 v3, v39  }
0x74: {  	[tilespmem:v38+s4+$0x0] =	vst.idx.msk $0xffff, v34;
	v34 =	vor.u32 v4, v39  }
0x75: {  	v38 =	vor.u32 v7, v39;
	v37 =	vld.idx.msk [tilespmem:v41+s26+$0x0], $0xffff  }
0x76: {  	v41 =	vor.u32 v6, v39;
	v40 =	vld.idx.msk [tilespmem:v40+s26+$0x0], $0xffff  }
0x77: {  	v39 =	vor.u32 v8, v39;
	v42 =	vld.idx.msk [tilespmem:v42+s26+$0x0], $0xffff  }
0x78: {  	v43 =	vor.u32 v5, v35;
	v36 =	vld.idx.msk [tilespmem:v36+s26+$0x0], $0xffff  }
0x79: {  	v44 =	vor.u32 v9, v35;
	v34 =	vld.idx.msk [tilespmem:v34+s26+$0x0], $0xffff  }
0x7a: {  	v45 =	vor.u32 v10, v35;
	v38 =	vld.idx.msk [tilespmem:v38+s26+$0x0], $0xffff  }
0x7b: {  	s10 =	sadd.s32 $0x2, s7;
	v46 =	vor.u32 v11, v35;
	v41 =	vld.idx.msk [tilespmem:v41+s26+$0x0], $0xffff  }
0x7c: {  	v47 =	vor.u32 v12, v35;
	v48 =	vadd.s32 s10, v0;
	v39 =	vld.idx.msk [tilespmem:v39+s26+$0x0], $0xffff  }
0x7d: {  	[tilespmem:v43+s4+$0x0] =	vst.idx.msk $0xffff, v42;
	v42 =	vor.u32 v13, v35;
	v43 =	vand.u32 $0xF, v48  }
0x7e: {  	[tilespmem:v44+s4+$0x0] =	vst.idx.msk $0xffff, v40;
	v40 =	vor.u32 v14, v35;
	v43 =	vor.u32 v24, v43  }
0x7f: {  	v35 =	vor.u32 v15, v35;
	[tilespmem:v45+s4+$0x0] =	vst.idx.msk $0xffff, v37;
	v37 =	vshll.u32 v43, $0x7  }
0x80: {  	[tilespmem:v46+s4+$0x0] =	vst.idx.msk $0xffff, v36;
	v36 =	vor.u32 v2, v37  }
0x81: {  	[tilespmem:v47+s4+$0x0] =	vst.idx.msk $0xffff, v34;
	v34 =	vor.u32 v1, v37  }
0x82: {  	[tilespmem:v42+s4+$0x0] =	vst.idx.msk $0xffff, v41;
	v41 =	vor.u32 v0, v37  }
0x83: {  	[tilespmem:v40+s4+$0x0] =	vst.idx.msk $0xffff, v38;
	v38 =	vor.u32 v3, v37  }
0x84: {  	[tilespmem:v35+s4+$0x0] =	vst.idx.msk $0xffff, v39;
	v35 =	vor.u32 v4, v37  }
0x85: {  	v39 =	vor.u32 v6, v37;
	v36 =	vld.idx.msk [tilespmem:v36+s26+$0x0], $0xffff  }
0x86: {  	v40 =	vor.u32 v8, v37;
	v34 =	vld.idx.msk [tilespmem:v34+s26+$0x0], $0xffff  }
0x87: {  	v37 =	vor.u32 v7, v37;
	v41 =	vld.idx.msk [tilespmem:v41+s26+$0x0], $0xffff  }
0x88: {  	v42 =	vor.u32 v5, v43;
	v38 =	vld.idx.msk [tilespmem:v38+s26+$0x0], $0xffff  }
0x89: {  	v44 =	vor.u32 v9, v43;
	v35 =	vld.idx.msk [tilespmem:v35+s26+$0x0], $0xffff  }
0x8a: {  	v45 =	vor.u32 v10, v43;
	v39 =	vld.idx.msk [tilespmem:v39+s26+$0x0], $0xffff  }
0x8b: {  	s10 =	sadd.s32 $0x3, s7;
	s7 =	smov.u32 s25;
	s25 =	smov.u32 s9;
	v46 =	vor.u32 v11, v43;
	v40 =	vld.idx.msk [tilespmem:v40+s26+$0x0], $0xffff  }
0x8c: {  	v48 =	vadd.s32 s10, v0;
	v47 =	vor.u32 v12, v43;
	v37 =	vld.idx.msk [tilespmem:v37+s26+$0x0], $0xffff  }
0x8d: {  	[tilespmem:v42+s4+$0x0] =	vst.idx.msk $0xffff, v41;
	v41 =	vor.u32 v13, v43;
	v42 =	vand.u32 $0xF, v48  }
0x8e: {  	[tilespmem:v44+s4+$0x0] =	vst.idx.msk $0xffff, v34;
	v34 =	vor.u32 v14, v43;
	v42 =	vor.u32 v24, v42  }
0x8f: {  	[tilespmem:v45+s4+$0x0] =	vst.idx.msk $0xffff, v36;
	v36 =	vor.u32 v15, v43;
	v43 =	vshll.u32 v42, $0x7  }
0x90: {  	[tilespmem:v46+s4+$0x0] =	vst.idx.msk $0xffff, v38;
	v38 =	vor.u32 v2, v43  }
0x91: {  	v44 =	vor.u32 v1, v43;
	[tilespmem:v47+s4+$0x0] =	vst.idx.msk $0xffff, v35;
	v35 =	vor.u32 v0, v43  }
0x92: {  	[tilespmem:v41+s4+$0x0] =	vst.idx.msk $0xffff, v39  }
0x93: {  	[tilespmem:v34+s4+$0x0] =	vst.idx.msk $0xffff, v37;
	v34 =	vor.u32 v3, v43  }
0x94: {  	[tilespmem:v36+s4+$0x0] =	vst.idx.msk $0xffff, v40;
	v36 =	vor.u32 v4, v43  }
0x95: {  	v37 =	vld.idx.msk [tilespmem:v38+s26+$0x0], $0xffff;
	v38 =	vor.u32 v6, v43  }
0x96: {  	v40 =	vor.u32 v8, v43;
	v39 =	vld.idx.msk [tilespmem:v44+s26+$0x0], $0xffff  }
0x97: {  	v41 =	vor.u32 v7, v43;
	v43 =	vor.u32 v5, v42;
	v35 =	vld.idx.msk [tilespmem:v35+s26+$0x0], $0xffff  }
0x98: {  	v44 =	vor.u32 v9, v42;
	v34 =	vld.idx.msk [tilespmem:v34+s26+$0x0], $0xffff  }
0x99: {  	v45 =	vor.u32 v10, v42;
	v36 =	vld.idx.msk [tilespmem:v36+s26+$0x0], $0xffff  }
0x9a: {  	v46 =	vor.u32 v11, v42;
	v38 =	vld.idx.msk [tilespmem:v38+s26+$0x0], $0xffff  }
0x9b: {  	v47 =	vor.u32 v12, v42;
	v40 =	vld.idx.msk [tilespmem:v40+s26+$0x0], $0xffff  }
0x9c: {  	v48 =	vor.u32 v13, v42;
	v41 =	vld.idx.msk [tilespmem:v41+s26+$0x0], $0xffff  }
0x9d: {  	[tilespmem:v43+s4+$0x0] =	vst.idx.msk $0xffff, v35;
	v35 =	vor.u32 v14, v42  }
0x9e: {  	[tilespmem:v44+s4+$0x0] =	vst.idx.msk $0xffff, v39;
	v39 =	vor.u32 v15, v42  }
0x9f: {  	[tilespmem:v45+s4+$0x0] =	vst.idx.msk $0xffff, v37  }
0xa0: {  	[tilespmem:v46+s4+$0x0] =	vst.idx.msk $0xffff, v34  }
0xa1: {  	[tilespmem:v47+s4+$0x0] =	vst.idx.msk $0xffff, v36  }
.Ltmp0:
0xa2: {  	[tilespmem:v48+s4+$0x0] =	vst.idx.msk $0xffff, v38;
	(pc) =	sbr.rel @p1 .LBB2_5-.Ltmp0, $4  }
0xa3: {  	[tilespmem:v35+s4+$0x0] =	vst.idx.msk $0xffff, v41  }
0xa4: {  	[tilespmem:v39+s4+$0x0] =	vst.idx.msk $0xffff, v40  }
0xa5: {  	v35 =	vld.idx.msk [tilespmem:v32+s26+$0x0], $0xffff  }
0xa6: {  	v34 =	vld.idx.msk [tilespmem:v33+s26+$0x0], $0xffff  }
0xa7: {  	_ =	sdelay $0x3  }
0xa8: {  	v31 =	vld.idx.msk [tilespmem:v31+s26+$0x0], $0xffff;
	v32 =	vor.u32 v5, v25  }
0xa9: {  	v29 =	vld.idx.msk [tilespmem:v29+s26+$0x0], $0xffff;
	v33 =	vor.u32 v9, v25  }
0xaa: {  	v30 =	vld.idx.msk [tilespmem:v30+s26+$0x0], $0xffff;
	v36 =	vor.u32 v10, v25  }
0xab: {  	v28 =	vld.idx.msk [tilespmem:v28+s26+$0x0], $0xffff;
	v37 =	vor.u32 v11, v25;
	s8 =	sadd.s32 $0x1, s7  }
0xac: {  	v27 =	vld.idx.msk [tilespmem:v27+s26+$0x0], $0xffff;
	v38 =	vor.u32 v12, v25;
	v39 =	vadd.s32 s8, v0  }
0xad: {  	v26 =	vld.idx.msk [tilespmem:v26+s26+$0x0], $0xffff;
	v40 =	vor.u32 v13, v25;
	v59 =	vand.u32 $0xF, v39;
	[tilespmem:v32+s4+$0x0] =	vst.idx.msk $0xffff, v35  }
0xae: {  	v60 =	vor.u32 v14, v25;
	v61 =	vor.u32 v24, v59;
	[tilespmem:v33+s4+$0x0] =	vst.idx.msk $0xffff, v29  }
0xaf: {  	v62 =	vor.u32 v15, v25;
	v63 =	vshll.u32 v61, $0x7;
	[tilespmem:v36+s4+$0x0] =	vst.idx.msk $0xffff, v30  }
0xb0: {  	v33 =	vor.u32 v2, v63;
	[tilespmem:v37+s4+$0x0] =	vst.idx.msk $0xffff, v28  }
0xb1: {  	v36 =	vor.u32 v1, v63;
	[tilespmem:v38+s4+$0x0] =	vst.idx.msk $0xffff, v27  }
0xb2: {  	v37 =	vor.u32 v0, v63;
	[tilespmem:v40+s4+$0x0] =	vst.idx.msk $0xffff, v26  }
0xb3: {  	v39 =	vor.u32 v4, v63;
	[tilespmem:v60+s4+$0x0] =	vst.idx.msk $0xffff, v31  }
0xb4: {  	v41 =	vor.u32 v6, v63;
	[tilespmem:v62+s4+$0x0] =	vst.idx.msk $0xffff, v34  }
0xb5: {  	v38 =	vor.u32 v3, v63;
	v28 =	vld.idx.msk [tilespmem:v33+s26+$0x0], $0xffff  }
0xb6: {  	v30 =	vor.u32 v8, v63;
	v27 =	vld.idx.msk [tilespmem:v36+s26+$0x0], $0xffff  }
0xb7: {  	v42 =	vor.u32 v5, v61;
	v40 =	vor.u32 v7, v63;
	v26 =	vld.idx.msk [tilespmem:v37+s26+$0x0], $0xffff  }
0xb8: {  	v43 =	vor.u32 v9, v61;
	v25 =	vld.idx.msk [tilespmem:v39+s26+$0x0], $0xffff  }
0xb9: {  	v44 =	vor.u32 v10, v61;
	v33 =	vld.idx.msk [tilespmem:v41+s26+$0x0], $0xffff  }
0xba: {  	s10 =	sadd.s32 $0x2, s7;
	v45 =	vor.u32 v11, v61;
	v31 =	vld.idx.msk [tilespmem:v38+s26+$0x0], $0xffff  }
0xbb: {  	v47 =	vadd.s32 s10, v0;
	v46 =	vor.u32 v12, v61;
	v30 =	vld.idx.msk [tilespmem:v30+s26+$0x0], $0xffff  }
0xbc: {  	v49 =	vand.u32 $0xF, v47;
	v48 =	vor.u32 v13, v61;
	v32 =	vld.idx.msk [tilespmem:v40+s26+$0x0], $0xffff;
	[tilespmem:v42+s4+$0x0] =	vst.idx.msk $0xffff, v26  }
0xbd: {  	v50 =	vor.u32 v14, v61;
	v34 =	vor.u32 v24, v49;
	[tilespmem:v43+s4+$0x0] =	vst.idx.msk $0xffff, v27  }
0xbe: {  	v51 =	vor.u32 v15, v61;
	v52 =	vshll.u32 v34, $0x7;
	[tilespmem:v44+s4+$0x0] =	vst.idx.msk $0xffff, v28  }
0xbf: {  	v53 =	vor.u32 v2, v52;
	[tilespmem:v45+s4+$0x0] =	vst.idx.msk $0xffff, v31  }
0xc0: {  	v54 =	vor.u32 v1, v52;
	[tilespmem:v46+s4+$0x0] =	vst.idx.msk $0xffff, v25  }
0xc1: {  	v55 =	vor.u32 v0, v52;
	[tilespmem:v48+s4+$0x0] =	vst.idx.msk $0xffff, v33  }
0xc2: {  	v56 =	vor.u32 v3, v52;
	[tilespmem:v50+s4+$0x0] =	vst.idx.msk $0xffff, v32  }
0xc3: {  	v57 =	vor.u32 v4, v52;
	[tilespmem:v51+s4+$0x0] =	vst.idx.msk $0xffff, v30  }
0xc4: {  	v58 =	vor.u32 v6, v52;
	v30 =	vld.idx.msk [tilespmem:v53+s26+$0x0], $0xffff  }
0xc5: {  	v59 =	vor.u32 v8, v52;
	v25 =	vld.idx.msk [tilespmem:v54+s26+$0x0], $0xffff  }
0xc6: {  	v60 =	vor.u32 v5, v34;
	v29 =	vor.u32 v7, v52;
	v26 =	vld.idx.msk [tilespmem:v55+s26+$0x0], $0xffff  }
0xc7: {  	v61 =	vor.u32 v9, v34;
	v27 =	vld.idx.msk [tilespmem:v56+s26+$0x0], $0xffff  }
0xc8: {  	v62 =	vor.u32 v10, v34;
	v28 =	vld.idx.msk [tilespmem:v57+s26+$0x0], $0xffff  }
0xc9: {  	s8 =	sadd.s32 $0x3, s7;
	v63 =	vor.u32 v11, v34;
	v31 =	vld.idx.msk [tilespmem:v58+s26+$0x0], $0xffff  }
0xca: {  	v42 =	vor.u32 v12, v34;
	v43 =	vadd.s32 s8, v0;
	v32 =	vld.idx.msk [tilespmem:v59+s26+$0x0], $0xffff  }
0xcb: {  	v44 =	vor.u32 v13, v34;
	v45 =	vand.u32 $0xF, v43;
	v29 =	vld.idx.msk [tilespmem:v29+s26+$0x0], $0xffff;
	[tilespmem:v60+s4+$0x0] =	vst.idx.msk $0xffff, v26  }
0xcc: {  	v46 =	vor.u32 v14, v34;
	v33 =	vor.u32 v24, v45;
	[tilespmem:v61+s4+$0x0] =	vst.idx.msk $0xffff, v25  }
0xcd: {  	v47 =	vor.u32 v15, v34;
	v48 =	vshll.u32 v33, $0x7;
	[tilespmem:v62+s4+$0x0] =	vst.idx.msk $0xffff, v30  }
0xce: {  	v49 =	vor.u32 v2, v48;
	[tilespmem:v63+s4+$0x0] =	vst.idx.msk $0xffff, v27  }
0xcf: {  	v50 =	vor.u32 v1, v48;
	[tilespmem:v42+s4+$0x0] =	vst.idx.msk $0xffff, v28  }
0xd0: {  	v51 =	vor.u32 v0, v48;
	[tilespmem:v44+s4+$0x0] =	vst.idx.msk $0xffff, v31  }
0xd1: {  	v52 =	vor.u32 v3, v48;
	[tilespmem:v46+s4+$0x0] =	vst.idx.msk $0xffff, v29  }
0xd2: {  	v53 =	vor.u32 v4, v48;
	[tilespmem:v47+s4+$0x0] =	vst.idx.msk $0xffff, v32  }
0xd3: {  	v54 =	vor.u32 v6, v48;
	v27 =	vld.idx.msk [tilespmem:v49+s26+$0x0], $0xffff  }
0xd4: {  	v55 =	vor.u32 v8, v48;
	v28 =	vld.idx.msk [tilespmem:v50+s26+$0x0], $0xffff  }
0xd5: {  	v56 =	vor.u32 v7, v48;
	v57 =	vor.u32 v5, v33;
	v31 =	vld.idx.msk [tilespmem:v51+s26+$0x0], $0xffff  }
0xd6: {  	v58 =	vor.u32 v9, v33;
	v25 =	vld.idx.msk [tilespmem:v52+s26+$0x0], $0xffff  }
0xd7: {  	v59 =	vor.u32 v10, v33;
	v26 =	vld.idx.msk [tilespmem:v53+s26+$0x0], $0xffff  }
0xd8: {  	v60 =	vor.u32 v11, v33;
	v29 =	vld.idx.msk [tilespmem:v54+s26+$0x0], $0xffff  }
0xd9: {  	v61 =	vadd.s32 s25, v0;
	v62 =	vor.u32 v12, v33;
	v30 =	vld.idx.msk [tilespmem:v55+s26+$0x0], $0xffff  }
0xda: {  	v38 =	vand.u32 $0xF, v61;
	v63 =	vor.u32 v13, v33;
	v32 =	vld.idx.msk [tilespmem:v56+s26+$0x0], $0xffff;
	[tilespmem:v57+s4+$0x0] =	vst.idx.msk $0xffff, v31  }
0xdb: {  	v45 =	vor.u32 v14, v33;
	v44 =	vor.u32 v24, v38;
	[tilespmem:v58+s4+$0x0] =	vst.idx.msk $0xffff, v28  }
0xdc: {  	v33 =	vor.u32 v15, v33;
	v46 =	vshll.u32 v44, $0x7;
	[tilespmem:v59+s4+$0x0] =	vst.idx.msk $0xffff, v27  }
0xdd: {  	v47 =	vor.u32 v0, v46;
	[tilespmem:v60+s4+$0x0] =	vst.idx.msk $0xffff, v25  }
0xde: {  	v48 =	vor.u32 v8, v46;
	[tilespmem:v62+s4+$0x0] =	vst.idx.msk $0xffff, v26  }
0xdf: {  	v49 =	vor.u32 v7, v46;
	[tilespmem:v63+s4+$0x0] =	vst.idx.msk $0xffff, v29  }
0xe0: {  	v50 =	vor.u32 v1, v46;
	[tilespmem:v45+s4+$0x0] =	vst.idx.msk $0xffff, v32  }
0xe1: {  	v51 =	vor.u32 v2, v46;
	[tilespmem:v33+s4+$0x0] =	vst.idx.msk $0xffff, v30  }
0xe2: {  	v52 =	vor.u32 v3, v46;
	v27 =	vld.idx.msk [tilespmem:v47+s26+$0x0], $0xffff  }
0xe3: {  	v53 =	vor.u32 v4, v46;
	v25 =	vld.idx.msk [tilespmem:v48+s26+$0x0], $0xffff  }
0xe4: {  	v54 =	vor.u32 v5, v44;
	v28 =	vor.u32 v6, v46;
	v26 =	vld.idx.msk [tilespmem:v49+s26+$0x0], $0xffff  }
0xe5: {  	v55 =	vor.u32 v9, v44;
	v29 =	vld.idx.msk [tilespmem:v50+s26+$0x0], $0xffff  }
0xe6: {  	v56 =	vor.u32 v10, v44;
	v32 =	vld.idx.msk [tilespmem:v51+s26+$0x0], $0xffff  }
0xe7: {  	s9 =	sadd.s32 $0x1, s25;
	v57 =	vor.u32 v11, v44;
	v30 =	vld.idx.msk [tilespmem:v52+s26+$0x0], $0xffff  }
0xe8: {  	v38 =	vor.u32 v12, v44;
	v58 =	vadd.s32 s9, v0;
	v33 =	vld.idx.msk [tilespmem:v53+s26+$0x0], $0xffff  }
0xe9: {  	v59 =	vor.u32 v13, v44;
	v60 =	vand.u32 $0xF, v58;
	v28 =	vld.idx.msk [tilespmem:v28+s26+$0x0], $0xffff;
	[tilespmem:v54+s4+$0x0] =	vst.idx.msk $0xffff, v27  }
0xea: {  	v61 =	vor.u32 v14, v44;
	v27 =	vor.u32 v24, v60;
	[tilespmem:v55+s4+$0x0] =	vst.idx.msk $0xffff, v29  }
0xeb: {  	v62 =	vor.u32 v15, v44;
	v63 =	vshll.u32 v27, $0x7;
	[tilespmem:v56+s4+$0x0] =	vst.idx.msk $0xffff, v32  }
0xec: {  	v36 =	vor.u32 v2, v63;
	[tilespmem:v57+s4+$0x0] =	vst.idx.msk $0xffff, v30  }
0xed: {  	v37 =	vor.u32 v1, v63;
	[tilespmem:v38+s4+$0x0] =	vst.idx.msk $0xffff, v33  }
0xee: {  	v38 =	vor.u32 v0, v63;
	[tilespmem:v59+s4+$0x0] =	vst.idx.msk $0xffff, v28  }
0xef: {  	v39 =	vor.u32 v3, v63;
	[tilespmem:v61+s4+$0x0] =	vst.idx.msk $0xffff, v26  }
0xf0: {  	v40 =	vor.u32 v4, v63;
	[tilespmem:v62+s4+$0x0] =	vst.idx.msk $0xffff, v25  }
0xf1: {  	v41 =	vor.u32 v7, v63;
	v29 =	vld.idx.msk [tilespmem:v36+s26+$0x0], $0xffff  }
0xf2: {  	v42 =	vor.u32 v6, v63;
	v32 =	vld.idx.msk [tilespmem:v37+s26+$0x0], $0xffff  }
0xf3: {  	v43 =	vor.u32 v5, v27;
	v31 =	vor.u32 v8, v63;
	v28 =	vld.idx.msk [tilespmem:v38+s26+$0x0], $0xffff  }
0xf4: {  	v44 =	vor.u32 v9, v27;
	v26 =	vld.idx.msk [tilespmem:v39+s26+$0x0], $0xffff  }
0xf5: {  	v45 =	vor.u32 v10, v27;
	v25 =	vld.idx.msk [tilespmem:v40+s26+$0x0], $0xffff  }
0xf6: {  	s10 =	sadd.s32 $0x2, s25;
	v46 =	vor.u32 v11, v27;
	v30 =	vld.idx.msk [tilespmem:v41+s26+$0x0], $0xffff  }
0xf7: {  	v48 =	vadd.s32 s10, v0;
	v47 =	vor.u32 v12, v27;
	v33 =	vld.idx.msk [tilespmem:v42+s26+$0x0], $0xffff  }
0xf8: {  	v50 =	vand.u32 $0xF, v48;
	v49 =	vor.u32 v13, v27;
	v31 =	vld.idx.msk [tilespmem:v31+s26+$0x0], $0xffff;
	[tilespmem:v43+s4+$0x0] =	vst.idx.msk $0xffff, v28  }
0xf9: {  	v34 =	vor.u32 v24, v50;
	v51 =	vor.u32 v14, v27;
	[tilespmem:v44+s4+$0x0] =	vst.idx.msk $0xffff, v32  }
0xfa: {  	v52 =	vshll.u32 v34, $0x7;
	v27 =	vor.u32 v15, v27;
	[tilespmem:v45+s4+$0x0] =	vst.idx.msk $0xffff, v29  }
0xfb: {  	v53 =	vor.u32 v2, v52;
	[tilespmem:v46+s4+$0x0] =	vst.idx.msk $0xffff, v26  }
0xfc: {  	v54 =	vor.u32 v1, v52;
	[tilespmem:v47+s4+$0x0] =	vst.idx.msk $0xffff, v25  }
0xfd: {  	v55 =	vor.u32 v0, v52;
	[tilespmem:v49+s4+$0x0] =	vst.idx.msk $0xffff, v33  }
0xfe: {  	v56 =	vor.u32 v3, v52;
	[tilespmem:v51+s4+$0x0] =	vst.idx.msk $0xffff, v30  }
0xff: {  	v57 =	vor.u32 v4, v52;
	[tilespmem:v27+s4+$0x0] =	vst.idx.msk $0xffff, v31  }
0x100: {  	v58 =	vor.u32 v6, v52;
	v26 =	vld.idx.msk [tilespmem:v53+s26+$0x0], $0xffff  }
0x101: {  	v59 =	vor.u32 v8, v52;
	v25 =	vld.idx.msk [tilespmem:v54+s26+$0x0], $0xffff  }
0x102: {  	v60 =	vor.u32 v5, v34;
	v29 =	vor.u32 v7, v52;
	v28 =	vld.idx.msk [tilespmem:v55+s26+$0x0], $0xffff  }
0x103: {  	v61 =	vor.u32 v9, v34;
	v30 =	vld.idx.msk [tilespmem:v56+s26+$0x0], $0xffff  }
0x104: {  	v62 =	vor.u32 v10, v34;
	v27 =	vld.idx.msk [tilespmem:v57+s26+$0x0], $0xffff  }
0x105: {  	s25 =	sadd.s32 $0x3, s25;
	v63 =	vor.u32 v11, v34;
	v31 =	vld.idx.msk [tilespmem:v58+s26+$0x0], $0xffff  }
0x106: {  	v42 =	vor.u32 v12, v34;
	v43 =	vadd.s32 s25, v0;
	v32 =	vld.idx.msk [tilespmem:v59+s26+$0x0], $0xffff  }
0x107: {  	v44 =	vor.u32 v13, v34;
	v45 =	vand.u32 $0xF, v43;
	v29 =	vld.idx.msk [tilespmem:v29+s26+$0x0], $0xffff;
	[tilespmem:v60+s4+$0x0] =	vst.idx.msk $0xffff, v28  }
0x108: {  	v46 =	vor.u32 v14, v34;
	v47 =	vor.u32 v24, v45;
	[tilespmem:v61+s4+$0x0] =	vst.idx.msk $0xffff, v25  }
0x109: {  	v48 =	vor.u32 v15, v34;
	v33 =	vshll.u32 v47, $0x7;
	[tilespmem:v62+s4+$0x0] =	vst.idx.msk $0xffff, v26  }
0x10a: {  	v49 =	vor.u32 v2, v33;
	[tilespmem:v63+s4+$0x0] =	vst.idx.msk $0xffff, v30  }
0x10b: {  	v50 =	vor.u32 v1, v33;
	[tilespmem:v42+s4+$0x0] =	vst.idx.msk $0xffff, v27  }
0x10c: {  	v51 =	vor.u32 v0, v33;
	[tilespmem:v44+s4+$0x0] =	vst.idx.msk $0xffff, v31  }
0x10d: {  	v52 =	vor.u32 v3, v33;
	[tilespmem:v46+s4+$0x0] =	vst.idx.msk $0xffff, v29  }
0x10e: {  	v53 =	vor.u32 v4, v33;
	[tilespmem:v48+s4+$0x0] =	vst.idx.msk $0xffff, v32  }
0x10f: {  	v54 =	vor.u32 v6, v33;
	v28 =	vld.idx.msk [tilespmem:v49+s26+$0x0], $0xffff  }
0x110: {  	v55 =	vor.u32 v8, v33;
	v27 =	vld.idx.msk [tilespmem:v50+s26+$0x0], $0xffff  }
0x111: {  	v56 =	vor.u32 v7, v33;
	v57 =	vor.u32 v5, v47;
	v31 =	vld.idx.msk [tilespmem:v51+s26+$0x0], $0xffff  }
0x112: {  	v58 =	vor.u32 v9, v47;
	v25 =	vld.idx.msk [tilespmem:v52+s26+$0x0], $0xffff  }
0x113: {  	v59 =	vor.u32 v10, v47;
	v26 =	vld.idx.msk [tilespmem:v53+s26+$0x0], $0xffff  }
0x114: {  	v60 =	vor.u32 v11, v47;
	v29 =	vld.idx.msk [tilespmem:v54+s26+$0x0], $0xffff  }
0x115: {  	v61 =	vor.u32 v12, v47;
	v30 =	vld.idx.msk [tilespmem:v55+s26+$0x0], $0xffff  }
0x116: {  	v62 =	vor.u32 v13, v47;
	v32 =	vld.idx.msk [tilespmem:v56+s26+$0x0], $0xffff;
	[tilespmem:v57+s4+$0x0] =	vst.idx.msk $0xffff, v31  }
0x117: {  	s5 =	sadd.s32 $0x1, s5;
	v63 =	vor.u32 v14, v47;
	[tilespmem:v58+s4+$0x0] =	vst.idx.msk $0xffff, v27  }
0x118: {  	p1 =	sne.s32 s5, $0x8;
	v24 =	vor.u32 v15, v47;
	[tilespmem:v59+s4+$0x0] =	vst.idx.msk $0xffff, v28  }
.Ltmp1:
0x119: {  	[tilespmem:v60+s4+$0x0] =	vst.idx.msk $0xffff, v25;
	(pc) =	sbr.rel @p1 .LBB2_4-.Ltmp1, $4  }
0x11a: {  	[tilespmem:v61+s4+$0x0] =	vst.idx.msk $0xffff, v26  }
0x11b: {  	[tilespmem:v62+s4+$0x0] =	vst.idx.msk $0xffff, v29  }
0x11c: {  	[tilespmem:v63+s4+$0x0] =	vst.idx.msk $0xffff, v32  }
0x11d: {  	s25 =	simm.s32 $0x0;
	[tilespmem:v24+s4+$0x0] =	vst.idx.msk $0xffff, v30  }
0x11e: {  	s5 =	simm.s32 $0x0  }
.LBB2_8:
0x11f: {  	s7 =	sshll.u32 s5, $0x4;
	v25 =	vadd.s32 s25, v0  }
0x120: {  	v24 =	vmov s7;
	v25 =	vand.u32 $0xF, v25  }
0x121: {  	v25 =	vor.u32 v24, v25  }
0x122: {  	vm1 =	vlt.u32 v25, $0x48;
	v26 =	vshll.u32 v25, $0x7  }
0x123: {  	v27 =	vor.u32 v17, v26  }
0x124: {  	v28 =	vor.u32 v19, v26  }
0x125: {  	v29 =	vor.u32 v16, v26  }
0x126: {  	v30 =	vor.u32 v18, v26  }
0x127: {  	v31 =	vor.u32 v23, v26  }
0x128: {  	v32 =	vor.u32 v22, v26;
	v27 =	vld.idx.msk [tilespmem:v27+s26+$0x0], vm1  }
0x129: {  	v33 =	vor.u32 v20, v26;
	v28 =	vld.idx.msk [tilespmem:v28+s26+$0x0], vm1  }
0x12a: {  	v34 =	vor.u32 v5, v25;
	v26 =	vor.u32 v21, v26;
	v29 =	vld.idx.msk [tilespmem:v29+s26+$0x0], vm1  }
0x12b: {  	v35 =	vor.u32 v9, v25;
	v30 =	vld.idx.msk [tilespmem:v30+s26+$0x0], vm1  }
0x12c: {  	v36 =	vor.u32 v10, v25;
	v31 =	vld.idx.msk [tilespmem:v31+s26+$0x0], vm1  }
0x12d: {  	s8 =	simm.s32 $0x1;
	v37 =	vor.u32 v11, v25;
	v32 =	vld.idx.msk [tilespmem:v32+s26+$0x0], vm1  }
0x12e: {  	v39 =	vadd.s32 s8, v0;
	v38 =	vor.u32 v12, v25;
	v33 =	vld.idx.msk [tilespmem:v33+s26+$0x0], vm1  }
0x12f: {  	v42 =	vand.u32 $0xF, v39;
	v26 =	vld.idx.msk [tilespmem:v26+s26+$0x0], vm1;
	[tilespmem:v34+s23+$0x0] =	vst.idx.msk vm1, v29;
	v29 =	vor.u32 v13, v25  }
0x130: {  	v34 =	vor.u32 v24, v42;
	[tilespmem:v35+s23+$0x0] =	vst.idx.msk vm1, v27;
	v27 =	vor.u32 v14, v25  }
0x131: {  	v25 =	vor.u32 v15, v25;
	vm0 =	vlt.u32 v34, $0x48;
	[tilespmem:v36+s23+$0x0] =	vst.idx.msk vm1, v30;
	v30 =	vshll.u32 v34, $0x7  }
0x132: {  	[tilespmem:v37+s23+$0x0] =	vst.idx.msk vm1, v28;
	v28 =	vor.u32 v18, v30  }
0x133: {  	v43 =	vor.u32 v17, v30;
	[tilespmem:v38+s23+$0x0] =	vst.idx.msk vm1, v33  }
0x134: {  	[tilespmem:v29+s23+$0x0] =	vst.idx.msk vm1, v26;
	v26 =	vor.u32 v16, v30  }
0x135: {  	v44 =	vor.u32 v20, v30;
	[tilespmem:v27+s23+$0x0] =	vst.idx.msk vm1, v32  }
0x136: {  	v29 =	vor.u32 v22, v30;
	[tilespmem:v25+s23+$0x0] =	vst.idx.msk vm1, v31  }
0x137: {  	v27 =	vor.u32 v19, v30;
	v28 =	vld.idx.msk [tilespmem:v28+s26+$0x0], vm0  }
0x138: {  	v25 =	vor.u32 v23, v30;
	v31 =	vld.idx.msk [tilespmem:v43+s26+$0x0], vm0  }
0x139: {  	v45 =	vor.u32 v5, v34;
	v30 =	vor.u32 v21, v30;
	v26 =	vld.idx.msk [tilespmem:v26+s26+$0x0], vm0  }
0x13a: {  	v46 =	vor.u32 v9, v34;
	v32 =	vld.idx.msk [tilespmem:v44+s26+$0x0], vm0  }
0x13b: {  	v47 =	vor.u32 v10, v34;
	v29 =	vld.idx.msk [tilespmem:v29+s26+$0x0], vm0  }
0x13c: {  	v48 =	vor.u32 v11, v34;
	v27 =	vld.idx.msk [tilespmem:v27+s26+$0x0], vm0  }
0x13d: {  	s9 =	simm.s32 $0x2;
	v49 =	vor.u32 v12, v34;
	v25 =	vld.idx.msk [tilespmem:v25+s26+$0x0], vm0  }
0x13e: {  	v50 =	vadd.s32 s9, v0;
	v30 =	vld.idx.msk [tilespmem:v30+s26+$0x0], vm0;
	[tilespmem:v45+s23+$0x0] =	vst.idx.msk vm0, v26;
	v26 =	vor.u32 v13, v34  }
0x13f: {  	v51 =	vand.u32 $0xF, v50;
	[tilespmem:v46+s23+$0x0] =	vst.idx.msk vm0, v31;
	v31 =	vor.u32 v14, v34  }
0x140: {  	v33 =	vor.u32 v24, v51;
	[tilespmem:v47+s23+$0x0] =	vst.idx.msk vm0, v28;
	v28 =	vor.u32 v15, v34  }
0x141: {  	v52 =	vshll.u32 v33, $0x7;
	vm1 =	vlt.u32 v33, $0x48;
	[tilespmem:v48+s23+$0x0] =	vst.idx.msk vm0, v27  }
0x142: {  	v27 =	vor.u32 v18, v52;
	[tilespmem:v49+s23+$0x0] =	vst.idx.msk vm0, v32  }
0x143: {  	v53 =	vor.u32 v17, v52;
	[tilespmem:v26+s23+$0x0] =	vst.idx.msk vm0, v30  }
0x144: {  	v26 =	vor.u32 v16, v52;
	[tilespmem:v31+s23+$0x0] =	vst.idx.msk vm0, v29  }
0x145: {  	[tilespmem:v28+s23+$0x0] =	vst.idx.msk vm0, v25;
	v25 =	vor.u32 v20, v52  }
0x146: {  	v54 =	vor.u32 v22, v52  }
0x147: {  	v29 =	vor.u32 v19, v52;
	v27 =	vld.idx.msk [tilespmem:v27+s26+$0x0], vm1  }
0x148: {  	v31 =	vor.u32 v23, v52;
	v30 =	vld.idx.msk [tilespmem:v53+s26+$0x0], vm1  }
0x149: {  	v55 =	vor.u32 v5, v33;
	v28 =	vor.u32 v21, v52;
	v26 =	vld.idx.msk [tilespmem:v26+s26+$0x0], vm1  }
0x14a: {  	v35 =	vld.idx.msk [tilespmem:v25+s26+$0x0], vm1;
	v25 =	vor.u32 v9, v33  }
0x14b: {  	v56 =	vor.u32 v10, v33;
	v32 =	vld.idx.msk [tilespmem:v54+s26+$0x0], vm1  }
0x14c: {  	s10 =	simm.s32 $0x3;
	v57 =	vor.u32 v11, v33;
	v29 =	vld.idx.msk [tilespmem:v29+s26+$0x0], vm1  }
0x14d: {  	v59 =	vadd.s32 s10, v0;
	v58 =	vor.u32 v12, v33;
	v31 =	vld.idx.msk [tilespmem:v31+s26+$0x0], vm1  }
0x14e: {  	v60 =	vand.u32 $0xF, v59;
	v28 =	vld.idx.msk [tilespmem:v28+s26+$0x0], vm1;
	[tilespmem:v55+s23+$0x0] =	vst.idx.msk vm1, v26;
	v26 =	vor.u32 v13, v33  }
0x14f: {  	[tilespmem:v25+s23+$0x0] =	vst.idx.msk vm1, v30;
	v30 =	vor.u32 v14, v33;
	v25 =	vor.u32 v24, v60  }
0x150: {  	[tilespmem:v56+s23+$0x0] =	vst.idx.msk vm1, v27;
	v27 =	vor.u32 v15, v33;
	vm0 =	vlt.u32 v25, $0x48;
	v61 =	vshll.u32 v25, $0x7  }
0x151: {  	[tilespmem:v57+s23+$0x0] =	vst.idx.msk vm1, v29;
	v29 =	vor.u32 v18, v61  }
0x152: {  	v62 =	vor.u32 v17, v61;
	[tilespmem:v58+s23+$0x0] =	vst.idx.msk vm1, v35  }
0x153: {  	v63 =	vor.u32 v16, v61;
	[tilespmem:v26+s23+$0x0] =	vst.idx.msk vm1, v28  }
0x154: {  	v28 =	vor.u32 v19, v61;
	[tilespmem:v30+s23+$0x0] =	vst.idx.msk vm1, v32  }
0x155: {  	v30 =	vor.u32 v20, v61;
	[tilespmem:v27+s23+$0x0] =	vst.idx.msk vm1, v31  }
0x156: {  	v37 =	vor.u32 v21, v61;
	v27 =	vld.idx.msk [tilespmem:v29+s26+$0x0], vm0  }
0x157: {  	v36 =	vor.u32 v23, v61;
	v29 =	vld.idx.msk [tilespmem:v62+s26+$0x0], vm0  }
0x158: {  	v35 =	vor.u32 v22, v61;
	v31 =	vld.idx.msk [tilespmem:v63+s26+$0x0], vm0  }
0x159: {  	v34 =	vor.u32 v5, v25;
	v28 =	vld.idx.msk [tilespmem:v28+s26+$0x0], vm0  }
0x15a: {  	s7 =	simm.s32 $0x4;
	s8 =	simm.s32 $0x8;
	v33 =	vor.u32 v9, v25;
	v26 =	vor.u32 v11, v25;
	v32 =	vor.u32 v10, v25;
	v30 =	vld.idx.msk [tilespmem:v30+s26+$0x0], vm0  }
.LBB2_9:
0x15b: {  	p1 =	slt.u32 s8, $0xC;
	v38 =	vadd.s32 s7, v0;
	v37 =	vld.idx.msk [tilespmem:v37+s26+$0x0], vm0;
	s9 =	smov.u32 s8;
	s8 =	sadd.s32 $0x4, s8  }
0x15c: {  	v39 =	vor.u32 v12, v25;
	v38 =	vand.u32 $0xF, v38;
	v36 =	vld.idx.msk [tilespmem:v36+s26+$0x0], vm0  }
0x15d: {  	v40 =	vor.u32 v13, v25;
	v41 =	vor.u32 v15, v25;
	v38 =	vor.u32 v24, v38;
	v35 =	vld.idx.msk [tilespmem:v35+s26+$0x0], vm0  }
0x15e: {  	v25 =	vor.u32 v14, v25;
	vm1 =	vlt.u32 v38, $0x48;
	v42 =	vshll.u32 v38, $0x7;
	[tilespmem:v34+s23+$0x0] =	vst.idx.msk vm0, v31  }
0x15f: {  	v31 =	vor.u32 v16, v42;
	v34 =	vor.u32 v17, v42;
	[tilespmem:v33+s23+$0x0] =	vst.idx.msk vm0, v29  }
0x160: {  	v29 =	vor.u32 v19, v42;
	v33 =	vor.u32 v20, v42;
	[tilespmem:v32+s23+$0x0] =	vst.idx.msk vm0, v27  }
0x161: {  	v27 =	vor.u32 v22, v42;
	v32 =	vor.u32 v23, v42;
	[tilespmem:v26+s23+$0x0] =	vst.idx.msk vm0, v28  }
0x162: {  	v26 =	vor.u32 v18, v42;
	[tilespmem:v39+s23+$0x0] =	vst.idx.msk vm0, v30  }
0x163: {  	[tilespmem:v40+s23+$0x0] =	vst.idx.msk vm0, v37  }
0x164: {  	v28 =	vor.u32 v21, v42;
	[tilespmem:v25+s23+$0x0] =	vst.idx.msk vm0, v35  }
0x165: {  	[tilespmem:v41+s23+$0x0] =	vst.idx.msk vm0, v36  }
0x166: {  	v25 =	vld.idx.msk [tilespmem:v34+s26+$0x0], vm1  }
0x167: {  	v29 =	vld.idx.msk [tilespmem:v29+s26+$0x0], vm1  }
0x168: {  	v30 =	vld.idx.msk [tilespmem:v31+s26+$0x0], vm1  }
0x169: {  	v31 =	vor.u32 v5, v38;
	v26 =	vld.idx.msk [tilespmem:v26+s26+$0x0], vm1  }
0x16a: {  	v34 =	vor.u32 v9, v38;
	v32 =	vld.idx.msk [tilespmem:v32+s26+$0x0], vm1  }
0x16b: {  	v35 =	vor.u32 v10, v38;
	v27 =	vld.idx.msk [tilespmem:v27+s26+$0x0], vm1  }
0x16c: {  	s10 =	sadd.s32 $0x1, s7;
	v36 =	vor.u32 v11, v38;
	v33 =	vld.idx.msk [tilespmem:v33+s26+$0x0], vm1  }
0x16d: {  	v39 =	vadd.s32 s10, v0;
	v37 =	vor.u32 v12, v38;
	v28 =	vld.idx.msk [tilespmem:v28+s26+$0x0], vm1  }
0x16e: {  	[tilespmem:v31+s23+$0x0] =	vst.idx.msk vm1, v30;
	v30 =	vor.u32 v13, v38;
	v31 =	vand.u32 $0xF, v39  }
0x16f: {  	[tilespmem:v34+s23+$0x0] =	vst.idx.msk vm1, v25;
	v25 =	vor.u32 v14, v38;
	v31 =	vor.u32 v24, v31  }
0x170: {  	[tilespmem:v35+s23+$0x0] =	vst.idx.msk vm1, v26;
	v26 =	vor.u32 v15, v38;
	vm0 =	vlt.u32 v31, $0x48;
	v34 =	vshll.u32 v31, $0x7  }
0x171: {  	[tilespmem:v36+s23+$0x0] =	vst.idx.msk vm1, v29;
	v29 =	vor.u32 v18, v34  }
0x172: {  	[tilespmem:v37+s23+$0x0] =	vst.idx.msk vm1, v33;
	v33 =	vor.u32 v17, v34  }
0x173: {  	[tilespmem:v30+s23+$0x0] =	vst.idx.msk vm1, v28;
	v28 =	vor.u32 v16, v34  }
0x174: {  	[tilespmem:v25+s23+$0x0] =	vst.idx.msk vm1, v27;
	v25 =	vor.u32 v19, v34  }
0x175: {  	[tilespmem:v26+s23+$0x0] =	vst.idx.msk vm1, v32;
	v26 =	vor.u32 v23, v34  }
0x176: {  	v27 =	vld.idx.msk [tilespmem:v29+s26+$0x0], vm0;
	v29 =	vor.u32 v22, v34  }
0x177: {  	v32 =	vor.u32 v20, v34;
	v30 =	vld.idx.msk [tilespmem:v33+s26+$0x0], vm0  }
0x178: {  	v33 =	vor.u32 v21, v34;
	v28 =	vld.idx.msk [tilespmem:v28+s26+$0x0], vm0  }
0x179: {  	v34 =	vor.u32 v5, v31;
	v25 =	vld.idx.msk [tilespmem:v25+s26+$0x0], vm0  }
0x17a: {  	v35 =	vor.u32 v9, v31;
	v26 =	vld.idx.msk [tilespmem:v26+s26+$0x0], vm0  }
0x17b: {  	v36 =	vor.u32 v10, v31;
	v29 =	vld.idx.msk [tilespmem:v29+s26+$0x0], vm0  }
0x17c: {  	s10 =	sadd.s32 $0x2, s7;
	v37 =	vor.u32 v11, v31;
	v32 =	vld.idx.msk [tilespmem:v32+s26+$0x0], vm0  }
0x17d: {  	v39 =	vadd.s32 s10, v0;
	v38 =	vor.u32 v12, v31;
	v33 =	vld.idx.msk [tilespmem:v33+s26+$0x0], vm0  }
0x17e: {  	[tilespmem:v34+s23+$0x0] =	vst.idx.msk vm0, v28;
	v28 =	vor.u32 v13, v31;
	v34 =	vand.u32 $0xF, v39  }
0x17f: {  	[tilespmem:v35+s23+$0x0] =	vst.idx.msk vm0, v30;
	v30 =	vor.u32 v14, v31;
	v34 =	vor.u32 v24, v34  }
0x180: {  	[tilespmem:v36+s23+$0x0] =	vst.idx.msk vm0, v27;
	v27 =	vor.u32 v15, v31;
	vm1 =	vlt.u32 v34, $0x48;
	v31 =	vshll.u32 v34, $0x7  }
0x181: {  	[tilespmem:v37+s23+$0x0] =	vst.idx.msk vm0, v25;
	v25 =	vor.u32 v18, v31  }
0x182: {  	[tilespmem:v38+s23+$0x0] =	vst.idx.msk vm0, v32;
	v32 =	vor.u32 v17, v31  }
0x183: {  	[tilespmem:v28+s23+$0x0] =	vst.idx.msk vm0, v33;
	v28 =	vor.u32 v16, v31  }
0x184: {  	[tilespmem:v30+s23+$0x0] =	vst.idx.msk vm0, v29;
	v29 =	vor.u32 v19, v31  }
0x185: {  	[tilespmem:v27+s23+$0x0] =	vst.idx.msk vm0, v26;
	v26 =	vor.u32 v20, v31  }
0x186: {  	v27 =	vld.idx.msk [tilespmem:v25+s26+$0x0], vm1;
	v25 =	vor.u32 v21, v31  }
0x187: {  	v30 =	vld.idx.msk [tilespmem:v32+s26+$0x0], vm1;
	v32 =	vor.u32 v23, v31  }
0x188: {  	v31 =	vor.u32 v22, v31;
	v28 =	vld.idx.msk [tilespmem:v28+s26+$0x0], vm1  }
0x189: {  	v33 =	vor.u32 v5, v34;
	v29 =	vld.idx.msk [tilespmem:v29+s26+$0x0], vm1  }
0x18a: {  	v35 =	vld.idx.msk [tilespmem:v26+s26+$0x0], vm1;
	v26 =	vor.u32 v9, v34  }
0x18b: {  	v37 =	vor.u32 v10, v34;
	v36 =	vld.idx.msk [tilespmem:v25+s26+$0x0], vm1  }
0x18c: {  	s10 =	sadd.s32 $0x3, s7;
	s7 =	smov.u32 s9;
	v38 =	vor.u32 v11, v34;
	v32 =	vld.idx.msk [tilespmem:v32+s26+$0x0], vm1  }
0x18d: {  	v39 =	vor.u32 v12, v34;
	v25 =	vadd.s32 s10, v0;
	v31 =	vld.idx.msk [tilespmem:v31+s26+$0x0], vm1  }
0x18e: {  	v25 =	vand.u32 $0xF, v25;
	[tilespmem:v33+s23+$0x0] =	vst.idx.msk vm1, v28;
	v28 =	vor.u32 v13, v34  }
0x18f: {  	v25 =	vor.u32 v24, v25;
	[tilespmem:v26+s23+$0x0] =	vst.idx.msk vm1, v30;
	v30 =	vor.u32 v14, v34  }
0x190: {  	vm0 =	vlt.u32 v25, $0x48;
	v33 =	vshll.u32 v25, $0x7;
	[tilespmem:v37+s23+$0x0] =	vst.idx.msk vm1, v27;
	v27 =	vor.u32 v15, v34  }
0x191: {  	v26 =	vor.u32 v11, v25;
	[tilespmem:v38+s23+$0x0] =	vst.idx.msk vm1, v29;
	v29 =	vor.u32 v18, v33  }
0x192: {  	v34 =	vor.u32 v16, v33;
	[tilespmem:v39+s23+$0x0] =	vst.idx.msk vm1, v35;
	v35 =	vor.u32 v17, v33  }
0x193: {  	[tilespmem:v28+s23+$0x0] =	vst.idx.msk vm1, v36  }
0x194: {  	v28 =	vor.u32 v19, v33;
	[tilespmem:v30+s23+$0x0] =	vst.idx.msk vm1, v31  }
0x195: {  	v30 =	vor.u32 v20, v33;
	[tilespmem:v27+s23+$0x0] =	vst.idx.msk vm1, v32  }
.Ltmp2:
0x196: {  	v37 =	vor.u32 v21, v33;
	v27 =	vld.idx.msk [tilespmem:v29+s26+$0x0], vm0;
	(pc) =	sbr.rel @p1 .LBB2_9-.Ltmp2, $4  }
0x197: {  	v36 =	vor.u32 v23, v33;
	v29 =	vld.idx.msk [tilespmem:v35+s26+$0x0], vm0  }
0x198: {  	v35 =	vor.u32 v22, v33;
	v31 =	vld.idx.msk [tilespmem:v34+s26+$0x0], vm0;
	v34 =	vor.u32 v5, v25  }
0x199: {  	v33 =	vor.u32 v9, v25;
	v28 =	vld.idx.msk [tilespmem:v28+s26+$0x0], vm0  }
0x19a: {  	v32 =	vor.u32 v10, v25;
	v30 =	vld.idx.msk [tilespmem:v30+s26+$0x0], vm0  }
0x19b: {  	_ =	sdelay $0x4  }
0x19c: {  	v37 =	vld.idx.msk [tilespmem:v37+s26+$0x0], vm0  }
0x19d: {  	v36 =	vld.idx.msk [tilespmem:v36+s26+$0x0], vm0;
	v38 =	vadd.s32 s7, v0;
	v39 =	vor.u32 v12, v25  }
0x19e: {  	v35 =	vld.idx.msk [tilespmem:v35+s26+$0x0], vm0;
	v40 =	vor.u32 v13, v25;
	v38 =	vand.u32 $0xF, v38;
	[tilespmem:v34+s23+$0x0] =	vst.idx.msk vm0, v31  }
0x19f: {  	v60 =	vor.u32 v14, v25;
	v59 =	vor.u32 v24, v38;
	[tilespmem:v33+s23+$0x0] =	vst.idx.msk vm0, v29  }
0x1a0: {  	v61 =	vor.u32 v15, v25;
	vm1 =	vlt.u32 v59, $0x48;
	v62 =	vshll.u32 v59, $0x7;
	[tilespmem:v32+s23+$0x0] =	vst.idx.msk vm0, v27  }
0x1a1: {  	v63 =	vor.u32 v17, v62;
	[tilespmem:v26+s23+$0x0] =	vst.idx.msk vm0, v28  }
0x1a2: {  	v38 =	vor.u32 v19, v62;
	[tilespmem:v39+s23+$0x0] =	vst.idx.msk vm0, v30  }
0x1a3: {  	v39 =	vor.u32 v16, v62;
	[tilespmem:v40+s23+$0x0] =	vst.idx.msk vm0, v37  }
0x1a4: {  	v41 =	vor.u32 v18, v62;
	[tilespmem:v60+s23+$0x0] =	vst.idx.msk vm0, v35  }
0x1a5: {  	v42 =	vor.u32 v23, v62;
	[tilespmem:v61+s23+$0x0] =	vst.idx.msk vm0, v36  }
0x1a6: {  	v43 =	vor.u32 v22, v62;
	v27 =	vld.idx.msk [tilespmem:v63+s26+$0x0], vm1  }
0x1a7: {  	v44 =	vor.u32 v20, v62;
	v26 =	vld.idx.msk [tilespmem:v38+s26+$0x0], vm1  }
0x1a8: {  	v45 =	vor.u32 v5, v59;
	v29 =	vor.u32 v21, v62;
	v28 =	vld.idx.msk [tilespmem:v39+s26+$0x0], vm1  }
0x1a9: {  	v46 =	vor.u32 v9, v59;
	v30 =	vld.idx.msk [tilespmem:v41+s26+$0x0], vm1  }
0x1aa: {  	v47 =	vor.u32 v10, v59;
	v32 =	vld.idx.msk [tilespmem:v42+s26+$0x0], vm1  }
0x1ab: {  	s8 =	sadd.s32 $0x1, s7;
	v48 =	vor.u32 v11, v59;
	v25 =	vld.idx.msk [tilespmem:v43+s26+$0x0], vm1  }
0x1ac: {  	v49 =	vadd.s32 s8, v0;
	v33 =	vld.idx.msk [tilespmem:v44+s26+$0x0], vm1;
	v38 =	vor.u32 v12, v59  }
0x1ad: {  	v51 =	vand.u32 $0xF, v49;
	v50 =	vor.u32 v13, v59;
	v29 =	vld.idx.msk [tilespmem:v29+s26+$0x0], vm1;
	[tilespmem:v45+s23+$0x0] =	vst.idx.msk vm1, v28  }
0x1ae: {  	v52 =	vor.u32 v14, v59;
	v34 =	vor.u32 v24, v51;
	[tilespmem:v46+s23+$0x0] =	vst.idx.msk vm1, v27  }
0x1af: {  	v53 =	vor.u32 v15, v59;
	vm13 =	vlt.u32 v34, $0x48;
	v54 =	vshll.u32 v34, $0x7;
	[tilespmem:v47+s23+$0x0] =	vst.idx.msk vm1, v30  }
0x1b0: {  	v55 =	vor.u32 v18, v54;
	[tilespmem:v48+s23+$0x0] =	vst.idx.msk vm1, v26  }
0x1b1: {  	v56 =	vor.u32 v17, v54;
	[tilespmem:v38+s23+$0x0] =	vst.idx.msk vm1, v33  }
0x1b2: {  	v57 =	vor.u32 v16, v54;
	[tilespmem:v50+s23+$0x0] =	vst.idx.msk vm1, v29  }
0x1b3: {  	v58 =	vor.u32 v19, v54;
	[tilespmem:v52+s23+$0x0] =	vst.idx.msk vm1, v25  }
0x1b4: {  	v59 =	vor.u32 v23, v54;
	[tilespmem:v53+s23+$0x0] =	vst.idx.msk vm1, v32  }
0x1b5: {  	v60 =	vor.u32 v22, v54;
	v26 =	vld.idx.msk [tilespmem:v55+s26+$0x0], vm13  }
0x1b6: {  	v61 =	vor.u32 v20, v54;
	v30 =	vld.idx.msk [tilespmem:v56+s26+$0x0], vm13  }
0x1b7: {  	v31 =	vor.u32 v21, v54;
	v62 =	vor.u32 v5, v34;
	v28 =	vld.idx.msk [tilespmem:v57+s26+$0x0], vm13  }
0x1b8: {  	v63 =	vor.u32 v9, v34;
	v25 =	vld.idx.msk [tilespmem:v58+s26+$0x0], vm13  }
0x1b9: {  	v42 =	vor.u32 v10, v34;
	v27 =	vld.idx.msk [tilespmem:v59+s26+$0x0], vm13  }
0x1ba: {  	s9 =	sadd.s32 $0x2, s7;
	v43 =	vor.u32 v11, v34;
	v29 =	vld.idx.msk [tilespmem:v60+s26+$0x0], vm13  }
0x1bb: {  	v44 =	vor.u32 v12, v34;
	v45 =	vadd.s32 s9, v0;
	v32 =	vld.idx.msk [tilespmem:v61+s26+$0x0], vm13  }
0x1bc: {  	v46 =	vor.u32 v13, v34;
	v47 =	vand.u32 $0xF, v45;
	v31 =	vld.idx.msk [tilespmem:v31+s26+$0x0], vm13;
	[tilespmem:v62+s23+$0x0] =	vst.idx.msk vm13, v28  }
0x1bd: {  	v48 =	vor.u32 v14, v34;
	v33 =	vor.u32 v24, v47;
	[tilespmem:v63+s23+$0x0] =	vst.idx.msk vm13, v30  }
0x1be: {  	v49 =	vor.u32 v15, v34;
	vm14 =	vlt.u32 v33, $0x48;
	v50 =	vshll.u32 v33, $0x7;
	[tilespmem:v42+s23+$0x0] =	vst.idx.msk vm13, v26  }
0x1bf: {  	v51 =	vor.u32 v18, v50;
	[tilespmem:v43+s23+$0x0] =	vst.idx.msk vm13, v25  }
0x1c0: {  	v52 =	vor.u32 v17, v50;
	[tilespmem:v44+s23+$0x0] =	vst.idx.msk vm13, v32  }
0x1c1: {  	v53 =	vor.u32 v16, v50;
	[tilespmem:v46+s23+$0x0] =	vst.idx.msk vm13, v31  }
0x1c2: {  	v54 =	vor.u32 v19, v50;
	[tilespmem:v48+s23+$0x0] =	vst.idx.msk vm13, v29  }
0x1c3: {  	v55 =	vor.u32 v20, v50;
	[tilespmem:v49+s23+$0x0] =	vst.idx.msk vm13, v27  }
0x1c4: {  	v56 =	vor.u32 v21, v50;
	v25 =	vld.idx.msk [tilespmem:v51+s26+$0x0], vm14  }
0x1c5: {  	v57 =	vor.u32 v23, v50;
	v30 =	vld.idx.msk [tilespmem:v52+s26+$0x0], vm14  }
0x1c6: {  	v58 =	vor.u32 v22, v50;
	v59 =	vor.u32 v5, v33;
	v28 =	vld.idx.msk [tilespmem:v53+s26+$0x0], vm14  }
0x1c7: {  	v60 =	vor.u32 v9, v33;
	v29 =	vld.idx.msk [tilespmem:v54+s26+$0x0], vm14  }
0x1c8: {  	v61 =	vor.u32 v10, v33;
	v26 =	vld.idx.msk [tilespmem:v55+s26+$0x0], vm14  }
0x1c9: {  	s10 =	sadd.s32 $0x3, s7;
	v62 =	vor.u32 v11, v33;
	v27 =	vld.idx.msk [tilespmem:v56+s26+$0x0], vm14  }
0x1ca: {  	v63 =	vor.u32 v12, v33;
	v42 =	vadd.s32 s10, v0;
	v31 =	vld.idx.msk [tilespmem:v57+s26+$0x0], vm14  }
0x1cb: {  	v43 =	vor.u32 v13, v33;
	v44 =	vand.u32 $0xF, v42;
	v32 =	vld.idx.msk [tilespmem:v58+s26+$0x0], vm14;
	[tilespmem:v59+s23+$0x0] =	vst.idx.msk vm14, v28  }
0x1cc: {  	v45 =	vor.u32 v14, v33;
	v46 =	vor.u32 v24, v44;
	[tilespmem:v60+s23+$0x0] =	vst.idx.msk vm14, v30  }
0x1cd: {  	v47 =	vor.u32 v15, v33;
	vm15 =	vlt.u32 v46, $0x48;
	v48 =	vshll.u32 v46, $0x7;
	[tilespmem:v61+s23+$0x0] =	vst.idx.msk vm14, v25  }
0x1ce: {  	v49 =	vor.u32 v18, v48;
	[tilespmem:v62+s23+$0x0] =	vst.idx.msk vm14, v29  }
0x1cf: {  	v50 =	vor.u32 v17, v48;
	[tilespmem:v63+s23+$0x0] =	vst.idx.msk vm14, v26  }
0x1d0: {  	v51 =	vor.u32 v16, v48;
	[tilespmem:v43+s23+$0x0] =	vst.idx.msk vm14, v27  }
0x1d1: {  	v52 =	vor.u32 v19, v48;
	[tilespmem:v45+s23+$0x0] =	vst.idx.msk vm14, v32  }
0x1d2: {  	v53 =	vor.u32 v20, v48;
	[tilespmem:v47+s23+$0x0] =	vst.idx.msk vm14, v31  }
0x1d3: {  	v54 =	vor.u32 v21, v48;
	v28 =	vld.idx.msk [tilespmem:v49+s26+$0x0], vm15  }
0x1d4: {  	v55 =	vor.u32 v23, v48;
	v26 =	vld.idx.msk [tilespmem:v50+s26+$0x0], vm15  }
0x1d5: {  	v56 =	vor.u32 v22, v48;
	v57 =	vor.u32 v5, v46;
	v31 =	vld.idx.msk [tilespmem:v51+s26+$0x0], vm15  }
0x1d6: {  	v58 =	vor.u32 v9, v46;
	v27 =	vld.idx.msk [tilespmem:v52+s26+$0x0], vm15  }
0x1d7: {  	v59 =	vor.u32 v10, v46;
	v25 =	vld.idx.msk [tilespmem:v53+s26+$0x0], vm15  }
0x1d8: {  	v60 =	vor.u32 v11, v46;
	v29 =	vld.idx.msk [tilespmem:v54+s26+$0x0], vm15  }
0x1d9: {  	v61 =	vor.u32 v12, v46;
	v30 =	vld.idx.msk [tilespmem:v55+s26+$0x0], vm15  }
0x1da: {  	v62 =	vor.u32 v13, v46;
	v32 =	vld.idx.msk [tilespmem:v56+s26+$0x0], vm15;
	[tilespmem:v57+s23+$0x0] =	vst.idx.msk vm15, v31  }
0x1db: {  	s5 =	sadd.s32 $0x1, s5;
	v63 =	vor.u32 v14, v46;
	[tilespmem:v58+s23+$0x0] =	vst.idx.msk vm15, v26  }
0x1dc: {  	p1 =	sne.s32 s5, $0x5;
	v24 =	vor.u32 v15, v46;
	[tilespmem:v59+s23+$0x0] =	vst.idx.msk vm15, v28  }
.Ltmp3:
0x1dd: {  	[tilespmem:v60+s23+$0x0] =	vst.idx.msk vm15, v27;
	(pc) =	sbr.rel @p1 .LBB2_8-.Ltmp3, $4  }
0x1de: {  	[tilespmem:v61+s23+$0x0] =	vst.idx.msk vm15, v25  }
0x1df: {  	[tilespmem:v62+s23+$0x0] =	vst.idx.msk vm15, v29  }
0x1e0: {  	[tilespmem:v63+s23+$0x0] =	vst.idx.msk vm15, v32  }
0x1e1: {  	[tilespmem:v24+s23+$0x0] =	vst.idx.msk vm15, v30  }
0x1e2: {  	s5 =	rddreg [dreg:$0x5]  }
0x1e3: {  	s5 =	sor.u32 s5, s29  }
0x1e4: {  	s8 =	rddreg [dreg:$0x4];
	s7 =	simm.s32 $0x400;
	s29 =	sshll.u32 s5, $0xC  }
0x1e5: {  	s9 =	rddreg [dreg:$0x6];
	s5 =	sadd.s32 s8, s29;
	s8 =	simm.s32 $0x800  }
0x1e6: {  	[hbm4b:s5+s7] =	stream.strided.scatter [tilespmem:s4], [sflag:$0x3], $0x4000, s8, s7, $0x38;
	[tilespmem:$0x1E100] =	vst v63  }
0x1e7: {  	s10 =	rddreg [dreg:$0x7];
	s5 =	sadd.s32 s29, s9  }
0x1e8: {  	[hbm4b:s5+s3] =	stream.linear.scatter [tilespmem:s23], [sflag:$0x3], $0x400, $0x38;
	[tilespmem:$0x1E100] =	vst v63  }
0x1e9: {  	s25 =	simm.s32 $0x12500;
	s8 =	rddreg [dreg:$0x8];
	s5 =	sadd.s32 s29, s10  }
0x1ea: {  	[hbm4b:s5+s3] =	stream.linear.scatter [tilespmem:s25], [sflag:$0x3], $0x400, $0x38;
	[tilespmem:$0x1E100] =	vst v63  }
0x1eb: {  	s9 =	simm.s32 $0x12900;
	s10 =	rddreg [dreg:$0x9];
	s5 =	sadd.s32 s29, s8  }
0x1ec: {  	[hbm4b:s5+s3] =	stream.linear.scatter [tilespmem:s9], [sflag:$0x3], $0x400, $0x38;
	[tilespmem:$0x1E100] =	vst v63  }
0x1ed: {  	s25 =	simm.s32 $0x12D00;
	s5 =	sadd.s32 s29, s10  }
0x1ee: {  	[hbm4b:s5+s3] =	stream.linear.scatter [tilespmem:s25], [sflag:$0x3], $0x400, $0x38;
	[tilespmem:$0x1E100] =	vst v63  }
0x1ef: {  	s8 =	sadd.s32 s29, s11;
	s9 =	simm.s32 $0x13100  }
0x1f0: {  	[hbm4b:s8+s3] =	stream.linear.scatter [tilespmem:s9], [sflag:$0x3], $0x400, $0x38;
	[tilespmem:$0x1E100] =	vst v63  }
0x1f1: {  	s10 =	sadd.s32 s29, s12;
	s25 =	simm.s32 $0x13500  }
0x1f2: {  	[hbm4b:s10+s3] =	stream.linear.scatter [tilespmem:s25], [sflag:$0x3], $0x400, $0x38;
	[tilespmem:$0x1E100] =	vst v63  }
0x1f3: {  	s8 =	sadd.s32 s29, s13;
	s9 =	simm.s32 $0x13900  }
0x1f4: {  	[hbm4b:s8+s3] =	stream.linear.scatter [tilespmem:s9], [sflag:$0x3], $0x400, $0x38;
	[tilespmem:$0x1E100] =	vst v63  }
0x1f5: {  	s10 =	sadd.s32 s29, s14;
	s25 =	simm.s32 $0x13D00  }
0x1f6: {  	[hbm4b:s10+s3] =	stream.linear.scatter [tilespmem:s25], [sflag:$0x3], $0x400, $0x38;
	[tilespmem:$0x1E100] =	vst v63  }
0x1f7: {  	s8 =	sadd.s32 s29, s15;
	s9 =	simm.s32 $0x14100  }
0x1f8: {  	[hbm4b:s8+s3] =	stream.linear.scatter [tilespmem:s9], [sflag:$0x3], $0x400, $0x38;
	[tilespmem:$0x1E100] =	vst v63  }
0x1f9: {  	s10 =	sadd.s32 s29, s16;
	s25 =	simm.s32 $0x14500  }
0x1fa: {  	[hbm4b:s10+s3] =	stream.linear.scatter [tilespmem:s25], [sflag:$0x3], $0x400, $0x38;
	[tilespmem:$0x1E100] =	vst v63  }
0x1fb: {  	s8 =	sadd.s32 s29, s17;
	s9 =	simm.s32 $0x14900  }
0x1fc: {  	[hbm4b:s8+s3] =	stream.linear.scatter [tilespmem:s9], [sflag:$0x3], $0x400, $0x38;
	[tilespmem:$0x1E100] =	vst v63  }
0x1fd: {  	s10 =	sadd.s32 s29, s18;
	s25 =	simm.s32 $0x14D00  }
0x1fe: {  	[hbm4b:s10+s3] =	stream.linear.scatter [tilespmem:s25], [sflag:$0x3], $0x400, $0x38;
	[tilespmem:$0x1E100] =	vst v63  }
0x1ff: {  	s8 =	sadd.s32 s29, s19;
	s9 =	simm.s32 $0x15100  }
0x200: {  	[hbm4b:s8+s3] =	stream.linear.scatter [tilespmem:s9], [sflag:$0x3], $0x400, $0x38;
	[tilespmem:$0x1E100] =	vst v63  }
0x201: {  	s10 =	sadd.s32 s29, s20;
	s25 =	simm.s32 $0x15500  }
0x202: {  	[hbm4b:s10+s3] =	stream.linear.scatter [tilespmem:s25], [sflag:$0x3], $0x400, $0x38;
	[tilespmem:$0x1E100] =	vst v63  }
0x203: {  	s7 =	sadd.s32 s29, s21;
	s8 =	simm.s32 $0x15900  }
0x204: {  	[hbm4b:s7+s3] =	stream.linear.scatter [tilespmem:s8], [sflag:$0x3], $0x400, $0x38;
	[tilespmem:$0x1E100] =	vst v63  }
0x205: {  	s9 =	sadd.s32 s29, s22;
	s10 =	simm.s32 $0x15D00  }
0x206: {  	[hbm4b:s9+s3] =	stream.linear.scatter [tilespmem:s10], [sflag:$0x3], $0x400, $0x38;
	[tilespmem:$0x1E100] =	vst v63  }
0x207: {  	s25 =	sadd.s32 $0x2, s6;
	_ =	swait.ge [sflag:s0], $0x3400  }
0x208: {  	s5 =	sand.u32 $0x1E, s25;
	[sflag:s0] =	ssyncset.done $0x0  }
0x209: {  	p1 =	seq.s32 s5, $0x0;
	[sflag:s0] =	ssyncadd.s32 $0xFFFFCC00  }
0x20a: {  	s5 =	smul.u32 @!p1 $0x320, s5;
	_ =	swait.ge [sflag:s0], $0x3000  }
0x20b: {  	s6 =	simm.s32 @!p1 $0x68;
	[sflag:s0] =	ssyncset.done $0x0  }
0x20c: {  	s7 =	simm.s32 @!p1 $0x1900;
	s5 =	sshrl.u32 @!p1 s5, $0x2;
	[sflag:s0] =	ssyncadd.s32 $0xFFFFD000  }
0x20d: {  	[tilespmem:s7], [sflag:$0x1] =	stream.indirect.gather @!p1 [hbm4b:s2+s6], $0x80, s5, s6, $0xb8;
	[tilespmem:$0x1E100] =	vst v63  }
0x20e: {  	s5 =	sadd.s32 @!p1 $0x68, s5;
	s6 =	simm.s32 @!p1 $0x60;
	s7 =	simm.s32 @!p1 $0x4D00  }
0x20f: {  	[tilespmem:s7], [sflag:$0x1] =	stream.indirect.gather @!p1 [hbm4b:s2+s6], $0x80, s5, s6, $0xb8;
	[tilespmem:$0x1E100] =	vst v63  }
0x210: {  	s5 =	simm.s32 @!p0 $0x4  }
0x211: {  	_ =	swait.ge @!p0 [sflag:s5], $0x4000  }
0x212: {  	[sflag:s5] =	ssyncset.done @!p0 $0x0  }
0x213: {  	[sflag:s5] =	ssyncadd.s32 @!p0 $0xFFFFC000  }
0x214: {  	_ =	swait.ge @!p0 [sflag:s5], $0x400  }
0x215: {  	[sflag:s5] =	ssyncset.done @!p0 $0x0  }
0x216: {  	[sflag:s5] =	ssyncadd.s32 @!p0 $0xFFFFFC00  }
0x217: {  	_ =	swait.ge @!p0 [sflag:s5], $0x400  }
0x218: {  	[sflag:s5] =	ssyncset.done @!p0 $0x0  }
0x219: {  	[sflag:s5] =	ssyncadd.s32 @!p0 $0xFFFFFC00  }
0x21a: {  	_ =	swait.ge @!p0 [sflag:s5], $0x400  }
0x21b: {  	[sflag:s5] =	ssyncset.done @!p0 $0x0  }
0x21c: {  	[sflag:s5] =	ssyncadd.s32 @!p0 $0xFFFFFC00  }
0x21d: {  	_ =	swait.ge @!p0 [sflag:s5], $0x400  }
0x21e: {  	[sflag:s5] =	ssyncset.done @!p0 $0x0  }
0x21f: {  	[sflag:s5] =	ssyncadd.s32 @!p0 $0xFFFFFC00  }
0x220: {  	_ =	swait.ge @!p0 [sflag:s5], $0x400  }
0x221: {  	[sflag:s5] =	ssyncset.done @!p0 $0x0  }
0x222: {  	[sflag:s5] =	ssyncadd.s32 @!p0 $0xFFFFFC00  }
0x223: {  	_ =	swait.ge @!p0 [sflag:s5], $0x400  }
0x224: {  	[sflag:s5] =	ssyncset.done @!p0 $0x0  }
0x225: {  	[sflag:s5] =	ssyncadd.s32 @!p0 $0xFFFFFC00  }
0x226: {  	_ =	swait.ge @!p0 [sflag:s5], $0x400  }
0x227: {  	[sflag:s5] =	ssyncset.done @!p0 $0x0  }
0x228: {  	[sflag:s5] =	ssyncadd.s32 @!p0 $0xFFFFFC00  }
0x229: {  	_ =	swait.ge @!p0 [sflag:s5], $0x400  }
0x22a: {  	[sflag:s5] =	ssyncset.done @!p0 $0x0  }
0x22b: {  	[sflag:s5] =	ssyncadd.s32 @!p0 $0xFFFFFC00  }
0x22c: {  	_ =	swait.ge @!p0 [sflag:s5], $0x400  }
0x22d: {  	[sflag:s5] =	ssyncset.done @!p0 $0x0  }
0x22e: {  	[sflag:s5] =	ssyncadd.s32 @!p0 $0xFFFFFC00  }
0x22f: {  	_ =	swait.ge @!p0 [sflag:s5], $0x400  }
0x230: {  	[sflag:s5] =	ssyncset.done @!p0 $0x0  }
0x231: {  	[sflag:s5] =	ssyncadd.s32 @!p0 $0xFFFFFC00  }
0x232: {  	_ =	swait.ge @!p0 [sflag:s5], $0x400  }
0x233: {  	[sflag:s5] =	ssyncset.done @!p0 $0x0  }
0x234: {  	[sflag:s5] =	ssyncadd.s32 @!p0 $0xFFFFFC00  }
0x235: {  	_ =	swait.ge @!p0 [sflag:s5], $0x400  }
0x236: {  	[sflag:s5] =	ssyncset.done @!p0 $0x0  }
0x237: {  	[sflag:s5] =	ssyncadd.s32 @!p0 $0xFFFFFC00  }
0x238: {  	_ =	swait.ge @!p0 [sflag:s5], $0x400  }
0x239: {  	[sflag:s5] =	ssyncset.done @!p0 $0x0  }
0x23a: {  	[sflag:s5] =	ssyncadd.s32 @!p0 $0xFFFFFC00  }
0x23b: {  	_ =	swait.ge @!p0 [sflag:s5], $0x400  }
0x23c: {  	[sflag:s5] =	ssyncset.done @!p0 $0x0  }
0x23d: {  	[sflag:s5] =	ssyncadd.s32 @!p0 $0xFFFFFC00  }
0x23e: {  	_ =	swait.ge @!p0 [sflag:s5], $0x400  }
0x23f: {  	[sflag:s5] =	ssyncset.done @!p0 $0x0  }
0x240: {  	[sflag:s5] =	ssyncadd.s32 @!p0 $0xFFFFFC00  }
0x241: {  	_ =	swait.ge @!p0 [sflag:s5], $0x400  }
0x242: {  	[sflag:s5] =	ssyncset.done @!p0 $0x0  }
0x243: {  	s25 =	simm.s32 $0x0;
	[sflag:s5] =	ssyncadd.s32 @!p0 $0xFFFFFC00;
	s5 =	simm.s32 $0x0  }
.LBB2_12:
0x244: {  	s6 =	sshll.u32 s25, $0x4;
	v25 =	vadd.s32 s5, v0  }
0x245: {  	v24 =	vmov s6;
	v25 =	vand.u32 $0xF, v25  }
0x246: {  	v25 =	vor.u32 v24, v25  }
0x247: {  	v30 =	vshll.u32 v25, $0x7  }
0x248: {  	v27 =	vor.u32 v0, v30;
	_ =	sdelay $0x1  }
0x249: {  	v32 =	vor.u32 v8, v30  }
0x24a: {  	v31 =	vor.u32 v7, v30  }
0x24b: {  	v29 =	vor.u32 v1, v30;
	v26 =	vor.u32 v6, v30  }
0x24c: {  	v28 =	vor.u32 v3, v30;
	v35 =	vld.idx.msk [tilespmem:v27+s31+$0x0], $0xffff;
	v27 =	vor.u32 v4, v30;
	v30 =	vor.u32 v2, v30;
	_ =	sdelay $0x1  }
0x24d: {  	s8 =	simm.s32 $0x8;
	s7 =	simm.s32 $0x0;
	s6 =	simm.s32 $0x4;
	v34 =	vld.idx.msk [tilespmem:v32+s31+$0x0], $0xffff  }
.LBB2_13:
0x24e: {  	p0 =	slt.u32 s8, $0xC;
	v32 =	vadd.s32 s6, v0;
	v36 =	vld.idx.msk [tilespmem:v31+s31+$0x0], $0xffff;
	v37 =	vor.u32 v14, v25;
	s9 =	smov.u32 s8;
	s8 =	sadd.s32 $0x4, s8  }
0x24f: {  	v39 =	vor.u32 v5, v25;
	v40 =	vor.u32 v12, v25;
	v31 =	vand.u32 $0xF, v32;
	v38 =	vld.idx.msk [tilespmem:v29+s31+$0x0], $0xffff  }
0x250: {  	v43 =	vor.u32 v9, v25;
	v44 =	vor.u32 v13, v25;
	v41 =	vor.u32 v24, v31;
	v42 =	vld.idx.msk [tilespmem:v30+s31+$0x0], $0xffff  }
0x251: {  	v46 =	vor.u32 v10, v25;
	v47 =	vor.u32 v11, v25;
	v30 =	vshll.u32 v41, $0x7;
	v45 =	vld.idx.msk [tilespmem:v28+s31+$0x0], $0xffff  }
0x252: {  	s10 =	sadd.s32 $0x1, s7;
	v32 =	vor.u32 v0, v30;
	v29 =	vor.u32 v1, v30;
	v31 =	vor.u32 v6, v30;
	v48 =	vld.idx.msk [tilespmem:v27+s31+$0x0], $0xffff  }
0x253: {  	v50 =	vadd.s32 s10, v0;
	v28 =	vor.u32 v3, v30;
	v27 =	vor.u32 v4, v30;
	v49 =	vld.idx.msk [tilespmem:v26+s31+$0x0], $0xffff;
	v26 =	vmovc v31  }
0x254: {  	v33 =	vor.u32 v8, v30;
	v31 =	vor.u32 v7, v30;
	[tilespmem:v39+s24+$0x0] =	vst.idx.msk $0xffff, v35;
	v35 =	vand.u32 $0xF, v50  }
0x255: {  	v30 =	vor.u32 v2, v30;
	[tilespmem:v43+s24+$0x0] =	vst.idx.msk $0xffff, v38;
	v35 =	vor.u32 v24, v35  }
0x256: {  	v38 =	vor.u32 v15, v25;
	v25 =	vmov v41;
	[tilespmem:v46+s24+$0x0] =	vst.idx.msk $0xffff, v42;
	v39 =	vshll.u32 v35, $0x7  }
0x257: {  	[tilespmem:v47+s24+$0x0] =	vst.idx.msk $0xffff, v45;
	v41 =	vor.u32 v2, v39  }
0x258: {  	[tilespmem:v40+s24+$0x0] =	vst.idx.msk $0xffff, v48;
	v40 =	vor.u32 v1, v39  }
0x259: {  	v42 =	vor.u32 v0, v39;
	[tilespmem:v44+s24+$0x0] =	vst.idx.msk $0xffff, v49  }
0x25a: {  	[tilespmem:v37+s24+$0x0] =	vst.idx.msk $0xffff, v36;
	v36 =	vor.u32 v3, v39  }
0x25b: {  	[tilespmem:v38+s24+$0x0] =	vst.idx.msk $0xffff, v34;
	v34 =	vor.u32 v4, v39  }
0x25c: {  	v38 =	vor.u32 v7, v39;
	v37 =	vld.idx.msk [tilespmem:v41+s31+$0x0], $0xffff  }
0x25d: {  	v41 =	vor.u32 v6, v39;
	v40 =	vld.idx.msk [tilespmem:v40+s31+$0x0], $0xffff  }
0x25e: {  	v39 =	vor.u32 v8, v39;
	v42 =	vld.idx.msk [tilespmem:v42+s31+$0x0], $0xffff  }
0x25f: {  	v43 =	vor.u32 v5, v35;
	v36 =	vld.idx.msk [tilespmem:v36+s31+$0x0], $0xffff  }
0x260: {  	v44 =	vor.u32 v9, v35;
	v34 =	vld.idx.msk [tilespmem:v34+s31+$0x0], $0xffff  }
0x261: {  	v45 =	vor.u32 v10, v35;
	v38 =	vld.idx.msk [tilespmem:v38+s31+$0x0], $0xffff  }
0x262: {  	s10 =	sadd.s32 $0x2, s7;
	v46 =	vor.u32 v11, v35;
	v41 =	vld.idx.msk [tilespmem:v41+s31+$0x0], $0xffff  }
0x263: {  	v47 =	vor.u32 v12, v35;
	v48 =	vadd.s32 s10, v0;
	v39 =	vld.idx.msk [tilespmem:v39+s31+$0x0], $0xffff  }
0x264: {  	[tilespmem:v43+s24+$0x0] =	vst.idx.msk $0xffff, v42;
	v42 =	vor.u32 v13, v35;
	v43 =	vand.u32 $0xF, v48  }
0x265: {  	[tilespmem:v44+s24+$0x0] =	vst.idx.msk $0xffff, v40;
	v40 =	vor.u32 v14, v35;
	v43 =	vor.u32 v24, v43  }
0x266: {  	v35 =	vor.u32 v15, v35;
	[tilespmem:v45+s24+$0x0] =	vst.idx.msk $0xffff, v37;
	v37 =	vshll.u32 v43, $0x7  }
0x267: {  	[tilespmem:v46+s24+$0x0] =	vst.idx.msk $0xffff, v36;
	v36 =	vor.u32 v2, v37  }
0x268: {  	[tilespmem:v47+s24+$0x0] =	vst.idx.msk $0xffff, v34;
	v34 =	vor.u32 v1, v37  }
0x269: {  	[tilespmem:v42+s24+$0x0] =	vst.idx.msk $0xffff, v41;
	v41 =	vor.u32 v0, v37  }
0x26a: {  	[tilespmem:v40+s24+$0x0] =	vst.idx.msk $0xffff, v38;
	v38 =	vor.u32 v3, v37  }
0x26b: {  	[tilespmem:v35+s24+$0x0] =	vst.idx.msk $0xffff, v39;
	v35 =	vor.u32 v4, v37  }
0x26c: {  	v39 =	vor.u32 v6, v37;
	v36 =	vld.idx.msk [tilespmem:v36+s31+$0x0], $0xffff  }
0x26d: {  	v40 =	vor.u32 v8, v37;
	v34 =	vld.idx.msk [tilespmem:v34+s31+$0x0], $0xffff  }
0x26e: {  	v37 =	vor.u32 v7, v37;
	v41 =	vld.idx.msk [tilespmem:v41+s31+$0x0], $0xffff  }
0x26f: {  	v42 =	vor.u32 v5, v43;
	v38 =	vld.idx.msk [tilespmem:v38+s31+$0x0], $0xffff  }
0x270: {  	v44 =	vor.u32 v9, v43;
	v35 =	vld.idx.msk [tilespmem:v35+s31+$0x0], $0xffff  }
0x271: {  	v45 =	vor.u32 v10, v43;
	v39 =	vld.idx.msk [tilespmem:v39+s31+$0x0], $0xffff  }
0x272: {  	s10 =	sadd.s32 $0x3, s7;
	s7 =	smov.u32 s6;
	s6 =	smov.u32 s9;
	v46 =	vor.u32 v11, v43;
	v40 =	vld.idx.msk [tilespmem:v40+s31+$0x0], $0xffff  }
0x273: {  	v48 =	vadd.s32 s10, v0;
	v47 =	vor.u32 v12, v43;
	v37 =	vld.idx.msk [tilespmem:v37+s31+$0x0], $0xffff  }
0x274: {  	[tilespmem:v42+s24+$0x0] =	vst.idx.msk $0xffff, v41;
	v41 =	vor.u32 v13, v43;
	v42 =	vand.u32 $0xF, v48  }
0x275: {  	[tilespmem:v44+s24+$0x0] =	vst.idx.msk $0xffff, v34;
	v34 =	vor.u32 v14, v43;
	v42 =	vor.u32 v24, v42  }
0x276: {  	[tilespmem:v45+s24+$0x0] =	vst.idx.msk $0xffff, v36;
	v36 =	vor.u32 v15, v43;
	v43 =	vshll.u32 v42, $0x7  }
0x277: {  	[tilespmem:v46+s24+$0x0] =	vst.idx.msk $0xffff, v38;
	v38 =	vor.u32 v2, v43  }
0x278: {  	v44 =	vor.u32 v1, v43;
	[tilespmem:v47+s24+$0x0] =	vst.idx.msk $0xffff, v35;
	v35 =	vor.u32 v0, v43  }
0x279: {  	[tilespmem:v41+s24+$0x0] =	vst.idx.msk $0xffff, v39  }
0x27a: {  	[tilespmem:v34+s24+$0x0] =	vst.idx.msk $0xffff, v37;
	v34 =	vor.u32 v3, v43  }
0x27b: {  	[tilespmem:v36+s24+$0x0] =	vst.idx.msk $0xffff, v40;
	v36 =	vor.u32 v4, v43  }
0x27c: {  	v37 =	vld.idx.msk [tilespmem:v38+s31+$0x0], $0xffff;
	v38 =	vor.u32 v6, v43  }
0x27d: {  	v40 =	vor.u32 v8, v43;
	v39 =	vld.idx.msk [tilespmem:v44+s31+$0x0], $0xffff  }
0x27e: {  	v41 =	vor.u32 v7, v43;
	v43 =	vor.u32 v5, v42;
	v35 =	vld.idx.msk [tilespmem:v35+s31+$0x0], $0xffff  }
0x27f: {  	v44 =	vor.u32 v9, v42;
	v34 =	vld.idx.msk [tilespmem:v34+s31+$0x0], $0xffff  }
0x280: {  	v45 =	vor.u32 v10, v42;
	v36 =	vld.idx.msk [tilespmem:v36+s31+$0x0], $0xffff  }
0x281: {  	v46 =	vor.u32 v11, v42;
	v38 =	vld.idx.msk [tilespmem:v38+s31+$0x0], $0xffff  }
0x282: {  	v47 =	vor.u32 v12, v42;
	v40 =	vld.idx.msk [tilespmem:v40+s31+$0x0], $0xffff  }
0x283: {  	v48 =	vor.u32 v13, v42;
	v41 =	vld.idx.msk [tilespmem:v41+s31+$0x0], $0xffff  }
0x284: {  	[tilespmem:v43+s24+$0x0] =	vst.idx.msk $0xffff, v35;
	v35 =	vor.u32 v14, v42  }
0x285: {  	[tilespmem:v44+s24+$0x0] =	vst.idx.msk $0xffff, v39;
	v39 =	vor.u32 v15, v42  }
0x286: {  	[tilespmem:v45+s24+$0x0] =	vst.idx.msk $0xffff, v37  }
0x287: {  	[tilespmem:v46+s24+$0x0] =	vst.idx.msk $0xffff, v34  }
0x288: {  	[tilespmem:v47+s24+$0x0] =	vst.idx.msk $0xffff, v36  }
.Ltmp4:
0x289: {  	[tilespmem:v48+s24+$0x0] =	vst.idx.msk $0xffff, v38;
	(pc) =	sbr.rel @p0 .LBB2_13-.Ltmp4, $4  }
0x28a: {  	[tilespmem:v35+s24+$0x0] =	vst.idx.msk $0xffff, v41  }
0x28b: {  	[tilespmem:v39+s24+$0x0] =	vst.idx.msk $0xffff, v40  }
0x28c: {  	v35 =	vld.idx.msk [tilespmem:v32+s31+$0x0], $0xffff  }
0x28d: {  	v34 =	vld.idx.msk [tilespmem:v33+s31+$0x0], $0xffff  }
0x28e: {  	_ =	sdelay $0x3  }
0x28f: {  	v31 =	vld.idx.msk [tilespmem:v31+s31+$0x0], $0xffff;
	v32 =	vor.u32 v5, v25  }
0x290: {  	v29 =	vld.idx.msk [tilespmem:v29+s31+$0x0], $0xffff;
	v33 =	vor.u32 v9, v25  }
0x291: {  	v30 =	vld.idx.msk [tilespmem:v30+s31+$0x0], $0xffff;
	v36 =	vor.u32 v10, v25  }
0x292: {  	v28 =	vld.idx.msk [tilespmem:v28+s31+$0x0], $0xffff;
	v37 =	vor.u32 v11, v25;
	s8 =	sadd.s32 $0x1, s7  }
0x293: {  	v27 =	vld.idx.msk [tilespmem:v27+s31+$0x0], $0xffff;
	v38 =	vor.u32 v12, v25;
	v39 =	vadd.s32 s8, v0  }
0x294: {  	v26 =	vld.idx.msk [tilespmem:v26+s31+$0x0], $0xffff;
	v40 =	vor.u32 v13, v25;
	v59 =	vand.u32 $0xF, v39;
	[tilespmem:v32+s24+$0x0] =	vst.idx.msk $0xffff, v35  }
0x295: {  	v60 =	vor.u32 v14, v25;
	v61 =	vor.u32 v24, v59;
	[tilespmem:v33+s24+$0x0] =	vst.idx.msk $0xffff, v29  }
0x296: {  	v62 =	vor.u32 v15, v25;
	v63 =	vshll.u32 v61, $0x7;
	[tilespmem:v36+s24+$0x0] =	vst.idx.msk $0xffff, v30  }
0x297: {  	v33 =	vor.u32 v2, v63;
	[tilespmem:v37+s24+$0x0] =	vst.idx.msk $0xffff, v28  }
0x298: {  	v36 =	vor.u32 v1, v63;
	[tilespmem:v38+s24+$0x0] =	vst.idx.msk $0xffff, v27  }
0x299: {  	v37 =	vor.u32 v0, v63;
	[tilespmem:v40+s24+$0x0] =	vst.idx.msk $0xffff, v26  }
0x29a: {  	v39 =	vor.u32 v4, v63;
	[tilespmem:v60+s24+$0x0] =	vst.idx.msk $0xffff, v31  }
0x29b: {  	v41 =	vor.u32 v6, v63;
	[tilespmem:v62+s24+$0x0] =	vst.idx.msk $0xffff, v34  }
0x29c: {  	v38 =	vor.u32 v3, v63;
	v28 =	vld.idx.msk [tilespmem:v33+s31+$0x0], $0xffff  }
0x29d: {  	v30 =	vor.u32 v8, v63;
	v27 =	vld.idx.msk [tilespmem:v36+s31+$0x0], $0xffff  }
0x29e: {  	v42 =	vor.u32 v5, v61;
	v40 =	vor.u32 v7, v63;
	v26 =	vld.idx.msk [tilespmem:v37+s31+$0x0], $0xffff  }
0x29f: {  	v43 =	vor.u32 v9, v61;
	v25 =	vld.idx.msk [tilespmem:v39+s31+$0x0], $0xffff  }
0x2a0: {  	v44 =	vor.u32 v10, v61;
	v33 =	vld.idx.msk [tilespmem:v41+s31+$0x0], $0xffff  }
0x2a1: {  	s9 =	sadd.s32 $0x2, s7;
	v45 =	vor.u32 v11, v61;
	v31 =	vld.idx.msk [tilespmem:v38+s31+$0x0], $0xffff  }
0x2a2: {  	v47 =	vadd.s32 s9, v0;
	v46 =	vor.u32 v12, v61;
	v30 =	vld.idx.msk [tilespmem:v30+s31+$0x0], $0xffff  }
0x2a3: {  	v49 =	vand.u32 $0xF, v47;
	v48 =	vor.u32 v13, v61;
	v32 =	vld.idx.msk [tilespmem:v40+s31+$0x0], $0xffff;
	[tilespmem:v42+s24+$0x0] =	vst.idx.msk $0xffff, v26  }
0x2a4: {  	v50 =	vor.u32 v14, v61;
	v34 =	vor.u32 v24, v49;
	[tilespmem:v43+s24+$0x0] =	vst.idx.msk $0xffff, v27  }
0x2a5: {  	v51 =	vor.u32 v15, v61;
	v52 =	vshll.u32 v34, $0x7;
	[tilespmem:v44+s24+$0x0] =	vst.idx.msk $0xffff, v28  }
0x2a6: {  	v53 =	vor.u32 v2, v52;
	[tilespmem:v45+s24+$0x0] =	vst.idx.msk $0xffff, v31  }
0x2a7: {  	v54 =	vor.u32 v1, v52;
	[tilespmem:v46+s24+$0x0] =	vst.idx.msk $0xffff, v25  }
0x2a8: {  	v55 =	vor.u32 v0, v52;
	[tilespmem:v48+s24+$0x0] =	vst.idx.msk $0xffff, v33  }
0x2a9: {  	v56 =	vor.u32 v3, v52;
	[tilespmem:v50+s24+$0x0] =	vst.idx.msk $0xffff, v32  }
0x2aa: {  	v57 =	vor.u32 v4, v52;
	[tilespmem:v51+s24+$0x0] =	vst.idx.msk $0xffff, v30  }
0x2ab: {  	v58 =	vor.u32 v6, v52;
	v30 =	vld.idx.msk [tilespmem:v53+s31+$0x0], $0xffff  }
0x2ac: {  	v59 =	vor.u32 v8, v52;
	v25 =	vld.idx.msk [tilespmem:v54+s31+$0x0], $0xffff  }
0x2ad: {  	v60 =	vor.u32 v5, v34;
	v29 =	vor.u32 v7, v52;
	v26 =	vld.idx.msk [tilespmem:v55+s31+$0x0], $0xffff  }
0x2ae: {  	v61 =	vor.u32 v9, v34;
	v27 =	vld.idx.msk [tilespmem:v56+s31+$0x0], $0xffff  }
0x2af: {  	v62 =	vor.u32 v10, v34;
	v28 =	vld.idx.msk [tilespmem:v57+s31+$0x0], $0xffff  }
0x2b0: {  	s10 =	sadd.s32 $0x3, s7;
	v63 =	vor.u32 v11, v34;
	v31 =	vld.idx.msk [tilespmem:v58+s31+$0x0], $0xffff  }
0x2b1: {  	v42 =	vor.u32 v12, v34;
	v43 =	vadd.s32 s10, v0;
	v32 =	vld.idx.msk [tilespmem:v59+s31+$0x0], $0xffff  }
0x2b2: {  	v44 =	vor.u32 v13, v34;
	v45 =	vand.u32 $0xF, v43;
	v29 =	vld.idx.msk [tilespmem:v29+s31+$0x0], $0xffff;
	[tilespmem:v60+s24+$0x0] =	vst.idx.msk $0xffff, v26  }
0x2b3: {  	v46 =	vor.u32 v14, v34;
	v33 =	vor.u32 v24, v45;
	[tilespmem:v61+s24+$0x0] =	vst.idx.msk $0xffff, v25  }
0x2b4: {  	v47 =	vor.u32 v15, v34;
	v48 =	vshll.u32 v33, $0x7;
	[tilespmem:v62+s24+$0x0] =	vst.idx.msk $0xffff, v30  }
0x2b5: {  	v49 =	vor.u32 v2, v48;
	[tilespmem:v63+s24+$0x0] =	vst.idx.msk $0xffff, v27  }
0x2b6: {  	v50 =	vor.u32 v1, v48;
	[tilespmem:v42+s24+$0x0] =	vst.idx.msk $0xffff, v28  }
0x2b7: {  	v51 =	vor.u32 v0, v48;
	[tilespmem:v44+s24+$0x0] =	vst.idx.msk $0xffff, v31  }
0x2b8: {  	v52 =	vor.u32 v3, v48;
	[tilespmem:v46+s24+$0x0] =	vst.idx.msk $0xffff, v29  }
0x2b9: {  	v53 =	vor.u32 v4, v48;
	[tilespmem:v47+s24+$0x0] =	vst.idx.msk $0xffff, v32  }
0x2ba: {  	v54 =	vor.u32 v6, v48;
	v27 =	vld.idx.msk [tilespmem:v49+s31+$0x0], $0xffff  }
0x2bb: {  	v55 =	vor.u32 v8, v48;
	v28 =	vld.idx.msk [tilespmem:v50+s31+$0x0], $0xffff  }
0x2bc: {  	v56 =	vor.u32 v7, v48;
	v57 =	vor.u32 v5, v33;
	v31 =	vld.idx.msk [tilespmem:v51+s31+$0x0], $0xffff  }
0x2bd: {  	v58 =	vor.u32 v9, v33;
	v25 =	vld.idx.msk [tilespmem:v52+s31+$0x0], $0xffff  }
0x2be: {  	v59 =	vor.u32 v10, v33;
	v26 =	vld.idx.msk [tilespmem:v53+s31+$0x0], $0xffff  }
0x2bf: {  	v60 =	vor.u32 v11, v33;
	v29 =	vld.idx.msk [tilespmem:v54+s31+$0x0], $0xffff  }
0x2c0: {  	v61 =	vadd.s32 s6, v0;
	v62 =	vor.u32 v12, v33;
	v30 =	vld.idx.msk [tilespmem:v55+s31+$0x0], $0xffff  }
0x2c1: {  	v38 =	vand.u32 $0xF, v61;
	v63 =	vor.u32 v13, v33;
	v32 =	vld.idx.msk [tilespmem:v56+s31+$0x0], $0xffff;
	[tilespmem:v57+s24+$0x0] =	vst.idx.msk $0xffff, v31  }
0x2c2: {  	v45 =	vor.u32 v14, v33;
	v44 =	vor.u32 v24, v38;
	[tilespmem:v58+s24+$0x0] =	vst.idx.msk $0xffff, v28  }
0x2c3: {  	v33 =	vor.u32 v15, v33;
	v46 =	vshll.u32 v44, $0x7;
	[tilespmem:v59+s24+$0x0] =	vst.idx.msk $0xffff, v27  }
0x2c4: {  	v47 =	vor.u32 v0, v46;
	[tilespmem:v60+s24+$0x0] =	vst.idx.msk $0xffff, v25  }
0x2c5: {  	v48 =	vor.u32 v8, v46;
	[tilespmem:v62+s24+$0x0] =	vst.idx.msk $0xffff, v26  }
0x2c6: {  	v49 =	vor.u32 v7, v46;
	[tilespmem:v63+s24+$0x0] =	vst.idx.msk $0xffff, v29  }
0x2c7: {  	v50 =	vor.u32 v1, v46;
	[tilespmem:v45+s24+$0x0] =	vst.idx.msk $0xffff, v32  }
0x2c8: {  	v51 =	vor.u32 v2, v46;
	[tilespmem:v33+s24+$0x0] =	vst.idx.msk $0xffff, v30  }
0x2c9: {  	v52 =	vor.u32 v3, v46;
	v27 =	vld.idx.msk [tilespmem:v47+s31+$0x0], $0xffff  }
0x2ca: {  	v53 =	vor.u32 v4, v46;
	v25 =	vld.idx.msk [tilespmem:v48+s31+$0x0], $0xffff  }
0x2cb: {  	v54 =	vor.u32 v5, v44;
	v28 =	vor.u32 v6, v46;
	v26 =	vld.idx.msk [tilespmem:v49+s31+$0x0], $0xffff  }
0x2cc: {  	v55 =	vor.u32 v9, v44;
	v29 =	vld.idx.msk [tilespmem:v50+s31+$0x0], $0xffff  }
0x2cd: {  	v56 =	vor.u32 v10, v44;
	v32 =	vld.idx.msk [tilespmem:v51+s31+$0x0], $0xffff  }
0x2ce: {  	s8 =	sadd.s32 $0x1, s6;
	v57 =	vor.u32 v11, v44;
	v30 =	vld.idx.msk [tilespmem:v52+s31+$0x0], $0xffff  }
0x2cf: {  	v38 =	vor.u32 v12, v44;
	v58 =	vadd.s32 s8, v0;
	v33 =	vld.idx.msk [tilespmem:v53+s31+$0x0], $0xffff  }
0x2d0: {  	v59 =	vor.u32 v13, v44;
	v60 =	vand.u32 $0xF, v58;
	v28 =	vld.idx.msk [tilespmem:v28+s31+$0x0], $0xffff;
	[tilespmem:v54+s24+$0x0] =	vst.idx.msk $0xffff, v27  }
0x2d1: {  	v61 =	vor.u32 v14, v44;
	v27 =	vor.u32 v24, v60;
	[tilespmem:v55+s24+$0x0] =	vst.idx.msk $0xffff, v29  }
0x2d2: {  	v62 =	vor.u32 v15, v44;
	v63 =	vshll.u32 v27, $0x7;
	[tilespmem:v56+s24+$0x0] =	vst.idx.msk $0xffff, v32  }
0x2d3: {  	v36 =	vor.u32 v2, v63;
	[tilespmem:v57+s24+$0x0] =	vst.idx.msk $0xffff, v30  }
0x2d4: {  	v37 =	vor.u32 v1, v63;
	[tilespmem:v38+s24+$0x0] =	vst.idx.msk $0xffff, v33  }
0x2d5: {  	v38 =	vor.u32 v0, v63;
	[tilespmem:v59+s24+$0x0] =	vst.idx.msk $0xffff, v28  }
0x2d6: {  	v39 =	vor.u32 v3, v63;
	[tilespmem:v61+s24+$0x0] =	vst.idx.msk $0xffff, v26  }
0x2d7: {  	v40 =	vor.u32 v4, v63;
	[tilespmem:v62+s24+$0x0] =	vst.idx.msk $0xffff, v25  }
0x2d8: {  	v41 =	vor.u32 v7, v63;
	v29 =	vld.idx.msk [tilespmem:v36+s31+$0x0], $0xffff  }
0x2d9: {  	v42 =	vor.u32 v6, v63;
	v32 =	vld.idx.msk [tilespmem:v37+s31+$0x0], $0xffff  }
0x2da: {  	v43 =	vor.u32 v5, v27;
	v31 =	vor.u32 v8, v63;
	v28 =	vld.idx.msk [tilespmem:v38+s31+$0x0], $0xffff  }
0x2db: {  	v44 =	vor.u32 v9, v27;
	v26 =	vld.idx.msk [tilespmem:v39+s31+$0x0], $0xffff  }
0x2dc: {  	v45 =	vor.u32 v10, v27;
	v25 =	vld.idx.msk [tilespmem:v40+s31+$0x0], $0xffff  }
0x2dd: {  	s9 =	sadd.s32 $0x2, s6;
	v46 =	vor.u32 v11, v27;
	v30 =	vld.idx.msk [tilespmem:v41+s31+$0x0], $0xffff  }
0x2de: {  	v48 =	vadd.s32 s9, v0;
	v47 =	vor.u32 v12, v27;
	v33 =	vld.idx.msk [tilespmem:v42+s31+$0x0], $0xffff  }
0x2df: {  	v50 =	vand.u32 $0xF, v48;
	v49 =	vor.u32 v13, v27;
	v31 =	vld.idx.msk [tilespmem:v31+s31+$0x0], $0xffff;
	[tilespmem:v43+s24+$0x0] =	vst.idx.msk $0xffff, v28  }
0x2e0: {  	v34 =	vor.u32 v24, v50;
	v51 =	vor.u32 v14, v27;
	[tilespmem:v44+s24+$0x0] =	vst.idx.msk $0xffff, v32  }
0x2e1: {  	v52 =	vshll.u32 v34, $0x7;
	v27 =	vor.u32 v15, v27;
	[tilespmem:v45+s24+$0x0] =	vst.idx.msk $0xffff, v29  }
0x2e2: {  	v53 =	vor.u32 v2, v52;
	[tilespmem:v46+s24+$0x0] =	vst.idx.msk $0xffff, v26  }
0x2e3: {  	v54 =	vor.u32 v1, v52;
	[tilespmem:v47+s24+$0x0] =	vst.idx.msk $0xffff, v25  }
0x2e4: {  	v55 =	vor.u32 v0, v52;
	[tilespmem:v49+s24+$0x0] =	vst.idx.msk $0xffff, v33  }
0x2e5: {  	v56 =	vor.u32 v3, v52;
	[tilespmem:v51+s24+$0x0] =	vst.idx.msk $0xffff, v30  }
0x2e6: {  	v57 =	vor.u32 v4, v52;
	[tilespmem:v27+s24+$0x0] =	vst.idx.msk $0xffff, v31  }
0x2e7: {  	v58 =	vor.u32 v6, v52;
	v26 =	vld.idx.msk [tilespmem:v53+s31+$0x0], $0xffff  }
0x2e8: {  	v59 =	vor.u32 v8, v52;
	v25 =	vld.idx.msk [tilespmem:v54+s31+$0x0], $0xffff  }
0x2e9: {  	v60 =	vor.u32 v5, v34;
	v29 =	vor.u32 v7, v52;
	v28 =	vld.idx.msk [tilespmem:v55+s31+$0x0], $0xffff  }
0x2ea: {  	v61 =	vor.u32 v9, v34;
	v30 =	vld.idx.msk [tilespmem:v56+s31+$0x0], $0xffff  }
0x2eb: {  	v62 =	vor.u32 v10, v34;
	v27 =	vld.idx.msk [tilespmem:v57+s31+$0x0], $0xffff  }
0x2ec: {  	s10 =	sadd.s32 $0x3, s6;
	v63 =	vor.u32 v11, v34;
	v31 =	vld.idx.msk [tilespmem:v58+s31+$0x0], $0xffff  }
0x2ed: {  	v42 =	vor.u32 v12, v34;
	v43 =	vadd.s32 s10, v0;
	v32 =	vld.idx.msk [tilespmem:v59+s31+$0x0], $0xffff  }
0x2ee: {  	v44 =	vor.u32 v13, v34;
	v45 =	vand.u32 $0xF, v43;
	v29 =	vld.idx.msk [tilespmem:v29+s31+$0x0], $0xffff;
	[tilespmem:v60+s24+$0x0] =	vst.idx.msk $0xffff, v28  }
0x2ef: {  	v46 =	vor.u32 v14, v34;
	v47 =	vor.u32 v24, v45;
	[tilespmem:v61+s24+$0x0] =	vst.idx.msk $0xffff, v25  }
0x2f0: {  	v48 =	vor.u32 v15, v34;
	v33 =	vshll.u32 v47, $0x7;
	[tilespmem:v62+s24+$0x0] =	vst.idx.msk $0xffff, v26  }
0x2f1: {  	v49 =	vor.u32 v2, v33;
	[tilespmem:v63+s24+$0x0] =	vst.idx.msk $0xffff, v30  }
0x2f2: {  	v50 =	vor.u32 v1, v33;
	[tilespmem:v42+s24+$0x0] =	vst.idx.msk $0xffff, v27  }
0x2f3: {  	v51 =	vor.u32 v0, v33;
	[tilespmem:v44+s24+$0x0] =	vst.idx.msk $0xffff, v31  }
0x2f4: {  	v52 =	vor.u32 v3, v33;
	[tilespmem:v46+s24+$0x0] =	vst.idx.msk $0xffff, v29  }
0x2f5: {  	v53 =	vor.u32 v4, v33;
	[tilespmem:v48+s24+$0x0] =	vst.idx.msk $0xffff, v32  }
0x2f6: {  	v54 =	vor.u32 v6, v33;
	v28 =	vld.idx.msk [tilespmem:v49+s31+$0x0], $0xffff  }
0x2f7: {  	v55 =	vor.u32 v8, v33;
	v27 =	vld.idx.msk [tilespmem:v50+s31+$0x0], $0xffff  }
0x2f8: {  	v56 =	vor.u32 v7, v33;
	v57 =	vor.u32 v5, v47;
	v31 =	vld.idx.msk [tilespmem:v51+s31+$0x0], $0xffff  }
0x2f9: {  	v58 =	vor.u32 v9, v47;
	v25 =	vld.idx.msk [tilespmem:v52+s31+$0x0], $0xffff  }
0x2fa: {  	v59 =	vor.u32 v10, v47;
	v26 =	vld.idx.msk [tilespmem:v53+s31+$0x0], $0xffff  }
0x2fb: {  	v60 =	vor.u32 v11, v47;
	v29 =	vld.idx.msk [tilespmem:v54+s31+$0x0], $0xffff  }
0x2fc: {  	v61 =	vor.u32 v12, v47;
	v30 =	vld.idx.msk [tilespmem:v55+s31+$0x0], $0xffff  }
0x2fd: {  	v62 =	vor.u32 v13, v47;
	v32 =	vld.idx.msk [tilespmem:v56+s31+$0x0], $0xffff;
	[tilespmem:v57+s24+$0x0] =	vst.idx.msk $0xffff, v31  }
0x2fe: {  	s25 =	sadd.s32 $0x1, s25;
	v63 =	vor.u32 v14, v47;
	[tilespmem:v58+s24+$0x0] =	vst.idx.msk $0xffff, v27  }
0x2ff: {  	p0 =	sne.s32 s25, $0x8;
	v24 =	vor.u32 v15, v47;
	[tilespmem:v59+s24+$0x0] =	vst.idx.msk $0xffff, v28  }
.Ltmp5:
0x300: {  	[tilespmem:v60+s24+$0x0] =	vst.idx.msk $0xffff, v25;
	(pc) =	sbr.rel @p0 .LBB2_12-.Ltmp5, $4  }
0x301: {  	[tilespmem:v61+s24+$0x0] =	vst.idx.msk $0xffff, v26  }
0x302: {  	[tilespmem:v62+s24+$0x0] =	vst.idx.msk $0xffff, v29  }
0x303: {  	[tilespmem:v63+s24+$0x0] =	vst.idx.msk $0xffff, v32  }
0x304: {  	s6 =	simm.s32 $0x0;
	[tilespmem:v24+s24+$0x0] =	vst.idx.msk $0xffff, v30  }
0x305: {  	s5 =	simm.s32 $0x0  }
.LBB2_16:
0x306: {  	s7 =	sshll.u32 s5, $0x4;
	v25 =	vadd.s32 s6, v0  }
0x307: {  	v24 =	vmov s7;
	v25 =	vand.u32 $0xF, v25  }
0x308: {  	v25 =	vor.u32 v24, v25  }
0x309: {  	vm1 =	vlt.u32 v25, $0x48;
	v26 =	vshll.u32 v25, $0x7  }
0x30a: {  	v27 =	vor.u32 v17, v26  }
0x30b: {  	v28 =	vor.u32 v19, v26  }
0x30c: {  	v29 =	vor.u32 v16, v26  }
0x30d: {  	v30 =	vor.u32 v18, v26  }
0x30e: {  	v31 =	vor.u32 v23, v26  }
0x30f: {  	v32 =	vor.u32 v22, v26;
	v27 =	vld.idx.msk [tilespmem:v27+s31+$0x0], vm1  }
0x310: {  	v33 =	vor.u32 v20, v26;
	v28 =	vld.idx.msk [tilespmem:v28+s31+$0x0], vm1  }
0x311: {  	v34 =	vor.u32 v5, v25;
	v26 =	vor.u32 v21, v26;
	v29 =	vld.idx.msk [tilespmem:v29+s31+$0x0], vm1  }
0x312: {  	v35 =	vor.u32 v9, v25;
	v30 =	vld.idx.msk [tilespmem:v30+s31+$0x0], vm1  }
0x313: {  	v36 =	vor.u32 v10, v25;
	v31 =	vld.idx.msk [tilespmem:v31+s31+$0x0], vm1  }
0x314: {  	s9 =	simm.s32 $0x1;
	v37 =	vor.u32 v11, v25;
	v32 =	vld.idx.msk [tilespmem:v32+s31+$0x0], vm1  }
0x315: {  	v39 =	vadd.s32 s9, v0;
	v38 =	vor.u32 v12, v25;
	v33 =	vld.idx.msk [tilespmem:v33+s31+$0x0], vm1  }
0x316: {  	v42 =	vand.u32 $0xF, v39;
	v26 =	vld.idx.msk [tilespmem:v26+s31+$0x0], vm1;
	[tilespmem:v34+s28+$0x0] =	vst.idx.msk vm1, v29;
	v29 =	vor.u32 v13, v25  }
0x317: {  	v34 =	vor.u32 v24, v42;
	[tilespmem:v35+s28+$0x0] =	vst.idx.msk vm1, v27;
	v27 =	vor.u32 v14, v25  }
0x318: {  	v25 =	vor.u32 v15, v25;
	vm0 =	vlt.u32 v34, $0x48;
	[tilespmem:v36+s28+$0x0] =	vst.idx.msk vm1, v30;
	v30 =	vshll.u32 v34, $0x7  }
0x319: {  	[tilespmem:v37+s28+$0x0] =	vst.idx.msk vm1, v28;
	v28 =	vor.u32 v18, v30  }
0x31a: {  	v43 =	vor.u32 v17, v30;
	[tilespmem:v38+s28+$0x0] =	vst.idx.msk vm1, v33  }
0x31b: {  	[tilespmem:v29+s28+$0x0] =	vst.idx.msk vm1, v26;
	v26 =	vor.u32 v16, v30  }
0x31c: {  	v44 =	vor.u32 v20, v30;
	[tilespmem:v27+s28+$0x0] =	vst.idx.msk vm1, v32  }
0x31d: {  	v29 =	vor.u32 v22, v30;
	[tilespmem:v25+s28+$0x0] =	vst.idx.msk vm1, v31  }
0x31e: {  	v27 =	vor.u32 v19, v30;
	v28 =	vld.idx.msk [tilespmem:v28+s31+$0x0], vm0  }
0x31f: {  	v25 =	vor.u32 v23, v30;
	v31 =	vld.idx.msk [tilespmem:v43+s31+$0x0], vm0  }
0x320: {  	v45 =	vor.u32 v5, v34;
	v30 =	vor.u32 v21, v30;
	v26 =	vld.idx.msk [tilespmem:v26+s31+$0x0], vm0  }
0x321: {  	v46 =	vor.u32 v9, v34;
	v32 =	vld.idx.msk [tilespmem:v44+s31+$0x0], vm0  }
0x322: {  	v47 =	vor.u32 v10, v34;
	v29 =	vld.idx.msk [tilespmem:v29+s31+$0x0], vm0  }
0x323: {  	v48 =	vor.u32 v11, v34;
	v27 =	vld.idx.msk [tilespmem:v27+s31+$0x0], vm0  }
0x324: {  	s10 =	simm.s32 $0x2;
	v49 =	vor.u32 v12, v34;
	v25 =	vld.idx.msk [tilespmem:v25+s31+$0x0], vm0  }
0x325: {  	v50 =	vadd.s32 s10, v0;
	v30 =	vld.idx.msk [tilespmem:v30+s31+$0x0], vm0;
	[tilespmem:v45+s28+$0x0] =	vst.idx.msk vm0, v26;
	v26 =	vor.u32 v13, v34  }
0x326: {  	v51 =	vand.u32 $0xF, v50;
	[tilespmem:v46+s28+$0x0] =	vst.idx.msk vm0, v31;
	v31 =	vor.u32 v14, v34  }
0x327: {  	v33 =	vor.u32 v24, v51;
	[tilespmem:v47+s28+$0x0] =	vst.idx.msk vm0, v28;
	v28 =	vor.u32 v15, v34  }
0x328: {  	v52 =	vshll.u32 v33, $0x7;
	vm1 =	vlt.u32 v33, $0x48;
	[tilespmem:v48+s28+$0x0] =	vst.idx.msk vm0, v27  }
0x329: {  	v27 =	vor.u32 v18, v52;
	[tilespmem:v49+s28+$0x0] =	vst.idx.msk vm0, v32  }
0x32a: {  	v53 =	vor.u32 v17, v52;
	[tilespmem:v26+s28+$0x0] =	vst.idx.msk vm0, v30  }
0x32b: {  	v26 =	vor.u32 v16, v52;
	[tilespmem:v31+s28+$0x0] =	vst.idx.msk vm0, v29  }
0x32c: {  	[tilespmem:v28+s28+$0x0] =	vst.idx.msk vm0, v25;
	v25 =	vor.u32 v20, v52  }
0x32d: {  	v54 =	vor.u32 v22, v52  }
0x32e: {  	v29 =	vor.u32 v19, v52;
	v27 =	vld.idx.msk [tilespmem:v27+s31+$0x0], vm1  }
0x32f: {  	v31 =	vor.u32 v23, v52;
	v30 =	vld.idx.msk [tilespmem:v53+s31+$0x0], vm1  }
0x330: {  	v55 =	vor.u32 v5, v33;
	v28 =	vor.u32 v21, v52;
	v26 =	vld.idx.msk [tilespmem:v26+s31+$0x0], vm1  }
0x331: {  	v35 =	vld.idx.msk [tilespmem:v25+s31+$0x0], vm1;
	v25 =	vor.u32 v9, v33  }
0x332: {  	v56 =	vor.u32 v10, v33;
	v32 =	vld.idx.msk [tilespmem:v54+s31+$0x0], vm1  }
0x333: {  	s25 =	simm.s32 $0x3;
	v57 =	vor.u32 v11, v33;
	v29 =	vld.idx.msk [tilespmem:v29+s31+$0x0], vm1  }
0x334: {  	v59 =	vadd.s32 s25, v0;
	v58 =	vor.u32 v12, v33;
	v31 =	vld.idx.msk [tilespmem:v31+s31+$0x0], vm1  }
0x335: {  	v60 =	vand.u32 $0xF, v59;
	v28 =	vld.idx.msk [tilespmem:v28+s31+$0x0], vm1;
	[tilespmem:v55+s28+$0x0] =	vst.idx.msk vm1, v26;
	v26 =	vor.u32 v13, v33  }
0x336: {  	[tilespmem:v25+s28+$0x0] =	vst.idx.msk vm1, v30;
	v30 =	vor.u32 v14, v33;
	v25 =	vor.u32 v24, v60  }
0x337: {  	[tilespmem:v56+s28+$0x0] =	vst.idx.msk vm1, v27;
	v27 =	vor.u32 v15, v33;
	vm0 =	vlt.u32 v25, $0x48;
	v61 =	vshll.u32 v25, $0x7  }
0x338: {  	[tilespmem:v57+s28+$0x0] =	vst.idx.msk vm1, v29;
	v29 =	vor.u32 v18, v61  }
0x339: {  	v62 =	vor.u32 v17, v61;
	[tilespmem:v58+s28+$0x0] =	vst.idx.msk vm1, v35  }
0x33a: {  	v63 =	vor.u32 v16, v61;
	[tilespmem:v26+s28+$0x0] =	vst.idx.msk vm1, v28  }
0x33b: {  	v28 =	vor.u32 v19, v61;
	[tilespmem:v30+s28+$0x0] =	vst.idx.msk vm1, v32  }
0x33c: {  	v30 =	vor.u32 v20, v61;
	[tilespmem:v27+s28+$0x0] =	vst.idx.msk vm1, v31  }
0x33d: {  	v37 =	vor.u32 v21, v61;
	v27 =	vld.idx.msk [tilespmem:v29+s31+$0x0], vm0  }
0x33e: {  	v36 =	vor.u32 v23, v61;
	v29 =	vld.idx.msk [tilespmem:v62+s31+$0x0], vm0  }
0x33f: {  	v35 =	vor.u32 v22, v61;
	v31 =	vld.idx.msk [tilespmem:v63+s31+$0x0], vm0  }
0x340: {  	v34 =	vor.u32 v5, v25;
	v28 =	vld.idx.msk [tilespmem:v28+s31+$0x0], vm0  }
0x341: {  	s8 =	simm.s32 $0x8;
	s7 =	simm.s32 $0x4;
	v33 =	vor.u32 v9, v25;
	v26 =	vor.u32 v11, v25;
	v32 =	vor.u32 v10, v25;
	v30 =	vld.idx.msk [tilespmem:v30+s31+$0x0], vm0  }
.LBB2_17:
0x342: {  	p0 =	slt.u32 s8, $0xC;
	v38 =	vadd.s32 s7, v0;
	v37 =	vld.idx.msk [tilespmem:v37+s31+$0x0], vm0;
	s9 =	smov.u32 s8;
	s8 =	sadd.s32 $0x4, s8  }
0x343: {  	v39 =	vor.u32 v12, v25;
	v38 =	vand.u32 $0xF, v38;
	v36 =	vld.idx.msk [tilespmem:v36+s31+$0x0], vm0  }
0x344: {  	v40 =	vor.u32 v13, v25;
	v41 =	vor.u32 v15, v25;
	v38 =	vor.u32 v24, v38;
	v35 =	vld.idx.msk [tilespmem:v35+s31+$0x0], vm0  }
0x345: {  	v25 =	vor.u32 v14, v25;
	vm1 =	vlt.u32 v38, $0x48;
	v42 =	vshll.u32 v38, $0x7;
	[tilespmem:v34+s28+$0x0] =	vst.idx.msk vm0, v31  }
0x346: {  	v31 =	vor.u32 v16, v42;
	v34 =	vor.u32 v17, v42;
	[tilespmem:v33+s28+$0x0] =	vst.idx.msk vm0, v29  }
0x347: {  	v29 =	vor.u32 v19, v42;
	v33 =	vor.u32 v20, v42;
	[tilespmem:v32+s28+$0x0] =	vst.idx.msk vm0, v27  }
0x348: {  	v27 =	vor.u32 v22, v42;
	v32 =	vor.u32 v23, v42;
	[tilespmem:v26+s28+$0x0] =	vst.idx.msk vm0, v28  }
0x349: {  	v26 =	vor.u32 v18, v42;
	[tilespmem:v39+s28+$0x0] =	vst.idx.msk vm0, v30  }
0x34a: {  	[tilespmem:v40+s28+$0x0] =	vst.idx.msk vm0, v37  }
0x34b: {  	v28 =	vor.u32 v21, v42;
	[tilespmem:v25+s28+$0x0] =	vst.idx.msk vm0, v35  }
0x34c: {  	[tilespmem:v41+s28+$0x0] =	vst.idx.msk vm0, v36  }
0x34d: {  	v25 =	vld.idx.msk [tilespmem:v34+s31+$0x0], vm1  }
0x34e: {  	v29 =	vld.idx.msk [tilespmem:v29+s31+$0x0], vm1  }
0x34f: {  	v30 =	vld.idx.msk [tilespmem:v31+s31+$0x0], vm1  }
0x350: {  	v31 =	vor.u32 v5, v38;
	v26 =	vld.idx.msk [tilespmem:v26+s31+$0x0], vm1  }
0x351: {  	v34 =	vor.u32 v9, v38;
	v32 =	vld.idx.msk [tilespmem:v32+s31+$0x0], vm1  }
0x352: {  	v35 =	vor.u32 v10, v38;
	v27 =	vld.idx.msk [tilespmem:v27+s31+$0x0], vm1  }
0x353: {  	s10 =	sadd.s32 $0x1, s7;
	v36 =	vor.u32 v11, v38;
	v33 =	vld.idx.msk [tilespmem:v33+s31+$0x0], vm1  }
0x354: {  	v39 =	vadd.s32 s10, v0;
	v37 =	vor.u32 v12, v38;
	v28 =	vld.idx.msk [tilespmem:v28+s31+$0x0], vm1  }
0x355: {  	[tilespmem:v31+s28+$0x0] =	vst.idx.msk vm1, v30;
	v30 =	vor.u32 v13, v38;
	v31 =	vand.u32 $0xF, v39  }
0x356: {  	[tilespmem:v34+s28+$0x0] =	vst.idx.msk vm1, v25;
	v25 =	vor.u32 v14, v38;
	v31 =	vor.u32 v24, v31  }
0x357: {  	[tilespmem:v35+s28+$0x0] =	vst.idx.msk vm1, v26;
	v26 =	vor.u32 v15, v38;
	vm0 =	vlt.u32 v31, $0x48;
	v34 =	vshll.u32 v31, $0x7  }
0x358: {  	[tilespmem:v36+s28+$0x0] =	vst.idx.msk vm1, v29;
	v29 =	vor.u32 v18, v34  }
0x359: {  	[tilespmem:v37+s28+$0x0] =	vst.idx.msk vm1, v33;
	v33 =	vor.u32 v17, v34  }
0x35a: {  	[tilespmem:v30+s28+$0x0] =	vst.idx.msk vm1, v28;
	v28 =	vor.u32 v16, v34  }
0x35b: {  	[tilespmem:v25+s28+$0x0] =	vst.idx.msk vm1, v27;
	v25 =	vor.u32 v19, v34  }
0x35c: {  	[tilespmem:v26+s28+$0x0] =	vst.idx.msk vm1, v32;
	v26 =	vor.u32 v23, v34  }
0x35d: {  	v27 =	vld.idx.msk [tilespmem:v29+s31+$0x0], vm0;
	v29 =	vor.u32 v22, v34  }
0x35e: {  	v32 =	vor.u32 v20, v34;
	v30 =	vld.idx.msk [tilespmem:v33+s31+$0x0], vm0  }
0x35f: {  	v33 =	vor.u32 v21, v34;
	v28 =	vld.idx.msk [tilespmem:v28+s31+$0x0], vm0  }
0x360: {  	v34 =	vor.u32 v5, v31;
	v25 =	vld.idx.msk [tilespmem:v25+s31+$0x0], vm0  }
0x361: {  	v35 =	vor.u32 v9, v31;
	v26 =	vld.idx.msk [tilespmem:v26+s31+$0x0], vm0  }
0x362: {  	v36 =	vor.u32 v10, v31;
	v29 =	vld.idx.msk [tilespmem:v29+s31+$0x0], vm0  }
0x363: {  	s10 =	sadd.s32 $0x2, s7;
	v37 =	vor.u32 v11, v31;
	v32 =	vld.idx.msk [tilespmem:v32+s31+$0x0], vm0  }
0x364: {  	v39 =	vadd.s32 s10, v0;
	v38 =	vor.u32 v12, v31;
	v33 =	vld.idx.msk [tilespmem:v33+s31+$0x0], vm0  }
0x365: {  	[tilespmem:v34+s28+$0x0] =	vst.idx.msk vm0, v28;
	v28 =	vor.u32 v13, v31;
	v34 =	vand.u32 $0xF, v39  }
0x366: {  	[tilespmem:v35+s28+$0x0] =	vst.idx.msk vm0, v30;
	v30 =	vor.u32 v14, v31;
	v34 =	vor.u32 v24, v34  }
0x367: {  	[tilespmem:v36+s28+$0x0] =	vst.idx.msk vm0, v27;
	v27 =	vor.u32 v15, v31;
	vm1 =	vlt.u32 v34, $0x48;
	v31 =	vshll.u32 v34, $0x7  }
0x368: {  	[tilespmem:v37+s28+$0x0] =	vst.idx.msk vm0, v25;
	v25 =	vor.u32 v18, v31  }
0x369: {  	[tilespmem:v38+s28+$0x0] =	vst.idx.msk vm0, v32;
	v32 =	vor.u32 v17, v31  }
0x36a: {  	[tilespmem:v28+s28+$0x0] =	vst.idx.msk vm0, v33;
	v28 =	vor.u32 v16, v31  }
0x36b: {  	[tilespmem:v30+s28+$0x0] =	vst.idx.msk vm0, v29;
	v29 =	vor.u32 v19, v31  }
0x36c: {  	[tilespmem:v27+s28+$0x0] =	vst.idx.msk vm0, v26;
	v26 =	vor.u32 v20, v31  }
0x36d: {  	v27 =	vld.idx.msk [tilespmem:v25+s31+$0x0], vm1;
	v25 =	vor.u32 v21, v31  }
0x36e: {  	v30 =	vld.idx.msk [tilespmem:v32+s31+$0x0], vm1;
	v32 =	vor.u32 v23, v31  }
0x36f: {  	v31 =	vor.u32 v22, v31;
	v28 =	vld.idx.msk [tilespmem:v28+s31+$0x0], vm1  }
0x370: {  	v33 =	vor.u32 v5, v34;
	v29 =	vld.idx.msk [tilespmem:v29+s31+$0x0], vm1  }
0x371: {  	v35 =	vld.idx.msk [tilespmem:v26+s31+$0x0], vm1;
	v26 =	vor.u32 v9, v34  }
0x372: {  	v37 =	vor.u32 v10, v34;
	v36 =	vld.idx.msk [tilespmem:v25+s31+$0x0], vm1  }
0x373: {  	s10 =	sadd.s32 $0x3, s7;
	s7 =	smov.u32 s9;
	v38 =	vor.u32 v11, v34;
	v32 =	vld.idx.msk [tilespmem:v32+s31+$0x0], vm1  }
0x374: {  	v39 =	vor.u32 v12, v34;
	v25 =	vadd.s32 s10, v0;
	v31 =	vld.idx.msk [tilespmem:v31+s31+$0x0], vm1  }
0x375: {  	v25 =	vand.u32 $0xF, v25;
	[tilespmem:v33+s28+$0x0] =	vst.idx.msk vm1, v28;
	v28 =	vor.u32 v13, v34  }
0x376: {  	v25 =	vor.u32 v24, v25;
	[tilespmem:v26+s28+$0x0] =	vst.idx.msk vm1, v30;
	v30 =	vor.u32 v14, v34  }
0x377: {  	vm0 =	vlt.u32 v25, $0x48;
	v33 =	vshll.u32 v25, $0x7;
	[tilespmem:v37+s28+$0x0] =	vst.idx.msk vm1, v27;
	v27 =	vor.u32 v15, v34  }
0x378: {  	v26 =	vor.u32 v11, v25;
	[tilespmem:v38+s28+$0x0] =	vst.idx.msk vm1, v29;
	v29 =	vor.u32 v18, v33  }
0x379: {  	v34 =	vor.u32 v16, v33;
	[tilespmem:v39+s28+$0x0] =	vst.idx.msk vm1, v35;
	v35 =	vor.u32 v17, v33  }
0x37a: {  	[tilespmem:v28+s28+$0x0] =	vst.idx.msk vm1, v36  }
0x37b: {  	v28 =	vor.u32 v19, v33;
	[tilespmem:v30+s28+$0x0] =	vst.idx.msk vm1, v31  }
0x37c: {  	v30 =	vor.u32 v20, v33;
	[tilespmem:v27+s28+$0x0] =	vst.idx.msk vm1, v32  }
.Ltmp6:
0x37d: {  	v37 =	vor.u32 v21, v33;
	v27 =	vld.idx.msk [tilespmem:v29+s31+$0x0], vm0;
	(pc) =	sbr.rel @p0 .LBB2_17-.Ltmp6, $4  }
0x37e: {  	v36 =	vor.u32 v23, v33;
	v29 =	vld.idx.msk [tilespmem:v35+s31+$0x0], vm0  }
0x37f: {  	v35 =	vor.u32 v22, v33;
	v31 =	vld.idx.msk [tilespmem:v34+s31+$0x0], vm0;
	v34 =	vor.u32 v5, v25  }
0x380: {  	v33 =	vor.u32 v9, v25;
	v28 =	vld.idx.msk [tilespmem:v28+s31+$0x0], vm0  }
0x381: {  	v32 =	vor.u32 v10, v25;
	v30 =	vld.idx.msk [tilespmem:v30+s31+$0x0], vm0  }
0x382: {  	_ =	sdelay $0x4  }
0x383: {  	v37 =	vld.idx.msk [tilespmem:v37+s31+$0x0], vm0  }
0x384: {  	v36 =	vld.idx.msk [tilespmem:v36+s31+$0x0], vm0;
	v38 =	vadd.s32 s7, v0;
	v39 =	vor.u32 v12, v25  }
0x385: {  	v35 =	vld.idx.msk [tilespmem:v35+s31+$0x0], vm0;
	v40 =	vor.u32 v13, v25;
	v38 =	vand.u32 $0xF, v38;
	[tilespmem:v34+s28+$0x0] =	vst.idx.msk vm0, v31  }
0x386: {  	v60 =	vor.u32 v14, v25;
	v59 =	vor.u32 v24, v38;
	[tilespmem:v33+s28+$0x0] =	vst.idx.msk vm0, v29  }
0x387: {  	v61 =	vor.u32 v15, v25;
	vm1 =	vlt.u32 v59, $0x48;
	v62 =	vshll.u32 v59, $0x7;
	[tilespmem:v32+s28+$0x0] =	vst.idx.msk vm0, v27  }
0x388: {  	v63 =	vor.u32 v17, v62;
	[tilespmem:v26+s28+$0x0] =	vst.idx.msk vm0, v28  }
0x389: {  	v38 =	vor.u32 v19, v62;
	[tilespmem:v39+s28+$0x0] =	vst.idx.msk vm0, v30  }
0x38a: {  	v39 =	vor.u32 v16, v62;
	[tilespmem:v40+s28+$0x0] =	vst.idx.msk vm0, v37  }
0x38b: {  	v41 =	vor.u32 v18, v62;
	[tilespmem:v60+s28+$0x0] =	vst.idx.msk vm0, v35  }
0x38c: {  	v42 =	vor.u32 v23, v62;
	[tilespmem:v61+s28+$0x0] =	vst.idx.msk vm0, v36  }
0x38d: {  	v43 =	vor.u32 v22, v62;
	v27 =	vld.idx.msk [tilespmem:v63+s31+$0x0], vm1  }
0x38e: {  	v44 =	vor.u32 v20, v62;
	v26 =	vld.idx.msk [tilespmem:v38+s31+$0x0], vm1  }
0x38f: {  	v45 =	vor.u32 v5, v59;
	v29 =	vor.u32 v21, v62;
	v28 =	vld.idx.msk [tilespmem:v39+s31+$0x0], vm1  }
0x390: {  	v46 =	vor.u32 v9, v59;
	v30 =	vld.idx.msk [tilespmem:v41+s31+$0x0], vm1  }
0x391: {  	v47 =	vor.u32 v10, v59;
	v32 =	vld.idx.msk [tilespmem:v42+s31+$0x0], vm1  }
0x392: {  	s8 =	sadd.s32 $0x1, s7;
	v48 =	vor.u32 v11, v59;
	v25 =	vld.idx.msk [tilespmem:v43+s31+$0x0], vm1  }
0x393: {  	v49 =	vadd.s32 s8, v0;
	v33 =	vld.idx.msk [tilespmem:v44+s31+$0x0], vm1;
	v38 =	vor.u32 v12, v59  }
0x394: {  	v51 =	vand.u32 $0xF, v49;
	v50 =	vor.u32 v13, v59;
	v29 =	vld.idx.msk [tilespmem:v29+s31+$0x0], vm1;
	[tilespmem:v45+s28+$0x0] =	vst.idx.msk vm1, v28  }
0x395: {  	v52 =	vor.u32 v14, v59;
	v34 =	vor.u32 v24, v51;
	[tilespmem:v46+s28+$0x0] =	vst.idx.msk vm1, v27  }
0x396: {  	v53 =	vor.u32 v15, v59;
	vm13 =	vlt.u32 v34, $0x48;
	v54 =	vshll.u32 v34, $0x7;
	[tilespmem:v47+s28+$0x0] =	vst.idx.msk vm1, v30  }
0x397: {  	v55 =	vor.u32 v18, v54;
	[tilespmem:v48+s28+$0x0] =	vst.idx.msk vm1, v26  }
0x398: {  	v56 =	vor.u32 v17, v54;
	[tilespmem:v38+s28+$0x0] =	vst.idx.msk vm1, v33  }
0x399: {  	v57 =	vor.u32 v16, v54;
	[tilespmem:v50+s28+$0x0] =	vst.idx.msk vm1, v29  }
0x39a: {  	v58 =	vor.u32 v19, v54;
	[tilespmem:v52+s28+$0x0] =	vst.idx.msk vm1, v25  }
0x39b: {  	v59 =	vor.u32 v23, v54;
	[tilespmem:v53+s28+$0x0] =	vst.idx.msk vm1, v32  }
0x39c: {  	v60 =	vor.u32 v22, v54;
	v26 =	vld.idx.msk [tilespmem:v55+s31+$0x0], vm13  }
0x39d: {  	v61 =	vor.u32 v20, v54;
	v30 =	vld.idx.msk [tilespmem:v56+s31+$0x0], vm13  }
0x39e: {  	v31 =	vor.u32 v21, v54;
	v62 =	vor.u32 v5, v34;
	v28 =	vld.idx.msk [tilespmem:v57+s31+$0x0], vm13  }
0x39f: {  	v63 =	vor.u32 v9, v34;
	v25 =	vld.idx.msk [tilespmem:v58+s31+$0x0], vm13  }
0x3a0: {  	v42 =	vor.u32 v10, v34;
	v27 =	vld.idx.msk [tilespmem:v59+s31+$0x0], vm13  }
0x3a1: {  	s10 =	sadd.s32 $0x2, s7;
	v43 =	vor.u32 v11, v34;
	v29 =	vld.idx.msk [tilespmem:v60+s31+$0x0], vm13  }
0x3a2: {  	v44 =	vor.u32 v12, v34;
	v45 =	vadd.s32 s10, v0;
	v32 =	vld.idx.msk [tilespmem:v61+s31+$0x0], vm13  }
0x3a3: {  	v46 =	vor.u32 v13, v34;
	v47 =	vand.u32 $0xF, v45;
	v31 =	vld.idx.msk [tilespmem:v31+s31+$0x0], vm13;
	[tilespmem:v62+s28+$0x0] =	vst.idx.msk vm13, v28  }
0x3a4: {  	v48 =	vor.u32 v14, v34;
	v33 =	vor.u32 v24, v47;
	[tilespmem:v63+s28+$0x0] =	vst.idx.msk vm13, v30  }
0x3a5: {  	v49 =	vor.u32 v15, v34;
	vm14 =	vlt.u32 v33, $0x48;
	v50 =	vshll.u32 v33, $0x7;
	[tilespmem:v42+s28+$0x0] =	vst.idx.msk vm13, v26  }
0x3a6: {  	v51 =	vor.u32 v18, v50;
	[tilespmem:v43+s28+$0x0] =	vst.idx.msk vm13, v25  }
0x3a7: {  	v52 =	vor.u32 v17, v50;
	[tilespmem:v44+s28+$0x0] =	vst.idx.msk vm13, v32  }
0x3a8: {  	v53 =	vor.u32 v16, v50;
	[tilespmem:v46+s28+$0x0] =	vst.idx.msk vm13, v31  }
0x3a9: {  	v54 =	vor.u32 v19, v50;
	[tilespmem:v48+s28+$0x0] =	vst.idx.msk vm13, v29  }
0x3aa: {  	v55 =	vor.u32 v20, v50;
	[tilespmem:v49+s28+$0x0] =	vst.idx.msk vm13, v27  }
0x3ab: {  	v56 =	vor.u32 v21, v50;
	v25 =	vld.idx.msk [tilespmem:v51+s31+$0x0], vm14  }
0x3ac: {  	v57 =	vor.u32 v23, v50;
	v30 =	vld.idx.msk [tilespmem:v52+s31+$0x0], vm14  }
0x3ad: {  	v58 =	vor.u32 v22, v50;
	v59 =	vor.u32 v5, v33;
	v28 =	vld.idx.msk [tilespmem:v53+s31+$0x0], vm14  }
0x3ae: {  	v60 =	vor.u32 v9, v33;
	v29 =	vld.idx.msk [tilespmem:v54+s31+$0x0], vm14  }
0x3af: {  	v61 =	vor.u32 v10, v33;
	v26 =	vld.idx.msk [tilespmem:v55+s31+$0x0], vm14  }
0x3b0: {  	s25 =	sadd.s32 $0x3, s7;
	v62 =	vor.u32 v11, v33;
	v27 =	vld.idx.msk [tilespmem:v56+s31+$0x0], vm14  }
0x3b1: {  	v63 =	vor.u32 v12, v33;
	v42 =	vadd.s32 s25, v0;
	v31 =	vld.idx.msk [tilespmem:v57+s31+$0x0], vm14  }
0x3b2: {  	v43 =	vor.u32 v13, v33;
	v44 =	vand.u32 $0xF, v42;
	v32 =	vld.idx.msk [tilespmem:v58+s31+$0x0], vm14;
	[tilespmem:v59+s28+$0x0] =	vst.idx.msk vm14, v28  }
0x3b3: {  	v45 =	vor.u32 v14, v33;
	v46 =	vor.u32 v24, v44;
	[tilespmem:v60+s28+$0x0] =	vst.idx.msk vm14, v30  }
0x3b4: {  	v47 =	vor.u32 v15, v33;
	vm15 =	vlt.u32 v46, $0x48;
	v48 =	vshll.u32 v46, $0x7;
	[tilespmem:v61+s28+$0x0] =	vst.idx.msk vm14, v25  }
0x3b5: {  	v49 =	vor.u32 v18, v48;
	[tilespmem:v62+s28+$0x0] =	vst.idx.msk vm14, v29  }
0x3b6: {  	v50 =	vor.u32 v17, v48;
	[tilespmem:v63+s28+$0x0] =	vst.idx.msk vm14, v26  }
0x3b7: {  	v51 =	vor.u32 v16, v48;
	[tilespmem:v43+s28+$0x0] =	vst.idx.msk vm14, v27  }
0x3b8: {  	v52 =	vor.u32 v19, v48;
	[tilespmem:v45+s28+$0x0] =	vst.idx.msk vm14, v32  }
0x3b9: {  	v53 =	vor.u32 v20, v48;
	[tilespmem:v47+s28+$0x0] =	vst.idx.msk vm14, v31  }
0x3ba: {  	v54 =	vor.u32 v21, v48;
	v28 =	vld.idx.msk [tilespmem:v49+s31+$0x0], vm15  }
0x3bb: {  	v55 =	vor.u32 v23, v48;
	v26 =	vld.idx.msk [tilespmem:v50+s31+$0x0], vm15  }
0x3bc: {  	v56 =	vor.u32 v22, v48;
	v57 =	vor.u32 v5, v46;
	v31 =	vld.idx.msk [tilespmem:v51+s31+$0x0], vm15  }
0x3bd: {  	v58 =	vor.u32 v9, v46;
	v27 =	vld.idx.msk [tilespmem:v52+s31+$0x0], vm15  }
0x3be: {  	v59 =	vor.u32 v10, v46;
	v25 =	vld.idx.msk [tilespmem:v53+s31+$0x0], vm15  }
0x3bf: {  	v60 =	vor.u32 v11, v46;
	v29 =	vld.idx.msk [tilespmem:v54+s31+$0x0], vm15  }
0x3c0: {  	v61 =	vor.u32 v12, v46;
	v30 =	vld.idx.msk [tilespmem:v55+s31+$0x0], vm15  }
0x3c1: {  	v62 =	vor.u32 v13, v46;
	v32 =	vld.idx.msk [tilespmem:v56+s31+$0x0], vm15;
	[tilespmem:v57+s28+$0x0] =	vst.idx.msk vm15, v31  }
0x3c2: {  	s5 =	sadd.s32 $0x1, s5;
	v63 =	vor.u32 v14, v46;
	[tilespmem:v58+s28+$0x0] =	vst.idx.msk vm15, v26  }
0x3c3: {  	p0 =	sne.s32 s5, $0x5;
	v24 =	vor.u32 v15, v46;
	[tilespmem:v59+s28+$0x0] =	vst.idx.msk vm15, v28  }
.Ltmp7:
0x3c4: {  	[tilespmem:v60+s28+$0x0] =	vst.idx.msk vm15, v27;
	(pc) =	sbr.rel @p0 .LBB2_16-.Ltmp7, $4  }
0x3c5: {  	[tilespmem:v61+s28+$0x0] =	vst.idx.msk vm15, v25  }
0x3c6: {  	[tilespmem:v62+s28+$0x0] =	vst.idx.msk vm15, v29  }
0x3c7: {  	[tilespmem:v63+s28+$0x0] =	vst.idx.msk vm15, v32  }
0x3c8: {  	[tilespmem:v24+s28+$0x0] =	vst.idx.msk vm15, v30  }
0x3c9: {  	s5 =	sor.u32 $0x1000, s29;
	s6 =	rddreg [dreg:$0x4];
	s7 =	simm.s32 $0x400  }
0x3ca: {  	s8 =	simm.s32 $0x800;
	s29 =	rddreg [dreg:$0x6];
	s6 =	sadd.s32 s6, s5  }
0x3cb: {  	[hbm4b:s6+s7] =	stream.strided.scatter [tilespmem:s24], [sflag:$0x4], $0x4000, s8, s7, $0x38;
	[tilespmem:$0x1E100] =	vst v63  }
0x3cc: {  	s6 =	sadd.s32 s5, s29;
	s7 =	rddreg [dreg:$0x7]  }
0x3cd: {  	[hbm4b:s6+s3] =	stream.linear.scatter [tilespmem:s28], [sflag:$0x4], $0x400, $0x38;
	[tilespmem:$0x1E100] =	vst v63  }
0x3ce: {  	s9 =	rddreg [dreg:$0x8];
	s8 =	simm.s32 $0x1A500;
	s6 =	sadd.s32 s5, s7  }
0x3cf: {  	[hbm4b:s6+s3] =	stream.linear.scatter [tilespmem:s8], [sflag:$0x4], $0x400, $0x38;
	[tilespmem:$0x1E100] =	vst v63  }
0x3d0: {  	s10 =	simm.s32 $0x1A900;
	s25 =	rddreg [dreg:$0x9];
	s6 =	sadd.s32 s5, s9  }
0x3d1: {  	[hbm4b:s6+s3] =	stream.linear.scatter [tilespmem:s10], [sflag:$0x4], $0x400, $0x38;
	[tilespmem:$0x1E100] =	vst v63  }
0x3d2: {  	s29 =	simm.s32 $0x1AD00;
	s6 =	sadd.s32 s5, s25  }
0x3d3: {  	[hbm4b:s6+s3] =	stream.linear.scatter [tilespmem:s29], [sflag:$0x4], $0x400, $0x38;
	[tilespmem:$0x1E100] =	vst v63  }
0x3d4: {  	s7 =	sadd.s32 s5, s11;
	s8 =	simm.s32 $0x1B100  }
0x3d5: {  	[hbm4b:s7+s3] =	stream.linear.scatter [tilespmem:s8], [sflag:$0x4], $0x400, $0x38;
	[tilespmem:$0x1E100] =	vst v63  }
0x3d6: {  	s9 =	sadd.s32 s5, s12;
	s10 =	simm.s32 $0x1B500  }
0x3d7: {  	[hbm4b:s9+s3] =	stream.linear.scatter [tilespmem:s10], [sflag:$0x4], $0x400, $0x38;
	[tilespmem:$0x1E100] =	vst v63  }
0x3d8: {  	s25 =	sadd.s32 s5, s13;
	s29 =	simm.s32 $0x1B900  }
0x3d9: {  	[hbm4b:s25+s3] =	stream.linear.scatter [tilespmem:s29], [sflag:$0x4], $0x400, $0x38;
	[tilespmem:$0x1E100] =	vst v63  }
0x3da: {  	s7 =	sadd.s32 s5, s14;
	s8 =	simm.s32 $0x1BD00  }
0x3db: {  	[hbm4b:s7+s3] =	stream.linear.scatter [tilespmem:s8], [sflag:$0x4], $0x400, $0x38;
	[tilespmem:$0x1E100] =	vst v63  }
0x3dc: {  	s9 =	sadd.s32 s5, s15;
	s10 =	simm.s32 $0x1C100  }
0x3dd: {  	[hbm4b:s9+s3] =	stream.linear.scatter [tilespmem:s10], [sflag:$0x4], $0x400, $0x38;
	[tilespmem:$0x1E100] =	vst v63  }
0x3de: {  	s25 =	sadd.s32 s5, s16;
	s29 =	simm.s32 $0x1C500  }
0x3df: {  	[hbm4b:s25+s3] =	stream.linear.scatter [tilespmem:s29], [sflag:$0x4], $0x400, $0x38;
	[tilespmem:$0x1E100] =	vst v63  }
0x3e0: {  	s7 =	sadd.s32 s5, s17;
	s8 =	simm.s32 $0x1C900  }
0x3e1: {  	[hbm4b:s7+s3] =	stream.linear.scatter [tilespmem:s8], [sflag:$0x4], $0x400, $0x38;
	[tilespmem:$0x1E100] =	vst v63  }
0x3e2: {  	s9 =	sadd.s32 s5, s18;
	s10 =	simm.s32 $0x1CD00  }
0x3e3: {  	[hbm4b:s9+s3] =	stream.linear.scatter [tilespmem:s10], [sflag:$0x4], $0x400, $0x38;
	[tilespmem:$0x1E100] =	vst v63  }
0x3e4: {  	s1 =	sadd.s32 $0x1, s1;
	s25 =	sadd.s32 s5, s19;
	s29 =	simm.s32 $0x1D100  }
0x3e5: {  	[hbm4b:s25+s3] =	stream.linear.scatter [tilespmem:s29], [sflag:$0x4], $0x400, $0x38;
	[tilespmem:$0x1E100] =	vst v63  }
0x3e6: {  	p0 =	sne.s32 s1, $0x10;
	s8 =	sadd.s32 s5, s20;
	s9 =	simm.s32 $0x1D500  }
0x3e7: {  	[hbm4b:s8+s3] =	stream.linear.scatter [tilespmem:s9], [sflag:$0x4], $0x400, $0x38;
	[tilespmem:$0x1E100] =	vst v63  }
.Ltmp8:
0x3e8: {  	_ = 	snop;
	(pc) =	sbr.rel @p0 .LBB2_3-.Ltmp8, $4  }
0x3e9: {  	s10 =	sadd.s32 s5, s21;
	s25 =	simm.s32 $0x1D900  }
0x3ea: {  	[hbm4b:s10+s3] =	stream.linear.scatter [tilespmem:s25], [sflag:$0x4], $0x400, $0x38;
	[tilespmem:$0x1E100] =	vst v63  }
0x3eb: {  	s5 =	sadd.s32 s5, s22;
	s29 =	simm.s32 $0x1DD00  }
0x3ec: {  	[hbm4b:s5+s3] =	stream.linear.scatter [tilespmem:s29], [sflag:$0x4], $0x400, $0x38;
	[tilespmem:$0x1E100] =	vst v63  }
0x3ed: {  	s1 =	rddreg [dreg:$0xc]  }
0x3ee: {  	s1 =	sadd.s32 $0x1, s1  }
0x3ef: {  	p0 =	sne.s32 s1, $0x4  }
.Ltmp9:
0x3f0: {  	_ = 	snop;
	(pc) =	sbr.rel @p0 .LBB2_2-.Ltmp9, $1  }
0x3f1: {  	_ =	sdelay $0x3  }
0x3f2: {  	s1 =	simm.s32 $0x3  }
0x3f3: {  	_ =	swait.ge [sflag:s1], $0x4000  }
0x3f4: {  	[sflag:s1] =	ssyncset.done $0x0  }
0x3f5: {  	[sflag:s1] =	ssyncadd.s32 $0xFFFFC000  }
0x3f6: {  	_ =	swait.ge [sflag:s1], $0x400  }
0x3f7: {  	[sflag:s1] =	ssyncset.done $0x0  }
0x3f8: {  	[sflag:s1] =	ssyncadd.s32 $0xFFFFFC00  }
0x3f9: {  	_ =	swait.ge [sflag:s1], $0x400  }
0x3fa: {  	[sflag:s1] =	ssyncset.done $0x0  }
0x3fb: {  	[sflag:s1] =	ssyncadd.s32 $0xFFFFFC00  }
0x3fc: {  	_ =	swait.ge [sflag:s1], $0x400  }
0x3fd: {  	[sflag:s1] =	ssyncset.done $0x0  }
0x3fe: {  	[sflag:s1] =	ssyncadd.s32 $0xFFFFFC00  }
0x3ff: {  	_ =	swait.ge [sflag:s1], $0x400  }
0x400: {  	[sflag:s1] =	ssyncset.done $0x0  }
0x401: {  	[sflag:s1] =	ssyncadd.s32 $0xFFFFFC00  }
0x402: {  	_ =	swait.ge [sflag:s1], $0x400  }
0x403: {  	[sflag:s1] =	ssyncset.done $0x0  }
0x404: {  	[sflag:s1] =	ssyncadd.s32 $0xFFFFFC00  }
0x405: {  	_ =	swait.ge [sflag:s1], $0x400  }
0x406: {  	[sflag:s1] =	ssyncset.done $0x0  }
0x407: {  	[sflag:s1] =	ssyncadd.s32 $0xFFFFFC00  }
0x408: {  	_ =	swait.ge [sflag:s1], $0x400  }
0x409: {  	[sflag:s1] =	ssyncset.done $0x0  }
0x40a: {  	[sflag:s1] =	ssyncadd.s32 $0xFFFFFC00  }
0x40b: {  	_ =	swait.ge [sflag:s1], $0x400  }
0x40c: {  	[sflag:s1] =	ssyncset.done $0x0  }
0x40d: {  	[sflag:s1] =	ssyncadd.s32 $0xFFFFFC00  }
0x40e: {  	_ =	swait.ge [sflag:s1], $0x400  }
0x40f: {  	[sflag:s1] =	ssyncset.done $0x0  }
0x410: {  	[sflag:s1] =	ssyncadd.s32 $0xFFFFFC00  }
0x411: {  	_ =	swait.ge [sflag:s1], $0x400  }
0x412: {  	[sflag:s1] =	ssyncset.done $0x0  }
0x413: {  	[sflag:s1] =	ssyncadd.s32 $0xFFFFFC00  }
0x414: {  	_ =	swait.ge [sflag:s1], $0x400  }
0x415: {  	[sflag:s1] =	ssyncset.done $0x0  }
0x416: {  	[sflag:s1] =	ssyncadd.s32 $0xFFFFFC00  }
0x417: {  	_ =	swait.ge [sflag:s1], $0x400  }
0x418: {  	[sflag:s1] =	ssyncset.done $0x0  }
0x419: {  	[sflag:s1] =	ssyncadd.s32 $0xFFFFFC00  }
0x41a: {  	_ =	swait.ge [sflag:s1], $0x400  }
0x41b: {  	[sflag:s1] =	ssyncset.done $0x0  }
0x41c: {  	[sflag:s1] =	ssyncadd.s32 $0xFFFFFC00  }
0x41d: {  	_ =	swait.ge [sflag:s1], $0x400  }
0x41e: {  	[sflag:s1] =	ssyncset.done $0x0  }
0x41f: {  	[sflag:s1] =	ssyncadd.s32 $0xFFFFFC00  }
0x420: {  	_ =	swait.ge [sflag:s1], $0x400  }
0x421: {  	[sflag:s1] =	ssyncset.done $0x0  }
0x422: {  	[sflag:s1] =	ssyncadd.s32 $0xFFFFFC00  }
0x423: {  	_ =	swait.ge [sflag:s1], $0x400  }
0x424: {  	[sflag:s1] =	ssyncset.done $0x0  }
0x425: {  	s5 =	simm.s32 $0x4;
	[sflag:s1] =	ssyncadd.s32 $0xFFFFFC00  }
0x426: {  	_ =	swait.ge [sflag:s5], $0x4000  }
0x427: {  	[sflag:s5] =	ssyncset.done $0x0  }
0x428: {  	[sflag:s5] =	ssyncadd.s32 $0xFFFFC000  }
0x429: {  	_ =	swait.ge [sflag:s5], $0x400  }
0x42a: {  	[sflag:s5] =	ssyncset.done $0x0  }
0x42b: {  	[sflag:s5] =	ssyncadd.s32 $0xFFFFFC00  }
0x42c: {  	_ =	swait.ge [sflag:s5], $0x400  }
0x42d: {  	[sflag:s5] =	ssyncset.done $0x0  }
0x42e: {  	[sflag:s5] =	ssyncadd.s32 $0xFFFFFC00  }
0x42f: {  	_ =	swait.ge [sflag:s5], $0x400  }
0x430: {  	[sflag:s5] =	ssyncset.done $0x0  }
0x431: {  	[sflag:s5] =	ssyncadd.s32 $0xFFFFFC00  }
0x432: {  	_ =	swait.ge [sflag:s5], $0x400  }
0x433: {  	[sflag:s5] =	ssyncset.done $0x0  }
0x434: {  	[sflag:s5] =	ssyncadd.s32 $0xFFFFFC00  }
0x435: {  	_ =	swait.ge [sflag:s5], $0x400  }
0x436: {  	[sflag:s5] =	ssyncset.done $0x0  }
0x437: {  	[sflag:s5] =	ssyncadd.s32 $0xFFFFFC00  }
0x438: {  	_ =	swait.ge [sflag:s5], $0x400  }
0x439: {  	[sflag:s5] =	ssyncset.done $0x0  }
0x43a: {  	[sflag:s5] =	ssyncadd.s32 $0xFFFFFC00  }
0x43b: {  	_ =	swait.ge [sflag:s5], $0x400  }
0x43c: {  	[sflag:s5] =	ssyncset.done $0x0  }
0x43d: {  	[sflag:s5] =	ssyncadd.s32 $0xFFFFFC00  }
0x43e: {  	_ =	swait.ge [sflag:s5], $0x400  }
0x43f: {  	[sflag:s5] =	ssyncset.done $0x0  }
0x440: {  	[sflag:s5] =	ssyncadd.s32 $0xFFFFFC00  }
0x441: {  	_ =	swait.ge [sflag:s5], $0x400  }
0x442: {  	[sflag:s5] =	ssyncset.done $0x0  }
0x443: {  	[sflag:s5] =	ssyncadd.s32 $0xFFFFFC00  }
0x444: {  	_ =	swait.ge [sflag:s5], $0x400  }
0x445: {  	[sflag:s5] =	ssyncset.done $0x0  }
0x446: {  	[sflag:s5] =	ssyncadd.s32 $0xFFFFFC00  }
0x447: {  	_ =	swait.ge [sflag:s5], $0x400  }
0x448: {  	[sflag:s5] =	ssyncset.done $0x0  }
0x449: {  	[sflag:s5] =	ssyncadd.s32 $0xFFFFFC00  }
0x44a: {  	_ =	swait.ge [sflag:s5], $0x400  }
0x44b: {  	[sflag:s5] =	ssyncset.done $0x0  }
0x44c: {  	[sflag:s5] =	ssyncadd.s32 $0xFFFFFC00  }
0x44d: {  	_ =	swait.ge [sflag:s5], $0x400  }
0x44e: {  	[sflag:s5] =	ssyncset.done $0x0  }
0x44f: {  	[sflag:s5] =	ssyncadd.s32 $0xFFFFFC00  }
0x450: {  	_ =	swait.ge [sflag:s5], $0x400  }
0x451: {  	[sflag:s5] =	ssyncset.done $0x0  }
0x452: {  	[sflag:s5] =	ssyncadd.s32 $0xFFFFFC00  }
0x453: {  	_ =	swait.ge [sflag:s5], $0x400  }
0x454: {  	[sflag:s5] =	ssyncset.done $0x0  }
0x455: {  	[sflag:s5] =	ssyncadd.s32 $0xFFFFFC00  }
0x456: {  	_ =	swait.ge [sflag:s5], $0x400  }
0x457: {  	s6 =	rddreg [dreg:$0xb]  }
0x458: {  	s29 =	rddreg [dreg:$0xa];
	s6 =	sadd.s32 $0x1, s6  }
0x459: {  	p0 =	sne.s32 s6, s29  }
.Ltmp10:
0x45a: {  	_ = 	snop;
	(pc) =	sbr.rel @p0 .LBB2_1-.Ltmp10, $3  }
0x45b: {  	_ =	sdelay $0x1  }
0x45c: {  	[sflag:s5] =	ssyncset.done $0x0  }
0x45d: {  	[sflag:s5] =	ssyncadd.s32 $0xFFFFFC00  }
0x45e: {  	_ =	sfence.sel $0x180000  }
0x45f: {  	[bflag:$0x0] =	sbarrier.arrive $0xFFFF  }
0x460: {  	_ =	strace $0x90000047  }
0x461: {  	s0 =	stileid.u32;
	[bflag:$0x2] =	sbarrier.arrive $0xFFFF  }
0x462: {  	p0 =	sne.s32 s0, $0x0;
	s0 =	rddreg [dreg:$0x3]  }
0x463: {  	s0 =	sadd.s32 @!p0 $0x100000, s0  }
0x464: {  	[sflag:s0] =	ssyncadd.tile.s32 @!p0 $0x1;
	_ =	shalt  }
.Lfunc_end2:
_tile_overlayer_lowered:
.L_overlay_start_2:
0x465: {  	(tag) =	ssettag $0x2  }
0x466: {  	s0 =	rddreg [dreg:$0x0];
	s2 =	stileid.u32  }
0x467: {  	s1 =	rddreg [dreg:$0x1];
	p0 =	sne.s32 s2, $0x0  }
0x468: {  	s3 =	rddreg [dreg:$0x2];
	[bflag:$0x3] =	sbarrier.arrive $0xFFFF;
	s2 =	simm.s32 @!p0 $0x1C05  }
0x469: {  	[timem:s3], [sflag:s2] =	dma.local @!p0 [hbm:s0], s1  }
0x46a: {  	s0 =	simm.s32 @!p0 $0x5  }
0x46b: {  	_ =	swait.ge @!p0 [sflag:s0], s1  }
0x46c: {  	s1 =	ssub.s32 @!p0 $0x0, s1;
	[sflag:s0] =	ssyncset.done @!p0 $0x0  }
0x46d: {  	[sflag:s0] =	ssyncadd.s32 @!p0 s1  }
0x46e: {  	[bflag:$0x3] =	sbarrier.arrive $0xFFFF  }
0x46f: {  	_ =	shalt  }

</sc_bundles>
